<compile_context>
chip_gen: v7x
topology: tpu7x:2x2x1
jax: 0.10.2.dev20260603
libtpu: 0.0.44.dev20260713+nightly
codegen_flags: <defaults>
</compile_context>

<pallas_src>
import functools

import jax
import jax.numpy as jnp
from jax import lax
from jax.experimental import pallas as pl
from jax.experimental.pallas import tpu as pltpu
from jax.experimental.pallas import tpu_sc as plsc

N = 10000
NP = N // 2
E = 320000
D_HID = 64
NG = 16
NC, NS = 2, 16
NW = NC * NS
CH = 128
NCHUNK = E // CH
CPT = NCHUNK // NW
XTRA = NCHUNK - NW * CPT
RB = 8
RPA = 624
NBINS = 10240


def _sc_mesh():
    return plsc.VectorSubcoreMesh(core_axis_name="c", subcore_axis_name="s")


def _deg_hist(ev):

    @functools.partial(
        pl.kernel,
        out_type=jax.ShapeDtypeStruct((NW, NBINS), jnp.float32),
        mesh=_sc_mesh(),
        scratch_types=[
            pltpu.VMEM((CPT + 1, 1, CH), jnp.int32),
            pltpu.VMEM((NBINS,), jnp.float32),
        ],
        compiler_params=pltpu.CompilerParams(
            needs_layout_passes=False, use_tc_tiling_on_sc=False
        ),
    )
    def k(ev_hbm, out_hbm, dbuf, hist):
        c = lax.axis_index("c")
        s = lax.axis_index("s")
        wid = c * NS + s
        pltpu.sync_copy(ev_hbm.at[pl.ds(wid * CPT, CPT), pl.ds(1, 1)],
                        dbuf.at[pl.ds(0, CPT)])

        @pl.when(wid < XTRA)
        def _():
            pltpu.sync_copy(ev_hbm.at[pl.ds(NW * CPT + wid, 1), pl.ds(1, 1)],
                            dbuf.at[pl.ds(CPT, 1)])

        zeros = jnp.zeros((16,), jnp.float32)

        @pl.loop(0, NBINS // 16)
        def _(r):
            hist[pl.ds(r * 16, 16)] = zeros

        ones = jnp.ones((16,), jnp.float32)
        ncpt = CPT + jnp.where(wid < XTRA, 1, 0)

        @pl.loop(0, CPT + 1)
        def _(g):
            @pl.when(g < ncpt)
            def _():
                for j in range(CH // 16):
                    idx = dbuf[g, 0, pl.ds(j * 16, 16)]
                    plsc.addupdate_scatter(hist, [idx], ones)

        pltpu.sync_copy(hist, out_hbm.at[wid])

    return k(ev)


def _edge_agg(h, ev):

    @functools.partial(
        pl.kernel,
        out_type=jax.ShapeDtypeStruct((NC, N, D_HID), jnp.float32),
        mesh=_sc_mesh(),
        scratch_types=[
            pltpu.VMEM((CPT + 1, 2, CH), jnp.int32),
            pltpu.VMEM((RB, CH, D_HID), jnp.float32),
            pltpu.VMEM((48, D_HID), jnp.float32),
            pltpu.VMEM_SHARED((N, D_HID), jnp.float32),
            pltpu.SemaphoreType.DMA,
        ],
        compiler_params=pltpu.CompilerParams(
            needs_layout_passes=False, use_tc_tiling_on_sc=False
        ),
    )
    def k(h_hbm, ev_hbm, out_hbm, ebuf, rows, zbuf, acc, sem):
        c = lax.axis_index("c")
        s = lax.axis_index("s")
        wid = c * NS + s
        ncpt = CPT + jnp.where(wid < XTRA, 1, 0)
        pltpu.sync_copy(ev_hbm.at[pl.ds(wid * CPT, CPT)], ebuf.at[pl.ds(0, CPT)])

        @pl.when(wid < XTRA)
        def _():
            pltpu.sync_copy(ev_hbm.at[pl.ds(NW * CPT + wid, 1)],
                            ebuf.at[pl.ds(CPT, 1)])

        zeros = jnp.zeros((16,), jnp.float32)

        @pl.loop(0, 48)
        def _(r):
            for j in range(D_HID // 16):
                zbuf[r, pl.ds(j * 16, 16)] = zeros

        for j in range(13):
            pltpu.async_copy(zbuf, acc.at[pl.ds(s * RPA + j * 48, 48)], sem)

        @pl.when(s == NS - 1)
        def _():
            pltpu.async_copy(zbuf.at[pl.ds(0, N - NS * RPA)],
                            acc.at[pl.ds(NS * RPA, N - NS * RPA)], sem)

        for j in range(13):
            pltpu.make_async_copy(
                zbuf, acc.at[pl.ds(s * RPA + j * 48, 48)], sem
            ).wait()

        @pl.when(s == NS - 1)
        def _():
            pltpu.make_async_copy(
                zbuf.at[pl.ds(0, N - NS * RPA)],
                acc.at[pl.ds(NS * RPA, N - NS * RPA)], sem
            ).wait()

        plsc.subcore_barrier()

        for b in range(RB):
            pltpu.async_copy(h_hbm.at[ebuf.at[b, 0]], rows.at[b], sem)

        @pl.loop(0, CPT + 1, step=RB)
        def _(g):
            for b in range(RB):
                cur = g + b

                @pl.when(cur < ncpt)
                def _():
                    pltpu.make_async_copy(
                        h_hbm.at[ebuf.at[cur, 0]], rows.at[b], sem
                    ).wait()
                    pltpu.sync_copy(rows.at[b], acc.at[ebuf.at[cur, 1]], add=True)

                    @pl.when(cur + RB < ncpt)
                    def _():
                        pltpu.async_copy(
                            h_hbm.at[ebuf.at[cur + RB, 0]], rows.at[b], sem
                        )

        plsc.subcore_barrier()
        pltpu.sync_copy(acc.at[pl.ds(s * RPA, RPA)], out_hbm.at[c, pl.ds(s * RPA, RPA)])

        @pl.when(s == NS - 1)
        def _():
            pltpu.sync_copy(acc.at[pl.ds(NS * RPA, N - NS * RPA)],
                            out_hbm.at[c, pl.ds(NS * RPA, N - NS * RPA)])

    return k(h, ev)


def _tc_dis(histp):

    def body(hp_ref, dis_ref):
        hp = hp_ref[...].reshape(NW, NBINS // 128, 128)
        deg = jnp.sum(hp, axis=0) + 1.0
        dis_ref[...] = lax.rsqrt(deg)

    return pl.pallas_call(
        body,
        out_shape=jax.ShapeDtypeStruct((NBINS // 128, 128), jnp.float32),
    )(histp)


def _dis_packed(dis2_ref):
    d = dis2_ref[...]
    lo = jnp.broadcast_to(d[:, 0:1], (NP, D_HID))
    hi = jnp.broadcast_to(d[:, 1:2], (NP, D_HID))
    return jnp.concatenate([lo, hi], axis=1)


def _tc_layer1(dis2, xp, W1p):

    def body(dis2_ref, xp_ref, w_ref, out_ref):
        out_ref[...] = _dis_packed(dis2_ref) * jnp.dot(
            xp_ref[...], w_ref[...], preferred_element_type=jnp.float32
        )

    return pl.pallas_call(
        body,
        out_shape=jax.ShapeDtypeStruct((NP, 128), jnp.float32),
    )(dis2, xp, W1p)


def _tc_layer2(aggp, h1p, dis2, b1p, W2p):

    def body(aggp_ref, h1p_ref, dis2_ref, b1p_ref, w_ref, out_ref):
        dis = _dis_packed(dis2_ref)
        agg = aggp_ref[0] + aggp_ref[1]
        h1 = jnp.maximum(dis * (agg + h1p_ref[...]) + b1p_ref[...], 0.0)
        out_ref[...] = dis * jnp.dot(
            h1, w_ref[...], preferred_element_type=jnp.float32
        )

    return pl.pallas_call(
        body,
        out_shape=jax.ShapeDtypeStruct((NP, 128), jnp.float32),
    )(aggp, h1p, dis2, b1p, W2p)


def _tc_final(aggp, h2p, dis2, b2p, batch2, linW, linb):

    def body(aggp_ref, h2p_ref, dis2_ref, b2p_ref, batch_ref, lw_ref, lb_ref,
             out_ref):
        dis = _dis_packed(dis2_ref)
        agg = aggp_ref[0] + aggp_ref[1]
        h2 = jnp.maximum(dis * (agg + h2p_ref[...]) + b2p_ref[...], 0.0)
        gid = lax.broadcasted_iota(jnp.int32, (NG, NP), 0)
        one_e = (batch_ref[0:1, :] == gid).astype(jnp.float32)
        one_o = (batch_ref[1:2, :] == gid).astype(jnp.float32)
        pooled = (
            jnp.dot(one_e, h2[:, :D_HID], preferred_element_type=jnp.float32)
            + jnp.dot(one_o, h2[:, D_HID:], preferred_element_type=jnp.float32)
        )
        counts = jnp.sum(one_e, axis=1, keepdims=True) + jnp.sum(
            one_o, axis=1, keepdims=True
        )
        mean = pooled / jnp.maximum(counts, 1.0)
        logits = jnp.dot(mean, lw_ref[...], preferred_element_type=jnp.float32)
        logits = logits + lb_ref[...]
        m = jnp.max(logits, axis=1, keepdims=True)
        lse = m + jnp.log(jnp.sum(jnp.exp(logits - m), axis=1, keepdims=True))
        out_ref[...] = logits - lse

    return pl.pallas_call(
        body,
        out_shape=jax.ShapeDtypeStruct((NG, 2), jnp.float32),
    )(aggp, h2p, dis2, b2p, batch2, linW, linb)


def _block_diag2(W):
    a, b = W.shape
    z = jnp.zeros((a, b), W.dtype)
    return jnp.concatenate(
        [jnp.concatenate([W, z], axis=1), jnp.concatenate([z, W], axis=1)],
        axis=0,
    )


def kernel(x, edge_index, batch, W1, b1, W2, b2, linW, linb):
    ev = jnp.transpose(
        edge_index.astype(jnp.int32).reshape(2, NCHUNK, CH), (1, 0, 2)
    )

    histp = _deg_hist(ev)
    dis80 = _tc_dis(histp.reshape(NW * NBINS // 128, 128))
    dis2 = dis80.reshape(NBINS)[:N].reshape(NP, 2)

    xp = x.reshape(NP, 2 * 128)
    W1p = _block_diag2(W1)
    W2p = _block_diag2(W2)
    b1p = jnp.concatenate([b1, b1]).reshape(1, 128)
    b2p = jnp.concatenate([b2, b2]).reshape(1, 128)
    batch2 = batch.astype(jnp.int32).reshape(NP, 2).T

    h1p = _tc_layer1(dis2, xp, W1p)
    agg1 = _edge_agg(h1p.reshape(N, D_HID), ev)
    agg1 = agg1.reshape(NC, NP, 128)
    h2p = _tc_layer2(agg1, h1p, dis2, b1p, W2p)
    agg2 = _edge_agg(h2p.reshape(N, D_HID), ev)
    agg2 = agg2.reshape(NC, NP, 128)
    out = _tc_final(agg2, h2p, dis2, b2p, batch2, linW, linb)
    return out

# --- scband reference (transcript-rebuilt; emitter-appended) ---
"""Pipeline reference for scband-gnnmodel-46772193853691 (READ-ONLY COPY).

The authoritative reference and input builder live on the scoring server;
editing this copy changes nothing except your own understanding.
"""

import jax, jax.numpy as jnp
import numpy as np

N = 10000
E = 320000
D_IN = 128
D_HID = 64
D_OUT = 2
N_GRAPHS = 16


def setup_inputs(seed: int = 0) -> dict:
    key = jax.random.key(seed)
    ks = jax.random.split(key, 8)
    x = jax.random.normal(ks[0], (N, D_IN), dtype=jnp.float32)
    edge_index = jax.random.randint(ks[1], (2, E), 0, N)
    batch = jnp.sort(jax.random.randint(ks[2], (N,), 0, N_GRAPHS))
    W1 = jax.random.normal(ks[3], (D_IN, D_HID), dtype=jnp.float32) * (1.0 / np.sqrt(D_IN))
    b1 = jnp.zeros((D_HID,), dtype=jnp.float32)
    W2 = jax.random.normal(ks[4], (D_HID, D_HID), dtype=jnp.float32) * (1.0 / np.sqrt(D_HID))
    b2 = jnp.zeros((D_HID,), dtype=jnp.float32)
    linW = jax.random.normal(ks[5], (D_HID, D_OUT), dtype=jnp.float32) * (1.0 / np.sqrt(D_HID))
    linb = jnp.zeros((D_OUT,), dtype=jnp.float32)
    return {"x": x, "edge_index": edge_index, "batch": batch,
            "W1": W1, "b1": b1, "W2": W2, "b2": b2, "linW": linW, "linb": linb}


def _gcn_conv(x, src, dst, W, b, num_nodes):
    # GCNConv: D^{-1/2} (A + I) D^{-1/2} X W + b  (add_self_loops=True, symmetric norm)
    loop = jnp.arange(num_nodes, dtype=src.dtype)
    s = jnp.concatenate([src, loop])
    d = jnp.concatenate([dst, loop])
    deg = jax.ops.segment_sum(jnp.ones(s.shape[0], dtype=x.dtype), d, num_segments=num_nodes)
    dis = jnp.where(deg > 0, 1.0 / jnp.sqrt(deg), 0.0)
    norm = dis[s] * dis[d]
    h = x @ W
    msg = h[s] * norm[:, None]
    out = jax.ops.segment_sum(msg, d, num_segments=num_nodes)
    return out + b


def reference(x, edge_index, batch, W1, b1, W2, b2, linW, linb):
    src = edge_index[0]
    dst = edge_index[1]
    h = _gcn_conv(x, src, dst, W1, b1, N)
    h = jax.nn.relu(h)
    # dropout is identity in eval mode
    h = _gcn_conv(h, src, dst, W2, b2, N)
    h = jax.nn.relu(h)
    # global_mean_pool over batch assignment
    counts = jax.ops.segment_sum(jnp.ones((N,), dtype=h.dtype), batch, num_segments=N_GRAPHS)
    sums = jax.ops.segment_sum(h, batch, num_segments=N_GRAPHS)
    pooled = sums / jnp.maximum(counts, 1.0)[:, None]
    logits = pooled @ linW + linb
    return jax.nn.log_softmax(logits, axis=1)

if __name__ == "__main__":
    import jax
    _d = setup_inputs()
    print(jax.jit(kernel)(*tuple(_d.values())))

</pallas_src>

<mosaic_0001>
#map = affine_map<(d0, d1) -> (0, 0)>
#map1 = affine_map<(d0, d1) -> (0, 0, 0)>
module attributes {stable_mosaic.version = 14 : i64} {
  func.func @k(%arg0: i32, %arg1: i32, %arg2: memref<10000x64xf32, #tpu.memory_space<hbm>>, %arg3: memref<2500x2x128xi32, #tpu.memory_space<hbm>>, %arg4: memref<2x10000x64xf32, #tpu.memory_space<hbm>>, %arg5: memref<79x2x128xi32, #tpu.memory_space<vmem>>, %arg6: memref<8x128x64xf32, #tpu.memory_space<vmem>>, %arg7: memref<48x64xf32, #tpu.memory_space<vmem>>, %arg8: memref<10000x64xf32, #tpu.memory_space<vmem_shared>>, %arg9: memref<!tpu.dma_semaphore, #tpu.memory_space<semaphore_mem>>) attributes {dimension_semantics = [#tpu.dimension_semantics<core_parallel>, #tpu.dimension_semantics<subcore_parallel>], iteration_bounds = array<i64: 2, 16>, scalar_prefetch = 0 : i64, scratch_operands = 5 : i64, tpu.core_type = #tpu.core_type<sc_vector_subcore>, window_params = [{transform_indices = #map}, {transform_indices = #map1}, {transform_indices = #map1}]} {
    %mul3A = arith.constant 16 : i32
    %mul3A_0 = arith.muli %arg0, %mul3A : i32
    %add3A = arith.addi %mul3A_0, %arg1 : i32
    %lt3A = arith.constant 4 : i32
    %lt3A_1 = arith.cmpi slt, %add3A, %lt3A : i32
    %jit3A = arith.constant 1 : i32
    %jit3A_2 = arith.constant 0 : i32
    %select_n3A = arith.select %lt3A_1, %jit3A, %jit3A_2 : i32
    %add3A_3 = arith.constant 78 : i32
    %add3A_4 = arith.addi %add3A_3, %select_n3A : i32
    %mul3A_5 = arith.constant 78 : i32
    %mul3A_6 = arith.muli %add3A, %mul3A_5 : i32
    "tpu.region"() ({
      %run_scoped3A = tpu.sem_alloc : memref<!tpu.dma_semaphore, #tpu.memory_space<semaphore_mem>>
      %dma_start3A_349 = arith.constant 0 : i32
      %dma_start3A_350 = arith.constant 0 : i32
      %dma_start3A_351 = arith.constant 0 : i32
      %dma_start3A_352 = tpu.memref_slice %arg5[%dma_start3A_349, %dma_start3A_350, %dma_start3A_351] : memref<79x2x128xi32, #tpu.memory_space<vmem>> -> memref<78x2x128xi32, #tpu.memory_space<vmem>>
      %dma_start3A_353 = arith.constant 0 : i32
      %dma_start3A_354 = arith.constant 0 : i32
      %dma_start3A_355 = tpu.memref_slice %arg3[%mul3A_6, %dma_start3A_353, %dma_start3A_354] : memref<2500x2x128xi32, #tpu.memory_space<hbm>> -> memref<78x2x128xi32, #tpu.memory_space<hbm>>
      %dma_start3A_356 = arith.constant 0 : i32
      %dma_start3A_357 = arith.constant 0 : i32
      %dma_start3A_358 = arith.constant 0 : i32
      %dma_start3A_359 = tpu.memref_slice %arg5[%dma_start3A_356, %dma_start3A_357, %dma_start3A_358] : memref<79x2x128xi32, #tpu.memory_space<vmem>> -> memref<78x2x128xi32, #tpu.memory_space<vmem>>
      %dma_start3A_360 = arith.constant 0 : i32
      %dma_start3A_361 = arith.constant 0 : i32
      %dma_start3A_362 = tpu.memref_slice %arg3[%mul3A_6, %dma_start3A_360, %dma_start3A_361] : memref<2500x2x128xi32, #tpu.memory_space<hbm>> -> memref<78x2x128xi32, #tpu.memory_space<hbm>>
      tpu.enqueue_dma source(%dma_start3A_362 : memref<78x2x128xi32, #tpu.memory_space<hbm>>) target(%dma_start3A_359 : memref<78x2x128xi32, #tpu.memory_space<vmem>>) target_semaphore(%run_scoped3A : memref<!tpu.dma_semaphore, #tpu.memory_space<semaphore_mem>>)
      %dma_wait3A_363 = arith.constant 0 : i32
      %dma_wait3A_364 = arith.constant 0 : i32
      %dma_wait3A_365 = arith.constant 0 : i32
      %dma_wait3A_366 = tpu.memref_slice %arg5[%dma_wait3A_363, %dma_wait3A_364, %dma_wait3A_365] : memref<79x2x128xi32, #tpu.memory_space<vmem>> -> memref<78x2x128xi32, #tpu.memory_space<vmem>>
      %dma_wait3A_367 = arith.constant 0 : i32
      %dma_wait3A_368 = arith.constant 0 : i32
      %dma_wait3A_369 = tpu.memref_slice %arg3[%mul3A_6, %dma_wait3A_367, %dma_wait3A_368] : memref<2500x2x128xi32, #tpu.memory_space<hbm>> -> memref<78x2x128xi32, #tpu.memory_space<hbm>>
      %dma_wait3A_370 = arith.constant 0 : i32
      %dma_wait3A_371 = arith.constant 0 : i32
      %dma_wait3A_372 = arith.constant 0 : i32
      %dma_wait3A_373 = tpu.memref_slice %arg5[%dma_wait3A_370, %dma_wait3A_371, %dma_wait3A_372] : memref<79x2x128xi32, #tpu.memory_space<vmem>> -> memref<78x2x128xi32, #tpu.memory_space<vmem>>
      %dma_wait3A_374 = arith.constant 0 : i32
      %dma_wait3A_375 = arith.constant 0 : i32
      %dma_wait3A_376 = tpu.memref_slice %arg3[%mul3A_6, %dma_wait3A_374, %dma_wait3A_375] : memref<2500x2x128xi32, #tpu.memory_space<hbm>> -> memref<78x2x128xi32, #tpu.memory_space<hbm>>
      tpu.wait_dma2 semaphore(%run_scoped3A : memref<!tpu.dma_semaphore, #tpu.memory_space<semaphore_mem>>) src(%dma_wait3A_376 : memref<78x2x128xi32, #tpu.memory_space<hbm>>) dst(%dma_wait3A_373 : memref<78x2x128xi32, #tpu.memory_space<vmem>>)
      tpu.yield
    }) : () -> ()
    %lt3A_7 = arith.constant 4 : i32
    %lt3A_8 = arith.cmpi slt, %add3A, %lt3A_7 : i32
    %convert_element_type3A = arith.extui %lt3A_8 : i1 to i32
    %cond3A = arith.constant 0 : i32
    %cond3A_9 = arith.cmpi ne, %convert_element_type3A, %cond3A : i32
    scf.if %cond3A_9 {
      %add3A_349 = arith.constant 2496 : i32
      %add3A_350 = arith.addi %add3A_349, %add3A : i32
      "tpu.region"() ({
        %run_scoped3A = tpu.sem_alloc : memref<!tpu.dma_semaphore, #tpu.memory_space<semaphore_mem>>
        %dma_start3A_351 = arith.constant 78 : i32
        %dma_start3A_352 = arith.constant 0 : i32
        %dma_start3A_353 = arith.constant 0 : i32
        %dma_start3A_354 = tpu.memref_slice %arg5[%dma_start3A_351, %dma_start3A_352, %dma_start3A_353] : memref<79x2x128xi32, #tpu.memory_space<vmem>> -> memref<1x2x128xi32, #tpu.memory_space<vmem>>
        %dma_start3A_355 = arith.constant 0 : i32
        %dma_start3A_356 = arith.constant 0 : i32
        %dma_start3A_357 = tpu.memref_slice %arg3[%add3A_350, %dma_start3A_355, %dma_start3A_356] : memref<2500x2x128xi32, #tpu.memory_space<hbm>> -> memref<1x2x128xi32, #tpu.memory_space<hbm>>
        %dma_start3A_358 = arith.constant 78 : i32
        %dma_start3A_359 = arith.constant 0 : i32
        %dma_start3A_360 = arith.constant 0 : i32
        %dma_start3A_361 = tpu.memref_slice %arg5[%dma_start3A_358, %dma_start3A_359, %dma_start3A_360] : memref<79x2x128xi32, #tpu.memory_space<vmem>> -> memref<1x2x128xi32, #tpu.memory_space<vmem>>
        %dma_start3A_362 = arith.constant 0 : i32
        %dma_start3A_363 = arith.constant 0 : i32
        %dma_start3A_364 = tpu.memref_slice %arg3[%add3A_350, %dma_start3A_362, %dma_start3A_363] : memref<2500x2x128xi32, #tpu.memory_space<hbm>> -> memref<1x2x128xi32, #tpu.memory_space<hbm>>
        tpu.enqueue_dma source(%dma_start3A_364 : memref<1x2x128xi32, #tpu.memory_space<hbm>>) target(%dma_start3A_361 : memref<1x2x128xi32, #tpu.memory_space<vmem>>) target_semaphore(%run_scoped3A : memref<!tpu.dma_semaphore, #tpu.memory_space<semaphore_mem>>)
        %dma_wait3A_365 = arith.constant 78 : i32
        %dma_wait3A_366 = arith.constant 0 : i32
        %dma_wait3A_367 = arith.constant 0 : i32
        %dma_wait3A_368 = tpu.memref_slice %arg5[%dma_wait3A_365, %dma_wait3A_366, %dma_wait3A_367] : memref<79x2x128xi32, #tpu.memory_space<vmem>> -> memref<1x2x128xi32, #tpu.memory_space<vmem>>
        %dma_wait3A_369 = arith.constant 0 : i32
        %dma_wait3A_370 = arith.constant 0 : i32
        %dma_wait3A_371 = tpu.memref_slice %arg3[%add3A_350, %dma_wait3A_369, %dma_wait3A_370] : memref<2500x2x128xi32, #tpu.memory_space<hbm>> -> memref<1x2x128xi32, #tpu.memory_space<hbm>>
        %dma_wait3A_372 = arith.constant 78 : i32
        %dma_wait3A_373 = arith.constant 0 : i32
        %dma_wait3A_374 = arith.constant 0 : i32
        %dma_wait3A_375 = tpu.memref_slice %arg5[%dma_wait3A_372, %dma_wait3A_373, %dma_wait3A_374] : memref<79x2x128xi32, #tpu.memory_space<vmem>> -> memref<1x2x128xi32, #tpu.memory_space<vmem>>
        %dma_wait3A_376 = arith.constant 0 : i32
        %dma_wait3A_377 = arith.constant 0 : i32
        %dma_wait3A_378 = tpu.memref_slice %arg3[%add3A_350, %dma_wait3A_376, %dma_wait3A_377] : memref<2500x2x128xi32, #tpu.memory_space<hbm>> -> memref<1x2x128xi32, #tpu.memory_space<hbm>>
        tpu.wait_dma2 semaphore(%run_scoped3A : memref<!tpu.dma_semaphore, #tpu.memory_space<semaphore_mem>>) src(%dma_wait3A_378 : memref<1x2x128xi32, #tpu.memory_space<hbm>>) dst(%dma_wait3A_375 : memref<1x2x128xi32, #tpu.memory_space<vmem>>)
        tpu.yield
      }) : () -> ()
    } else {
    }
    %broadcast_in_dim3A = arith.constant 0.000000e+00 : f32
    %broadcast_in_dim3A_10 = vector.broadcast %broadcast_in_dim3A : f32 to vector<16xf32>
    %scan3A = arith.constant 0 : i32
    %scan3A_11 = arith.constant 48 : i32
    %scan3A_12 = arith.addi %scan3A, %scan3A_11 : i32
    %scan3A_13 = arith.constant 1 : i32
    scf.for %scan3A_349 = %scan3A to %scan3A_12 step %scan3A_13  : i32 {
      %mul3A_350 = arith.constant 1 : i32
      %mul3A_351 = arith.muli %scan3A_349, %mul3A_350 : i32
      %add3A_352 = arith.constant 0 : i32
      %add3A_353 = arith.addi %add3A_352, %mul3A_351 : i32
      %swap3A = arith.index_cast %add3A_353 : i32 to index
      %swap3A_354 = arith.constant 0 : index
      %swap3A_355 = tpu.vector_load %arg7[%swap3A, %swap3A_354] {strides = array<i32>} : memref<48x64xf32, #tpu.memory_space<vmem>>, vector<16xf32>,
      tpu.vector_store %arg7[%swap3A, %swap3A_354], %broadcast_in_dim3A_10 {strides = array<i32>} : memref<48x64xf32, #tpu.memory_space<vmem>>, vector<16xf32>,
      %swap3A_356 = arith.index_cast %add3A_353 : i32 to index
      %swap3A_357 = arith.constant 16 : index
      %swap3A_358 = tpu.vector_load %arg7[%swap3A_356, %swap3A_357] {strides = array<i32>} : memref<48x64xf32, #tpu.memory_space<vmem>>, vector<16xf32>,
      tpu.vector_store %arg7[%swap3A_356, %swap3A_357], %broadcast_in_dim3A_10 {strides = array<i32>} : memref<48x64xf32, #tpu.memory_space<vmem>>, vector<16xf32>,
      %swap3A_359 = arith.index_cast %add3A_353 : i32 to index
      %swap3A_360 = arith.constant 32 : index
      %swap3A_361 = tpu.vector_load %arg7[%swap3A_359, %swap3A_360] {strides = array<i32>} : memref<48x64xf32, #tpu.memory_space<vmem>>, vector<16xf32>,
      tpu.vector_store %arg7[%swap3A_359, %swap3A_360], %broadcast_in_dim3A_10 {strides = array<i32>} : memref<48x64xf32, #tpu.memory_space<vmem>>, vector<16xf32>,
      %swap3A_362 = arith.index_cast %add3A_353 : i32 to index
      %swap3A_363 = arith.constant 48 : index
      %swap3A_364 = tpu.vector_load %arg7[%swap3A_362, %swap3A_363] {strides = array<i32>} : memref<48x64xf32, #tpu.memory_space<vmem>>, vector<16xf32>,
      tpu.vector_store %arg7[%swap3A_362, %swap3A_363], %broadcast_in_dim3A_10 {strides = array<i32>} : memref<48x64xf32, #tpu.memory_space<vmem>>, vector<16xf32>,
    }
    %scan3A_14 = arith.constant 48 : i32
    %mul3A_15 = arith.constant 624 : i32
    %mul3A_16 = arith.muli %arg1, %mul3A_15 : i32
    %add3A_17 = arith.constant 0 : i32
    %add3A_18 = arith.addi %mul3A_16, %add3A_17 : i32
    %dma_start3A = arith.constant 0 : i32
    %dma_start3A_19 = tpu.memref_slice %arg8[%add3A_18, %dma_start3A] : memref<10000x64xf32, #tpu.memory_space<vmem_shared>> -> memref<48x64xf32, #tpu.memory_space<vmem_shared>>
    %dma_start3A_20 = arith.constant 0 : i32
    %dma_start3A_21 = tpu.memref_slice %arg8[%add3A_18, %dma_start3A_20] : memref<10000x64xf32, #tpu.memory_space<vmem_shared>> -> memref<48x64xf32, #tpu.memory_space<vmem_shared>>
    tpu.enqueue_dma source(%arg7 : memref<48x64xf32, #tpu.memory_space<vmem>>) target(%dma_start3A_21 : memref<48x64xf32, #tpu.memory_space<vmem_shared>>) target_semaphore(%arg9 : memref<!tpu.dma_semaphore, #tpu.memory_space<semaphore_mem>>)
    %mul3A_22 = arith.constant 624 : i32
    %mul3A_23 = arith.muli %arg1, %mul3A_22 : i32
    %add3A_24 = arith.constant 48 : i32
    %add3A_25 = arith.addi %mul3A_23, %add3A_24 : i32
    %dma_start3A_26 = arith.constant 0 : i32
    %dma_start3A_27 = tpu.memref_slice %arg8[%add3A_25, %dma_start3A_26] : memref<10000x64xf32, #tpu.memory_space<vmem_shared>> -> memref<48x64xf32, #tpu.memory_space<vmem_shared>>
    %dma_start3A_28 = arith.constant 0 : i32
    %dma_start3A_29 = tpu.memref_slice %arg8[%add3A_25, %dma_start3A_28] : memref<10000x64xf32, #tpu.memory_space<vmem_shared>> -> memref<48x64xf32, #tpu.memory_space<vmem_shared>>
    tpu.enqueue_dma source(%arg7 : memref<48x64xf32, #tpu.memory_space<vmem>>) target(%dma_start3A_29 : memref<48x64xf32, #tpu.memory_space<vmem_shared>>) target_semaphore(%arg9 : memref<!tpu.dma_semaphore, #tpu.memory_space<semaphore_mem>>)
    %mul3A_30 = arith.constant 624 : i32
    %mul3A_31 = arith.muli %arg1, %mul3A_30 : i32
    %add3A_32 = arith.constant 96 : i32
    %add3A_33 = arith.addi %mul3A_31, %add3A_32 : i32
    %dma_start3A_34 = arith.constant 0 : i32
    %dma_start3A_35 = tpu.memref_slice %arg8[%add3A_33, %dma_start3A_34] : memref<10000x64xf32, #tpu.memory_space<vmem_shared>> -> memref<48x64xf32, #tpu.memory_space<vmem_shared>>
    %dma_start3A_36 = arith.constant 0 : i32
    %dma_start3A_37 = tpu.memref_slice %arg8[%add3A_33, %dma_start3A_36] : memref<10000x64xf32, #tpu.memory_space<vmem_shared>> -> memref<48x64xf32, #tpu.memory_space<vmem_shared>>
    tpu.enqueue_dma source(%arg7 : memref<48x64xf32, #tpu.memory_space<vmem>>) target(%dma_start3A_37 : memref<48x64xf32, #tpu.memory_space<vmem_shared>>) target_semaphore(%arg9 : memref<!tpu.dma_semaphore, #tpu.memory_space<semaphore_mem>>)
    %mul3A_38 = arith.constant 624 : i32
    %mul3A_39 = arith.muli %arg1, %mul3A_38 : i32
    %add3A_40 = arith.constant 144 : i32
    %add3A_41 = arith.addi %mul3A_39, %add3A_40 : i32
    %dma_start3A_42 = arith.constant 0 : i32
    %dma_start3A_43 = tpu.memref_slice %arg8[%add3A_41, %dma_start3A_42] : memref<10000x64xf32, #tpu.memory_space<vmem_shared>> -> memref<48x64xf32, #tpu.memory_space<vmem_shared>>
    %dma_start3A_44 = arith.constant 0 : i32
    %dma_start3A_45 = tpu.memref_slice %arg8[%add3A_41, %dma_start3A_44] : memref<10000x64xf32, #tpu.memory_space<vmem_shared>> -> memref<48x64xf32, #tpu.memory_space<vmem_shared>>
    tpu.enqueue_dma source(%arg7 : memref<48x64xf32, #tpu.memory_space<vmem>>) target(%dma_start3A_45 : memref<48x64xf32, #tpu.memory_space<vmem_shared>>) target_semaphore(%arg9 : memref<!tpu.dma_semaphore, #tpu.memory_space<semaphore_mem>>)
    %mul3A_46 = arith.constant 624 : i32
    %mul3A_47 = arith.muli %arg1, %mul3A_46 : i32
    %add3A_48 = arith.constant 192 : i32
    %add3A_49 = arith.addi %mul3A_47, %add3A_48 : i32
    %dma_start3A_50 = arith.constant 0 : i32
    %dma_start3A_51 = tpu.memref_slice %arg8[%add3A_49, %dma_start3A_50] : memref<10000x64xf32, #tpu.memory_space<vmem_shared>> -> memref<48x64xf32, #tpu.memory_space<vmem_shared>>
    %dma_start3A_52 = arith.constant 0 : i32
    %dma_start3A_53 = tpu.memref_slice %arg8[%add3A_49, %dma_start3A_52] : memref<10000x64xf32, #tpu.memory_space<vmem_shared>> -> memref<48x64xf32, #tpu.memory_space<vmem_shared>>
    tpu.enqueue_dma source(%arg7 : memref<48x64xf32, #tpu.memory_space<vmem>>) target(%dma_start3A_53 : memref<48x64xf32, #tpu.memory_space<vmem_shared>>) target_semaphore(%arg9 : memref<!tpu.dma_semaphore, #tpu.memory_space<semaphore_mem>>)
    %mul3A_54 = arith.constant 624 : i32
    %mul3A_55 = arith.muli %arg1, %mul3A_54 : i32
    %add3A_56 = arith.constant 240 : i32
    %add3A_57 = arith.addi %mul3A_55, %add3A_56 : i32
    %dma_start3A_58 = arith.constant 0 : i32
    %dma_start3A_59 = tpu.memref_slice %arg8[%add3A_57, %dma_start3A_58] : memref<10000x64xf32, #tpu.memory_space<vmem_shared>> -> memref<48x64xf32, #tpu.memory_space<vmem_shared>>
    %dma_start3A_60 = arith.constant 0 : i32
    %dma_start3A_61 = tpu.memref_slice %arg8[%add3A_57, %dma_start3A_60] : memref<10000x64xf32, #tpu.memory_space<vmem_shared>> -> memref<48x64xf32, #tpu.memory_space<vmem_shared>>
    tpu.enqueue_dma source(%arg7 : memref<48x64xf32, #tpu.memory_space<vmem>>) target(%dma_start3A_61 : memref<48x64xf32, #tpu.memory_space<vmem_shared>>) target_semaphore(%arg9 : memref<!tpu.dma_semaphore, #tpu.memory_space<semaphore_mem>>)
    %mul3A_62 = arith.constant 624 : i32
    %mul3A_63 = arith.muli %arg1, %mul3A_62 : i32
    %add3A_64 = arith.constant 288 : i32
    %add3A_65 = arith.addi %mul3A_63, %add3A_64 : i32
    %dma_start3A_66 = arith.constant 0 : i32
    %dma_start3A_67 = tpu.memref_slice %arg8[%add3A_65, %dma_start3A_66] : memref<10000x64xf32, #tpu.memory_space<vmem_shared>> -> memref<48x64xf32, #tpu.memory_space<vmem_shared>>
    %dma_start3A_68 = arith.constant 0 : i32
    %dma_start3A_69 = tpu.memref_slice %arg8[%add3A_65, %dma_start3A_68] : memref<10000x64xf32, #tpu.memory_space<vmem_shared>> -> memref<48x64xf32, #tpu.memory_space<vmem_shared>>
    tpu.enqueue_dma source(%arg7 : memref<48x64xf32, #tpu.memory_space<vmem>>) target(%dma_start3A_69 : memref<48x64xf32, #tpu.memory_space<vmem_shared>>) target_semaphore(%arg9 : memref<!tpu.dma_semaphore, #tpu.memory_space<semaphore_mem>>)
    %mul3A_70 = arith.constant 624 : i32
    %mul3A_71 = arith.muli %arg1, %mul3A_70 : i32
    %add3A_72 = arith.constant 336 : i32
    %add3A_73 = arith.addi %mul3A_71, %add3A_72 : i32
    %dma_start3A_74 = arith.constant 0 : i32
    %dma_start3A_75 = tpu.memref_slice %arg8[%add3A_73, %dma_start3A_74] : memref<10000x64xf32, #tpu.memory_space<vmem_shared>> -> memref<48x64xf32, #tpu.memory_space<vmem_shared>>
    %dma_start3A_76 = arith.constant 0 : i32
    %dma_start3A_77 = tpu.memref_slice %arg8[%add3A_73, %dma_start3A_76] : memref<10000x64xf32, #tpu.memory_space<vmem_shared>> -> memref<48x64xf32, #tpu.memory_space<vmem_shared>>
    tpu.enqueue_dma source(%arg7 : memref<48x64xf32, #tpu.memory_space<vmem>>) target(%dma_start3A_77 : memref<48x64xf32, #tpu.memory_space<vmem_shared>>) target_semaphore(%arg9 : memref<!tpu.dma_semaphore, #tpu.memory_space<semaphore_mem>>)
    %mul3A_78 = arith.constant 624 : i32
    %mul3A_79 = arith.muli %arg1, %mul3A_78 : i32
    %add3A_80 = arith.constant 384 : i32
    %add3A_81 = arith.addi %mul3A_79, %add3A_80 : i32
    %dma_start3A_82 = arith.constant 0 : i32
    %dma_start3A_83 = tpu.memref_slice %arg8[%add3A_81, %dma_start3A_82] : memref<10000x64xf32, #tpu.memory_space<vmem_shared>> -> memref<48x64xf32, #tpu.memory_space<vmem_shared>>
    %dma_start3A_84 = arith.constant 0 : i32
    %dma_start3A_85 = tpu.memref_slice %arg8[%add3A_81, %dma_start3A_84] : memref<10000x64xf32, #tpu.memory_space<vmem_shared>> -> memref<48x64xf32, #tpu.memory_space<vmem_shared>>
    tpu.enqueue_dma source(%arg7 : memref<48x64xf32, #tpu.memory_space<vmem>>) target(%dma_start3A_85 : memref<48x64xf32, #tpu.memory_space<vmem_shared>>) target_semaphore(%arg9 : memref<!tpu.dma_semaphore, #tpu.memory_space<semaphore_mem>>)
    %mul3A_86 = arith.constant 624 : i32
    %mul3A_87 = arith.muli %arg1, %mul3A_86 : i32
    %add3A_88 = arith.constant 432 : i32
    %add3A_89 = arith.addi %mul3A_87, %add3A_88 : i32
    %dma_start3A_90 = arith.constant 0 : i32
    %dma_start3A_91 = tpu.memref_slice %arg8[%add3A_89, %dma_start3A_90] : memref<10000x64xf32, #tpu.memory_space<vmem_shared>> -> memref<48x64xf32, #tpu.memory_space<vmem_shared>>
    %dma_start3A_92 = arith.constant 0 : i32
    %dma_start3A_93 = tpu.memref_slice %arg8[%add3A_89, %dma_start3A_92] : memref<10000x64xf32, #tpu.memory_space<vmem_shared>> -> memref<48x64xf32, #tpu.memory_space<vmem_shared>>
    tpu.enqueue_dma source(%arg7 : memref<48x64xf32, #tpu.memory_space<vmem>>) target(%dma_start3A_93 : memref<48x64xf32, #tpu.memory_space<vmem_shared>>) target_semaphore(%arg9 : memref<!tpu.dma_semaphore, #tpu.memory_space<semaphore_mem>>)
    %mul3A_94 = arith.constant 624 : i32
    %mul3A_95 = arith.muli %arg1, %mul3A_94 : i32
    %add3A_96 = arith.constant 480 : i32
    %add3A_97 = arith.addi %mul3A_95, %add3A_96 : i32
    %dma_start3A_98 = arith.constant 0 : i32
    %dma_start3A_99 = tpu.memref_slice %arg8[%add3A_97, %dma_start3A_98] : memref<10000x64xf32, #tpu.memory_space<vmem_shared>> -> memref<48x64xf32, #tpu.memory_space<vmem_shared>>
    %dma_start3A_100 = arith.constant 0 : i32
    %dma_start3A_101 = tpu.memref_slice %arg8[%add3A_97, %dma_start3A_100] : memref<10000x64xf32, #tpu.memory_space<vmem_shared>> -> memref<48x64xf32, #tpu.memory_space<vmem_shared>>
    tpu.enqueue_dma source(%arg7 : memref<48x64xf32, #tpu.memory_space<vmem>>) target(%dma_start3A_101 : memref<48x64xf32, #tpu.memory_space<vmem_shared>>) target_semaphore(%arg9 : memref<!tpu.dma_semaphore, #tpu.memory_space<semaphore_mem>>)
    %mul3A_102 = arith.constant 624 : i32
    %mul3A_103 = arith.muli %arg1, %mul3A_102 : i32
    %add3A_104 = arith.constant 528 : i32
    %add3A_105 = arith.addi %mul3A_103, %add3A_104 : i32
    %dma_start3A_106 = arith.constant 0 : i32
    %dma_start3A_107 = tpu.memref_slice %arg8[%add3A_105, %dma_start3A_106] : memref<10000x64xf32, #tpu.memory_space<vmem_shared>> -> memref<48x64xf32, #tpu.memory_space<vmem_shared>>
    %dma_start3A_108 = arith.constant 0 : i32
    %dma_start3A_109 = tpu.memref_slice %arg8[%add3A_105, %dma_start3A_108] : memref<10000x64xf32, #tpu.memory_space<vmem_shared>> -> memref<48x64xf32, #tpu.memory_space<vmem_shared>>
    tpu.enqueue_dma source(%arg7 : memref<48x64xf32, #tpu.memory_space<vmem>>) target(%dma_start3A_109 : memref<48x64xf32, #tpu.memory_space<vmem_shared>>) target_semaphore(%arg9 : memref<!tpu.dma_semaphore, #tpu.memory_space<semaphore_mem>>)
    %mul3A_110 = arith.constant 624 : i32
    %mul3A_111 = arith.muli %arg1, %mul3A_110 : i32
    %add3A_112 = arith.constant 576 : i32
    %add3A_113 = arith.addi %mul3A_111, %add3A_112 : i32
    %dma_start3A_114 = arith.constant 0 : i32
    %dma_start3A_115 = tpu.memref_slice %arg8[%add3A_113, %dma_start3A_114] : memref<10000x64xf32, #tpu.memory_space<vmem_shared>> -> memref<48x64xf32, #tpu.memory_space<vmem_shared>>
    %dma_start3A_116 = arith.constant 0 : i32
    %dma_start3A_117 = tpu.memref_slice %arg8[%add3A_113, %dma_start3A_116] : memref<10000x64xf32, #tpu.memory_space<vmem_shared>> -> memref<48x64xf32, #tpu.memory_space<vmem_shared>>
    tpu.enqueue_dma source(%arg7 : memref<48x64xf32, #tpu.memory_space<vmem>>) target(%dma_start3A_117 : memref<48x64xf32, #tpu.memory_space<vmem_shared>>) target_semaphore(%arg9 : memref<!tpu.dma_semaphore, #tpu.memory_space<semaphore_mem>>)
    %eq3A = arith.constant 15 : i32
    %eq3A_118 = arith.cmpi eq, %arg1, %eq3A : i32
    %convert_element_type3A_119 = arith.extui %eq3A_118 : i1 to i32
    %cond3A_120 = arith.constant 0 : i32
    %cond3A_121 = arith.cmpi ne, %convert_element_type3A_119, %cond3A_120 : i32
    scf.if %cond3A_121 {
      %dma_start3A_349 = arith.constant 0 : i32
      %dma_start3A_350 = arith.constant 0 : i32
      %dma_start3A_351 = tpu.memref_slice %arg7[%dma_start3A_349, %dma_start3A_350] : memref<48x64xf32, #tpu.memory_space<vmem>> -> memref<16x64xf32, #tpu.memory_space<vmem>>
      %dma_start3A_352 = arith.constant 9984 : i32
      %dma_start3A_353 = arith.constant 0 : i32
      %dma_start3A_354 = tpu.memref_slice %arg8[%dma_start3A_352, %dma_start3A_353] : memref<10000x64xf32, #tpu.memory_space<vmem_shared>> -> memref<16x64xf32, #tpu.memory_space<vmem_shared>>
      %dma_start3A_355 = arith.constant 9984 : i32
      %dma_start3A_356 = arith.constant 0 : i32
      %dma_start3A_357 = tpu.memref_slice %arg8[%dma_start3A_355, %dma_start3A_356] : memref<10000x64xf32, #tpu.memory_space<vmem_shared>> -> memref<16x64xf32, #tpu.memory_space<vmem_shared>>
      %dma_start3A_358 = arith.constant 0 : i32
      %dma_start3A_359 = arith.constant 0 : i32
      %dma_start3A_360 = tpu.memref_slice %arg7[%dma_start3A_358, %dma_start3A_359] : memref<48x64xf32, #tpu.memory_space<vmem>> -> memref<16x64xf32, #tpu.memory_space<vmem>>
      tpu.enqueue_dma source(%dma_start3A_360 : memref<16x64xf32, #tpu.memory_space<vmem>>) target(%dma_start3A_357 : memref<16x64xf32, #tpu.memory_space<vmem_shared>>) target_semaphore(%arg9 : memref<!tpu.dma_semaphore, #tpu.memory_space<semaphore_mem>>)
    } else {
    }
    %mul3A_122 = arith.constant 624 : i32
    %mul3A_123 = arith.muli %arg1, %mul3A_122 : i32
    %add3A_124 = arith.constant 0 : i32
    %add3A_125 = arith.addi %mul3A_123, %add3A_124 : i32
    %dma_wait3A = arith.constant 0 : i32
    %dma_wait3A_126 = tpu.memref_slice %arg8[%add3A_125, %dma_wait3A] : memref<10000x64xf32, #tpu.memory_space<vmem_shared>> -> memref<48x64xf32, #tpu.memory_space<vmem_shared>>
    %dma_wait3A_127 = arith.constant 0 : i32
    %dma_wait3A_128 = tpu.memref_slice %arg8[%add3A_125, %dma_wait3A_127] : memref<10000x64xf32, #tpu.memory_space<vmem_shared>> -> memref<48x64xf32, #tpu.memory_space<vmem_shared>>
    tpu.wait_dma2 semaphore(%arg9 : memref<!tpu.dma_semaphore, #tpu.memory_space<semaphore_mem>>) src(%arg7 : memref<48x64xf32, #tpu.memory_space<vmem>>) dst(%dma_wait3A_128 : memref<48x64xf32, #tpu.memory_space<vmem_shared>>)
    %mul3A_129 = arith.constant 624 : i32
    %mul3A_130 = arith.muli %arg1, %mul3A_129 : i32
    %add3A_131 = arith.constant 48 : i32
    %add3A_132 = arith.addi %mul3A_130, %add3A_131 : i32
    %dma_wait3A_133 = arith.constant 0 : i32
    %dma_wait3A_134 = tpu.memref_slice %arg8[%add3A_132, %dma_wait3A_133] : memref<10000x64xf32, #tpu.memory_space<vmem_shared>> -> memref<48x64xf32, #tpu.memory_space<vmem_shared>>
    %dma_wait3A_135 = arith.constant 0 : i32
    %dma_wait3A_136 = tpu.memref_slice %arg8[%add3A_132, %dma_wait3A_135] : memref<10000x64xf32, #tpu.memory_space<vmem_shared>> -> memref<48x64xf32, #tpu.memory_space<vmem_shared>>
    tpu.wait_dma2 semaphore(%arg9 : memref<!tpu.dma_semaphore, #tpu.memory_space<semaphore_mem>>) src(%arg7 : memref<48x64xf32, #tpu.memory_space<vmem>>) dst(%dma_wait3A_136 : memref<48x64xf32, #tpu.memory_space<vmem_shared>>)
    %mul3A_137 = arith.constant 624 : i32
    %mul3A_138 = arith.muli %arg1, %mul3A_137 : i32
    %add3A_139 = arith.constant 96 : i32
    %add3A_140 = arith.addi %mul3A_138, %add3A_139 : i32
    %dma_wait3A_141 = arith.constant 0 : i32
    %dma_wait3A_142 = tpu.memref_slice %arg8[%add3A_140, %dma_wait3A_141] : memref<10000x64xf32, #tpu.memory_space<vmem_shared>> -> memref<48x64xf32, #tpu.memory_space<vmem_shared>>
    %dma_wait3A_143 = arith.constant 0 : i32
    %dma_wait3A_144 = tpu.memref_slice %arg8[%add3A_140, %dma_wait3A_143] : memref<10000x64xf32, #tpu.memory_space<vmem_shared>> -> memref<48x64xf32, #tpu.memory_space<vmem_shared>>
    tpu.wait_dma2 semaphore(%arg9 : memref<!tpu.dma_semaphore, #tpu.memory_space<semaphore_mem>>) src(%arg7 : memref<48x64xf32, #tpu.memory_space<vmem>>) dst(%dma_wait3A_144 : memref<48x64xf32, #tpu.memory_space<vmem_shared>>)
    %mul3A_145 = arith.constant 624 : i32
    %mul3A_146 = arith.muli %arg1, %mul3A_145 : i32
    %add3A_147 = arith.constant 144 : i32
    %add3A_148 = arith.addi %mul3A_146, %add3A_147 : i32
    %dma_wait3A_149 = arith.constant 0 : i32
    %dma_wait3A_150 = tpu.memref_slice %arg8[%add3A_148, %dma_wait3A_149] : memref<10000x64xf32, #tpu.memory_space<vmem_shared>> -> memref<48x64xf32, #tpu.memory_space<vmem_shared>>
    %dma_wait3A_151 = arith.constant 0 : i32
    %dma_wait3A_152 = tpu.memref_slice %arg8[%add3A_148, %dma_wait3A_151] : memref<10000x64xf32, #tpu.memory_space<vmem_shared>> -> memref<48x64xf32, #tpu.memory_space<vmem_shared>>
    tpu.wait_dma2 semaphore(%arg9 : memref<!tpu.dma_semaphore, #tpu.memory_space<semaphore_mem>>) src(%arg7 : memref<48x64xf32, #tpu.memory_space<vmem>>) dst(%dma_wait3A_152 : memref<48x64xf32, #tpu.memory_space<vmem_shared>>)
    %mul3A_153 = arith.constant 624 : i32
    %mul3A_154 = arith.muli %arg1, %mul3A_153 : i32
    %add3A_155 = arith.constant 192 : i32
    %add3A_156 = arith.addi %mul3A_154, %add3A_155 : i32
    %dma_wait3A_157 = arith.constant 0 : i32
    %dma_wait3A_158 = tpu.memref_slice %arg8[%add3A_156, %dma_wait3A_157] : memref<10000x64xf32, #tpu.memory_space<vmem_shared>> -> memref<48x64xf32, #tpu.memory_space<vmem_shared>>
    %dma_wait3A_159 = arith.constant 0 : i32
    %dma_wait3A_160 = tpu.memref_slice %arg8[%add3A_156, %dma_wait3A_159] : memref<10000x64xf32, #tpu.memory_space<vmem_shared>> -> memref<48x64xf32, #tpu.memory_space<vmem_shared>>
    tpu.wait_dma2 semaphore(%arg9 : memref<!tpu.dma_semaphore, #tpu.memory_space<semaphore_mem>>) src(%arg7 : memref<48x64xf32, #tpu.memory_space<vmem>>) dst(%dma_wait3A_160 : memref<48x64xf32, #tpu.memory_space<vmem_shared>>)
    %mul3A_161 = arith.constant 624 : i32
    %mul3A_162 = arith.muli %arg1, %mul3A_161 : i32
    %add3A_163 = arith.constant 240 : i32
    %add3A_164 = arith.addi %mul3A_162, %add3A_163 : i32
    %dma_wait3A_165 = arith.constant 0 : i32
    %dma_wait3A_166 = tpu.memref_slice %arg8[%add3A_164, %dma_wait3A_165] : memref<10000x64xf32, #tpu.memory_space<vmem_shared>> -> memref<48x64xf32, #tpu.memory_space<vmem_shared>>
    %dma_wait3A_167 = arith.constant 0 : i32
    %dma_wait3A_168 = tpu.memref_slice %arg8[%add3A_164, %dma_wait3A_167] : memref<10000x64xf32, #tpu.memory_space<vmem_shared>> -> memref<48x64xf32, #tpu.memory_space<vmem_shared>>
    tpu.wait_dma2 semaphore(%arg9 : memref<!tpu.dma_semaphore, #tpu.memory_space<semaphore_mem>>) src(%arg7 : memref<48x64xf32, #tpu.memory_space<vmem>>) dst(%dma_wait3A_168 : memref<48x64xf32, #tpu.memory_space<vmem_shared>>)
    %mul3A_169 = arith.constant 624 : i32
    %mul3A_170 = arith.muli %arg1, %mul3A_169 : i32
    %add3A_171 = arith.constant 288 : i32
    %add3A_172 = arith.addi %mul3A_170, %add3A_171 : i32
    %dma_wait3A_173 = arith.constant 0 : i32
    %dma_wait3A_174 = tpu.memref_slice %arg8[%add3A_172, %dma_wait3A_173] : memref<10000x64xf32, #tpu.memory_space<vmem_shared>> -> memref<48x64xf32, #tpu.memory_space<vmem_shared>>
    %dma_wait3A_175 = arith.constant 0 : i32
    %dma_wait3A_176 = tpu.memref_slice %arg8[%add3A_172, %dma_wait3A_175] : memref<10000x64xf32, #tpu.memory_space<vmem_shared>> -> memref<48x64xf32, #tpu.memory_space<vmem_shared>>
    tpu.wait_dma2 semaphore(%arg9 : memref<!tpu.dma_semaphore, #tpu.memory_space<semaphore_mem>>) src(%arg7 : memref<48x64xf32, #tpu.memory_space<vmem>>) dst(%dma_wait3A_176 : memref<48x64xf32, #tpu.memory_space<vmem_shared>>)
    %mul3A_177 = arith.constant 624 : i32
    %mul3A_178 = arith.muli %arg1, %mul3A_177 : i32
    %add3A_179 = arith.constant 336 : i32
    %add3A_180 = arith.addi %mul3A_178, %add3A_179 : i32
    %dma_wait3A_181 = arith.constant 0 : i32
    %dma_wait3A_182 = tpu.memref_slice %arg8[%add3A_180, %dma_wait3A_181] : memref<10000x64xf32, #tpu.memory_space<vmem_shared>> -> memref<48x64xf32, #tpu.memory_space<vmem_shared>>
    %dma_wait3A_183 = arith.constant 0 : i32
    %dma_wait3A_184 = tpu.memref_slice %arg8[%add3A_180, %dma_wait3A_183] : memref<10000x64xf32, #tpu.memory_space<vmem_shared>> -> memref<48x64xf32, #tpu.memory_space<vmem_shared>>
    tpu.wait_dma2 semaphore(%arg9 : memref<!tpu.dma_semaphore, #tpu.memory_space<semaphore_mem>>) src(%arg7 : memref<48x64xf32, #tpu.memory_space<vmem>>) dst(%dma_wait3A_184 : memref<48x64xf32, #tpu.memory_space<vmem_shared>>)
    %mul3A_185 = arith.constant 624 : i32
    %mul3A_186 = arith.muli %arg1, %mul3A_185 : i32
    %add3A_187 = arith.constant 384 : i32
    %add3A_188 = arith.addi %mul3A_186, %add3A_187 : i32
    %dma_wait3A_189 = arith.constant 0 : i32
    %dma_wait3A_190 = tpu.memref_slice %arg8[%add3A_188, %dma_wait3A_189] : memref<10000x64xf32, #tpu.memory_space<vmem_shared>> -> memref<48x64xf32, #tpu.memory_space<vmem_shared>>
    %dma_wait3A_191 = arith.constant 0 : i32
    %dma_wait3A_192 = tpu.memref_slice %arg8[%add3A_188, %dma_wait3A_191] : memref<10000x64xf32, #tpu.memory_space<vmem_shared>> -> memref<48x64xf32, #tpu.memory_space<vmem_shared>>
    tpu.wait_dma2 semaphore(%arg9 : memref<!tpu.dma_semaphore, #tpu.memory_space<semaphore_mem>>) src(%arg7 : memref<48x64xf32, #tpu.memory_space<vmem>>) dst(%dma_wait3A_192 : memref<48x64xf32, #tpu.memory_space<vmem_shared>>)
    %mul3A_193 = arith.constant 624 : i32
    %mul3A_194 = arith.muli %arg1, %mul3A_193 : i32
    %add3A_195 = arith.constant 432 : i32
    %add3A_196 = arith.addi %mul3A_194, %add3A_195 : i32
    %dma_wait3A_197 = arith.constant 0 : i32
    %dma_wait3A_198 = tpu.memref_slice %arg8[%add3A_196, %dma_wait3A_197] : memref<10000x64xf32, #tpu.memory_space<vmem_shared>> -> memref<48x64xf32, #tpu.memory_space<vmem_shared>>
    %dma_wait3A_199 = arith.constant 0 : i32
    %dma_wait3A_200 = tpu.memref_slice %arg8[%add3A_196, %dma_wait3A_199] : memref<10000x64xf32, #tpu.memory_space<vmem_shared>> -> memref<48x64xf32, #tpu.memory_space<vmem_shared>>
    tpu.wait_dma2 semaphore(%arg9 : memref<!tpu.dma_semaphore, #tpu.memory_space<semaphore_mem>>) src(%arg7 : memref<48x64xf32, #tpu.memory_space<vmem>>) dst(%dma_wait3A_200 : memref<48x64xf32, #tpu.memory_space<vmem_shared>>)
    %mul3A_201 = arith.constant 624 : i32
    %mul3A_202 = arith.muli %arg1, %mul3A_201 : i32
    %add3A_203 = arith.constant 480 : i32
    %add3A_204 = arith.addi %mul3A_202, %add3A_203 : i32
    %dma_wait3A_205 = arith.constant 0 : i32
    %dma_wait3A_206 = tpu.memref_slice %arg8[%add3A_204, %dma_wait3A_205] : memref<10000x64xf32, #tpu.memory_space<vmem_shared>> -> memref<48x64xf32, #tpu.memory_space<vmem_shared>>
    %dma_wait3A_207 = arith.constant 0 : i32
    %dma_wait3A_208 = tpu.memref_slice %arg8[%add3A_204, %dma_wait3A_207] : memref<10000x64xf32, #tpu.memory_space<vmem_shared>> -> memref<48x64xf32, #tpu.memory_space<vmem_shared>>
    tpu.wait_dma2 semaphore(%arg9 : memref<!tpu.dma_semaphore, #tpu.memory_space<semaphore_mem>>) src(%arg7 : memref<48x64xf32, #tpu.memory_space<vmem>>) dst(%dma_wait3A_208 : memref<48x64xf32, #tpu.memory_space<vmem_shared>>)
    %mul3A_209 = arith.constant 624 : i32
    %mul3A_210 = arith.muli %arg1, %mul3A_209 : i32
    %add3A_211 = arith.constant 528 : i32
    %add3A_212 = arith.addi %mul3A_210, %add3A_211 : i32
    %dma_wait3A_213 = arith.constant 0 : i32
    %dma_wait3A_214 = tpu.memref_slice %arg8[%add3A_212, %dma_wait3A_213] : memref<10000x64xf32, #tpu.memory_space<vmem_shared>> -> memref<48x64xf32, #tpu.memory_space<vmem_shared>>
    %dma_wait3A_215 = arith.constant 0 : i32
    %dma_wait3A_216 = tpu.memref_slice %arg8[%add3A_212, %dma_wait3A_215] : memref<10000x64xf32, #tpu.memory_space<vmem_shared>> -> memref<48x64xf32, #tpu.memory_space<vmem_shared>>
    tpu.wait_dma2 semaphore(%arg9 : memref<!tpu.dma_semaphore, #tpu.memory_space<semaphore_mem>>) src(%arg7 : memref<48x64xf32, #tpu.memory_space<vmem>>) dst(%dma_wait3A_216 : memref<48x64xf32, #tpu.memory_space<vmem_shared>>)
    %mul3A_217 = arith.constant 624 : i32
    %mul3A_218 = arith.muli %arg1, %mul3A_217 : i32
    %add3A_219 = arith.constant 576 : i32
    %add3A_220 = arith.addi %mul3A_218, %add3A_219 : i32
    %dma_wait3A_221 = arith.constant 0 : i32
    %dma_wait3A_222 = tpu.memref_slice %arg8[%add3A_220, %dma_wait3A_221] : memref<10000x64xf32, #tpu.memory_space<vmem_shared>> -> memref<48x64xf32, #tpu.memory_space<vmem_shared>>
    %dma_wait3A_223 = arith.constant 0 : i32
    %dma_wait3A_224 = tpu.memref_slice %arg8[%add3A_220, %dma_wait3A_223] : memref<10000x64xf32, #tpu.memory_space<vmem_shared>> -> memref<48x64xf32, #tpu.memory_space<vmem_shared>>
    tpu.wait_dma2 semaphore(%arg9 : memref<!tpu.dma_semaphore, #tpu.memory_space<semaphore_mem>>) src(%arg7 : memref<48x64xf32, #tpu.memory_space<vmem>>) dst(%dma_wait3A_224 : memref<48x64xf32, #tpu.memory_space<vmem_shared>>)
    %eq3A_225 = arith.constant 15 : i32
    %eq3A_226 = arith.cmpi eq, %arg1, %eq3A_225 : i32
    %convert_element_type3A_227 = arith.extui %eq3A_226 : i1 to i32
    %cond3A_228 = arith.constant 0 : i32
    %cond3A_229 = arith.cmpi ne, %convert_element_type3A_227, %cond3A_228 : i32
    scf.if %cond3A_229 {
      %dma_wait3A_349 = arith.constant 0 : i32
      %dma_wait3A_350 = arith.constant 0 : i32
      %dma_wait3A_351 = tpu.memref_slice %arg7[%dma_wait3A_349, %dma_wait3A_350] : memref<48x64xf32, #tpu.memory_space<vmem>> -> memref<16x64xf32, #tpu.memory_space<vmem>>
      %dma_wait3A_352 = arith.constant 9984 : i32
      %dma_wait3A_353 = arith.constant 0 : i32
      %dma_wait3A_354 = tpu.memref_slice %arg8[%dma_wait3A_352, %dma_wait3A_353] : memref<10000x64xf32, #tpu.memory_space<vmem_shared>> -> memref<16x64xf32, #tpu.memory_space<vmem_shared>>
      %dma_wait3A_355 = arith.constant 9984 : i32
      %dma_wait3A_356 = arith.constant 0 : i32
      %dma_wait3A_357 = tpu.memref_slice %arg8[%dma_wait3A_355, %dma_wait3A_356] : memref<10000x64xf32, #tpu.memory_space<vmem_shared>> -> memref<16x64xf32, #tpu.memory_space<vmem_shared>>
      %dma_wait3A_358 = arith.constant 0 : i32
      %dma_wait3A_359 = arith.constant 0 : i32
      %dma_wait3A_360 = tpu.memref_slice %arg7[%dma_wait3A_358, %dma_wait3A_359] : memref<48x64xf32, #tpu.memory_space<vmem>> -> memref<16x64xf32, #tpu.memory_space<vmem>>
      tpu.wait_dma2 semaphore(%arg9 : memref<!tpu.dma_semaphore, #tpu.memory_space<semaphore_mem>>) src(%dma_wait3A_360 : memref<16x64xf32, #tpu.memory_space<vmem>>) dst(%dma_wait3A_357 : memref<16x64xf32, #tpu.memory_space<vmem_shared>>)
    } else {
    }
    %barrier3A = arith.constant 0 : index
    tpu.barrier barrier_id(%barrier3A)
    %dma_start3A_230 = arith.constant 0 : i32
    %dma_start3A_231 = arith.constant 0 : i32
    %dma_start3A_232 = arith.constant 0 : i32
    %dma_start3A_233 = arith.constant 0 : i32
    %dma_start3A_234 = arith.constant 0 : i32
    %dma_start3A_235 = tpu.memref_slice %arg6[%dma_start3A_232, %dma_start3A_233, %dma_start3A_234] : memref<8x128x64xf32, #tpu.memory_space<vmem>> -> memref<1x128x64xf32, #tpu.memory_space<vmem>>
    %dma_start3A_236 = tpu.memref_squeeze %dma_start3A_235 : memref<1x128x64xf32, #tpu.memory_space<vmem>> -> memref<128x64xf32, #tpu.memory_space<vmem>>
    %dma_start3A_237 = arith.constant 0 : i32
    %dma_start3A_238 = tpu.memref_slice %arg5[%dma_start3A_230, %dma_start3A_231, %dma_start3A_237] : memref<79x2x128xi32, #tpu.memory_space<vmem>> -> memref<1x1x128xi32, #tpu.memory_space<vmem>>
    %dma_start3A_239 = tpu.memref_squeeze %dma_start3A_238 : memref<1x1x128xi32, #tpu.memory_space<vmem>> -> memref<128xi32, #tpu.memory_space<vmem>>
    %dma_start3A_240 = arith.constant 0 : i32
    %dma_start3A_241 = arith.constant 0 : i32
    %dma_start3A_242 = tpu.memref_slice %arg2[%dma_start3A_240, %dma_start3A_241] : memref<10000x64xf32, #tpu.memory_space<hbm>> -> memref<10000x64xf32, #tpu.memory_space<hbm>>
    tpu.enqueue_indirect_dma source(%dma_start3A_242 : memref<10000x64xf32, #tpu.memory_space<hbm>>) target(%dma_start3A_236 : memref<128x64xf32, #tpu.memory_space<vmem>>) offsets(%dma_start3A_239 : memref<128xi32, #tpu.memory_space<vmem>>) semaphore(%arg9 : memref<!tpu.dma_semaphore, #tpu.memory_space<semaphore_mem>>)
    %dma_start3A_243 = arith.constant 1 : i32
    %dma_start3A_244 = arith.constant 0 : i32
    %dma_start3A_245 = arith.constant 1 : i32
    %dma_start3A_246 = arith.constant 0 : i32
    %dma_start3A_247 = arith.constant 0 : i32
    %dma_start3A_248 = tpu.memref_slice %arg6[%dma_start3A_245, %dma_start3A_246, %dma_start3A_247] : memref<8x128x64xf32, #tpu.memory_space<vmem>> -> memref<1x128x64xf32, #tpu.memory_space<vmem>>
    %dma_start3A_249 = tpu.memref_squeeze %dma_start3A_248 : memref<1x128x64xf32, #tpu.memory_space<vmem>> -> memref<128x64xf32, #tpu.memory_space<vmem>>
    %dma_start3A_250 = arith.constant 0 : i32
    %dma_start3A_251 = tpu.memref_slice %arg5[%dma_start3A_243, %dma_start3A_244, %dma_start3A_250] : memref<79x2x128xi32, #tpu.memory_space<vmem>> -> memref<1x1x128xi32, #tpu.memory_space<vmem>>
    %dma_start3A_252 = tpu.memref_squeeze %dma_start3A_251 : memref<1x1x128xi32, #tpu.memory_space<vmem>> -> memref<128xi32, #tpu.memory_space<vmem>>
    %dma_start3A_253 = arith.constant 0 : i32
    %dma_start3A_254 = arith.constant 0 : i32
    %dma_start3A_255 = tpu.memref_slice %arg2[%dma_start3A_253, %dma_start3A_254] : memref<10000x64xf32, #tpu.memory_space<hbm>> -> memref<10000x64xf32, #tpu.memory_space<hbm>>
    tpu.enqueue_indirect_dma source(%dma_start3A_255 : memref<10000x64xf32, #tpu.memory_space<hbm>>) target(%dma_start3A_249 : memref<128x64xf32, #tpu.memory_space<vmem>>) offsets(%dma_start3A_252 : memref<128xi32, #tpu.memory_space<vmem>>) semaphore(%arg9 : memref<!tpu.dma_semaphore, #tpu.memory_space<semaphore_mem>>)
    %dma_start3A_256 = arith.constant 2 : i32
    %dma_start3A_257 = arith.constant 0 : i32
    %dma_start3A_258 = arith.constant 2 : i32
    %dma_start3A_259 = arith.constant 0 : i32
    %dma_start3A_260 = arith.constant 0 : i32
    %dma_start3A_261 = tpu.memref_slice %arg6[%dma_start3A_258, %dma_start3A_259, %dma_start3A_260] : memref<8x128x64xf32, #tpu.memory_space<vmem>> -> memref<1x128x64xf32, #tpu.memory_space<vmem>>
    %dma_start3A_262 = tpu.memref_squeeze %dma_start3A_261 : memref<1x128x64xf32, #tpu.memory_space<vmem>> -> memref<128x64xf32, #tpu.memory_space<vmem>>
    %dma_start3A_263 = arith.constant 0 : i32
    %dma_start3A_264 = tpu.memref_slice %arg5[%dma_start3A_256, %dma_start3A_257, %dma_start3A_263] : memref<79x2x128xi32, #tpu.memory_space<vmem>> -> memref<1x1x128xi32, #tpu.memory_space<vmem>>
    %dma_start3A_265 = tpu.memref_squeeze %dma_start3A_264 : memref<1x1x128xi32, #tpu.memory_space<vmem>> -> memref<128xi32, #tpu.memory_space<vmem>>
    %dma_start3A_266 = arith.constant 0 : i32
    %dma_start3A_267 = arith.constant 0 : i32
    %dma_start3A_268 = tpu.memref_slice %arg2[%dma_start3A_266, %dma_start3A_267] : memref<10000x64xf32, #tpu.memory_space<hbm>> -> memref<10000x64xf32, #tpu.memory_space<hbm>>
    tpu.enqueue_indirect_dma source(%dma_start3A_268 : memref<10000x64xf32, #tpu.memory_space<hbm>>) target(%dma_start3A_262 : memref<128x64xf32, #tpu.memory_space<vmem>>) offsets(%dma_start3A_265 : memref<128xi32, #tpu.memory_space<vmem>>) semaphore(%arg9 : memref<!tpu.dma_semaphore, #tpu.memory_space<semaphore_mem>>)
    %dma_start3A_269 = arith.constant 3 : i32
    %dma_start3A_270 = arith.constant 0 : i32
    %dma_start3A_271 = arith.constant 3 : i32
    %dma_start3A_272 = arith.constant 0 : i32
    %dma_start3A_273 = arith.constant 0 : i32
    %dma_start3A_274 = tpu.memref_slice %arg6[%dma_start3A_271, %dma_start3A_272, %dma_start3A_273] : memref<8x128x64xf32, #tpu.memory_space<vmem>> -> memref<1x128x64xf32, #tpu.memory_space<vmem>>
    %dma_start3A_275 = tpu.memref_squeeze %dma_start3A_274 : memref<1x128x64xf32, #tpu.memory_space<vmem>> -> memref<128x64xf32, #tpu.memory_space<vmem>>
    %dma_start3A_276 = arith.constant 0 : i32
    %dma_start3A_277 = tpu.memref_slice %arg5[%dma_start3A_269, %dma_start3A_270, %dma_start3A_276] : memref<79x2x128xi32, #tpu.memory_space<vmem>> -> memref<1x1x128xi32, #tpu.memory_space<vmem>>
    %dma_start3A_278 = tpu.memref_squeeze %dma_start3A_277 : memref<1x1x128xi32, #tpu.memory_space<vmem>> -> memref<128xi32, #tpu.memory_space<vmem>>
    %dma_start3A_279 = arith.constant 0 : i32
    %dma_start3A_280 = arith.constant 0 : i32
    %dma_start3A_281 = tpu.memref_slice %arg2[%dma_start3A_279, %dma_start3A_280] : memref<10000x64xf32, #tpu.memory_space<hbm>> -> memref<10000x64xf32, #tpu.memory_space<hbm>>
    tpu.enqueue_indirect_dma source(%dma_start3A_281 : memref<10000x64xf32, #tpu.memory_space<hbm>>) target(%dma_start3A_275 : memref<128x64xf32, #tpu.memory_space<vmem>>) offsets(%dma_start3A_278 : memref<128xi32, #tpu.memory_space<vmem>>) semaphore(%arg9 : memref<!tpu.dma_semaphore, #tpu.memory_space<semaphore_mem>>)
    %dma_start3A_282 = arith.constant 4 : i32
    %dma_start3A_283 = arith.constant 0 : i32
    %dma_start3A_284 = arith.constant 4 : i32
    %dma_start3A_285 = arith.constant 0 : i32
    %dma_start3A_286 = arith.constant 0 : i32
    %dma_start3A_287 = tpu.memref_slice %arg6[%dma_start3A_284, %dma_start3A_285, %dma_start3A_286] : memref<8x128x64xf32, #tpu.memory_space<vmem>> -> memref<1x128x64xf32, #tpu.memory_space<vmem>>
    %dma_start3A_288 = tpu.memref_squeeze %dma_start3A_287 : memref<1x128x64xf32, #tpu.memory_space<vmem>> -> memref<128x64xf32, #tpu.memory_space<vmem>>
    %dma_start3A_289 = arith.constant 0 : i32
    %dma_start3A_290 = tpu.memref_slice %arg5[%dma_start3A_282, %dma_start3A_283, %dma_start3A_289] : memref<79x2x128xi32, #tpu.memory_space<vmem>> -> memref<1x1x128xi32, #tpu.memory_space<vmem>>
    %dma_start3A_291 = tpu.memref_squeeze %dma_start3A_290 : memref<1x1x128xi32, #tpu.memory_space<vmem>> -> memref<128xi32, #tpu.memory_space<vmem>>
    %dma_start3A_292 = arith.constant 0 : i32
    %dma_start3A_293 = arith.constant 0 : i32
    %dma_start3A_294 = tpu.memref_slice %arg2[%dma_start3A_292, %dma_start3A_293] : memref<10000x64xf32, #tpu.memory_space<hbm>> -> memref<10000x64xf32, #tpu.memory_space<hbm>>
    tpu.enqueue_indirect_dma source(%dma_start3A_294 : memref<10000x64xf32, #tpu.memory_space<hbm>>) target(%dma_start3A_288 : memref<128x64xf32, #tpu.memory_space<vmem>>) offsets(%dma_start3A_291 : memref<128xi32, #tpu.memory_space<vmem>>) semaphore(%arg9 : memref<!tpu.dma_semaphore, #tpu.memory_space<semaphore_mem>>)
    %dma_start3A_295 = arith.constant 5 : i32
    %dma_start3A_296 = arith.constant 0 : i32
    %dma_start3A_297 = arith.constant 5 : i32
    %dma_start3A_298 = arith.constant 0 : i32
    %dma_start3A_299 = arith.constant 0 : i32
    %dma_start3A_300 = tpu.memref_slice %arg6[%dma_start3A_297, %dma_start3A_298, %dma_start3A_299] : memref<8x128x64xf32, #tpu.memory_space<vmem>> -> memref<1x128x64xf32, #tpu.memory_space<vmem>>
    %dma_start3A_301 = tpu.memref_squeeze %dma_start3A_300 : memref<1x128x64xf32, #tpu.memory_space<vmem>> -> memref<128x64xf32, #tpu.memory_space<vmem>>
    %dma_start3A_302 = arith.constant 0 : i32
    %dma_start3A_303 = tpu.memref_slice %arg5[%dma_start3A_295, %dma_start3A_296, %dma_start3A_302] : memref<79x2x128xi32, #tpu.memory_space<vmem>> -> memref<1x1x128xi32, #tpu.memory_space<vmem>>
    %dma_start3A_304 = tpu.memref_squeeze %dma_start3A_303 : memref<1x1x128xi32, #tpu.memory_space<vmem>> -> memref<128xi32, #tpu.memory_space<vmem>>
    %dma_start3A_305 = arith.constant 0 : i32
    %dma_start3A_306 = arith.constant 0 : i32
    %dma_start3A_307 = tpu.memref_slice %arg2[%dma_start3A_305, %dma_start3A_306] : memref<10000x64xf32, #tpu.memory_space<hbm>> -> memref<10000x64xf32, #tpu.memory_space<hbm>>
    tpu.enqueue_indirect_dma source(%dma_start3A_307 : memref<10000x64xf32, #tpu.memory_space<hbm>>) target(%dma_start3A_301 : memref<128x64xf32, #tpu.memory_space<vmem>>) offsets(%dma_start3A_304 : memref<128xi32, #tpu.memory_space<vmem>>) semaphore(%arg9 : memref<!tpu.dma_semaphore, #tpu.memory_space<semaphore_mem>>)
    %dma_start3A_308 = arith.constant 6 : i32
    %dma_start3A_309 = arith.constant 0 : i32
    %dma_start3A_310 = arith.constant 6 : i32
    %dma_start3A_311 = arith.constant 0 : i32
    %dma_start3A_312 = arith.constant 0 : i32
    %dma_start3A_313 = tpu.memref_slice %arg6[%dma_start3A_310, %dma_start3A_311, %dma_start3A_312] : memref<8x128x64xf32, #tpu.memory_space<vmem>> -> memref<1x128x64xf32, #tpu.memory_space<vmem>>
    %dma_start3A_314 = tpu.memref_squeeze %dma_start3A_313 : memref<1x128x64xf32, #tpu.memory_space<vmem>> -> memref<128x64xf32, #tpu.memory_space<vmem>>
    %dma_start3A_315 = arith.constant 0 : i32
    %dma_start3A_316 = tpu.memref_slice %arg5[%dma_start3A_308, %dma_start3A_309, %dma_start3A_315] : memref<79x2x128xi32, #tpu.memory_space<vmem>> -> memref<1x1x128xi32, #tpu.memory_space<vmem>>
    %dma_start3A_317 = tpu.memref_squeeze %dma_start3A_316 : memref<1x1x128xi32, #tpu.memory_space<vmem>> -> memref<128xi32, #tpu.memory_space<vmem>>
    %dma_start3A_318 = arith.constant 0 : i32
    %dma_start3A_319 = arith.constant 0 : i32
    %dma_start3A_320 = tpu.memref_slice %arg2[%dma_start3A_318, %dma_start3A_319] : memref<10000x64xf32, #tpu.memory_space<hbm>> -> memref<10000x64xf32, #tpu.memory_space<hbm>>
    tpu.enqueue_indirect_dma source(%dma_start3A_320 : memref<10000x64xf32, #tpu.memory_space<hbm>>) target(%dma_start3A_314 : memref<128x64xf32, #tpu.memory_space<vmem>>) offsets(%dma_start3A_317 : memref<128xi32, #tpu.memory_space<vmem>>) semaphore(%arg9 : memref<!tpu.dma_semaphore, #tpu.memory_space<semaphore_mem>>)
    %dma_start3A_321 = arith.constant 7 : i32
    %dma_start3A_322 = arith.constant 0 : i32
    %dma_start3A_323 = arith.constant 7 : i32
    %dma_start3A_324 = arith.constant 0 : i32
    %dma_start3A_325 = arith.constant 0 : i32
    %dma_start3A_326 = tpu.memref_slice %arg6[%dma_start3A_323, %dma_start3A_324, %dma_start3A_325] : memref<8x128x64xf32, #tpu.memory_space<vmem>> -> memref<1x128x64xf32, #tpu.memory_space<vmem>>
    %dma_start3A_327 = tpu.memref_squeeze %dma_start3A_326 : memref<1x128x64xf32, #tpu.memory_space<vmem>> -> memref<128x64xf32, #tpu.memory_space<vmem>>
    %dma_start3A_328 = arith.constant 0 : i32
    %dma_start3A_329 = tpu.memref_slice %arg5[%dma_start3A_321, %dma_start3A_322, %dma_start3A_328] : memref<79x2x128xi32, #tpu.memory_space<vmem>> -> memref<1x1x128xi32, #tpu.memory_space<vmem>>
    %dma_start3A_330 = tpu.memref_squeeze %dma_start3A_329 : memref<1x1x128xi32, #tpu.memory_space<vmem>> -> memref<128xi32, #tpu.memory_space<vmem>>
    %dma_start3A_331 = arith.constant 0 : i32
    %dma_start3A_332 = arith.constant 0 : i32
    %dma_start3A_333 = tpu.memref_slice %arg2[%dma_start3A_331, %dma_start3A_332] : memref<10000x64xf32, #tpu.memory_space<hbm>> -> memref<10000x64xf32, #tpu.memory_space<hbm>>
    tpu.enqueue_indirect_dma source(%dma_start3A_333 : memref<10000x64xf32, #tpu.memory_space<hbm>>) target(%dma_start3A_327 : memref<128x64xf32, #tpu.memory_space<vmem>>) offsets(%dma_start3A_330 : memref<128xi32, #tpu.memory_space<vmem>>) semaphore(%arg9 : memref<!tpu.dma_semaphore, #tpu.memory_space<semaphore_mem>>)
    %scan3A_334 = arith.constant 0 : i32
    %scan3A_335 = arith.constant 10 : i32
    %scan3A_336 = arith.addi %scan3A_334, %scan3A_335 : i32
    %scan3A_337 = arith.constant 1 : i32
    scf.for %scan3A_349 = %scan3A_334 to %scan3A_336 step %scan3A_337  : i32 {
      %mul3A_350 = arith.constant 8 : i32
      %mul3A_351 = arith.muli %scan3A_349, %mul3A_350 : i32
      %add3A_352 = arith.constant 0 : i32
      %add3A_353 = arith.addi %add3A_352, %mul3A_351 : i32
      %add3A_354 = arith.constant 0 : i32
      %add3A_355 = arith.addi %add3A_353, %add3A_354 : i32
      %lt3A_356 = arith.cmpi slt, %add3A_355, %add3A_4 : i32
      %convert_element_type3A_357 = arith.extui %lt3A_356 : i1 to i32
      %cond3A_358 = arith.constant 0 : i32
      %cond3A_359 = arith.cmpi ne, %convert_element_type3A_357, %cond3A_358 : i32
      scf.if %cond3A_359 {
        %dma_wait3A_402 = arith.constant 0 : i32
        %dma_wait3A_403 = arith.constant 0 : i32
        %dma_wait3A_404 = arith.constant 0 : i32
        %dma_wait3A_405 = arith.constant 0 : i32
        %dma_wait3A_406 = tpu.memref_slice %arg6[%dma_wait3A_403, %dma_wait3A_404, %dma_wait3A_405] : memref<8x128x64xf32, #tpu.memory_space<vmem>> -> memref<1x128x64xf32, #tpu.memory_space<vmem>>
        %dma_wait3A_407 = tpu.memref_squeeze %dma_wait3A_406 : memref<1x128x64xf32, #tpu.memory_space<vmem>> -> memref<128x64xf32, #tpu.memory_space<vmem>>
        %dma_wait3A_408 = arith.constant 0 : i32
        %dma_wait3A_409 = tpu.memref_slice %arg5[%add3A_355, %dma_wait3A_402, %dma_wait3A_408] : memref<79x2x128xi32, #tpu.memory_space<vmem>> -> memref<1x1x128xi32, #tpu.memory_space<vmem>>
        %dma_wait3A_410 = tpu.memref_squeeze %dma_wait3A_409 : memref<1x1x128xi32, #tpu.memory_space<vmem>> -> memref<128xi32, #tpu.memory_space<vmem>>
        %dma_wait3A_411 = arith.constant 0 : i32
        %dma_wait3A_412 = arith.constant 0 : i32
        %dma_wait3A_413 = tpu.memref_slice %arg2[%dma_wait3A_411, %dma_wait3A_412] : memref<10000x64xf32, #tpu.memory_space<hbm>> -> memref<10000x64xf32, #tpu.memory_space<hbm>>
        tpu.wait_indirect_dma semaphore(%arg9 : memref<!tpu.dma_semaphore, #tpu.memory_space<semaphore_mem>>) src(%dma_wait3A_413 : memref<10000x64xf32, #tpu.memory_space<hbm>>) dst(%dma_wait3A_407 : memref<128x64xf32, #tpu.memory_space<vmem>>)
        %run_scoped3A = arith.constant 0 : i32
        %run_scoped3A_414 = arith.constant 1 : i32
        "tpu.region"() ({
          %run_scoped3A_421 = tpu.sem_alloc : memref<!tpu.dma_semaphore, #tpu.memory_space<semaphore_mem>>
          %dma_start3A_422 = arith.constant 0 : i32
          %dma_start3A_423 = arith.constant 0 : i32
          %dma_start3A_424 = tpu.memref_slice %arg6[%run_scoped3A, %dma_start3A_422, %dma_start3A_423] : memref<8x128x64xf32, #tpu.memory_space<vmem>> -> memref<1x128x64xf32, #tpu.memory_space<vmem>>
          %dma_start3A_425 = tpu.memref_squeeze %dma_start3A_424 : memref<1x128x64xf32, #tpu.memory_space<vmem>> -> memref<128x64xf32, #tpu.memory_space<vmem>>
          %dma_start3A_426 = arith.constant 0 : i32
          %dma_start3A_427 = tpu.memref_slice %arg5[%add3A_355, %run_scoped3A_414, %dma_start3A_426] : memref<79x2x128xi32, #tpu.memory_space<vmem>> -> memref<1x1x128xi32, #tpu.memory_space<vmem>>
          %dma_start3A_428 = tpu.memref_squeeze %dma_start3A_427 : memref<1x1x128xi32, #tpu.memory_space<vmem>> -> memref<128xi32, #tpu.memory_space<vmem>>
          %dma_start3A_429 = arith.constant 0 : i32
          %dma_start3A_430 = arith.constant 0 : i32
          %dma_start3A_431 = tpu.memref_slice %arg8[%dma_start3A_429, %dma_start3A_430] : memref<10000x64xf32, #tpu.memory_space<vmem_shared>> -> memref<10000x64xf32, #tpu.memory_space<vmem_shared>>
          tpu.enqueue_indirect_dma source(%dma_start3A_425 : memref<128x64xf32, #tpu.memory_space<vmem>>) target(%dma_start3A_431 : memref<10000x64xf32, #tpu.memory_space<vmem_shared>>) offsets(%dma_start3A_428 : memref<128xi32, #tpu.memory_space<vmem>>) semaphore(%run_scoped3A_421 : memref<!tpu.dma_semaphore, #tpu.memory_space<semaphore_mem>>) {add = true}
          %dma_wait3A_432 = arith.constant 0 : i32
          %dma_wait3A_433 = arith.constant 0 : i32
          %dma_wait3A_434 = tpu.memref_slice %arg6[%run_scoped3A, %dma_wait3A_432, %dma_wait3A_433] : memref<8x128x64xf32, #tpu.memory_space<vmem>> -> memref<1x128x64xf32, #tpu.memory_space<vmem>>
          %dma_wait3A_435 = tpu.memref_squeeze %dma_wait3A_434 : memref<1x128x64xf32, #tpu.memory_space<vmem>> -> memref<128x64xf32, #tpu.memory_space<vmem>>
          %dma_wait3A_436 = arith.constant 0 : i32
          %dma_wait3A_437 = tpu.memref_slice %arg5[%add3A_355, %run_scoped3A_414, %dma_wait3A_436] : memref<79x2x128xi32, #tpu.memory_space<vmem>> -> memref<1x1x128xi32, #tpu.memory_space<vmem>>
          %dma_wait3A_438 = tpu.memref_squeeze %dma_wait3A_437 : memref<1x1x128xi32, #tpu.memory_space<vmem>> -> memref<128xi32, #tpu.memory_space<vmem>>
          %dma_wait3A_439 = arith.constant 0 : i32
          %dma_wait3A_440 = arith.constant 0 : i32
          %dma_wait3A_441 = tpu.memref_slice %arg8[%dma_wait3A_439, %dma_wait3A_440] : memref<10000x64xf32, #tpu.memory_space<vmem_shared>> -> memref<10000x64xf32, #tpu.memory_space<vmem_shared>>
          tpu.wait_indirect_dma semaphore(%run_scoped3A_421 : memref<!tpu.dma_semaphore, #tpu.memory_space<semaphore_mem>>) src(%dma_wait3A_435 : memref<128x64xf32, #tpu.memory_space<vmem>>) dst(%dma_wait3A_441 : memref<10000x64xf32, #tpu.memory_space<vmem_shared>>)
          tpu.yield
        }) : () -> ()
        %add3A_415 = arith.constant 8 : i32
        %add3A_416 = arith.addi %add3A_355, %add3A_415 : i32
        %lt3A_417 = arith.cmpi slt, %add3A_416, %add3A_4 : i32
        %convert_element_type3A_418 = arith.extui %lt3A_417 : i1 to i32
        %cond3A_419 = arith.constant 0 : i32
        %cond3A_420 = arith.cmpi ne, %convert_element_type3A_418, %cond3A_419 : i32
        scf.if %cond3A_420 {
          %add3A_421 = arith.constant 8 : i32
          %add3A_422 = arith.addi %add3A_355, %add3A_421 : i32
          %dma_start3A_423 = arith.constant 0 : i32
          %dma_start3A_424 = arith.constant 0 : i32
          %dma_start3A_425 = arith.constant 0 : i32
          %dma_start3A_426 = arith.constant 0 : i32
          %dma_start3A_427 = tpu.memref_slice %arg6[%dma_start3A_424, %dma_start3A_425, %dma_start3A_426] : memref<8x128x64xf32, #tpu.memory_space<vmem>> -> memref<1x128x64xf32, #tpu.memory_space<vmem>>
          %dma_start3A_428 = tpu.memref_squeeze %dma_start3A_427 : memref<1x128x64xf32, #tpu.memory_space<vmem>> -> memref<128x64xf32, #tpu.memory_space<vmem>>
          %dma_start3A_429 = arith.constant 0 : i32
          %dma_start3A_430 = tpu.memref_slice %arg5[%add3A_422, %dma_start3A_423, %dma_start3A_429] : memref<79x2x128xi32, #tpu.memory_space<vmem>> -> memref<1x1x128xi32, #tpu.memory_space<vmem>>
          %dma_start3A_431 = tpu.memref_squeeze %dma_start3A_430 : memref<1x1x128xi32, #tpu.memory_space<vmem>> -> memref<128xi32, #tpu.memory_space<vmem>>
          %dma_start3A_432 = arith.constant 0 : i32
          %dma_start3A_433 = arith.constant 0 : i32
          %dma_start3A_434 = tpu.memref_slice %arg2[%dma_start3A_432, %dma_start3A_433] : memref<10000x64xf32, #tpu.memory_space<hbm>> -> memref<10000x64xf32, #tpu.memory_space<hbm>>
          tpu.enqueue_indirect_dma source(%dma_start3A_434 : memref<10000x64xf32, #tpu.memory_space<hbm>>) target(%dma_start3A_428 : memref<128x64xf32, #tpu.memory_space<vmem>>) offsets(%dma_start3A_431 : memref<128xi32, #tpu.memory_space<vmem>>) semaphore(%arg9 : memref<!tpu.dma_semaphore, #tpu.memory_space<semaphore_mem>>)
        } else {
        }
      } else {
      }
      %add3A_360 = arith.constant 1 : i32
      %add3A_361 = arith.addi %add3A_353, %add3A_360 : i32
      %lt3A_362 = arith.cmpi slt, %add3A_361, %add3A_4 : i32
      %convert_element_type3A_363 = arith.extui %lt3A_362 : i1 to i32
      %cond3A_364 = arith.constant 0 : i32
      %cond3A_365 = arith.cmpi ne, %convert_element_type3A_363, %cond3A_364 : i32
      scf.if %cond3A_365 {
        %dma_wait3A_402 = arith.constant 0 : i32
        %dma_wait3A_403 = arith.constant 1 : i32
        %dma_wait3A_404 = arith.constant 0 : i32
        %dma_wait3A_405 = arith.constant 0 : i32
        %dma_wait3A_406 = tpu.memref_slice %arg6[%dma_wait3A_403, %dma_wait3A_404, %dma_wait3A_405] : memref<8x128x64xf32, #tpu.memory_space<vmem>> -> memref<1x128x64xf32, #tpu.memory_space<vmem>>
        %dma_wait3A_407 = tpu.memref_squeeze %dma_wait3A_406 : memref<1x128x64xf32, #tpu.memory_space<vmem>> -> memref<128x64xf32, #tpu.memory_space<vmem>>
        %dma_wait3A_408 = arith.constant 0 : i32
        %dma_wait3A_409 = tpu.memref_slice %arg5[%add3A_361, %dma_wait3A_402, %dma_wait3A_408] : memref<79x2x128xi32, #tpu.memory_space<vmem>> -> memref<1x1x128xi32, #tpu.memory_space<vmem>>
        %dma_wait3A_410 = tpu.memref_squeeze %dma_wait3A_409 : memref<1x1x128xi32, #tpu.memory_space<vmem>> -> memref<128xi32, #tpu.memory_space<vmem>>
        %dma_wait3A_411 = arith.constant 0 : i32
        %dma_wait3A_412 = arith.constant 0 : i32
        %dma_wait3A_413 = tpu.memref_slice %arg2[%dma_wait3A_411, %dma_wait3A_412] : memref<10000x64xf32, #tpu.memory_space<hbm>> -> memref<10000x64xf32, #tpu.memory_space<hbm>>
        tpu.wait_indirect_dma semaphore(%arg9 : memref<!tpu.dma_semaphore, #tpu.memory_space<semaphore_mem>>) src(%dma_wait3A_413 : memref<10000x64xf32, #tpu.memory_space<hbm>>) dst(%dma_wait3A_407 : memref<128x64xf32, #tpu.memory_space<vmem>>)
        %run_scoped3A = arith.constant 1 : i32
        %run_scoped3A_414 = arith.constant 1 : i32
        "tpu.region"() ({
          %run_scoped3A_421 = tpu.sem_alloc : memref<!tpu.dma_semaphore, #tpu.memory_space<semaphore_mem>>
          %dma_start3A_422 = arith.constant 0 : i32
          %dma_start3A_423 = arith.constant 0 : i32
          %dma_start3A_424 = tpu.memref_slice %arg6[%run_scoped3A, %dma_start3A_422, %dma_start3A_423] : memref<8x128x64xf32, #tpu.memory_space<vmem>> -> memref<1x128x64xf32, #tpu.memory_space<vmem>>
          %dma_start3A_425 = tpu.memref_squeeze %dma_start3A_424 : memref<1x128x64xf32, #tpu.memory_space<vmem>> -> memref<128x64xf32, #tpu.memory_space<vmem>>
          %dma_start3A_426 = arith.constant 0 : i32
          %dma_start3A_427 = tpu.memref_slice %arg5[%add3A_361, %run_scoped3A_414, %dma_start3A_426] : memref<79x2x128xi32, #tpu.memory_space<vmem>> -> memref<1x1x128xi32, #tpu.memory_space<vmem>>
          %dma_start3A_428 = tpu.memref_squeeze %dma_start3A_427 : memref<1x1x128xi32, #tpu.memory_space<vmem>> -> memref<128xi32, #tpu.memory_space<vmem>>
          %dma_start3A_429 = arith.constant 0 : i32
          %dma_start3A_430 = arith.constant 0 : i32
          %dma_start3A_431 = tpu.memref_slice %arg8[%dma_start3A_429, %dma_start3A_430] : memref<10000x64xf32, #tpu.memory_space<vmem_shared>> -> memref<10000x64xf32, #tpu.memory_space<vmem_shared>>
          tpu.enqueue_indirect_dma source(%dma_start3A_425 : memref<128x64xf32, #tpu.memory_space<vmem>>) target(%dma_start3A_431 : memref<10000x64xf32, #tpu.memory_space<vmem_shared>>) offsets(%dma_start3A_428 : memref<128xi32, #tpu.memory_space<vmem>>) semaphore(%run_scoped3A_421 : memref<!tpu.dma_semaphore, #tpu.memory_space<semaphore_mem>>) {add = true}
          %dma_wait3A_432 = arith.constant 0 : i32
          %dma_wait3A_433 = arith.constant 0 : i32
          %dma_wait3A_434 = tpu.memref_slice %arg6[%run_scoped3A, %dma_wait3A_432, %dma_wait3A_433] : memref<8x128x64xf32, #tpu.memory_space<vmem>> -> memref<1x128x64xf32, #tpu.memory_space<vmem>>
          %dma_wait3A_435 = tpu.memref_squeeze %dma_wait3A_434 : memref<1x128x64xf32, #tpu.memory_space<vmem>> -> memref<128x64xf32, #tpu.memory_space<vmem>>
          %dma_wait3A_436 = arith.constant 0 : i32
          %dma_wait3A_437 = tpu.memref_slice %arg5[%add3A_361, %run_scoped3A_414, %dma_wait3A_436] : memref<79x2x128xi32, #tpu.memory_space<vmem>> -> memref<1x1x128xi32, #tpu.memory_space<vmem>>
          %dma_wait3A_438 = tpu.memref_squeeze %dma_wait3A_437 : memref<1x1x128xi32, #tpu.memory_space<vmem>> -> memref<128xi32, #tpu.memory_space<vmem>>
          %dma_wait3A_439 = arith.constant 0 : i32
          %dma_wait3A_440 = arith.constant 0 : i32
          %dma_wait3A_441 = tpu.memref_slice %arg8[%dma_wait3A_439, %dma_wait3A_440] : memref<10000x64xf32, #tpu.memory_space<vmem_shared>> -> memref<10000x64xf32, #tpu.memory_space<vmem_shared>>
          tpu.wait_indirect_dma semaphore(%run_scoped3A_421 : memref<!tpu.dma_semaphore, #tpu.memory_space<semaphore_mem>>) src(%dma_wait3A_435 : memref<128x64xf32, #tpu.memory_space<vmem>>) dst(%dma_wait3A_441 : memref<10000x64xf32, #tpu.memory_space<vmem_shared>>)
          tpu.yield
        }) : () -> ()
        %add3A_415 = arith.constant 8 : i32
        %add3A_416 = arith.addi %add3A_361, %add3A_415 : i32
        %lt3A_417 = arith.cmpi slt, %add3A_416, %add3A_4 : i32
        %convert_element_type3A_418 = arith.extui %lt3A_417 : i1 to i32
        %cond3A_419 = arith.constant 0 : i32
        %cond3A_420 = arith.cmpi ne, %convert_element_type3A_418, %cond3A_419 : i32
        scf.if %cond3A_420 {
          %add3A_421 = arith.constant 8 : i32
          %add3A_422 = arith.addi %add3A_361, %add3A_421 : i32
          %dma_start3A_423 = arith.constant 0 : i32
          %dma_start3A_424 = arith.constant 1 : i32
          %dma_start3A_425 = arith.constant 0 : i32
          %dma_start3A_426 = arith.constant 0 : i32
          %dma_start3A_427 = tpu.memref_slice %arg6[%dma_start3A_424, %dma_start3A_425, %dma_start3A_426] : memref<8x128x64xf32, #tpu.memory_space<vmem>> -> memref<1x128x64xf32, #tpu.memory_space<vmem>>
          %dma_start3A_428 = tpu.memref_squeeze %dma_start3A_427 : memref<1x128x64xf32, #tpu.memory_space<vmem>> -> memref<128x64xf32, #tpu.memory_space<vmem>>
          %dma_start3A_429 = arith.constant 0 : i32
          %dma_start3A_430 = tpu.memref_slice %arg5[%add3A_422, %dma_start3A_423, %dma_start3A_429] : memref<79x2x128xi32, #tpu.memory_space<vmem>> -> memref<1x1x128xi32, #tpu.memory_space<vmem>>
          %dma_start3A_431 = tpu.memref_squeeze %dma_start3A_430 : memref<1x1x128xi32, #tpu.memory_space<vmem>> -> memref<128xi32, #tpu.memory_space<vmem>>
          %dma_start3A_432 = arith.constant 0 : i32
          %dma_start3A_433 = arith.constant 0 : i32
          %dma_start3A_434 = tpu.memref_slice %arg2[%dma_start3A_432, %dma_start3A_433] : memref<10000x64xf32, #tpu.memory_space<hbm>> -> memref<10000x64xf32, #tpu.memory_space<hbm>>
          tpu.enqueue_indirect_dma source(%dma_start3A_434 : memref<10000x64xf32, #tpu.memory_space<hbm>>) target(%dma_start3A_428 : memref<128x64xf32, #tpu.memory_space<vmem>>) offsets(%dma_start3A_431 : memref<128xi32, #tpu.memory_space<vmem>>) semaphore(%arg9 : memref<!tpu.dma_semaphore, #tpu.memory_space<semaphore_mem>>)
        } else {
        }
      } else {
      }
      %add3A_366 = arith.constant 2 : i32
      %add3A_367 = arith.addi %add3A_353, %add3A_366 : i32
      %lt3A_368 = arith.cmpi slt, %add3A_367, %add3A_4 : i32
      %convert_element_type3A_369 = arith.extui %lt3A_368 : i1 to i32
      %cond3A_370 = arith.constant 0 : i32
      %cond3A_371 = arith.cmpi ne, %convert_element_type3A_369, %cond3A_370 : i32
      scf.if %cond3A_371 {
        %dma_wait3A_402 = arith.constant 0 : i32
        %dma_wait3A_403 = arith.constant 2 : i32
        %dma_wait3A_404 = arith.constant 0 : i32
        %dma_wait3A_405 = arith.constant 0 : i32
        %dma_wait3A_406 = tpu.memref_slice %arg6[%dma_wait3A_403, %dma_wait3A_404, %dma_wait3A_405] : memref<8x128x64xf32, #tpu.memory_space<vmem>> -> memref<1x128x64xf32, #tpu.memory_space<vmem>>
        %dma_wait3A_407 = tpu.memref_squeeze %dma_wait3A_406 : memref<1x128x64xf32, #tpu.memory_space<vmem>> -> memref<128x64xf32, #tpu.memory_space<vmem>>
        %dma_wait3A_408 = arith.constant 0 : i32
        %dma_wait3A_409 = tpu.memref_slice %arg5[%add3A_367, %dma_wait3A_402, %dma_wait3A_408] : memref<79x2x128xi32, #tpu.memory_space<vmem>> -> memref<1x1x128xi32, #tpu.memory_space<vmem>>
        %dma_wait3A_410 = tpu.memref_squeeze %dma_wait3A_409 : memref<1x1x128xi32, #tpu.memory_space<vmem>> -> memref<128xi32, #tpu.memory_space<vmem>>
        %dma_wait3A_411 = arith.constant 0 : i32
        %dma_wait3A_412 = arith.constant 0 : i32
        %dma_wait3A_413 = tpu.memref_slice %arg2[%dma_wait3A_411, %dma_wait3A_412] : memref<10000x64xf32, #tpu.memory_space<hbm>> -> memref<10000x64xf32, #tpu.memory_space<hbm>>
        tpu.wait_indirect_dma semaphore(%arg9 : memref<!tpu.dma_semaphore, #tpu.memory_space<semaphore_mem>>) src(%dma_wait3A_413 : memref<10000x64xf32, #tpu.memory_space<hbm>>) dst(%dma_wait3A_407 : memref<128x64xf32, #tpu.memory_space<vmem>>)
        %run_scoped3A = arith.constant 2 : i32
        %run_scoped3A_414 = arith.constant 1 : i32
        "tpu.region"() ({
          %run_scoped3A_421 = tpu.sem_alloc : memref<!tpu.dma_semaphore, #tpu.memory_space<semaphore_mem>>
          %dma_start3A_422 = arith.constant 0 : i32
          %dma_start3A_423 = arith.constant 0 : i32
          %dma_start3A_424 = tpu.memref_slice %arg6[%run_scoped3A, %dma_start3A_422, %dma_start3A_423] : memref<8x128x64xf32, #tpu.memory_space<vmem>> -> memref<1x128x64xf32, #tpu.memory_space<vmem>>
          %dma_start3A_425 = tpu.memref_squeeze %dma_start3A_424 : memref<1x128x64xf32, #tpu.memory_space<vmem>> -> memref<128x64xf32, #tpu.memory_space<vmem>>
          %dma_start3A_426 = arith.constant 0 : i32
          %dma_start3A_427 = tpu.memref_slice %arg5[%add3A_367, %run_scoped3A_414, %dma_start3A_426] : memref<79x2x128xi32, #tpu.memory_space<vmem>> -> memref<1x1x128xi32, #tpu.memory_space<vmem>>
          %dma_start3A_428 = tpu.memref_squeeze %dma_start3A_427 : memref<1x1x128xi32, #tpu.memory_space<vmem>> -> memref<128xi32, #tpu.memory_space<vmem>>
          %dma_start3A_429 = arith.constant 0 : i32
          %dma_start3A_430 = arith.constant 0 : i32
          %dma_start3A_431 = tpu.memref_slice %arg8[%dma_start3A_429, %dma_start3A_430] : memref<10000x64xf32, #tpu.memory_space<vmem_shared>> -> memref<10000x64xf32, #tpu.memory_space<vmem_shared>>
          tpu.enqueue_indirect_dma source(%dma_start3A_425 : memref<128x64xf32, #tpu.memory_space<vmem>>) target(%dma_start3A_431 : memref<10000x64xf32, #tpu.memory_space<vmem_shared>>) offsets(%dma_start3A_428 : memref<128xi32, #tpu.memory_space<vmem>>) semaphore(%run_scoped3A_421 : memref<!tpu.dma_semaphore, #tpu.memory_space<semaphore_mem>>) {add = true}
          %dma_wait3A_432 = arith.constant 0 : i32
          %dma_wait3A_433 = arith.constant 0 : i32
          %dma_wait3A_434 = tpu.memref_slice %arg6[%run_scoped3A, %dma_wait3A_432, %dma_wait3A_433] : memref<8x128x64xf32, #tpu.memory_space<vmem>> -> memref<1x128x64xf32, #tpu.memory_space<vmem>>
          %dma_wait3A_435 = tpu.memref_squeeze %dma_wait3A_434 : memref<1x128x64xf32, #tpu.memory_space<vmem>> -> memref<128x64xf32, #tpu.memory_space<vmem>>
          %dma_wait3A_436 = arith.constant 0 : i32
          %dma_wait3A_437 = tpu.memref_slice %arg5[%add3A_367, %run_scoped3A_414, %dma_wait3A_436] : memref<79x2x128xi32, #tpu.memory_space<vmem>> -> memref<1x1x128xi32, #tpu.memory_space<vmem>>
          %dma_wait3A_438 = tpu.memref_squeeze %dma_wait3A_437 : memref<1x1x128xi32, #tpu.memory_space<vmem>> -> memref<128xi32, #tpu.memory_space<vmem>>
          %dma_wait3A_439 = arith.constant 0 : i32
          %dma_wait3A_440 = arith.constant 0 : i32
          %dma_wait3A_441 = tpu.memref_slice %arg8[%dma_wait3A_439, %dma_wait3A_440] : memref<10000x64xf32, #tpu.memory_space<vmem_shared>> -> memref<10000x64xf32, #tpu.memory_space<vmem_shared>>
          tpu.wait_indirect_dma semaphore(%run_scoped3A_421 : memref<!tpu.dma_semaphore, #tpu.memory_space<semaphore_mem>>) src(%dma_wait3A_435 : memref<128x64xf32, #tpu.memory_space<vmem>>) dst(%dma_wait3A_441 : memref<10000x64xf32, #tpu.memory_space<vmem_shared>>)
          tpu.yield
        }) : () -> ()
        %add3A_415 = arith.constant 8 : i32
        %add3A_416 = arith.addi %add3A_367, %add3A_415 : i32
        %lt3A_417 = arith.cmpi slt, %add3A_416, %add3A_4 : i32
        %convert_element_type3A_418 = arith.extui %lt3A_417 : i1 to i32
        %cond3A_419 = arith.constant 0 : i32
        %cond3A_420 = arith.cmpi ne, %convert_element_type3A_418, %cond3A_419 : i32
        scf.if %cond3A_420 {
          %add3A_421 = arith.constant 8 : i32
          %add3A_422 = arith.addi %add3A_367, %add3A_421 : i32
          %dma_start3A_423 = arith.constant 0 : i32
          %dma_start3A_424 = arith.constant 2 : i32
          %dma_start3A_425 = arith.constant 0 : i32
          %dma_start3A_426 = arith.constant 0 : i32
          %dma_start3A_427 = tpu.memref_slice %arg6[%dma_start3A_424, %dma_start3A_425, %dma_start3A_426] : memref<8x128x64xf32, #tpu.memory_space<vmem>> -> memref<1x128x64xf32, #tpu.memory_space<vmem>>
          %dma_start3A_428 = tpu.memref_squeeze %dma_start3A_427 : memref<1x128x64xf32, #tpu.memory_space<vmem>> -> memref<128x64xf32, #tpu.memory_space<vmem>>
          %dma_start3A_429 = arith.constant 0 : i32
          %dma_start3A_430 = tpu.memref_slice %arg5[%add3A_422, %dma_start3A_423, %dma_start3A_429] : memref<79x2x128xi32, #tpu.memory_space<vmem>> -> memref<1x1x128xi32, #tpu.memory_space<vmem>>
          %dma_start3A_431 = tpu.memref_squeeze %dma_start3A_430 : memref<1x1x128xi32, #tpu.memory_space<vmem>> -> memref<128xi32, #tpu.memory_space<vmem>>
          %dma_start3A_432 = arith.constant 0 : i32
          %dma_start3A_433 = arith.constant 0 : i32
          %dma_start3A_434 = tpu.memref_slice %arg2[%dma_start3A_432, %dma_start3A_433] : memref<10000x64xf32, #tpu.memory_space<hbm>> -> memref<10000x64xf32, #tpu.memory_space<hbm>>
          tpu.enqueue_indirect_dma source(%dma_start3A_434 : memref<10000x64xf32, #tpu.memory_space<hbm>>) target(%dma_start3A_428 : memref<128x64xf32, #tpu.memory_space<vmem>>) offsets(%dma_start3A_431 : memref<128xi32, #tpu.memory_space<vmem>>) semaphore(%arg9 : memref<!tpu.dma_semaphore, #tpu.memory_space<semaphore_mem>>)
        } else {
        }
      } else {
      }
      %add3A_372 = arith.constant 3 : i32
      %add3A_373 = arith.addi %add3A_353, %add3A_372 : i32
      %lt3A_374 = arith.cmpi slt, %add3A_373, %add3A_4 : i32
      %convert_element_type3A_375 = arith.extui %lt3A_374 : i1 to i32
      %cond3A_376 = arith.constant 0 : i32
      %cond3A_377 = arith.cmpi ne, %convert_element_type3A_375, %cond3A_376 : i32
      scf.if %cond3A_377 {
        %dma_wait3A_402 = arith.constant 0 : i32
        %dma_wait3A_403 = arith.constant 3 : i32
        %dma_wait3A_404 = arith.constant 0 : i32
        %dma_wait3A_405 = arith.constant 0 : i32
        %dma_wait3A_406 = tpu.memref_slice %arg6[%dma_wait3A_403, %dma_wait3A_404, %dma_wait3A_405] : memref<8x128x64xf32, #tpu.memory_space<vmem>> -> memref<1x128x64xf32, #tpu.memory_space<vmem>>
        %dma_wait3A_407 = tpu.memref_squeeze %dma_wait3A_406 : memref<1x128x64xf32, #tpu.memory_space<vmem>> -> memref<128x64xf32, #tpu.memory_space<vmem>>
        %dma_wait3A_408 = arith.constant 0 : i32
        %dma_wait3A_409 = tpu.memref_slice %arg5[%add3A_373, %dma_wait3A_402, %dma_wait3A_408] : memref<79x2x128xi32, #tpu.memory_space<vmem>> -> memref<1x1x128xi32, #tpu.memory_space<vmem>>
        %dma_wait3A_410 = tpu.memref_squeeze %dma_wait3A_409 : memref<1x1x128xi32, #tpu.memory_space<vmem>> -> memref<128xi32, #tpu.memory_space<vmem>>
        %dma_wait3A_411 = arith.constant 0 : i32
        %dma_wait3A_412 = arith.constant 0 : i32
        %dma_wait3A_413 = tpu.memref_slice %arg2[%dma_wait3A_411, %dma_wait3A_412] : memref<10000x64xf32, #tpu.memory_space<hbm>> -> memref<10000x64xf32, #tpu.memory_space<hbm>>
        tpu.wait_indirect_dma semaphore(%arg9 : memref<!tpu.dma_semaphore, #tpu.memory_space<semaphore_mem>>) src(%dma_wait3A_413 : memref<10000x64xf32, #tpu.memory_space<hbm>>) dst(%dma_wait3A_407 : memref<128x64xf32, #tpu.memory_space<vmem>>)
        %run_scoped3A = arith.constant 3 : i32
        %run_scoped3A_414 = arith.constant 1 : i32
        "tpu.region"() ({
          %run_scoped3A_421 = tpu.sem_alloc : memref<!tpu.dma_semaphore, #tpu.memory_space<semaphore_mem>>
          %dma_start3A_422 = arith.constant 0 : i32
          %dma_start3A_423 = arith.constant 0 : i32
          %dma_start3A_424 = tpu.memref_slice %arg6[%run_scoped3A, %dma_start3A_422, %dma_start3A_423] : memref<8x128x64xf32, #tpu.memory_space<vmem>> -> memref<1x128x64xf32, #tpu.memory_space<vmem>>
          %dma_start3A_425 = tpu.memref_squeeze %dma_start3A_424 : memref<1x128x64xf32, #tpu.memory_space<vmem>> -> memref<128x64xf32, #tpu.memory_space<vmem>>
          %dma_start3A_426 = arith.constant 0 : i32
          %dma_start3A_427 = tpu.memref_slice %arg5[%add3A_373, %run_scoped3A_414, %dma_start3A_426] : memref<79x2x128xi32, #tpu.memory_space<vmem>> -> memref<1x1x128xi32, #tpu.memory_space<vmem>>
          %dma_start3A_428 = tpu.memref_squeeze %dma_start3A_427 : memref<1x1x128xi32, #tpu.memory_space<vmem>> -> memref<128xi32, #tpu.memory_space<vmem>>
          %dma_start3A_429 = arith.constant 0 : i32
          %dma_start3A_430 = arith.constant 0 : i32
          %dma_start3A_431 = tpu.memref_slice %arg8[%dma_start3A_429, %dma_start3A_430] : memref<10000x64xf32, #tpu.memory_space<vmem_shared>> -> memref<10000x64xf32, #tpu.memory_space<vmem_shared>>
          tpu.enqueue_indirect_dma source(%dma_start3A_425 : memref<128x64xf32, #tpu.memory_space<vmem>>) target(%dma_start3A_431 : memref<10000x64xf32, #tpu.memory_space<vmem_shared>>) offsets(%dma_start3A_428 : memref<128xi32, #tpu.memory_space<vmem>>) semaphore(%run_scoped3A_421 : memref<!tpu.dma_semaphore, #tpu.memory_space<semaphore_mem>>) {add = true}
          %dma_wait3A_432 = arith.constant 0 : i32
          %dma_wait3A_433 = arith.constant 0 : i32
          %dma_wait3A_434 = tpu.memref_slice %arg6[%run_scoped3A, %dma_wait3A_432, %dma_wait3A_433] : memref<8x128x64xf32, #tpu.memory_space<vmem>> -> memref<1x128x64xf32, #tpu.memory_space<vmem>>
          %dma_wait3A_435 = tpu.memref_squeeze %dma_wait3A_434 : memref<1x128x64xf32, #tpu.memory_space<vmem>> -> memref<128x64xf32, #tpu.memory_space<vmem>>
          %dma_wait3A_436 = arith.constant 0 : i32
          %dma_wait3A_437 = tpu.memref_slice %arg5[%add3A_373, %run_scoped3A_414, %dma_wait3A_436] : memref<79x2x128xi32, #tpu.memory_space<vmem>> -> memref<1x1x128xi32, #tpu.memory_space<vmem>>
          %dma_wait3A_438 = tpu.memref_squeeze %dma_wait3A_437 : memref<1x1x128xi32, #tpu.memory_space<vmem>> -> memref<128xi32, #tpu.memory_space<vmem>>
          %dma_wait3A_439 = arith.constant 0 : i32
          %dma_wait3A_440 = arith.constant 0 : i32
          %dma_wait3A_441 = tpu.memref_slice %arg8[%dma_wait3A_439, %dma_wait3A_440] : memref<10000x64xf32, #tpu.memory_space<vmem_shared>> -> memref<10000x64xf32, #tpu.memory_space<vmem_shared>>
          tpu.wait_indirect_dma semaphore(%run_scoped3A_421 : memref<!tpu.dma_semaphore, #tpu.memory_space<semaphore_mem>>) src(%dma_wait3A_435 : memref<128x64xf32, #tpu.memory_space<vmem>>) dst(%dma_wait3A_441 : memref<10000x64xf32, #tpu.memory_space<vmem_shared>>)
          tpu.yield
        }) : () -> ()
        %add3A_415 = arith.constant 8 : i32
        %add3A_416 = arith.addi %add3A_373, %add3A_415 : i32
        %lt3A_417 = arith.cmpi slt, %add3A_416, %add3A_4 : i32
        %convert_element_type3A_418 = arith.extui %lt3A_417 : i1 to i32
        %cond3A_419 = arith.constant 0 : i32
        %cond3A_420 = arith.cmpi ne, %convert_element_type3A_418, %cond3A_419 : i32
        scf.if %cond3A_420 {
          %add3A_421 = arith.constant 8 : i32
          %add3A_422 = arith.addi %add3A_373, %add3A_421 : i32
          %dma_start3A_423 = arith.constant 0 : i32
          %dma_start3A_424 = arith.constant 3 : i32
          %dma_start3A_425 = arith.constant 0 : i32
          %dma_start3A_426 = arith.constant 0 : i32
          %dma_start3A_427 = tpu.memref_slice %arg6[%dma_start3A_424, %dma_start3A_425, %dma_start3A_426] : memref<8x128x64xf32, #tpu.memory_space<vmem>> -> memref<1x128x64xf32, #tpu.memory_space<vmem>>
          %dma_start3A_428 = tpu.memref_squeeze %dma_start3A_427 : memref<1x128x64xf32, #tpu.memory_space<vmem>> -> memref<128x64xf32, #tpu.memory_space<vmem>>
          %dma_start3A_429 = arith.constant 0 : i32
          %dma_start3A_430 = tpu.memref_slice %arg5[%add3A_422, %dma_start3A_423, %dma_start3A_429] : memref<79x2x128xi32, #tpu.memory_space<vmem>> -> memref<1x1x128xi32, #tpu.memory_space<vmem>>
          %dma_start3A_431 = tpu.memref_squeeze %dma_start3A_430 : memref<1x1x128xi32, #tpu.memory_space<vmem>> -> memref<128xi32, #tpu.memory_space<vmem>>
          %dma_start3A_432 = arith.constant 0 : i32
          %dma_start3A_433 = arith.constant 0 : i32
          %dma_start3A_434 = tpu.memref_slice %arg2[%dma_start3A_432, %dma_start3A_433] : memref<10000x64xf32, #tpu.memory_space<hbm>> -> memref<10000x64xf32, #tpu.memory_space<hbm>>
          tpu.enqueue_indirect_dma source(%dma_start3A_434 : memref<10000x64xf32, #tpu.memory_space<hbm>>) target(%dma_start3A_428 : memref<128x64xf32, #tpu.memory_space<vmem>>) offsets(%dma_start3A_431 : memref<128xi32, #tpu.memory_space<vmem>>) semaphore(%arg9 : memref<!tpu.dma_semaphore, #tpu.memory_space<semaphore_mem>>)
        } else {
        }
      } else {
      }
      %add3A_378 = arith.constant 4 : i32
      %add3A_379 = arith.addi %add3A_353, %add3A_378 : i32
      %lt3A_380 = arith.cmpi slt, %add3A_379, %add3A_4 : i32
      %convert_element_type3A_381 = arith.extui %lt3A_380 : i1 to i32
      %cond3A_382 = arith.constant 0 : i32
      %cond3A_383 = arith.cmpi ne, %convert_element_type3A_381, %cond3A_382 : i32
      scf.if %cond3A_383 {
        %dma_wait3A_402 = arith.constant 0 : i32
        %dma_wait3A_403 = arith.constant 4 : i32
        %dma_wait3A_404 = arith.constant 0 : i32
        %dma_wait3A_405 = arith.constant 0 : i32
        %dma_wait3A_406 = tpu.memref_slice %arg6[%dma_wait3A_403, %dma_wait3A_404, %dma_wait3A_405] : memref<8x128x64xf32, #tpu.memory_space<vmem>> -> memref<1x128x64xf32, #tpu.memory_space<vmem>>
        %dma_wait3A_407 = tpu.memref_squeeze %dma_wait3A_406 : memref<1x128x64xf32, #tpu.memory_space<vmem>> -> memref<128x64xf32, #tpu.memory_space<vmem>>
        %dma_wait3A_408 = arith.constant 0 : i32
        %dma_wait3A_409 = tpu.memref_slice %arg5[%add3A_379, %dma_wait3A_402, %dma_wait3A_408] : memref<79x2x128xi32, #tpu.memory_space<vmem>> -> memref<1x1x128xi32, #tpu.memory_space<vmem>>
        %dma_wait3A_410 = tpu.memref_squeeze %dma_wait3A_409 : memref<1x1x128xi32, #tpu.memory_space<vmem>> -> memref<128xi32, #tpu.memory_space<vmem>>
        %dma_wait3A_411 = arith.constant 0 : i32
        %dma_wait3A_412 = arith.constant 0 : i32
        %dma_wait3A_413 = tpu.memref_slice %arg2[%dma_wait3A_411, %dma_wait3A_412] : memref<10000x64xf32, #tpu.memory_space<hbm>> -> memref<10000x64xf32, #tpu.memory_space<hbm>>
        tpu.wait_indirect_dma semaphore(%arg9 : memref<!tpu.dma_semaphore, #tpu.memory_space<semaphore_mem>>) src(%dma_wait3A_413 : memref<10000x64xf32, #tpu.memory_space<hbm>>) dst(%dma_wait3A_407 : memref<128x64xf32, #tpu.memory_space<vmem>>)
        %run_scoped3A = arith.constant 4 : i32
        %run_scoped3A_414 = arith.constant 1 : i32
        "tpu.region"() ({
          %run_scoped3A_421 = tpu.sem_alloc : memref<!tpu.dma_semaphore, #tpu.memory_space<semaphore_mem>>
          %dma_start3A_422 = arith.constant 0 : i32
          %dma_start3A_423 = arith.constant 0 : i32
          %dma_start3A_424 = tpu.memref_slice %arg6[%run_scoped3A, %dma_start3A_422, %dma_start3A_423] : memref<8x128x64xf32, #tpu.memory_space<vmem>> -> memref<1x128x64xf32, #tpu.memory_space<vmem>>
          %dma_start3A_425 = tpu.memref_squeeze %dma_start3A_424 : memref<1x128x64xf32, #tpu.memory_space<vmem>> -> memref<128x64xf32, #tpu.memory_space<vmem>>
          %dma_start3A_426 = arith.constant 0 : i32
          %dma_start3A_427 = tpu.memref_slice %arg5[%add3A_379, %run_scoped3A_414, %dma_start3A_426] : memref<79x2x128xi32, #tpu.memory_space<vmem>> -> memref<1x1x128xi32, #tpu.memory_space<vmem>>
          %dma_start3A_428 = tpu.memref_squeeze %dma_start3A_427 : memref<1x1x128xi32, #tpu.memory_space<vmem>> -> memref<128xi32, #tpu.memory_space<vmem>>
          %dma_start3A_429 = arith.constant 0 : i32
          %dma_start3A_430 = arith.constant 0 : i32
          %dma_start3A_431 = tpu.memref_slice %arg8[%dma_start3A_429, %dma_start3A_430] : memref<10000x64xf32, #tpu.memory_space<vmem_shared>> -> memref<10000x64xf32, #tpu.memory_space<vmem_shared>>
          tpu.enqueue_indirect_dma source(%dma_start3A_425 : memref<128x64xf32, #tpu.memory_space<vmem>>) target(%dma_start3A_431 : memref<10000x64xf32, #tpu.memory_space<vmem_shared>>) offsets(%dma_start3A_428 : memref<128xi32, #tpu.memory_space<vmem>>) semaphore(%run_scoped3A_421 : memref<!tpu.dma_semaphore, #tpu.memory_space<semaphore_mem>>) {add = true}
          %dma_wait3A_432 = arith.constant 0 : i32
          %dma_wait3A_433 = arith.constant 0 : i32
          %dma_wait3A_434 = tpu.memref_slice %arg6[%run_scoped3A, %dma_wait3A_432, %dma_wait3A_433] : memref<8x128x64xf32, #tpu.memory_space<vmem>> -> memref<1x128x64xf32, #tpu.memory_space<vmem>>
          %dma_wait3A_435 = tpu.memref_squeeze %dma_wait3A_434 : memref<1x128x64xf32, #tpu.memory_space<vmem>> -> memref<128x64xf32, #tpu.memory_space<vmem>>
          %dma_wait3A_436 = arith.constant 0 : i32
          %dma_wait3A_437 = tpu.memref_slice %arg5[%add3A_379, %run_scoped3A_414, %dma_wait3A_436] : memref<79x2x128xi32, #tpu.memory_space<vmem>> -> memref<1x1x128xi32, #tpu.memory_space<vmem>>
          %dma_wait3A_438 = tpu.memref_squeeze %dma_wait3A_437 : memref<1x1x128xi32, #tpu.memory_space<vmem>> -> memref<128xi32, #tpu.memory_space<vmem>>
          %dma_wait3A_439 = arith.constant 0 : i32
          %dma_wait3A_440 = arith.constant 0 : i32
          %dma_wait3A_441 = tpu.memref_slice %arg8[%dma_wait3A_439, %dma_wait3A_440] : memref<10000x64xf32, #tpu.memory_space<vmem_shared>> -> memref<10000x64xf32, #tpu.memory_space<vmem_shared>>
          tpu.wait_indirect_dma semaphore(%run_scoped3A_421 : memref<!tpu.dma_semaphore, #tpu.memory_space<semaphore_mem>>) src(%dma_wait3A_435 : memref<128x64xf32, #tpu.memory_space<vmem>>) dst(%dma_wait3A_441 : memref<10000x64xf32, #tpu.memory_space<vmem_shared>>)
          tpu.yield
        }) : () -> ()
        %add3A_415 = arith.constant 8 : i32
        %add3A_416 = arith.addi %add3A_379, %add3A_415 : i32
        %lt3A_417 = arith.cmpi slt, %add3A_416, %add3A_4 : i32
        %convert_element_type3A_418 = arith.extui %lt3A_417 : i1 to i32
        %cond3A_419 = arith.constant 0 : i32
        %cond3A_420 = arith.cmpi ne, %convert_element_type3A_418, %cond3A_419 : i32
        scf.if %cond3A_420 {
          %add3A_421 = arith.constant 8 : i32
          %add3A_422 = arith.addi %add3A_379, %add3A_421 : i32
          %dma_start3A_423 = arith.constant 0 : i32
          %dma_start3A_424 = arith.constant 4 : i32
          %dma_start3A_425 = arith.constant 0 : i32
          %dma_start3A_426 = arith.constant 0 : i32
          %dma_start3A_427 = tpu.memref_slice %arg6[%dma_start3A_424, %dma_start3A_425, %dma_start3A_426] : memref<8x128x64xf32, #tpu.memory_space<vmem>> -> memref<1x128x64xf32, #tpu.memory_space<vmem>>
          %dma_start3A_428 = tpu.memref_squeeze %dma_start3A_427 : memref<1x128x64xf32, #tpu.memory_space<vmem>> -> memref<128x64xf32, #tpu.memory_space<vmem>>
          %dma_start3A_429 = arith.constant 0 : i32
          %dma_start3A_430 = tpu.memref_slice %arg5[%add3A_422, %dma_start3A_423, %dma_start3A_429] : memref<79x2x128xi32, #tpu.memory_space<vmem>> -> memref<1x1x128xi32, #tpu.memory_space<vmem>>
          %dma_start3A_431 = tpu.memref_squeeze %dma_start3A_430 : memref<1x1x128xi32, #tpu.memory_space<vmem>> -> memref<128xi32, #tpu.memory_space<vmem>>
          %dma_start3A_432 = arith.constant 0 : i32
          %dma_start3A_433 = arith.constant 0 : i32
          %dma_start3A_434 = tpu.memref_slice %arg2[%dma_start3A_432, %dma_start3A_433] : memref<10000x64xf32, #tpu.memory_space<hbm>> -> memref<10000x64xf32, #tpu.memory_space<hbm>>
          tpu.enqueue_indirect_dma source(%dma_start3A_434 : memref<10000x64xf32, #tpu.memory_space<hbm>>) target(%dma_start3A_428 : memref<128x64xf32, #tpu.memory_space<vmem>>) offsets(%dma_start3A_431 : memref<128xi32, #tpu.memory_space<vmem>>) semaphore(%arg9 : memref<!tpu.dma_semaphore, #tpu.memory_space<semaphore_mem>>)
        } else {
        }
      } else {
      }
      %add3A_384 = arith.constant 5 : i32
      %add3A_385 = arith.addi %add3A_353, %add3A_384 : i32
      %lt3A_386 = arith.cmpi slt, %add3A_385, %add3A_4 : i32
      %convert_element_type3A_387 = arith.extui %lt3A_386 : i1 to i32
      %cond3A_388 = arith.constant 0 : i32
      %cond3A_389 = arith.cmpi ne, %convert_element_type3A_387, %cond3A_388 : i32
      scf.if %cond3A_389 {
        %dma_wait3A_402 = arith.constant 0 : i32
        %dma_wait3A_403 = arith.constant 5 : i32
        %dma_wait3A_404 = arith.constant 0 : i32
        %dma_wait3A_405 = arith.constant 0 : i32
        %dma_wait3A_406 = tpu.memref_slice %arg6[%dma_wait3A_403, %dma_wait3A_404, %dma_wait3A_405] : memref<8x128x64xf32, #tpu.memory_space<vmem>> -> memref<1x128x64xf32, #tpu.memory_space<vmem>>
        %dma_wait3A_407 = tpu.memref_squeeze %dma_wait3A_406 : memref<1x128x64xf32, #tpu.memory_space<vmem>> -> memref<128x64xf32, #tpu.memory_space<vmem>>
        %dma_wait3A_408 = arith.constant 0 : i32
        %dma_wait3A_409 = tpu.memref_slice %arg5[%add3A_385, %dma_wait3A_402, %dma_wait3A_408] : memref<79x2x128xi32, #tpu.memory_space<vmem>> -> memref<1x1x128xi32, #tpu.memory_space<vmem>>
        %dma_wait3A_410 = tpu.memref_squeeze %dma_wait3A_409 : memref<1x1x128xi32, #tpu.memory_space<vmem>> -> memref<128xi32, #tpu.memory_space<vmem>>
        %dma_wait3A_411 = arith.constant 0 : i32
        %dma_wait3A_412 = arith.constant 0 : i32
        %dma_wait3A_413 = tpu.memref_slice %arg2[%dma_wait3A_411, %dma_wait3A_412] : memref<10000x64xf32, #tpu.memory_space<hbm>> -> memref<10000x64xf32, #tpu.memory_space<hbm>>
        tpu.wait_indirect_dma semaphore(%arg9 : memref<!tpu.dma_semaphore, #tpu.memory_space<semaphore_mem>>) src(%dma_wait3A_413 : memref<10000x64xf32, #tpu.memory_space<hbm>>) dst(%dma_wait3A_407 : memref<128x64xf32, #tpu.memory_space<vmem>>)
        %run_scoped3A = arith.constant 5 : i32
        %run_scoped3A_414 = arith.constant 1 : i32
        "tpu.region"() ({
          %run_scoped3A_421 = tpu.sem_alloc : memref<!tpu.dma_semaphore, #tpu.memory_space<semaphore_mem>>
          %dma_start3A_422 = arith.constant 0 : i32
          %dma_start3A_423 = arith.constant 0 : i32
          %dma_start3A_424 = tpu.memref_slice %arg6[%run_scoped3A, %dma_start3A_422, %dma_start3A_423] : memref<8x128x64xf32, #tpu.memory_space<vmem>> -> memref<1x128x64xf32, #tpu.memory_space<vmem>>
          %dma_start3A_425 = tpu.memref_squeeze %dma_start3A_424 : memref<1x128x64xf32, #tpu.memory_space<vmem>> -> memref<128x64xf32, #tpu.memory_space<vmem>>
          %dma_start3A_426 = arith.constant 0 : i32
          %dma_start3A_427 = tpu.memref_slice %arg5[%add3A_385, %run_scoped3A_414, %dma_start3A_426] : memref<79x2x128xi32, #tpu.memory_space<vmem>> -> memref<1x1x128xi32, #tpu.memory_space<vmem>>
          %dma_start3A_428 = tpu.memref_squeeze %dma_start3A_427 : memref<1x1x128xi32, #tpu.memory_space<vmem>> -> memref<128xi32, #tpu.memory_space<vmem>>
          %dma_start3A_429 = arith.constant 0 : i32
          %dma_start3A_430 = arith.constant 0 : i32
          %dma_start3A_431 = tpu.memref_slice %arg8[%dma_start3A_429, %dma_start3A_430] : memref<10000x64xf32, #tpu.memory_space<vmem_shared>> -> memref<10000x64xf32, #tpu.memory_space<vmem_shared>>
          tpu.enqueue_indirect_dma source(%dma_start3A_425 : memref<128x64xf32, #tpu.memory_space<vmem>>) target(%dma_start3A_431 : memref<10000x64xf32, #tpu.memory_space<vmem_shared>>) offsets(%dma_start3A_428 : memref<128xi32, #tpu.memory_space<vmem>>) semaphore(%run_scoped3A_421 : memref<!tpu.dma_semaphore, #tpu.memory_space<semaphore_mem>>) {add = true}
          %dma_wait3A_432 = arith.constant 0 : i32
          %dma_wait3A_433 = arith.constant 0 : i32
          %dma_wait3A_434 = tpu.memref_slice %arg6[%run_scoped3A, %dma_wait3A_432, %dma_wait3A_433] : memref<8x128x64xf32, #tpu.memory_space<vmem>> -> memref<1x128x64xf32, #tpu.memory_space<vmem>>
          %dma_wait3A_435 = tpu.memref_squeeze %dma_wait3A_434 : memref<1x128x64xf32, #tpu.memory_space<vmem>> -> memref<128x64xf32, #tpu.memory_space<vmem>>
          %dma_wait3A_436 = arith.constant 0 : i32
          %dma_wait3A_437 = tpu.memref_slice %arg5[%add3A_385, %run_scoped3A_414, %dma_wait3A_436] : memref<79x2x128xi32, #tpu.memory_space<vmem>> -> memref<1x1x128xi32, #tpu.memory_space<vmem>>
          %dma_wait3A_438 = tpu.memref_squeeze %dma_wait3A_437 : memref<1x1x128xi32, #tpu.memory_space<vmem>> -> memref<128xi32, #tpu.memory_space<vmem>>
          %dma_wait3A_439 = arith.constant 0 : i32
          %dma_wait3A_440 = arith.constant 0 : i32
          %dma_wait3A_441 = tpu.memref_slice %arg8[%dma_wait3A_439, %dma_wait3A_440] : memref<10000x64xf32, #tpu.memory_space<vmem_shared>> -> memref<10000x64xf32, #tpu.memory_space<vmem_shared>>
          tpu.wait_indirect_dma semaphore(%run_scoped3A_421 : memref<!tpu.dma_semaphore, #tpu.memory_space<semaphore_mem>>) src(%dma_wait3A_435 : memref<128x64xf32, #tpu.memory_space<vmem>>) dst(%dma_wait3A_441 : memref<10000x64xf32, #tpu.memory_space<vmem_shared>>)
          tpu.yield
        }) : () -> ()
        %add3A_415 = arith.constant 8 : i32
        %add3A_416 = arith.addi %add3A_385, %add3A_415 : i32
        %lt3A_417 = arith.cmpi slt, %add3A_416, %add3A_4 : i32
        %convert_element_type3A_418 = arith.extui %lt3A_417 : i1 to i32
        %cond3A_419 = arith.constant 0 : i32
        %cond3A_420 = arith.cmpi ne, %convert_element_type3A_418, %cond3A_419 : i32
        scf.if %cond3A_420 {
          %add3A_421 = arith.constant 8 : i32
          %add3A_422 = arith.addi %add3A_385, %add3A_421 : i32
          %dma_start3A_423 = arith.constant 0 : i32
          %dma_start3A_424 = arith.constant 5 : i32
          %dma_start3A_425 = arith.constant 0 : i32
          %dma_start3A_426 = arith.constant 0 : i32
          %dma_start3A_427 = tpu.memref_slice %arg6[%dma_start3A_424, %dma_start3A_425, %dma_start3A_426] : memref<8x128x64xf32, #tpu.memory_space<vmem>> -> memref<1x128x64xf32, #tpu.memory_space<vmem>>
          %dma_start3A_428 = tpu.memref_squeeze %dma_start3A_427 : memref<1x128x64xf32, #tpu.memory_space<vmem>> -> memref<128x64xf32, #tpu.memory_space<vmem>>
          %dma_start3A_429 = arith.constant 0 : i32
          %dma_start3A_430 = tpu.memref_slice %arg5[%add3A_422, %dma_start3A_423, %dma_start3A_429] : memref<79x2x128xi32, #tpu.memory_space<vmem>> -> memref<1x1x128xi32, #tpu.memory_space<vmem>>
          %dma_start3A_431 = tpu.memref_squeeze %dma_start3A_430 : memref<1x1x128xi32, #tpu.memory_space<vmem>> -> memref<128xi32, #tpu.memory_space<vmem>>
          %dma_start3A_432 = arith.constant 0 : i32
          %dma_start3A_433 = arith.constant 0 : i32
          %dma_start3A_434 = tpu.memref_slice %arg2[%dma_start3A_432, %dma_start3A_433] : memref<10000x64xf32, #tpu.memory_space<hbm>> -> memref<10000x64xf32, #tpu.memory_space<hbm>>
          tpu.enqueue_indirect_dma source(%dma_start3A_434 : memref<10000x64xf32, #tpu.memory_space<hbm>>) target(%dma_start3A_428 : memref<128x64xf32, #tpu.memory_space<vmem>>) offsets(%dma_start3A_431 : memref<128xi32, #tpu.memory_space<vmem>>) semaphore(%arg9 : memref<!tpu.dma_semaphore, #tpu.memory_space<semaphore_mem>>)
        } else {
        }
      } else {
      }
      %add3A_390 = arith.constant 6 : i32
      %add3A_391 = arith.addi %add3A_353, %add3A_390 : i32
      %lt3A_392 = arith.cmpi slt, %add3A_391, %add3A_4 : i32
      %convert_element_type3A_393 = arith.extui %lt3A_392 : i1 to i32
      %cond3A_394 = arith.constant 0 : i32
      %cond3A_395 = arith.cmpi ne, %convert_element_type3A_393, %cond3A_394 : i32
      scf.if %cond3A_395 {
        %dma_wait3A_402 = arith.constant 0 : i32
        %dma_wait3A_403 = arith.constant 6 : i32
        %dma_wait3A_404 = arith.constant 0 : i32
        %dma_wait3A_405 = arith.constant 0 : i32
        %dma_wait3A_406 = tpu.memref_slice %arg6[%dma_wait3A_403, %dma_wait3A_404, %dma_wait3A_405] : memref<8x128x64xf32, #tpu.memory_space<vmem>> -> memref<1x128x64xf32, #tpu.memory_space<vmem>>
        %dma_wait3A_407 = tpu.memref_squeeze %dma_wait3A_406 : memref<1x128x64xf32, #tpu.memory_space<vmem>> -> memref<128x64xf32, #tpu.memory_space<vmem>>
        %dma_wait3A_408 = arith.constant 0 : i32
        %dma_wait3A_409 = tpu.memref_slice %arg5[%add3A_391, %dma_wait3A_402, %dma_wait3A_408] : memref<79x2x128xi32, #tpu.memory_space<vmem>> -> memref<1x1x128xi32, #tpu.memory_space<vmem>>
        %dma_wait3A_410 = tpu.memref_squeeze %dma_wait3A_409 : memref<1x1x128xi32, #tpu.memory_space<vmem>> -> memref<128xi32, #tpu.memory_space<vmem>>
        %dma_wait3A_411 = arith.constant 0 : i32
        %dma_wait3A_412 = arith.constant 0 : i32
        %dma_wait3A_413 = tpu.memref_slice %arg2[%dma_wait3A_411, %dma_wait3A_412] : memref<10000x64xf32, #tpu.memory_space<hbm>> -> memref<10000x64xf32, #tpu.memory_space<hbm>>
        tpu.wait_indirect_dma semaphore(%arg9 : memref<!tpu.dma_semaphore, #tpu.memory_space<semaphore_mem>>) src(%dma_wait3A_413 : memref<10000x64xf32, #tpu.memory_space<hbm>>) dst(%dma_wait3A_407 : memref<128x64xf32, #tpu.memory_space<vmem>>)
        %run_scoped3A = arith.constant 6 : i32
        %run_scoped3A_414 = arith.constant 1 : i32
        "tpu.region"() ({
          %run_scoped3A_421 = tpu.sem_alloc : memref<!tpu.dma_semaphore, #tpu.memory_space<semaphore_mem>>
          %dma_start3A_422 = arith.constant 0 : i32
          %dma_start3A_423 = arith.constant 0 : i32
          %dma_start3A_424 = tpu.memref_slice %arg6[%run_scoped3A, %dma_start3A_422, %dma_start3A_423] : memref<8x128x64xf32, #tpu.memory_space<vmem>> -> memref<1x128x64xf32, #tpu.memory_space<vmem>>
          %dma_start3A_425 = tpu.memref_squeeze %dma_start3A_424 : memref<1x128x64xf32, #tpu.memory_space<vmem>> -> memref<128x64xf32, #tpu.memory_space<vmem>>
          %dma_start3A_426 = arith.constant 0 : i32
          %dma_start3A_427 = tpu.memref_slice %arg5[%add3A_391, %run_scoped3A_414, %dma_start3A_426] : memref<79x2x128xi32, #tpu.memory_space<vmem>> -> memref<1x1x128xi32, #tpu.memory_space<vmem>>
          %dma_start3A_428 = tpu.memref_squeeze %dma_start3A_427 : memref<1x1x128xi32, #tpu.memory_space<vmem>> -> memref<128xi32, #tpu.memory_space<vmem>>
          %dma_start3A_429 = arith.constant 0 : i32
          %dma_start3A_430 = arith.constant 0 : i32
          %dma_start3A_431 = tpu.memref_slice %arg8[%dma_start3A_429, %dma_start3A_430] : memref<10000x64xf32, #tpu.memory_space<vmem_shared>> -> memref<10000x64xf32, #tpu.memory_space<vmem_shared>>
          tpu.enqueue_indirect_dma source(%dma_start3A_425 : memref<128x64xf32, #tpu.memory_space<vmem>>) target(%dma_start3A_431 : memref<10000x64xf32, #tpu.memory_space<vmem_shared>>) offsets(%dma_start3A_428 : memref<128xi32, #tpu.memory_space<vmem>>) semaphore(%run_scoped3A_421 : memref<!tpu.dma_semaphore, #tpu.memory_space<semaphore_mem>>) {add = true}
          %dma_wait3A_432 = arith.constant 0 : i32
          %dma_wait3A_433 = arith.constant 0 : i32
          %dma_wait3A_434 = tpu.memref_slice %arg6[%run_scoped3A, %dma_wait3A_432, %dma_wait3A_433] : memref<8x128x64xf32, #tpu.memory_space<vmem>> -> memref<1x128x64xf32, #tpu.memory_space<vmem>>
          %dma_wait3A_435 = tpu.memref_squeeze %dma_wait3A_434 : memref<1x128x64xf32, #tpu.memory_space<vmem>> -> memref<128x64xf32, #tpu.memory_space<vmem>>
          %dma_wait3A_436 = arith.constant 0 : i32
          %dma_wait3A_437 = tpu.memref_slice %arg5[%add3A_391, %run_scoped3A_414, %dma_wait3A_436] : memref<79x2x128xi32, #tpu.memory_space<vmem>> -> memref<1x1x128xi32, #tpu.memory_space<vmem>>
          %dma_wait3A_438 = tpu.memref_squeeze %dma_wait3A_437 : memref<1x1x128xi32, #tpu.memory_space<vmem>> -> memref<128xi32, #tpu.memory_space<vmem>>
          %dma_wait3A_439 = arith.constant 0 : i32
          %dma_wait3A_440 = arith.constant 0 : i32
          %dma_wait3A_441 = tpu.memref_slice %arg8[%dma_wait3A_439, %dma_wait3A_440] : memref<10000x64xf32, #tpu.memory_space<vmem_shared>> -> memref<10000x64xf32, #tpu.memory_space<vmem_shared>>
          tpu.wait_indirect_dma semaphore(%run_scoped3A_421 : memref<!tpu.dma_semaphore, #tpu.memory_space<semaphore_mem>>) src(%dma_wait3A_435 : memref<128x64xf32, #tpu.memory_space<vmem>>) dst(%dma_wait3A_441 : memref<10000x64xf32, #tpu.memory_space<vmem_shared>>)
          tpu.yield
        }) : () -> ()
        %add3A_415 = arith.constant 8 : i32
        %add3A_416 = arith.addi %add3A_391, %add3A_415 : i32
        %lt3A_417 = arith.cmpi slt, %add3A_416, %add3A_4 : i32
        %convert_element_type3A_418 = arith.extui %lt3A_417 : i1 to i32
        %cond3A_419 = arith.constant 0 : i32
        %cond3A_420 = arith.cmpi ne, %convert_element_type3A_418, %cond3A_419 : i32
        scf.if %cond3A_420 {
          %add3A_421 = arith.constant 8 : i32
          %add3A_422 = arith.addi %add3A_391, %add3A_421 : i32
          %dma_start3A_423 = arith.constant 0 : i32
          %dma_start3A_424 = arith.constant 6 : i32
          %dma_start3A_425 = arith.constant 0 : i32
          %dma_start3A_426 = arith.constant 0 : i32
          %dma_start3A_427 = tpu.memref_slice %arg6[%dma_start3A_424, %dma_start3A_425, %dma_start3A_426] : memref<8x128x64xf32, #tpu.memory_space<vmem>> -> memref<1x128x64xf32, #tpu.memory_space<vmem>>
          %dma_start3A_428 = tpu.memref_squeeze %dma_start3A_427 : memref<1x128x64xf32, #tpu.memory_space<vmem>> -> memref<128x64xf32, #tpu.memory_space<vmem>>
          %dma_start3A_429 = arith.constant 0 : i32
          %dma_start3A_430 = tpu.memref_slice %arg5[%add3A_422, %dma_start3A_423, %dma_start3A_429] : memref<79x2x128xi32, #tpu.memory_space<vmem>> -> memref<1x1x128xi32, #tpu.memory_space<vmem>>
          %dma_start3A_431 = tpu.memref_squeeze %dma_start3A_430 : memref<1x1x128xi32, #tpu.memory_space<vmem>> -> memref<128xi32, #tpu.memory_space<vmem>>
          %dma_start3A_432 = arith.constant 0 : i32
          %dma_start3A_433 = arith.constant 0 : i32
          %dma_start3A_434 = tpu.memref_slice %arg2[%dma_start3A_432, %dma_start3A_433] : memref<10000x64xf32, #tpu.memory_space<hbm>> -> memref<10000x64xf32, #tpu.memory_space<hbm>>
          tpu.enqueue_indirect_dma source(%dma_start3A_434 : memref<10000x64xf32, #tpu.memory_space<hbm>>) target(%dma_start3A_428 : memref<128x64xf32, #tpu.memory_space<vmem>>) offsets(%dma_start3A_431 : memref<128xi32, #tpu.memory_space<vmem>>) semaphore(%arg9 : memref<!tpu.dma_semaphore, #tpu.memory_space<semaphore_mem>>)
        } else {
        }
      } else {
      }
      %add3A_396 = arith.constant 7 : i32
      %add3A_397 = arith.addi %add3A_353, %add3A_396 : i32
      %lt3A_398 = arith.cmpi slt, %add3A_397, %add3A_4 : i32
      %convert_element_type3A_399 = arith.extui %lt3A_398 : i1 to i32
      %cond3A_400 = arith.constant 0 : i32
      %cond3A_401 = arith.cmpi ne, %convert_element_type3A_399, %cond3A_400 : i32
      scf.if %cond3A_401 {
        %dma_wait3A_402 = arith.constant 0 : i32
        %dma_wait3A_403 = arith.constant 7 : i32
        %dma_wait3A_404 = arith.constant 0 : i32
        %dma_wait3A_405 = arith.constant 0 : i32
        %dma_wait3A_406 = tpu.memref_slice %arg6[%dma_wait3A_403, %dma_wait3A_404, %dma_wait3A_405] : memref<8x128x64xf32, #tpu.memory_space<vmem>> -> memref<1x128x64xf32, #tpu.memory_space<vmem>>
        %dma_wait3A_407 = tpu.memref_squeeze %dma_wait3A_406 : memref<1x128x64xf32, #tpu.memory_space<vmem>> -> memref<128x64xf32, #tpu.memory_space<vmem>>
        %dma_wait3A_408 = arith.constant 0 : i32
        %dma_wait3A_409 = tpu.memref_slice %arg5[%add3A_397, %dma_wait3A_402, %dma_wait3A_408] : memref<79x2x128xi32, #tpu.memory_space<vmem>> -> memref<1x1x128xi32, #tpu.memory_space<vmem>>
        %dma_wait3A_410 = tpu.memref_squeeze %dma_wait3A_409 : memref<1x1x128xi32, #tpu.memory_space<vmem>> -> memref<128xi32, #tpu.memory_space<vmem>>
        %dma_wait3A_411 = arith.constant 0 : i32
        %dma_wait3A_412 = arith.constant 0 : i32
        %dma_wait3A_413 = tpu.memref_slice %arg2[%dma_wait3A_411, %dma_wait3A_412] : memref<10000x64xf32, #tpu.memory_space<hbm>> -> memref<10000x64xf32, #tpu.memory_space<hbm>>
        tpu.wait_indirect_dma semaphore(%arg9 : memref<!tpu.dma_semaphore, #tpu.memory_space<semaphore_mem>>) src(%dma_wait3A_413 : memref<10000x64xf32, #tpu.memory_space<hbm>>) dst(%dma_wait3A_407 : memref<128x64xf32, #tpu.memory_space<vmem>>)
        %run_scoped3A = arith.constant 7 : i32
        %run_scoped3A_414 = arith.constant 1 : i32
        "tpu.region"() ({
          %run_scoped3A_421 = tpu.sem_alloc : memref<!tpu.dma_semaphore, #tpu.memory_space<semaphore_mem>>
          %dma_start3A_422 = arith.constant 0 : i32
          %dma_start3A_423 = arith.constant 0 : i32
          %dma_start3A_424 = tpu.memref_slice %arg6[%run_scoped3A, %dma_start3A_422, %dma_start3A_423] : memref<8x128x64xf32, #tpu.memory_space<vmem>> -> memref<1x128x64xf32, #tpu.memory_space<vmem>>
          %dma_start3A_425 = tpu.memref_squeeze %dma_start3A_424 : memref<1x128x64xf32, #tpu.memory_space<vmem>> -> memref<128x64xf32, #tpu.memory_space<vmem>>
          %dma_start3A_426 = arith.constant 0 : i32
          %dma_start3A_427 = tpu.memref_slice %arg5[%add3A_397, %run_scoped3A_414, %dma_start3A_426] : memref<79x2x128xi32, #tpu.memory_space<vmem>> -> memref<1x1x128xi32, #tpu.memory_space<vmem>>
          %dma_start3A_428 = tpu.memref_squeeze %dma_start3A_427 : memref<1x1x128xi32, #tpu.memory_space<vmem>> -> memref<128xi32, #tpu.memory_space<vmem>>
          %dma_start3A_429 = arith.constant 0 : i32
          %dma_start3A_430 = arith.constant 0 : i32
          %dma_start3A_431 = tpu.memref_slice %arg8[%dma_start3A_429, %dma_start3A_430] : memref<10000x64xf32, #tpu.memory_space<vmem_shared>> -> memref<10000x64xf32, #tpu.memory_space<vmem_shared>>
          tpu.enqueue_indirect_dma source(%dma_start3A_425 : memref<128x64xf32, #tpu.memory_space<vmem>>) target(%dma_start3A_431 : memref<10000x64xf32, #tpu.memory_space<vmem_shared>>) offsets(%dma_start3A_428 : memref<128xi32, #tpu.memory_space<vmem>>) semaphore(%run_scoped3A_421 : memref<!tpu.dma_semaphore, #tpu.memory_space<semaphore_mem>>) {add = true}
          %dma_wait3A_432 = arith.constant 0 : i32
          %dma_wait3A_433 = arith.constant 0 : i32
          %dma_wait3A_434 = tpu.memref_slice %arg6[%run_scoped3A, %dma_wait3A_432, %dma_wait3A_433] : memref<8x128x64xf32, #tpu.memory_space<vmem>> -> memref<1x128x64xf32, #tpu.memory_space<vmem>>
          %dma_wait3A_435 = tpu.memref_squeeze %dma_wait3A_434 : memref<1x128x64xf32, #tpu.memory_space<vmem>> -> memref<128x64xf32, #tpu.memory_space<vmem>>
          %dma_wait3A_436 = arith.constant 0 : i32
          %dma_wait3A_437 = tpu.memref_slice %arg5[%add3A_397, %run_scoped3A_414, %dma_wait3A_436] : memref<79x2x128xi32, #tpu.memory_space<vmem>> -> memref<1x1x128xi32, #tpu.memory_space<vmem>>
          %dma_wait3A_438 = tpu.memref_squeeze %dma_wait3A_437 : memref<1x1x128xi32, #tpu.memory_space<vmem>> -> memref<128xi32, #tpu.memory_space<vmem>>
          %dma_wait3A_439 = arith.constant 0 : i32
          %dma_wait3A_440 = arith.constant 0 : i32
          %dma_wait3A_441 = tpu.memref_slice %arg8[%dma_wait3A_439, %dma_wait3A_440] : memref<10000x64xf32, #tpu.memory_space<vmem_shared>> -> memref<10000x64xf32, #tpu.memory_space<vmem_shared>>
          tpu.wait_indirect_dma semaphore(%run_scoped3A_421 : memref<!tpu.dma_semaphore, #tpu.memory_space<semaphore_mem>>) src(%dma_wait3A_435 : memref<128x64xf32, #tpu.memory_space<vmem>>) dst(%dma_wait3A_441 : memref<10000x64xf32, #tpu.memory_space<vmem_shared>>)
          tpu.yield
        }) : () -> ()
        %add3A_415 = arith.constant 8 : i32
        %add3A_416 = arith.addi %add3A_397, %add3A_415 : i32
        %lt3A_417 = arith.cmpi slt, %add3A_416, %add3A_4 : i32
        %convert_element_type3A_418 = arith.extui %lt3A_417 : i1 to i32
        %cond3A_419 = arith.constant 0 : i32
        %cond3A_420 = arith.cmpi ne, %convert_element_type3A_418, %cond3A_419 : i32
        scf.if %cond3A_420 {
          %add3A_421 = arith.constant 8 : i32
          %add3A_422 = arith.addi %add3A_397, %add3A_421 : i32
          %dma_start3A_423 = arith.constant 0 : i32
          %dma_start3A_424 = arith.constant 7 : i32
          %dma_start3A_425 = arith.constant 0 : i32
          %dma_start3A_426 = arith.constant 0 : i32
          %dma_start3A_427 = tpu.memref_slice %arg6[%dma_start3A_424, %dma_start3A_425, %dma_start3A_426] : memref<8x128x64xf32, #tpu.memory_space<vmem>> -> memref<1x128x64xf32, #tpu.memory_space<vmem>>
          %dma_start3A_428 = tpu.memref_squeeze %dma_start3A_427 : memref<1x128x64xf32, #tpu.memory_space<vmem>> -> memref<128x64xf32, #tpu.memory_space<vmem>>
          %dma_start3A_429 = arith.constant 0 : i32
          %dma_start3A_430 = tpu.memref_slice %arg5[%add3A_422, %dma_start3A_423, %dma_start3A_429] : memref<79x2x128xi32, #tpu.memory_space<vmem>> -> memref<1x1x128xi32, #tpu.memory_space<vmem>>
          %dma_start3A_431 = tpu.memref_squeeze %dma_start3A_430 : memref<1x1x128xi32, #tpu.memory_space<vmem>> -> memref<128xi32, #tpu.memory_space<vmem>>
          %dma_start3A_432 = arith.constant 0 : i32
          %dma_start3A_433 = arith.constant 0 : i32
          %dma_start3A_434 = tpu.memref_slice %arg2[%dma_start3A_432, %dma_start3A_433] : memref<10000x64xf32, #tpu.memory_space<hbm>> -> memref<10000x64xf32, #tpu.memory_space<hbm>>
          tpu.enqueue_indirect_dma source(%dma_start3A_434 : memref<10000x64xf32, #tpu.memory_space<hbm>>) target(%dma_start3A_428 : memref<128x64xf32, #tpu.memory_space<vmem>>) offsets(%dma_start3A_431 : memref<128xi32, #tpu.memory_space<vmem>>) semaphore(%arg9 : memref<!tpu.dma_semaphore, #tpu.memory_space<semaphore_mem>>)
        } else {
        }
      } else {
      }
    }
    %scan3A_338 = arith.constant 10 : i32
    %barrier3A_339 = arith.constant 0 : index
    tpu.barrier barrier_id(%barrier3A_339)
    %mul3A_340 = arith.constant 624 : i32
    %mul3A_341 = arith.muli %arg1, %mul3A_340 : i32
    %mul3A_342 = arith.constant 624 : i32
    %mul3A_343 = arith.muli %arg1, %mul3A_342 : i32
    "tpu.region"() ({
      %run_scoped3A = tpu.sem_alloc : memref<!tpu.dma_semaphore, #tpu.memory_space<semaphore_mem>>
      %dma_start3A_349 = arith.constant 0 : i32
      %dma_start3A_350 = tpu.memref_slice %arg4[%arg0, %mul3A_343, %dma_start3A_349] : memref<2x10000x64xf32, #tpu.memory_space<hbm>> -> memref<1x624x64xf32, #tpu.memory_space<hbm>>
      %dma_start3A_351 = tpu.memref_squeeze %dma_start3A_350 : memref<1x624x64xf32, #tpu.memory_space<hbm>> -> memref<624x64xf32, #tpu.memory_space<hbm>>
      %dma_start3A_352 = arith.constant 0 : i32
      %dma_start3A_353 = tpu.memref_slice %arg8[%mul3A_341, %dma_start3A_352] : memref<10000x64xf32, #tpu.memory_space<vmem_shared>> -> memref<624x64xf32, #tpu.memory_space<vmem_shared>>
      tpu.enqueue_dma source(%dma_start3A_353 : memref<624x64xf32, #tpu.memory_space<vmem_shared>>) target(%dma_start3A_351 : memref<624x64xf32, #tpu.memory_space<hbm>>) target_semaphore(%run_scoped3A : memref<!tpu.dma_semaphore, #tpu.memory_space<semaphore_mem>>)
      %dma_wait3A_354 = arith.constant 0 : i32
      %dma_wait3A_355 = tpu.memref_slice %arg4[%arg0, %mul3A_343, %dma_wait3A_354] : memref<2x10000x64xf32, #tpu.memory_space<hbm>> -> memref<1x624x64xf32, #tpu.memory_space<hbm>>
      %dma_wait3A_356 = tpu.memref_squeeze %dma_wait3A_355 : memref<1x624x64xf32, #tpu.memory_space<hbm>> -> memref<624x64xf32, #tpu.memory_space<hbm>>
      %dma_wait3A_357 = arith.constant 0 : i32
      %dma_wait3A_358 = tpu.memref_slice %arg8[%mul3A_341, %dma_wait3A_357] : memref<10000x64xf32, #tpu.memory_space<vmem_shared>> -> memref<624x64xf32, #tpu.memory_space<vmem_shared>>
      tpu.wait_dma2 semaphore(%run_scoped3A : memref<!tpu.dma_semaphore, #tpu.memory_space<semaphore_mem>>) src(%dma_wait3A_358 : memref<624x64xf32, #tpu.memory_space<vmem_shared>>) dst(%dma_wait3A_356 : memref<624x64xf32, #tpu.memory_space<hbm>>)
      tpu.yield
    }) : () -> ()
    %eq3A_344 = arith.constant 15 : i32
    %eq3A_345 = arith.cmpi eq, %arg1, %eq3A_344 : i32
    %convert_element_type3A_346 = arith.extui %eq3A_345 : i1 to i32
    %cond3A_347 = arith.constant 0 : i32
    %cond3A_348 = arith.cmpi ne, %convert_element_type3A_346, %cond3A_347 : i32
    scf.if %cond3A_348 {
      "tpu.region"() ({
        %run_scoped3A = tpu.sem_alloc : memref<!tpu.dma_semaphore, #tpu.memory_space<semaphore_mem>>
        %dma_start3A_349 = arith.constant 9984 : i32
        %dma_start3A_350 = arith.constant 0 : i32
        %dma_start3A_351 = tpu.memref_slice %arg4[%arg0, %dma_start3A_349, %dma_start3A_350] : memref<2x10000x64xf32, #tpu.memory_space<hbm>> -> memref<1x16x64xf32, #tpu.memory_space<hbm>>
        %dma_start3A_352 = tpu.memref_squeeze %dma_start3A_351 : memref<1x16x64xf32, #tpu.memory_space<hbm>> -> memref<16x64xf32, #tpu.memory_space<hbm>>
        %dma_start3A_353 = arith.constant 9984 : i32
        %dma_start3A_354 = arith.constant 0 : i32
        %dma_start3A_355 = tpu.memref_slice %arg8[%dma_start3A_353, %dma_start3A_354] : memref<10000x64xf32, #tpu.memory_space<vmem_shared>> -> memref<16x64xf32, #tpu.memory_space<vmem_shared>>
        tpu.enqueue_dma source(%dma_start3A_355 : memref<16x64xf32, #tpu.memory_space<vmem_shared>>) target(%dma_start3A_352 : memref<16x64xf32, #tpu.memory_space<hbm>>) target_semaphore(%run_scoped3A : memref<!tpu.dma_semaphore, #tpu.memory_space<semaphore_mem>>)
        %dma_wait3A_356 = arith.constant 9984 : i32
        %dma_wait3A_357 = arith.constant 0 : i32
        %dma_wait3A_358 = tpu.memref_slice %arg4[%arg0, %dma_wait3A_356, %dma_wait3A_357] : memref<2x10000x64xf32, #tpu.memory_space<hbm>> -> memref<1x16x64xf32, #tpu.memory_space<hbm>>
        %dma_wait3A_359 = tpu.memref_squeeze %dma_wait3A_358 : memref<1x16x64xf32, #tpu.memory_space<hbm>> -> memref<16x64xf32, #tpu.memory_space<hbm>>
        %dma_wait3A_360 = arith.constant 9984 : i32
        %dma_wait3A_361 = arith.constant 0 : i32
        %dma_wait3A_362 = tpu.memref_slice %arg8[%dma_wait3A_360, %dma_wait3A_361] : memref<10000x64xf32, #tpu.memory_space<vmem_shared>> -> memref<16x64xf32, #tpu.memory_space<vmem_shared>>
        tpu.wait_dma2 semaphore(%run_scoped3A : memref<!tpu.dma_semaphore, #tpu.memory_space<semaphore_mem>>) src(%dma_wait3A_362 : memref<16x64xf32, #tpu.memory_space<vmem_shared>>) dst(%dma_wait3A_359 : memref<16x64xf32, #tpu.memory_space<hbm>>)
        tpu.yield
      }) : () -> ()
    } else {
    }
    return
  }
}

#map = affine_map<(d0, d1) -> (0, 0, 0)>
#map1 = affine_map<(d0, d1) -> (0, 0)>
module attributes {stable_mosaic.version = 14 : i64} {
  func.func @k(%arg0: i32, %arg1: i32, %arg2: memref<2500x2x128xi32, #tpu.memory_space<hbm>>, %arg3: memref<32x10240xf32, #tpu.memory_space<hbm>>, %arg4: memref<79x1x128xi32, #tpu.memory_space<vmem>>, %arg5: memref<10240xf32, #tpu.memory_space<vmem>>) attributes {dimension_semantics = [#tpu.dimension_semantics<core_parallel>, #tpu.dimension_semantics<subcore_parallel>], iteration_bounds = array<i64: 2, 16>, scalar_prefetch = 0 : i64, scratch_operands = 2 : i64, tpu.core_type = #tpu.core_type<sc_vector_subcore>, window_params = [{transform_indices = #map}, {transform_indices = #map1}]} {
    %mul3A = arith.constant 16 : i32
    %mul3A_0 = arith.muli %arg0, %mul3A : i32
    %add3A = arith.addi %mul3A_0, %arg1 : i32
    %mul3A_1 = arith.constant 78 : i32
    %mul3A_2 = arith.muli %add3A, %mul3A_1 : i32
    "tpu.region"() ({
      %run_scoped3A = tpu.sem_alloc : memref<!tpu.dma_semaphore, #tpu.memory_space<semaphore_mem>>
      %dma_start3A = arith.constant 0 : i32
      %dma_start3A_22 = arith.constant 0 : i32
      %dma_start3A_23 = arith.constant 0 : i32
      %dma_start3A_24 = tpu.memref_slice %arg4[%dma_start3A, %dma_start3A_22, %dma_start3A_23] : memref<79x1x128xi32, #tpu.memory_space<vmem>> -> memref<78x1x128xi32, #tpu.memory_space<vmem>>
      %dma_start3A_25 = arith.constant 1 : i32
      %dma_start3A_26 = arith.constant 0 : i32
      %dma_start3A_27 = tpu.memref_slice %arg2[%mul3A_2, %dma_start3A_25, %dma_start3A_26] : memref<2500x2x128xi32, #tpu.memory_space<hbm>> -> memref<78x1x128xi32, #tpu.memory_space<hbm>>
      %dma_start3A_28 = arith.constant 0 : i32
      %dma_start3A_29 = arith.constant 0 : i32
      %dma_start3A_30 = arith.constant 0 : i32
      %dma_start3A_31 = tpu.memref_slice %arg4[%dma_start3A_28, %dma_start3A_29, %dma_start3A_30] : memref<79x1x128xi32, #tpu.memory_space<vmem>> -> memref<78x1x128xi32, #tpu.memory_space<vmem>>
      %dma_start3A_32 = arith.constant 1 : i32
      %dma_start3A_33 = arith.constant 0 : i32
      %dma_start3A_34 = tpu.memref_slice %arg2[%mul3A_2, %dma_start3A_32, %dma_start3A_33] : memref<2500x2x128xi32, #tpu.memory_space<hbm>> -> memref<78x1x128xi32, #tpu.memory_space<hbm>>
      tpu.enqueue_dma source(%dma_start3A_34 : memref<78x1x128xi32, #tpu.memory_space<hbm>>) target(%dma_start3A_31 : memref<78x1x128xi32, #tpu.memory_space<vmem>>) target_semaphore(%run_scoped3A : memref<!tpu.dma_semaphore, #tpu.memory_space<semaphore_mem>>)
      %dma_wait3A = arith.constant 0 : i32
      %dma_wait3A_35 = arith.constant 0 : i32
      %dma_wait3A_36 = arith.constant 0 : i32
      %dma_wait3A_37 = tpu.memref_slice %arg4[%dma_wait3A, %dma_wait3A_35, %dma_wait3A_36] : memref<79x1x128xi32, #tpu.memory_space<vmem>> -> memref<78x1x128xi32, #tpu.memory_space<vmem>>
      %dma_wait3A_38 = arith.constant 1 : i32
      %dma_wait3A_39 = arith.constant 0 : i32
      %dma_wait3A_40 = tpu.memref_slice %arg2[%mul3A_2, %dma_wait3A_38, %dma_wait3A_39] : memref<2500x2x128xi32, #tpu.memory_space<hbm>> -> memref<78x1x128xi32, #tpu.memory_space<hbm>>
      %dma_wait3A_41 = arith.constant 0 : i32
      %dma_wait3A_42 = arith.constant 0 : i32
      %dma_wait3A_43 = arith.constant 0 : i32
      %dma_wait3A_44 = tpu.memref_slice %arg4[%dma_wait3A_41, %dma_wait3A_42, %dma_wait3A_43] : memref<79x1x128xi32, #tpu.memory_space<vmem>> -> memref<78x1x128xi32, #tpu.memory_space<vmem>>
      %dma_wait3A_45 = arith.constant 1 : i32
      %dma_wait3A_46 = arith.constant 0 : i32
      %dma_wait3A_47 = tpu.memref_slice %arg2[%mul3A_2, %dma_wait3A_45, %dma_wait3A_46] : memref<2500x2x128xi32, #tpu.memory_space<hbm>> -> memref<78x1x128xi32, #tpu.memory_space<hbm>>
      tpu.wait_dma2 semaphore(%run_scoped3A : memref<!tpu.dma_semaphore, #tpu.memory_space<semaphore_mem>>) src(%dma_wait3A_47 : memref<78x1x128xi32, #tpu.memory_space<hbm>>) dst(%dma_wait3A_44 : memref<78x1x128xi32, #tpu.memory_space<vmem>>)
      tpu.yield
    }) : () -> ()
    %lt3A = arith.constant 4 : i32
    %lt3A_3 = arith.cmpi slt, %add3A, %lt3A : i32
    %convert_element_type3A = arith.extui %lt3A_3 : i1 to i32
    %cond3A = arith.constant 0 : i32
    %cond3A_4 = arith.cmpi ne, %convert_element_type3A, %cond3A : i32
    scf.if %cond3A_4 {
      %add3A_22 = arith.constant 2496 : i32
      %add3A_23 = arith.addi %add3A_22, %add3A : i32
      "tpu.region"() ({
        %run_scoped3A = tpu.sem_alloc : memref<!tpu.dma_semaphore, #tpu.memory_space<semaphore_mem>>
        %dma_start3A = arith.constant 78 : i32
        %dma_start3A_24 = arith.constant 0 : i32
        %dma_start3A_25 = arith.constant 0 : i32
        %dma_start3A_26 = tpu.memref_slice %arg4[%dma_start3A, %dma_start3A_24, %dma_start3A_25] : memref<79x1x128xi32, #tpu.memory_space<vmem>> -> memref<1x1x128xi32, #tpu.memory_space<vmem>>
        %dma_start3A_27 = arith.constant 1 : i32
        %dma_start3A_28 = arith.constant 0 : i32
        %dma_start3A_29 = tpu.memref_slice %arg2[%add3A_23, %dma_start3A_27, %dma_start3A_28] : memref<2500x2x128xi32, #tpu.memory_space<hbm>> -> memref<1x1x128xi32, #tpu.memory_space<hbm>>
        %dma_start3A_30 = arith.constant 78 : i32
        %dma_start3A_31 = arith.constant 0 : i32
        %dma_start3A_32 = arith.constant 0 : i32
        %dma_start3A_33 = tpu.memref_slice %arg4[%dma_start3A_30, %dma_start3A_31, %dma_start3A_32] : memref<79x1x128xi32, #tpu.memory_space<vmem>> -> memref<1x1x128xi32, #tpu.memory_space<vmem>>
        %dma_start3A_34 = arith.constant 1 : i32
        %dma_start3A_35 = arith.constant 0 : i32
        %dma_start3A_36 = tpu.memref_slice %arg2[%add3A_23, %dma_start3A_34, %dma_start3A_35] : memref<2500x2x128xi32, #tpu.memory_space<hbm>> -> memref<1x1x128xi32, #tpu.memory_space<hbm>>
        tpu.enqueue_dma source(%dma_start3A_36 : memref<1x1x128xi32, #tpu.memory_space<hbm>>) target(%dma_start3A_33 : memref<1x1x128xi32, #tpu.memory_space<vmem>>) target_semaphore(%run_scoped3A : memref<!tpu.dma_semaphore, #tpu.memory_space<semaphore_mem>>)
        %dma_wait3A = arith.constant 78 : i32
        %dma_wait3A_37 = arith.constant 0 : i32
        %dma_wait3A_38 = arith.constant 0 : i32
        %dma_wait3A_39 = tpu.memref_slice %arg4[%dma_wait3A, %dma_wait3A_37, %dma_wait3A_38] : memref<79x1x128xi32, #tpu.memory_space<vmem>> -> memref<1x1x128xi32, #tpu.memory_space<vmem>>
        %dma_wait3A_40 = arith.constant 1 : i32
        %dma_wait3A_41 = arith.constant 0 : i32
        %dma_wait3A_42 = tpu.memref_slice %arg2[%add3A_23, %dma_wait3A_40, %dma_wait3A_41] : memref<2500x2x128xi32, #tpu.memory_space<hbm>> -> memref<1x1x128xi32, #tpu.memory_space<hbm>>
        %dma_wait3A_43 = arith.constant 78 : i32
        %dma_wait3A_44 = arith.constant 0 : i32
        %dma_wait3A_45 = arith.constant 0 : i32
        %dma_wait3A_46 = tpu.memref_slice %arg4[%dma_wait3A_43, %dma_wait3A_44, %dma_wait3A_45] : memref<79x1x128xi32, #tpu.memory_space<vmem>> -> memref<1x1x128xi32, #tpu.memory_space<vmem>>
        %dma_wait3A_47 = arith.constant 1 : i32
        %dma_wait3A_48 = arith.constant 0 : i32
        %dma_wait3A_49 = tpu.memref_slice %arg2[%add3A_23, %dma_wait3A_47, %dma_wait3A_48] : memref<2500x2x128xi32, #tpu.memory_space<hbm>> -> memref<1x1x128xi32, #tpu.memory_space<hbm>>
        tpu.wait_dma2 semaphore(%run_scoped3A : memref<!tpu.dma_semaphore, #tpu.memory_space<semaphore_mem>>) src(%dma_wait3A_49 : memref<1x1x128xi32, #tpu.memory_space<hbm>>) dst(%dma_wait3A_46 : memref<1x1x128xi32, #tpu.memory_space<vmem>>)
        tpu.yield
      }) : () -> ()
    } else {
    }
    %broadcast_in_dim3A = arith.constant 0.000000e+00 : f32
    %broadcast_in_dim3A_5 = vector.broadcast %broadcast_in_dim3A : f32 to vector<16xf32>
    %scan3A = arith.constant 0 : i32
    %scan3A_6 = arith.constant 640 : i32
    %scan3A_7 = arith.addi %scan3A, %scan3A_6 : i32
    %scan3A_8 = arith.constant 1 : i32
    scf.for %scan3A_22 = %scan3A to %scan3A_7 step %scan3A_8  : i32 {
      %mul3A_23 = arith.constant 1 : i32
      %mul3A_24 = arith.muli %scan3A_22, %mul3A_23 : i32
      %add3A_25 = arith.constant 0 : i32
      %add3A_26 = arith.addi %add3A_25, %mul3A_24 : i32
      %mul3A_27 = arith.constant 16 : i32
      %mul3A_28 = arith.muli %add3A_26, %mul3A_27 : i32
      %swap3A = arith.index_cast %mul3A_28 : i32 to index
      %swap3A_29 = tpu.vector_load %arg5[%swap3A] {strides = array<i32>} : memref<10240xf32, #tpu.memory_space<vmem>>, vector<16xf32>,
      tpu.vector_store %arg5[%swap3A], %broadcast_in_dim3A_5 {strides = array<i32>} : memref<10240xf32, #tpu.memory_space<vmem>>, vector<16xf32>,
    }
    %scan3A_9 = arith.constant 640 : i32
    %broadcast_in_dim3A_10 = arith.constant 1.000000e+00 : f32
    %broadcast_in_dim3A_11 = vector.broadcast %broadcast_in_dim3A_10 : f32 to vector<16xf32>
    %lt3A_12 = arith.constant 4 : i32
    %lt3A_13 = arith.cmpi slt, %add3A, %lt3A_12 : i32
    %jit3A = arith.constant 1 : i32
    %jit3A_14 = arith.constant 0 : i32
    %select_n3A = arith.select %lt3A_13, %jit3A, %jit3A_14 : i32
    %add3A_15 = arith.constant 78 : i32
    %add3A_16 = arith.addi %add3A_15, %select_n3A : i32
    %scan3A_17 = arith.constant 0 : i32
    %scan3A_18 = arith.constant 79 : i32
    %scan3A_19 = arith.addi %scan3A_17, %scan3A_18 : i32
    %scan3A_20 = arith.constant 1 : i32
    scf.for %scan3A_22 = %scan3A_17 to %scan3A_19 step %scan3A_20  : i32 {
      %mul3A_23 = arith.constant 1 : i32
      %mul3A_24 = arith.muli %scan3A_22, %mul3A_23 : i32
      %add3A_25 = arith.constant 0 : i32
      %add3A_26 = arith.addi %add3A_25, %mul3A_24 : i32
      %lt3A_27 = arith.cmpi slt, %add3A_26, %add3A_16 : i32
      %convert_element_type3A_28 = arith.extui %lt3A_27 : i1 to i32
      %cond3A_29 = arith.constant 0 : i32
      %cond3A_30 = arith.cmpi ne, %convert_element_type3A_28, %cond3A_29 : i32
      scf.if %cond3A_30 {
        %get3A = arith.constant 0 : i32
        %get3A_31 = arith.index_cast %add3A_26 : i32 to index
        %get3A_32 = arith.index_cast %get3A : i32 to index
        %get3A_33 = arith.constant 0 : index
        %get3A_34 = tpu.vector_load %arg4[%get3A_31, %get3A_32, %get3A_33] {strides = array<i32>} : memref<79x1x128xi32, #tpu.memory_space<vmem>>, vector<16xi32>,
        tpu.vector_store_idx %arg5[%get3A_34], %broadcast_in_dim3A_11 {add = true} : memref<10240xf32, #tpu.memory_space<vmem>>[vector<16xi32>], vector<16xf32>,
        %get3A_35 = arith.constant 0 : i32
        %get3A_36 = arith.index_cast %add3A_26 : i32 to index
        %get3A_37 = arith.index_cast %get3A_35 : i32 to index
        %get3A_38 = arith.constant 16 : index
        %get3A_39 = tpu.vector_load %arg4[%get3A_36, %get3A_37, %get3A_38] {strides = array<i32>} : memref<79x1x128xi32, #tpu.memory_space<vmem>>, vector<16xi32>,
        tpu.vector_store_idx %arg5[%get3A_39], %broadcast_in_dim3A_11 {add = true} : memref<10240xf32, #tpu.memory_space<vmem>>[vector<16xi32>], vector<16xf32>,
        %get3A_40 = arith.constant 0 : i32
        %get3A_41 = arith.index_cast %add3A_26 : i32 to index
        %get3A_42 = arith.index_cast %get3A_40 : i32 to index
        %get3A_43 = arith.constant 32 : index
        %get3A_44 = tpu.vector_load %arg4[%get3A_41, %get3A_42, %get3A_43] {strides = array<i32>} : memref<79x1x128xi32, #tpu.memory_space<vmem>>, vector<16xi32>,
        tpu.vector_store_idx %arg5[%get3A_44], %broadcast_in_dim3A_11 {add = true} : memref<10240xf32, #tpu.memory_space<vmem>>[vector<16xi32>], vector<16xf32>,
        %get3A_45 = arith.constant 0 : i32
        %get3A_46 = arith.index_cast %add3A_26 : i32 to index
        %get3A_47 = arith.index_cast %get3A_45 : i32 to index
        %get3A_48 = arith.constant 48 : index
        %get3A_49 = tpu.vector_load %arg4[%get3A_46, %get3A_47, %get3A_48] {strides = array<i32>} : memref<79x1x128xi32, #tpu.memory_space<vmem>>, vector<16xi32>,
        tpu.vector_store_idx %arg5[%get3A_49], %broadcast_in_dim3A_11 {add = true} : memref<10240xf32, #tpu.memory_space<vmem>>[vector<16xi32>], vector<16xf32>,
        %get3A_50 = arith.constant 0 : i32
        %get3A_51 = arith.index_cast %add3A_26 : i32 to index
        %get3A_52 = arith.index_cast %get3A_50 : i32 to index
        %get3A_53 = arith.constant 64 : index
        %get3A_54 = tpu.vector_load %arg4[%get3A_51, %get3A_52, %get3A_53] {strides = array<i32>} : memref<79x1x128xi32, #tpu.memory_space<vmem>>, vector<16xi32>,
        tpu.vector_store_idx %arg5[%get3A_54], %broadcast_in_dim3A_11 {add = true} : memref<10240xf32, #tpu.memory_space<vmem>>[vector<16xi32>], vector<16xf32>,
        %get3A_55 = arith.constant 0 : i32
        %get3A_56 = arith.index_cast %add3A_26 : i32 to index
        %get3A_57 = arith.index_cast %get3A_55 : i32 to index
        %get3A_58 = arith.constant 80 : index
        %get3A_59 = tpu.vector_load %arg4[%get3A_56, %get3A_57, %get3A_58] {strides = array<i32>} : memref<79x1x128xi32, #tpu.memory_space<vmem>>, vector<16xi32>,
        tpu.vector_store_idx %arg5[%get3A_59], %broadcast_in_dim3A_11 {add = true} : memref<10240xf32, #tpu.memory_space<vmem>>[vector<16xi32>], vector<16xf32>,
        %get3A_60 = arith.constant 0 : i32
        %get3A_61 = arith.index_cast %add3A_26 : i32 to index
        %get3A_62 = arith.index_cast %get3A_60 : i32 to index
        %get3A_63 = arith.constant 96 : index
        %get3A_64 = tpu.vector_load %arg4[%get3A_61, %get3A_62, %get3A_63] {strides = array<i32>} : memref<79x1x128xi32, #tpu.memory_space<vmem>>, vector<16xi32>,
        tpu.vector_store_idx %arg5[%get3A_64], %broadcast_in_dim3A_11 {add = true} : memref<10240xf32, #tpu.memory_space<vmem>>[vector<16xi32>], vector<16xf32>,
        %get3A_65 = arith.constant 0 : i32
        %get3A_66 = arith.index_cast %add3A_26 : i32 to index
        %get3A_67 = arith.index_cast %get3A_65 : i32 to index
        %get3A_68 = arith.constant 112 : index
        %get3A_69 = tpu.vector_load %arg4[%get3A_66, %get3A_67, %get3A_68] {strides = array<i32>} : memref<79x1x128xi32, #tpu.memory_space<vmem>>, vector<16xi32>,
        tpu.vector_store_idx %arg5[%get3A_69], %broadcast_in_dim3A_11 {add = true} : memref<10240xf32, #tpu.memory_space<vmem>>[vector<16xi32>], vector<16xf32>,
      } else {
      }
    }
    %scan3A_21 = arith.constant 79 : i32
    "tpu.region"() ({
      %run_scoped3A = tpu.sem_alloc : memref<!tpu.dma_semaphore, #tpu.memory_space<semaphore_mem>>
      %dma_start3A = arith.constant 0 : i32
      %dma_start3A_22 = tpu.memref_slice %arg3[%add3A, %dma_start3A] : memref<32x10240xf32, #tpu.memory_space<hbm>> -> memref<1x10240xf32, #tpu.memory_space<hbm>>
      %dma_start3A_23 = tpu.memref_squeeze %dma_start3A_22 : memref<1x10240xf32, #tpu.memory_space<hbm>> -> memref<10240xf32, #tpu.memory_space<hbm>>
      %dma_start3A_24 = arith.constant 0 : i32
      %dma_start3A_25 = tpu.memref_slice %arg3[%add3A, %dma_start3A_24] : memref<32x10240xf32, #tpu.memory_space<hbm>> -> memref<1x10240xf32, #tpu.memory_space<hbm>>
      %dma_start3A_26 = tpu.memref_squeeze %dma_start3A_25 : memref<1x10240xf32, #tpu.memory_space<hbm>> -> memref<10240xf32, #tpu.memory_space<hbm>>
      tpu.enqueue_dma source(%arg5 : memref<10240xf32, #tpu.memory_space<vmem>>) target(%dma_start3A_26 : memref<10240xf32, #tpu.memory_space<hbm>>) target_semaphore(%run_scoped3A : memref<!tpu.dma_semaphore, #tpu.memory_space<semaphore_mem>>)
      %dma_wait3A = arith.constant 0 : i32
      %dma_wait3A_27 = tpu.memref_slice %arg3[%add3A, %dma_wait3A] : memref<32x10240xf32, #tpu.memory_space<hbm>> -> memref<1x10240xf32, #tpu.memory_space<hbm>>
      %dma_wait3A_28 = tpu.memref_squeeze %dma_wait3A_27 : memref<1x10240xf32, #tpu.memory_space<hbm>> -> memref<10240xf32, #tpu.memory_space<hbm>>
      %dma_wait3A_29 = arith.constant 0 : i32
      %dma_wait3A_30 = tpu.memref_slice %arg3[%add3A, %dma_wait3A_29] : memref<32x10240xf32, #tpu.memory_space<hbm>> -> memref<1x10240xf32, #tpu.memory_space<hbm>>
      %dma_wait3A_31 = tpu.memref_squeeze %dma_wait3A_30 : memref<1x10240xf32, #tpu.memory_space<hbm>> -> memref<10240xf32, #tpu.memory_space<hbm>>
      tpu.wait_dma2 semaphore(%run_scoped3A : memref<!tpu.dma_semaphore, #tpu.memory_space<semaphore_mem>>) src(%arg5 : memref<10240xf32, #tpu.memory_space<vmem>>) dst(%dma_wait3A_31 : memref<10240xf32, #tpu.memory_space<hbm>>)
      tpu.yield
    }) : () -> ()
    return
  }
}

#map = affine_map<(d0, d1) -> (0, 0)>
#map1 = affine_map<(d0, d1) -> (0, 0, 0)>
module attributes {stable_mosaic.version = 14 : i64} {
  func.func @k(%arg0: i32, %arg1: i32, %arg2: memref<10000x64xf32, #tpu.memory_space<hbm>>, %arg3: memref<2500x2x128xi32, #tpu.memory_space<hbm>>, %arg4: memref<2x10000x64xf32, #tpu.memory_space<hbm>>, %arg5: memref<79x2x128xi32, #tpu.memory_space<vmem>>, %arg6: memref<8x128x64xf32, #tpu.memory_space<vmem>>, %arg7: memref<48x64xf32, #tpu.memory_space<vmem>>, %arg8: memref<10000x64xf32, #tpu.memory_space<vmem_shared>>, %arg9: memref<!tpu.dma_semaphore, #tpu.memory_space<semaphore_mem>>) attributes {dimension_semantics = [#tpu.dimension_semantics<core_parallel>, #tpu.dimension_semantics<subcore_parallel>], iteration_bounds = array<i64: 2, 16>, scalar_prefetch = 0 : i64, scratch_operands = 5 : i64, tpu.core_type = #tpu.core_type<sc_vector_subcore>, window_params = [{transform_indices = #map}, {transform_indices = #map1}, {transform_indices = #map1}]} {
    %mul3A = arith.constant 16 : i32
    %mul3A_0 = arith.muli %arg0, %mul3A : i32
    %add3A = arith.addi %mul3A_0, %arg1 : i32
    %lt3A = arith.constant 4 : i32
    %lt3A_1 = arith.cmpi slt, %add3A, %lt3A : i32
    %jit3A = arith.constant 1 : i32
    %jit3A_2 = arith.constant 0 : i32
    %select_n3A = arith.select %lt3A_1, %jit3A, %jit3A_2 : i32
    %add3A_3 = arith.constant 78 : i32
    %add3A_4 = arith.addi %add3A_3, %select_n3A : i32
    %mul3A_5 = arith.constant 78 : i32
    %mul3A_6 = arith.muli %add3A, %mul3A_5 : i32
    "tpu.region"() ({
      %run_scoped3A = tpu.sem_alloc : memref<!tpu.dma_semaphore, #tpu.memory_space<semaphore_mem>>
      %dma_start3A_349 = arith.constant 0 : i32
      %dma_start3A_350 = arith.constant 0 : i32
      %dma_start3A_351 = arith.constant 0 : i32
      %dma_start3A_352 = tpu.memref_slice %arg5[%dma_start3A_349, %dma_start3A_350, %dma_start3A_351] : memref<79x2x128xi32, #tpu.memory_space<vmem>> -> memref<78x2x128xi32, #tpu.memory_space<vmem>>
      %dma_start3A_353 = arith.constant 0 : i32
      %dma_start3A_354 = arith.constant 0 : i32
      %dma_start3A_355 = tpu.memref_slice %arg3[%mul3A_6, %dma_start3A_353, %dma_start3A_354] : memref<2500x2x128xi32, #tpu.memory_space<hbm>> -> memref<78x2x128xi32, #tpu.memory_space<hbm>>
      %dma_start3A_356 = arith.constant 0 : i32
      %dma_start3A_357 = arith.constant 0 : i32
      %dma_start3A_358 = arith.constant 0 : i32
      %dma_start3A_359 = tpu.memref_slice %arg5[%dma_start3A_356, %dma_start3A_357, %dma_start3A_358] : memref<79x2x128xi32, #tpu.memory_space<vmem>> -> memref<78x2x128xi32, #tpu.memory_space<vmem>>
      %dma_start3A_360 = arith.constant 0 : i32
      %dma_start3A_361 = arith.constant 0 : i32
      %dma_start3A_362 = tpu.memref_slice %arg3[%mul3A_6, %dma_start3A_360, %dma_start3A_361] : memref<2500x2x128xi32, #tpu.memory_space<hbm>> -> memref<78x2x128xi32, #tpu.memory_space<hbm>>
      tpu.enqueue_dma source(%dma_start3A_362 : memref<78x2x128xi32, #tpu.memory_space<hbm>>) target(%dma_start3A_359 : memref<78x2x128xi32, #tpu.memory_space<vmem>>) target_semaphore(%run_scoped3A : memref<!tpu.dma_semaphore, #tpu.memory_space<semaphore_mem>>)
      %dma_wait3A_363 = arith.constant 0 : i32
      %dma_wait3A_364 = arith.constant 0 : i32
      %dma_wait3A_365 = arith.constant 0 : i32
      %dma_wait3A_366 = tpu.memref_slice %arg5[%dma_wait3A_363, %dma_wait3A_364, %dma_wait3A_365] : memref<79x2x128xi32, #tpu.memory_space<vmem>> -> memref<78x2x128xi32, #tpu.memory_space<vmem>>
      %dma_wait3A_367 = arith.constant 0 : i32
      %dma_wait3A_368 = arith.constant 0 : i32
      %dma_wait3A_369 = tpu.memref_slice %arg3[%mul3A_6, %dma_wait3A_367, %dma_wait3A_368] : memref<2500x2x128xi32, #tpu.memory_space<hbm>> -> memref<78x2x128xi32, #tpu.memory_space<hbm>>
      %dma_wait3A_370 = arith.constant 0 : i32
      %dma_wait3A_371 = arith.constant 0 : i32
      %dma_wait3A_372 = arith.constant 0 : i32
      %dma_wait3A_373 = tpu.memref_slice %arg5[%dma_wait3A_370, %dma_wait3A_371, %dma_wait3A_372] : memref<79x2x128xi32, #tpu.memory_space<vmem>> -> memref<78x2x128xi32, #tpu.memory_space<vmem>>
      %dma_wait3A_374 = arith.constant 0 : i32
      %dma_wait3A_375 = arith.constant 0 : i32
      %dma_wait3A_376 = tpu.memref_slice %arg3[%mul3A_6, %dma_wait3A_374, %dma_wait3A_375] : memref<2500x2x128xi32, #tpu.memory_space<hbm>> -> memref<78x2x128xi32, #tpu.memory_space<hbm>>
      tpu.wait_dma2 semaphore(%run_scoped3A : memref<!tpu.dma_semaphore, #tpu.memory_space<semaphore_mem>>) src(%dma_wait3A_376 : memref<78x2x128xi32, #tpu.memory_space<hbm>>) dst(%dma_wait3A_373 : memref<78x2x128xi32, #tpu.memory_space<vmem>>)
      tpu.yield
    }) : () -> ()
    %lt3A_7 = arith.constant 4 : i32
    %lt3A_8 = arith.cmpi slt, %add3A, %lt3A_7 : i32
    %convert_element_type3A = arith.extui %lt3A_8 : i1 to i32
    %cond3A = arith.constant 0 : i32
    %cond3A_9 = arith.cmpi ne, %convert_element_type3A, %cond3A : i32
    scf.if %cond3A_9 {
      %add3A_349 = arith.constant 2496 : i32
      %add3A_350 = arith.addi %add3A_349, %add3A : i32
      "tpu.region"() ({
        %run_scoped3A = tpu.sem_alloc : memref<!tpu.dma_semaphore, #tpu.memory_space<semaphore_mem>>
        %dma_start3A_351 = arith.constant 78 : i32
        %dma_start3A_352 = arith.constant 0 : i32
        %dma_start3A_353 = arith.constant 0 : i32
        %dma_start3A_354 = tpu.memref_slice %arg5[%dma_start3A_351, %dma_start3A_352, %dma_start3A_353] : memref<79x2x128xi32, #tpu.memory_space<vmem>> -> memref<1x2x128xi32, #tpu.memory_space<vmem>>
        %dma_start3A_355 = arith.constant 0 : i32
        %dma_start3A_356 = arith.constant 0 : i32
        %dma_start3A_357 = tpu.memref_slice %arg3[%add3A_350, %dma_start3A_355, %dma_start3A_356] : memref<2500x2x128xi32, #tpu.memory_space<hbm>> -> memref<1x2x128xi32, #tpu.memory_space<hbm>>
        %dma_start3A_358 = arith.constant 78 : i32
        %dma_start3A_359 = arith.constant 0 : i32
        %dma_start3A_360 = arith.constant 0 : i32
        %dma_start3A_361 = tpu.memref_slice %arg5[%dma_start3A_358, %dma_start3A_359, %dma_start3A_360] : memref<79x2x128xi32, #tpu.memory_space<vmem>> -> memref<1x2x128xi32, #tpu.memory_space<vmem>>
        %dma_start3A_362 = arith.constant 0 : i32
        %dma_start3A_363 = arith.constant 0 : i32
        %dma_start3A_364 = tpu.memref_slice %arg3[%add3A_350, %dma_start3A_362, %dma_start3A_363] : memref<2500x2x128xi32, #tpu.memory_space<hbm>> -> memref<1x2x128xi32, #tpu.memory_space<hbm>>
        tpu.enqueue_dma source(%dma_start3A_364 : memref<1x2x128xi32, #tpu.memory_space<hbm>>) target(%dma_start3A_361 : memref<1x2x128xi32, #tpu.memory_space<vmem>>) target_semaphore(%run_scoped3A : memref<!tpu.dma_semaphore, #tpu.memory_space<semaphore_mem>>)
        %dma_wait3A_365 = arith.constant 78 : i32
        %dma_wait3A_366 = arith.constant 0 : i32
        %dma_wait3A_367 = arith.constant 0 : i32
        %dma_wait3A_368 = tpu.memref_slice %arg5[%dma_wait3A_365, %dma_wait3A_366, %dma_wait3A_367] : memref<79x2x128xi32, #tpu.memory_space<vmem>> -> memref<1x2x128xi32, #tpu.memory_space<vmem>>
        %dma_wait3A_369 = arith.constant 0 : i32
        %dma_wait3A_370 = arith.constant 0 : i32
        %dma_wait3A_371 = tpu.memref_slice %arg3[%add3A_350, %dma_wait3A_369, %dma_wait3A_370] : memref<2500x2x128xi32, #tpu.memory_space<hbm>> -> memref<1x2x128xi32, #tpu.memory_space<hbm>>
        %dma_wait3A_372 = arith.constant 78 : i32
        %dma_wait3A_373 = arith.constant 0 : i32
        %dma_wait3A_374 = arith.constant 0 : i32
        %dma_wait3A_375 = tpu.memref_slice %arg5[%dma_wait3A_372, %dma_wait3A_373, %dma_wait3A_374] : memref<79x2x128xi32, #tpu.memory_space<vmem>> -> memref<1x2x128xi32, #tpu.memory_space<vmem>>
        %dma_wait3A_376 = arith.constant 0 : i32
        %dma_wait3A_377 = arith.constant 0 : i32
        %dma_wait3A_378 = tpu.memref_slice %arg3[%add3A_350, %dma_wait3A_376, %dma_wait3A_377] : memref<2500x2x128xi32, #tpu.memory_space<hbm>> -> memref<1x2x128xi32, #tpu.memory_space<hbm>>
        tpu.wait_dma2 semaphore(%run_scoped3A : memref<!tpu.dma_semaphore, #tpu.memory_space<semaphore_mem>>) src(%dma_wait3A_378 : memref<1x2x128xi32, #tpu.memory_space<hbm>>) dst(%dma_wait3A_375 : memref<1x2x128xi32, #tpu.memory_space<vmem>>)
        tpu.yield
      }) : () -> ()
    } else {
    }
    %broadcast_in_dim3A = arith.constant 0.000000e+00 : f32
    %broadcast_in_dim3A_10 = vector.broadcast %broadcast_in_dim3A : f32 to vector<16xf32>
    %scan3A = arith.constant 0 : i32
    %scan3A_11 = arith.constant 48 : i32
    %scan3A_12 = arith.addi %scan3A, %scan3A_11 : i32
    %scan3A_13 = arith.constant 1 : i32
    scf.for %scan3A_349 = %scan3A to %scan3A_12 step %scan3A_13  : i32 {
      %mul3A_350 = arith.constant 1 : i32
      %mul3A_351 = arith.muli %scan3A_349, %mul3A_350 : i32
      %add3A_352 = arith.constant 0 : i32
      %add3A_353 = arith.addi %add3A_352, %mul3A_351 : i32
      %swap3A = arith.index_cast %add3A_353 : i32 to index
      %swap3A_354 = arith.constant 0 : index
      %swap3A_355 = tpu.vector_load %arg7[%swap3A, %swap3A_354] {strides = array<i32>} : memref<48x64xf32, #tpu.memory_space<vmem>>, vector<16xf32>,
      tpu.vector_store %arg7[%swap3A, %swap3A_354], %broadcast_in_dim3A_10 {strides = array<i32>} : memref<48x64xf32, #tpu.memory_space<vmem>>, vector<16xf32>,
      %swap3A_356 = arith.index_cast %add3A_353 : i32 to index
      %swap3A_357 = arith.constant 16 : index
      %swap3A_358 = tpu.vector_load %arg7[%swap3A_356, %swap3A_357] {strides = array<i32>} : memref<48x64xf32, #tpu.memory_space<vmem>>, vector<16xf32>,
      tpu.vector_store %arg7[%swap3A_356, %swap3A_357], %broadcast_in_dim3A_10 {strides = array<i32>} : memref<48x64xf32, #tpu.memory_space<vmem>>, vector<16xf32>,
      %swap3A_359 = arith.index_cast %add3A_353 : i32 to index
      %swap3A_360 = arith.constant 32 : index
      %swap3A_361 = tpu.vector_load %arg7[%swap3A_359, %swap3A_360] {strides = array<i32>} : memref<48x64xf32, #tpu.memory_space<vmem>>, vector<16xf32>,
      tpu.vector_store %arg7[%swap3A_359, %swap3A_360], %broadcast_in_dim3A_10 {strides = array<i32>} : memref<48x64xf32, #tpu.memory_space<vmem>>, vector<16xf32>,
      %swap3A_362 = arith.index_cast %add3A_353 : i32 to index
      %swap3A_363 = arith.constant 48 : index
      %swap3A_364 = tpu.vector_load %arg7[%swap3A_362, %swap3A_363] {strides = array<i32>} : memref<48x64xf32, #tpu.memory_space<vmem>>, vector<16xf32>,
      tpu.vector_store %arg7[%swap3A_362, %swap3A_363], %broadcast_in_dim3A_10 {strides = array<i32>} : memref<48x64xf32, #tpu.memory_space<vmem>>, vector<16xf32>,
    }
    %scan3A_14 = arith.constant 48 : i32
    %mul3A_15 = arith.constant 624 : i32
    %mul3A_16 = arith.muli %arg1, %mul3A_15 : i32
    %add3A_17 = arith.constant 0 : i32
    %add3A_18 = arith.addi %mul3A_16, %add3A_17 : i32
    %dma_start3A = arith.constant 0 : i32
    %dma_start3A_19 = tpu.memref_slice %arg8[%add3A_18, %dma_start3A] : memref<10000x64xf32, #tpu.memory_space<vmem_shared>> -> memref<48x64xf32, #tpu.memory_space<vmem_shared>>
    %dma_start3A_20 = arith.constant 0 : i32
    %dma_start3A_21 = tpu.memref_slice %arg8[%add3A_18, %dma_start3A_20] : memref<10000x64xf32, #tpu.memory_space<vmem_shared>> -> memref<48x64xf32, #tpu.memory_space<vmem_shared>>
    tpu.enqueue_dma source(%arg7 : memref<48x64xf32, #tpu.memory_space<vmem>>) target(%dma_start3A_21 : memref<48x64xf32, #tpu.memory_space<vmem_shared>>) target_semaphore(%arg9 : memref<!tpu.dma_semaphore, #tpu.memory_space<semaphore_mem>>)
    %mul3A_22 = arith.constant 624 : i32
    %mul3A_23 = arith.muli %arg1, %mul3A_22 : i32
    %add3A_24 = arith.constant 48 : i32
    %add3A_25 = arith.addi %mul3A_23, %add3A_24 : i32
    %dma_start3A_26 = arith.constant 0 : i32
    %dma_start3A_27 = tpu.memref_slice %arg8[%add3A_25, %dma_start3A_26] : memref<10000x64xf32, #tpu.memory_space<vmem_shared>> -> memref<48x64xf32, #tpu.memory_space<vmem_shared>>
    %dma_start3A_28 = arith.constant 0 : i32
    %dma_start3A_29 = tpu.memref_slice %arg8[%add3A_25, %dma_start3A_28] : memref<10000x64xf32, #tpu.memory_space<vmem_shared>> -> memref<48x64xf32, #tpu.memory_space<vmem_shared>>
    tpu.enqueue_dma source(%arg7 : memref<48x64xf32, #tpu.memory_space<vmem>>) target(%dma_start3A_29 : memref<48x64xf32, #tpu.memory_space<vmem_shared>>) target_semaphore(%arg9 : memref<!tpu.dma_semaphore, #tpu.memory_space<semaphore_mem>>)
    %mul3A_30 = arith.constant 624 : i32
    %mul3A_31 = arith.muli %arg1, %mul3A_30 : i32
    %add3A_32 = arith.constant 96 : i32
    %add3A_33 = arith.addi %mul3A_31, %add3A_32 : i32
    %dma_start3A_34 = arith.constant 0 : i32
    %dma_start3A_35 = tpu.memref_slice %arg8[%add3A_33, %dma_start3A_34] : memref<10000x64xf32, #tpu.memory_space<vmem_shared>> -> memref<48x64xf32, #tpu.memory_space<vmem_shared>>
    %dma_start3A_36 = arith.constant 0 : i32
    %dma_start3A_37 = tpu.memref_slice %arg8[%add3A_33, %dma_start3A_36] : memref<10000x64xf32, #tpu.memory_space<vmem_shared>> -> memref<48x64xf32, #tpu.memory_space<vmem_shared>>
    tpu.enqueue_dma source(%arg7 : memref<48x64xf32, #tpu.memory_space<vmem>>) target(%dma_start3A_37 : memref<48x64xf32, #tpu.memory_space<vmem_shared>>) target_semaphore(%arg9 : memref<!tpu.dma_semaphore, #tpu.memory_space<semaphore_mem>>)
    %mul3A_38 = arith.constant 624 : i32
    %mul3A_39 = arith.muli %arg1, %mul3A_38 : i32
    %add3A_40 = arith.constant 144 : i32
    %add3A_41 = arith.addi %mul3A_39, %add3A_40 : i32
    %dma_start3A_42 = arith.constant 0 : i32
    %dma_start3A_43 = tpu.memref_slice %arg8[%add3A_41, %dma_start3A_42] : memref<10000x64xf32, #tpu.memory_space<vmem_shared>> -> memref<48x64xf32, #tpu.memory_space<vmem_shared>>
    %dma_start3A_44 = arith.constant 0 : i32
    %dma_start3A_45 = tpu.memref_slice %arg8[%add3A_41, %dma_start3A_44] : memref<10000x64xf32, #tpu.memory_space<vmem_shared>> -> memref<48x64xf32, #tpu.memory_space<vmem_shared>>
    tpu.enqueue_dma source(%arg7 : memref<48x64xf32, #tpu.memory_space<vmem>>) target(%dma_start3A_45 : memref<48x64xf32, #tpu.memory_space<vmem_shared>>) target_semaphore(%arg9 : memref<!tpu.dma_semaphore, #tpu.memory_space<semaphore_mem>>)
    %mul3A_46 = arith.constant 624 : i32
    %mul3A_47 = arith.muli %arg1, %mul3A_46 : i32
    %add3A_48 = arith.constant 192 : i32
    %add3A_49 = arith.addi %mul3A_47, %add3A_48 : i32
    %dma_start3A_50 = arith.constant 0 : i32
    %dma_start3A_51 = tpu.memref_slice %arg8[%add3A_49, %dma_start3A_50] : memref<10000x64xf32, #tpu.memory_space<vmem_shared>> -> memref<48x64xf32, #tpu.memory_space<vmem_shared>>
    %dma_start3A_52 = arith.constant 0 : i32
    %dma_start3A_53 = tpu.memref_slice %arg8[%add3A_49, %dma_start3A_52] : memref<10000x64xf32, #tpu.memory_space<vmem_shared>> -> memref<48x64xf32, #tpu.memory_space<vmem_shared>>
    tpu.enqueue_dma source(%arg7 : memref<48x64xf32, #tpu.memory_space<vmem>>) target(%dma_start3A_53 : memref<48x64xf32, #tpu.memory_space<vmem_shared>>) target_semaphore(%arg9 : memref<!tpu.dma_semaphore, #tpu.memory_space<semaphore_mem>>)
    %mul3A_54 = arith.constant 624 : i32
    %mul3A_55 = arith.muli %arg1, %mul3A_54 : i32
    %add3A_56 = arith.constant 240 : i32
    %add3A_57 = arith.addi %mul3A_55, %add3A_56 : i32
    %dma_start3A_58 = arith.constant 0 : i32
    %dma_start3A_59 = tpu.memref_slice %arg8[%add3A_57, %dma_start3A_58] : memref<10000x64xf32, #tpu.memory_space<vmem_shared>> -> memref<48x64xf32, #tpu.memory_space<vmem_shared>>
    %dma_start3A_60 = arith.constant 0 : i32
    %dma_start3A_61 = tpu.memref_slice %arg8[%add3A_57, %dma_start3A_60] : memref<10000x64xf32, #tpu.memory_space<vmem_shared>> -> memref<48x64xf32, #tpu.memory_space<vmem_shared>>
    tpu.enqueue_dma source(%arg7 : memref<48x64xf32, #tpu.memory_space<vmem>>) target(%dma_start3A_61 : memref<48x64xf32, #tpu.memory_space<vmem_shared>>) target_semaphore(%arg9 : memref<!tpu.dma_semaphore, #tpu.memory_space<semaphore_mem>>)
    %mul3A_62 = arith.constant 624 : i32
    %mul3A_63 = arith.muli %arg1, %mul3A_62 : i32
    %add3A_64 = arith.constant 288 : i32
    %add3A_65 = arith.addi %mul3A_63, %add3A_64 : i32
    %dma_start3A_66 = arith.constant 0 : i32
    %dma_start3A_67 = tpu.memref_slice %arg8[%add3A_65, %dma_start3A_66] : memref<10000x64xf32, #tpu.memory_space<vmem_shared>> -> memref<48x64xf32, #tpu.memory_space<vmem_shared>>
    %dma_start3A_68 = arith.constant 0 : i32
    %dma_start3A_69 = tpu.memref_slice %arg8[%add3A_65, %dma_start3A_68] : memref<10000x64xf32, #tpu.memory_space<vmem_shared>> -> memref<48x64xf32, #tpu.memory_space<vmem_shared>>
    tpu.enqueue_dma source(%arg7 : memref<48x64xf32, #tpu.memory_space<vmem>>) target(%dma_start3A_69 : memref<48x64xf32, #tpu.memory_space<vmem_shared>>) target_semaphore(%arg9 : memref<!tpu.dma_semaphore, #tpu.memory_space<semaphore_mem>>)
    %mul3A_70 = arith.constant 624 : i32
    %mul3A_71 = arith.muli %arg1, %mul3A_70 : i32
    %add3A_72 = arith.constant 336 : i32
    %add3A_73 = arith.addi %mul3A_71, %add3A_72 : i32
    %dma_start3A_74 = arith.constant 0 : i32
    %dma_start3A_75 = tpu.memref_slice %arg8[%add3A_73, %dma_start3A_74] : memref<10000x64xf32, #tpu.memory_space<vmem_shared>> -> memref<48x64xf32, #tpu.memory_space<vmem_shared>>
    %dma_start3A_76 = arith.constant 0 : i32
    %dma_start3A_77 = tpu.memref_slice %arg8[%add3A_73, %dma_start3A_76] : memref<10000x64xf32, #tpu.memory_space<vmem_shared>> -> memref<48x64xf32, #tpu.memory_space<vmem_shared>>
    tpu.enqueue_dma source(%arg7 : memref<48x64xf32, #tpu.memory_space<vmem>>) target(%dma_start3A_77 : memref<48x64xf32, #tpu.memory_space<vmem_shared>>) target_semaphore(%arg9 : memref<!tpu.dma_semaphore, #tpu.memory_space<semaphore_mem>>)
    %mul3A_78 = arith.constant 624 : i32
    %mul3A_79 = arith.muli %arg1, %mul3A_78 : i32
    %add3A_80 = arith.constant 384 : i32
    %add3A_81 = arith.addi %mul3A_79, %add3A_80 : i32
    %dma_start3A_82 = arith.constant 0 : i32
    %dma_start3A_83 = tpu.memref_slice %arg8[%add3A_81, %dma_start3A_82] : memref<10000x64xf32, #tpu.memory_space<vmem_shared>> -> memref<48x64xf32, #tpu.memory_space<vmem_shared>>
    %dma_start3A_84 = arith.constant 0 : i32
    %dma_start3A_85 = tpu.memref_slice %arg8[%add3A_81, %dma_start3A_84] : memref<10000x64xf32, #tpu.memory_space<vmem_shared>> -> memref<48x64xf32, #tpu.memory_space<vmem_shared>>
    tpu.enqueue_dma source(%arg7 : memref<48x64xf32, #tpu.memory_space<vmem>>) target(%dma_start3A_85 : memref<48x64xf32, #tpu.memory_space<vmem_shared>>) target_semaphore(%arg9 : memref<!tpu.dma_semaphore, #tpu.memory_space<semaphore_mem>>)
    %mul3A_86 = arith.constant 624 : i32
    %mul3A_87 = arith.muli %arg1, %mul3A_86 : i32
    %add3A_88 = arith.constant 432 : i32
    %add3A_89 = arith.addi %mul3A_87, %add3A_88 : i32
    %dma_start3A_90 = arith.constant 0 : i32
    %dma_start3A_91 = tpu.memref_slice %arg8[%add3A_89, %dma_start3A_90] : memref<10000x64xf32, #tpu.memory_space<vmem_shared>> -> memref<48x64xf32, #tpu.memory_space<vmem_shared>>
    %dma_start3A_92 = arith.constant 0 : i32
    %dma_start3A_93 = tpu.memref_slice %arg8[%add3A_89, %dma_start3A_92] : memref<10000x64xf32, #tpu.memory_space<vmem_shared>> -> memref<48x64xf32, #tpu.memory_space<vmem_shared>>
    tpu.enqueue_dma source(%arg7 : memref<48x64xf32, #tpu.memory_space<vmem>>) target(%dma_start3A_93 : memref<48x64xf32, #tpu.memory_space<vmem_shared>>) target_semaphore(%arg9 : memref<!tpu.dma_semaphore, #tpu.memory_space<semaphore_mem>>)
    %mul3A_94 = arith.constant 624 : i32
    %mul3A_95 = arith.muli %arg1, %mul3A_94 : i32
    %add3A_96 = arith.constant 480 : i32
    %add3A_97 = arith.addi %mul3A_95, %add3A_96 : i32
    %dma_start3A_98 = arith.constant 0 : i32
    %dma_start3A_99 = tpu.memref_slice %arg8[%add3A_97, %dma_start3A_98] : memref<10000x64xf32, #tpu.memory_space<vmem_shared>> -> memref<48x64xf32, #tpu.memory_space<vmem_shared>>
    %dma_start3A_100 = arith.constant 0 : i32
    %dma_start3A_101 = tpu.memref_slice %arg8[%add3A_97, %dma_start3A_100] : memref<10000x64xf32, #tpu.memory_space<vmem_shared>> -> memref<48x64xf32, #tpu.memory_space<vmem_shared>>
    tpu.enqueue_dma source(%arg7 : memref<48x64xf32, #tpu.memory_space<vmem>>) target(%dma_start3A_101 : memref<48x64xf32, #tpu.memory_space<vmem_shared>>) target_semaphore(%arg9 : memref<!tpu.dma_semaphore, #tpu.memory_space<semaphore_mem>>)
    %mul3A_102 = arith.constant 624 : i32
    %mul3A_103 = arith.muli %arg1, %mul3A_102 : i32
    %add3A_104 = arith.constant 528 : i32
    %add3A_105 = arith.addi %mul3A_103, %add3A_104 : i32
    %dma_start3A_106 = arith.constant 0 : i32
    %dma_start3A_107 = tpu.memref_slice %arg8[%add3A_105, %dma_start3A_106] : memref<10000x64xf32, #tpu.memory_space<vmem_shared>> -> memref<48x64xf32, #tpu.memory_space<vmem_shared>>
    %dma_start3A_108 = arith.constant 0 : i32
    %dma_start3A_109 = tpu.memref_slice %arg8[%add3A_105, %dma_start3A_108] : memref<10000x64xf32, #tpu.memory_space<vmem_shared>> -> memref<48x64xf32, #tpu.memory_space<vmem_shared>>
    tpu.enqueue_dma source(%arg7 : memref<48x64xf32, #tpu.memory_space<vmem>>) target(%dma_start3A_109 : memref<48x64xf32, #tpu.memory_space<vmem_shared>>) target_semaphore(%arg9 : memref<!tpu.dma_semaphore, #tpu.memory_space<semaphore_mem>>)
    %mul3A_110 = arith.constant 624 : i32
    %mul3A_111 = arith.muli %arg1, %mul3A_110 : i32
    %add3A_112 = arith.constant 576 : i32
    %add3A_113 = arith.addi %mul3A_111, %add3A_112 : i32
    %dma_start3A_114 = arith.constant 0 : i32
    %dma_start3A_115 = tpu.memref_slice %arg8[%add3A_113, %dma_start3A_114] : memref<10000x64xf32, #tpu.memory_space<vmem_shared>> -> memref<48x64xf32, #tpu.memory_space<vmem_shared>>
    %dma_start3A_116 = arith.constant 0 : i32
    %dma_start3A_117 = tpu.memref_slice %arg8[%add3A_113, %dma_start3A_116] : memref<10000x64xf32, #tpu.memory_space<vmem_shared>> -> memref<48x64xf32, #tpu.memory_space<vmem_shared>>
    tpu.enqueue_dma source(%arg7 : memref<48x64xf32, #tpu.memory_space<vmem>>) target(%dma_start3A_117 : memref<48x64xf32, #tpu.memory_space<vmem_shared>>) target_semaphore(%arg9 : memref<!tpu.dma_semaphore, #tpu.memory_space<semaphore_mem>>)
    %eq3A = arith.constant 15 : i32
    %eq3A_118 = arith.cmpi eq, %arg1, %eq3A : i32
    %convert_element_type3A_119 = arith.extui %eq3A_118 : i1 to i32
    %cond3A_120 = arith.constant 0 : i32
    %cond3A_121 = arith.cmpi ne, %convert_element_type3A_119, %cond3A_120 : i32
    scf.if %cond3A_121 {
      %dma_start3A_349 = arith.constant 0 : i32
      %dma_start3A_350 = arith.constant 0 : i32
      %dma_start3A_351 = tpu.memref_slice %arg7[%dma_start3A_349, %dma_start3A_350] : memref<48x64xf32, #tpu.memory_space<vmem>> -> memref<16x64xf32, #tpu.memory_space<vmem>>
      %dma_start3A_352 = arith.constant 9984 : i32
      %dma_start3A_353 = arith.constant 0 : i32
      %dma_start3A_354 = tpu.memref_slice %arg8[%dma_start3A_352, %dma_start3A_353] : memref<10000x64xf32, #tpu.memory_space<vmem_shared>> -> memref<16x64xf32, #tpu.memory_space<vmem_shared>>
      %dma_start3A_355 = arith.constant 9984 : i32
      %dma_start3A_356 = arith.constant 0 : i32
      %dma_start3A_357 = tpu.memref_slice %arg8[%dma_start3A_355, %dma_start3A_356] : memref<10000x64xf32, #tpu.memory_space<vmem_shared>> -> memref<16x64xf32, #tpu.memory_space<vmem_shared>>
      %dma_start3A_358 = arith.constant 0 : i32
      %dma_start3A_359 = arith.constant 0 : i32
      %dma_start3A_360 = tpu.memref_slice %arg7[%dma_start3A_358, %dma_start3A_359] : memref<48x64xf32, #tpu.memory_space<vmem>> -> memref<16x64xf32, #tpu.memory_space<vmem>>
      tpu.enqueue_dma source(%dma_start3A_360 : memref<16x64xf32, #tpu.memory_space<vmem>>) target(%dma_start3A_357 : memref<16x64xf32, #tpu.memory_space<vmem_shared>>) target_semaphore(%arg9 : memref<!tpu.dma_semaphore, #tpu.memory_space<semaphore_mem>>)
    } else {
    }
    %mul3A_122 = arith.constant 624 : i32
    %mul3A_123 = arith.muli %arg1, %mul3A_122 : i32
    %add3A_124 = arith.constant 0 : i32
    %add3A_125 = arith.addi %mul3A_123, %add3A_124 : i32
    %dma_wait3A = arith.constant 0 : i32
    %dma_wait3A_126 = tpu.memref_slice %arg8[%add3A_125, %dma_wait3A] : memref<10000x64xf32, #tpu.memory_space<vmem_shared>> -> memref<48x64xf32, #tpu.memory_space<vmem_shared>>
    %dma_wait3A_127 = arith.constant 0 : i32
    %dma_wait3A_128 = tpu.memref_slice %arg8[%add3A_125, %dma_wait3A_127] : memref<10000x64xf32, #tpu.memory_space<vmem_shared>> -> memref<48x64xf32, #tpu.memory_space<vmem_shared>>
    tpu.wait_dma2 semaphore(%arg9 : memref<!tpu.dma_semaphore, #tpu.memory_space<semaphore_mem>>) src(%arg7 : memref<48x64xf32, #tpu.memory_space<vmem>>) dst(%dma_wait3A_128 : memref<48x64xf32, #tpu.memory_space<vmem_shared>>)
    %mul3A_129 = arith.constant 624 : i32
    %mul3A_130 = arith.muli %arg1, %mul3A_129 : i32
    %add3A_131 = arith.constant 48 : i32
    %add3A_132 = arith.addi %mul3A_130, %add3A_131 : i32
    %dma_wait3A_133 = arith.constant 0 : i32
    %dma_wait3A_134 = tpu.memref_slice %arg8[%add3A_132, %dma_wait3A_133] : memref<10000x64xf32, #tpu.memory_space<vmem_shared>> -> memref<48x64xf32, #tpu.memory_space<vmem_shared>>
    %dma_wait3A_135 = arith.constant 0 : i32
    %dma_wait3A_136 = tpu.memref_slice %arg8[%add3A_132, %dma_wait3A_135] : memref<10000x64xf32, #tpu.memory_space<vmem_shared>> -> memref<48x64xf32, #tpu.memory_space<vmem_shared>>
    tpu.wait_dma2 semaphore(%arg9 : memref<!tpu.dma_semaphore, #tpu.memory_space<semaphore_mem>>) src(%arg7 : memref<48x64xf32, #tpu.memory_space<vmem>>) dst(%dma_wait3A_136 : memref<48x64xf32, #tpu.memory_space<vmem_shared>>)
    %mul3A_137 = arith.constant 624 : i32
    %mul3A_138 = arith.muli %arg1, %mul3A_137 : i32
    %add3A_139 = arith.constant 96 : i32
    %add3A_140 = arith.addi %mul3A_138, %add3A_139 : i32
    %dma_wait3A_141 = arith.constant 0 : i32
    %dma_wait3A_142 = tpu.memref_slice %arg8[%add3A_140, %dma_wait3A_141] : memref<10000x64xf32, #tpu.memory_space<vmem_shared>> -> memref<48x64xf32, #tpu.memory_space<vmem_shared>>
    %dma_wait3A_143 = arith.constant 0 : i32
    %dma_wait3A_144 = tpu.memref_slice %arg8[%add3A_140, %dma_wait3A_143] : memref<10000x64xf32, #tpu.memory_space<vmem_shared>> -> memref<48x64xf32, #tpu.memory_space<vmem_shared>>
    tpu.wait_dma2 semaphore(%arg9 : memref<!tpu.dma_semaphore, #tpu.memory_space<semaphore_mem>>) src(%arg7 : memref<48x64xf32, #tpu.memory_space<vmem>>) dst(%dma_wait3A_144 : memref<48x64xf32, #tpu.memory_space<vmem_shared>>)
    %mul3A_145 = arith.constant 624 : i32
    %mul3A_146 = arith.muli %arg1, %mul3A_145 : i32
    %add3A_147 = arith.constant 144 : i32
    %add3A_148 = arith.addi %mul3A_146, %add3A_147 : i32
    %dma_wait3A_149 = arith.constant 0 : i32
    %dma_wait3A_150 = tpu.memref_slice %arg8[%add3A_148, %dma_wait3A_149] : memref<10000x64xf32, #tpu.memory_space<vmem_shared>> -> memref<48x64xf32, #tpu.memory_space<vmem_shared>>
    %dma_wait3A_151 = arith.constant 0 : i32
    %dma_wait3A_152 = tpu.memref_slice %arg8[%add3A_148, %dma_wait3A_151] : memref<10000x64xf32, #tpu.memory_space<vmem_shared>> -> memref<48x64xf32, #tpu.memory_space<vmem_shared>>
    tpu.wait_dma2 semaphore(%arg9 : memref<!tpu.dma_semaphore, #tpu.memory_space<semaphore_mem>>) src(%arg7 : memref<48x64xf32, #tpu.memory_space<vmem>>) dst(%dma_wait3A_152 : memref<48x64xf32, #tpu.memory_space<vmem_shared>>)
    %mul3A_153 = arith.constant 624 : i32
    %mul3A_154 = arith.muli %arg1, %mul3A_153 : i32
    %add3A_155 = arith.constant 192 : i32
    %add3A_156 = arith.addi %mul3A_154, %add3A_155 : i32
    %dma_wait3A_157 = arith.constant 0 : i32
    %dma_wait3A_158 = tpu.memref_slice %arg8[%add3A_156, %dma_wait3A_157] : memref<10000x64xf32, #tpu.memory_space<vmem_shared>> -> memref<48x64xf32, #tpu.memory_space<vmem_shared>>
    %dma_wait3A_159 = arith.constant 0 : i32
    %dma_wait3A_160 = tpu.memref_slice %arg8[%add3A_156, %dma_wait3A_159] : memref<10000x64xf32, #tpu.memory_space<vmem_shared>> -> memref<48x64xf32, #tpu.memory_space<vmem_shared>>
    tpu.wait_dma2 semaphore(%arg9 : memref<!tpu.dma_semaphore, #tpu.memory_space<semaphore_mem>>) src(%arg7 : memref<48x64xf32, #tpu.memory_space<vmem>>) dst(%dma_wait3A_160 : memref<48x64xf32, #tpu.memory_space<vmem_shared>>)
    %mul3A_161 = arith.constant 624 : i32
    %mul3A_162 = arith.muli %arg1, %mul3A_161 : i32
    %add3A_163 = arith.constant 240 : i32
    %add3A_164 = arith.addi %mul3A_162, %add3A_163 : i32
    %dma_wait3A_165 = arith.constant 0 : i32
    %dma_wait3A_166 = tpu.memref_slice %arg8[%add3A_164, %dma_wait3A_165] : memref<10000x64xf32, #tpu.memory_space<vmem_shared>> -> memref<48x64xf32, #tpu.memory_space<vmem_shared>>
    %dma_wait3A_167 = arith.constant 0 : i32
    %dma_wait3A_168 = tpu.memref_slice %arg8[%add3A_164, %dma_wait3A_167] : memref<10000x64xf32, #tpu.memory_space<vmem_shared>> -> memref<48x64xf32, #tpu.memory_space<vmem_shared>>
    tpu.wait_dma2 semaphore(%arg9 : memref<!tpu.dma_semaphore, #tpu.memory_space<semaphore_mem>>) src(%arg7 : memref<48x64xf32, #tpu.memory_space<vmem>>) dst(%dma_wait3A_168 : memref<48x64xf32, #tpu.memory_space<vmem_shared>>)
    %mul3A_169 = arith.constant 624 : i32
    %mul3A_170 = arith.muli %arg1, %mul3A_169 : i32
    %add3A_171 = arith.constant 288 : i32
    %add3A_172 = arith.addi %mul3A_170, %add3A_171 : i32
    %dma_wait3A_173 = arith.constant 0 : i32
    %dma_wait3A_174 = tpu.memref_slice %arg8[%add3A_172, %dma_wait3A_173] : memref<10000x64xf32, #tpu.memory_space<vmem_shared>> -> memref<48x64xf32, #tpu.memory_space<vmem_shared>>
    %dma_wait3A_175 = arith.constant 0 : i32
    %dma_wait3A_176 = tpu.memref_slice %arg8[%add3A_172, %dma_wait3A_175] : memref<10000x64xf32, #tpu.memory_space<vmem_shared>> -> memref<48x64xf32, #tpu.memory_space<vmem_shared>>
    tpu.wait_dma2 semaphore(%arg9 : memref<!tpu.dma_semaphore, #tpu.memory_space<semaphore_mem>>) src(%arg7 : memref<48x64xf32, #tpu.memory_space<vmem>>) dst(%dma_wait3A_176 : memref<48x64xf32, #tpu.memory_space<vmem_shared>>)
    %mul3A_177 = arith.constant 624 : i32
    %mul3A_178 = arith.muli %arg1, %mul3A_177 : i32
    %add3A_179 = arith.constant 336 : i32
    %add3A_180 = arith.addi %mul3A_178, %add3A_179 : i32
    %dma_wait3A_181 = arith.constant 0 : i32
    %dma_wait3A_182 = tpu.memref_slice %arg8[%add3A_180, %dma_wait3A_181] : memref<10000x64xf32, #tpu.memory_space<vmem_shared>> -> memref<48x64xf32, #tpu.memory_space<vmem_shared>>
    %dma_wait3A_183 = arith.constant 0 : i32
    %dma_wait3A_184 = tpu.memref_slice %arg8[%add3A_180, %dma_wait3A_183] : memref<10000x64xf32, #tpu.memory_space<vmem_shared>> -> memref<48x64xf32, #tpu.memory_space<vmem_shared>>
    tpu.wait_dma2 semaphore(%arg9 : memref<!tpu.dma_semaphore, #tpu.memory_space<semaphore_mem>>) src(%arg7 : memref<48x64xf32, #tpu.memory_space<vmem>>) dst(%dma_wait3A_184 : memref<48x64xf32, #tpu.memory_space<vmem_shared>>)
    %mul3A_185 = arith.constant 624 : i32
    %mul3A_186 = arith.muli %arg1, %mul3A_185 : i32
    %add3A_187 = arith.constant 384 : i32
    %add3A_188 = arith.addi %mul3A_186, %add3A_187 : i32
    %dma_wait3A_189 = arith.constant 0 : i32
    %dma_wait3A_190 = tpu.memref_slice %arg8[%add3A_188, %dma_wait3A_189] : memref<10000x64xf32, #tpu.memory_space<vmem_shared>> -> memref<48x64xf32, #tpu.memory_space<vmem_shared>>
    %dma_wait3A_191 = arith.constant 0 : i32
    %dma_wait3A_192 = tpu.memref_slice %arg8[%add3A_188, %dma_wait3A_191] : memref<10000x64xf32, #tpu.memory_space<vmem_shared>> -> memref<48x64xf32, #tpu.memory_space<vmem_shared>>
    tpu.wait_dma2 semaphore(%arg9 : memref<!tpu.dma_semaphore, #tpu.memory_space<semaphore_mem>>) src(%arg7 : memref<48x64xf32, #tpu.memory_space<vmem>>) dst(%dma_wait3A_192 : memref<48x64xf32, #tpu.memory_space<vmem_shared>>)
    %mul3A_193 = arith.constant 624 : i32
    %mul3A_194 = arith.muli %arg1, %mul3A_193 : i32
    %add3A_195 = arith.constant 432 : i32
    %add3A_196 = arith.addi %mul3A_194, %add3A_195 : i32
    %dma_wait3A_197 = arith.constant 0 : i32
    %dma_wait3A_198 = tpu.memref_slice %arg8[%add3A_196, %dma_wait3A_197] : memref<10000x64xf32, #tpu.memory_space<vmem_shared>> -> memref<48x64xf32, #tpu.memory_space<vmem_shared>>
    %dma_wait3A_199 = arith.constant 0 : i32
    %dma_wait3A_200 = tpu.memref_slice %arg8[%add3A_196, %dma_wait3A_199] : memref<10000x64xf32, #tpu.memory_space<vmem_shared>> -> memref<48x64xf32, #tpu.memory_space<vmem_shared>>
    tpu.wait_dma2 semaphore(%arg9 : memref<!tpu.dma_semaphore, #tpu.memory_space<semaphore_mem>>) src(%arg7 : memref<48x64xf32, #tpu.memory_space<vmem>>) dst(%dma_wait3A_200 : memref<48x64xf32, #tpu.memory_space<vmem_shared>>)
    %mul3A_201 = arith.constant 624 : i32
    %mul3A_202 = arith.muli %arg1, %mul3A_201 : i32
    %add3A_203 = arith.constant 480 : i32
    %add3A_204 = arith.addi %mul3A_202, %add3A_203 : i32
    %dma_wait3A_205 = arith.constant 0 : i32
    %dma_wait3A_206 = tpu.memref_slice %arg8[%add3A_204, %dma_wait3A_205] : memref<10000x64xf32, #tpu.memory_space<vmem_shared>> -> memref<48x64xf32, #tpu.memory_space<vmem_shared>>
    %dma_wait3A_207 = arith.constant 0 : i32
    %dma_wait3A_208 = tpu.memref_slice %arg8[%add3A_204, %dma_wait3A_207] : memref<10000x64xf32, #tpu.memory_space<vmem_shared>> -> memref<48x64xf32, #tpu.memory_space<vmem_shared>>
    tpu.wait_dma2 semaphore(%arg9 : memref<!tpu.dma_semaphore, #tpu.memory_space<semaphore_mem>>) src(%arg7 : memref<48x64xf32, #tpu.memory_space<vmem>>) dst(%dma_wait3A_208 : memref<48x64xf32, #tpu.memory_space<vmem_shared>>)
    %mul3A_209 = arith.constant 624 : i32
    %mul3A_210 = arith.muli %arg1, %mul3A_209 : i32
    %add3A_211 = arith.constant 528 : i32
    %add3A_212 = arith.addi %mul3A_210, %add3A_211 : i32
    %dma_wait3A_213 = arith.constant 0 : i32
    %dma_wait3A_214 = tpu.memref_slice %arg8[%add3A_212, %dma_wait3A_213] : memref<10000x64xf32, #tpu.memory_space<vmem_shared>> -> memref<48x64xf32, #tpu.memory_space<vmem_shared>>
    %dma_wait3A_215 = arith.constant 0 : i32
    %dma_wait3A_216 = tpu.memref_slice %arg8[%add3A_212, %dma_wait3A_215] : memref<10000x64xf32, #tpu.memory_space<vmem_shared>> -> memref<48x64xf32, #tpu.memory_space<vmem_shared>>
    tpu.wait_dma2 semaphore(%arg9 : memref<!tpu.dma_semaphore, #tpu.memory_space<semaphore_mem>>) src(%arg7 : memref<48x64xf32, #tpu.memory_space<vmem>>) dst(%dma_wait3A_216 : memref<48x64xf32, #tpu.memory_space<vmem_shared>>)
    %mul3A_217 = arith.constant 624 : i32
    %mul3A_218 = arith.muli %arg1, %mul3A_217 : i32
    %add3A_219 = arith.constant 576 : i32
    %add3A_220 = arith.addi %mul3A_218, %add3A_219 : i32
    %dma_wait3A_221 = arith.constant 0 : i32
    %dma_wait3A_222 = tpu.memref_slice %arg8[%add3A_220, %dma_wait3A_221] : memref<10000x64xf32, #tpu.memory_space<vmem_shared>> -> memref<48x64xf32, #tpu.memory_space<vmem_shared>>
    %dma_wait3A_223 = arith.constant 0 : i32
    %dma_wait3A_224 = tpu.memref_slice %arg8[%add3A_220, %dma_wait3A_223] : memref<10000x64xf32, #tpu.memory_space<vmem_shared>> -> memref<48x64xf32, #tpu.memory_space<vmem_shared>>
    tpu.wait_dma2 semaphore(%arg9 : memref<!tpu.dma_semaphore, #tpu.memory_space<semaphore_mem>>) src(%arg7 : memref<48x64xf32, #tpu.memory_space<vmem>>) dst(%dma_wait3A_224 : memref<48x64xf32, #tpu.memory_space<vmem_shared>>)
    %eq3A_225 = arith.constant 15 : i32
    %eq3A_226 = arith.cmpi eq, %arg1, %eq3A_225 : i32
    %convert_element_type3A_227 = arith.extui %eq3A_226 : i1 to i32
    %cond3A_228 = arith.constant 0 : i32
    %cond3A_229 = arith.cmpi ne, %convert_element_type3A_227, %cond3A_228 : i32
    scf.if %cond3A_229 {
      %dma_wait3A_349 = arith.constant 0 : i32
      %dma_wait3A_350 = arith.constant 0 : i32
      %dma_wait3A_351 = tpu.memref_slice %arg7[%dma_wait3A_349, %dma_wait3A_350] : memref<48x64xf32, #tpu.memory_space<vmem>> -> memref<16x64xf32, #tpu.memory_space<vmem>>
      %dma_wait3A_352 = arith.constant 9984 : i32
      %dma_wait3A_353 = arith.constant 0 : i32
      %dma_wait3A_354 = tpu.memref_slice %arg8[%dma_wait3A_352, %dma_wait3A_353] : memref<10000x64xf32, #tpu.memory_space<vmem_shared>> -> memref<16x64xf32, #tpu.memory_space<vmem_shared>>
      %dma_wait3A_355 = arith.constant 9984 : i32
      %dma_wait3A_356 = arith.constant 0 : i32
      %dma_wait3A_357 = tpu.memref_slice %arg8[%dma_wait3A_355, %dma_wait3A_356] : memref<10000x64xf32, #tpu.memory_space<vmem_shared>> -> memref<16x64xf32, #tpu.memory_space<vmem_shared>>
      %dma_wait3A_358 = arith.constant 0 : i32
      %dma_wait3A_359 = arith.constant 0 : i32
      %dma_wait3A_360 = tpu.memref_slice %arg7[%dma_wait3A_358, %dma_wait3A_359] : memref<48x64xf32, #tpu.memory_space<vmem>> -> memref<16x64xf32, #tpu.memory_space<vmem>>
      tpu.wait_dma2 semaphore(%arg9 : memref<!tpu.dma_semaphore, #tpu.memory_space<semaphore_mem>>) src(%dma_wait3A_360 : memref<16x64xf32, #tpu.memory_space<vmem>>) dst(%dma_wait3A_357 : memref<16x64xf32, #tpu.memory_space<vmem_shared>>)
    } else {
    }
    %barrier3A = arith.constant 0 : index
    tpu.barrier barrier_id(%barrier3A)
    %dma_start3A_230 = arith.constant 0 : i32
    %dma_start3A_231 = arith.constant 0 : i32
    %dma_start3A_232 = arith.constant 0 : i32
    %dma_start3A_233 = arith.constant 0 : i32
    %dma_start3A_234 = arith.constant 0 : i32
    %dma_start3A_235 = tpu.memref_slice %arg6[%dma_start3A_232, %dma_start3A_233, %dma_start3A_234] : memref<8x128x64xf32, #tpu.memory_space<vmem>> -> memref<1x128x64xf32, #tpu.memory_space<vmem>>
    %dma_start3A_236 = tpu.memref_squeeze %dma_start3A_235 : memref<1x128x64xf32, #tpu.memory_space<vmem>> -> memref<128x64xf32, #tpu.memory_space<vmem>>
    %dma_start3A_237 = arith.constant 0 : i32
    %dma_start3A_238 = tpu.memref_slice %arg5[%dma_start3A_230, %dma_start3A_231, %dma_start3A_237] : memref<79x2x128xi32, #tpu.memory_space<vmem>> -> memref<1x1x128xi32, #tpu.memory_space<vmem>>
    %dma_start3A_239 = tpu.memref_squeeze %dma_start3A_238 : memref<1x1x128xi32, #tpu.memory_space<vmem>> -> memref<128xi32, #tpu.memory_space<vmem>>
    %dma_start3A_240 = arith.constant 0 : i32
    %dma_start3A_241 = arith.constant 0 : i32
    %dma_start3A_242 = tpu.memref_slice %arg2[%dma_start3A_240, %dma_start3A_241] : memref<10000x64xf32, #tpu.memory_space<hbm>> -> memref<10000x64xf32, #tpu.memory_space<hbm>>
    tpu.enqueue_indirect_dma source(%dma_start3A_242 : memref<10000x64xf32, #tpu.memory_space<hbm>>) target(%dma_start3A_236 : memref<128x64xf32, #tpu.memory_space<vmem>>) offsets(%dma_start3A_239 : memref<128xi32, #tpu.memory_space<vmem>>) semaphore(%arg9 : memref<!tpu.dma_semaphore, #tpu.memory_space<semaphore_mem>>)
    %dma_start3A_243 = arith.constant 1 : i32
    %dma_start3A_244 = arith.constant 0 : i32
    %dma_start3A_245 = arith.constant 1 : i32
    %dma_start3A_246 = arith.constant 0 : i32
    %dma_start3A_247 = arith.constant 0 : i32
    %dma_start3A_248 = tpu.memref_slice %arg6[%dma_start3A_245, %dma_start3A_246, %dma_start3A_247] : memref<8x128x64xf32, #tpu.memory_space<vmem>> -> memref<1x128x64xf32, #tpu.memory_space<vmem>>
    %dma_start3A_249 = tpu.memref_squeeze %dma_start3A_248 : memref<1x128x64xf32, #tpu.memory_space<vmem>> -> memref<128x64xf32, #tpu.memory_space<vmem>>
    %dma_start3A_250 = arith.constant 0 : i32
    %dma_start3A_251 = tpu.memref_slice %arg5[%dma_start3A_243, %dma_start3A_244, %dma_start3A_250] : memref<79x2x128xi32, #tpu.memory_space<vmem>> -> memref<1x1x128xi32, #tpu.memory_space<vmem>>
    %dma_start3A_252 = tpu.memref_squeeze %dma_start3A_251 : memref<1x1x128xi32, #tpu.memory_space<vmem>> -> memref<128xi32, #tpu.memory_space<vmem>>
    %dma_start3A_253 = arith.constant 0 : i32
    %dma_start3A_254 = arith.constant 0 : i32
    %dma_start3A_255 = tpu.memref_slice %arg2[%dma_start3A_253, %dma_start3A_254] : memref<10000x64xf32, #tpu.memory_space<hbm>> -> memref<10000x64xf32, #tpu.memory_space<hbm>>
    tpu.enqueue_indirect_dma source(%dma_start3A_255 : memref<10000x64xf32, #tpu.memory_space<hbm>>) target(%dma_start3A_249 : memref<128x64xf32, #tpu.memory_space<vmem>>) offsets(%dma_start3A_252 : memref<128xi32, #tpu.memory_space<vmem>>) semaphore(%arg9 : memref<!tpu.dma_semaphore, #tpu.memory_space<semaphore_mem>>)
    %dma_start3A_256 = arith.constant 2 : i32
    %dma_start3A_257 = arith.constant 0 : i32
    %dma_start3A_258 = arith.constant 2 : i32
    %dma_start3A_259 = arith.constant 0 : i32
    %dma_start3A_260 = arith.constant 0 : i32
    %dma_start3A_261 = tpu.memref_slice %arg6[%dma_start3A_258, %dma_start3A_259, %dma_start3A_260] : memref<8x128x64xf32, #tpu.memory_space<vmem>> -> memref<1x128x64xf32, #tpu.memory_space<vmem>>
    %dma_start3A_262 = tpu.memref_squeeze %dma_start3A_261 : memref<1x128x64xf32, #tpu.memory_space<vmem>> -> memref<128x64xf32, #tpu.memory_space<vmem>>
    %dma_start3A_263 = arith.constant 0 : i32
    %dma_start3A_264 = tpu.memref_slice %arg5[%dma_start3A_256, %dma_start3A_257, %dma_start3A_263] : memref<79x2x128xi32, #tpu.memory_space<vmem>> -> memref<1x1x128xi32, #tpu.memory_space<vmem>>
    %dma_start3A_265 = tpu.memref_squeeze %dma_start3A_264 : memref<1x1x128xi32, #tpu.memory_space<vmem>> -> memref<128xi32, #tpu.memory_space<vmem>>
    %dma_start3A_266 = arith.constant 0 : i32
    %dma_start3A_267 = arith.constant 0 : i32
    %dma_start3A_268 = tpu.memref_slice %arg2[%dma_start3A_266, %dma_start3A_267] : memref<10000x64xf32, #tpu.memory_space<hbm>> -> memref<10000x64xf32, #tpu.memory_space<hbm>>
    tpu.enqueue_indirect_dma source(%dma_start3A_268 : memref<10000x64xf32, #tpu.memory_space<hbm>>) target(%dma_start3A_262 : memref<128x64xf32, #tpu.memory_space<vmem>>) offsets(%dma_start3A_265 : memref<128xi32, #tpu.memory_space<vmem>>) semaphore(%arg9 : memref<!tpu.dma_semaphore, #tpu.memory_space<semaphore_mem>>)
    %dma_start3A_269 = arith.constant 3 : i32
    %dma_start3A_270 = arith.constant 0 : i32
    %dma_start3A_271 = arith.constant 3 : i32
    %dma_start3A_272 = arith.constant 0 : i32
    %dma_start3A_273 = arith.constant 0 : i32
    %dma_start3A_274 = tpu.memref_slice %arg6[%dma_start3A_271, %dma_start3A_272, %dma_start3A_273] : memref<8x128x64xf32, #tpu.memory_space<vmem>> -> memref<1x128x64xf32, #tpu.memory_space<vmem>>
    %dma_start3A_275 = tpu.memref_squeeze %dma_start3A_274 : memref<1x128x64xf32, #tpu.memory_space<vmem>> -> memref<128x64xf32, #tpu.memory_space<vmem>>
    %dma_start3A_276 = arith.constant 0 : i32
    %dma_start3A_277 = tpu.memref_slice %arg5[%dma_start3A_269, %dma_start3A_270, %dma_start3A_276] : memref<79x2x128xi32, #tpu.memory_space<vmem>> -> memref<1x1x128xi32, #tpu.memory_space<vmem>>
    %dma_start3A_278 = tpu.memref_squeeze %dma_start3A_277 : memref<1x1x128xi32, #tpu.memory_space<vmem>> -> memref<128xi32, #tpu.memory_space<vmem>>
    %dma_start3A_279 = arith.constant 0 : i32
    %dma_start3A_280 = arith.constant 0 : i32
    %dma_start3A_281 = tpu.memref_slice %arg2[%dma_start3A_279, %dma_start3A_280] : memref<10000x64xf32, #tpu.memory_space<hbm>> -> memref<10000x64xf32, #tpu.memory_space<hbm>>
    tpu.enqueue_indirect_dma source(%dma_start3A_281 : memref<10000x64xf32, #tpu.memory_space<hbm>>) target(%dma_start3A_275 : memref<128x64xf32, #tpu.memory_space<vmem>>) offsets(%dma_start3A_278 : memref<128xi32, #tpu.memory_space<vmem>>) semaphore(%arg9 : memref<!tpu.dma_semaphore, #tpu.memory_space<semaphore_mem>>)
    %dma_start3A_282 = arith.constant 4 : i32
    %dma_start3A_283 = arith.constant 0 : i32
    %dma_start3A_284 = arith.constant 4 : i32
    %dma_start3A_285 = arith.constant 0 : i32
    %dma_start3A_286 = arith.constant 0 : i32
    %dma_start3A_287 = tpu.memref_slice %arg6[%dma_start3A_284, %dma_start3A_285, %dma_start3A_286] : memref<8x128x64xf32, #tpu.memory_space<vmem>> -> memref<1x128x64xf32, #tpu.memory_space<vmem>>
    %dma_start3A_288 = tpu.memref_squeeze %dma_start3A_287 : memref<1x128x64xf32, #tpu.memory_space<vmem>> -> memref<128x64xf32, #tpu.memory_space<vmem>>
    %dma_start3A_289 = arith.constant 0 : i32
    %dma_start3A_290 = tpu.memref_slice %arg5[%dma_start3A_282, %dma_start3A_283, %dma_start3A_289] : memref<79x2x128xi32, #tpu.memory_space<vmem>> -> memref<1x1x128xi32, #tpu.memory_space<vmem>>
    %dma_start3A_291 = tpu.memref_squeeze %dma_start3A_290 : memref<1x1x128xi32, #tpu.memory_space<vmem>> -> memref<128xi32, #tpu.memory_space<vmem>>
    %dma_start3A_292 = arith.constant 0 : i32
    %dma_start3A_293 = arith.constant 0 : i32
    %dma_start3A_294 = tpu.memref_slice %arg2[%dma_start3A_292, %dma_start3A_293] : memref<10000x64xf32, #tpu.memory_space<hbm>> -> memref<10000x64xf32, #tpu.memory_space<hbm>>
    tpu.enqueue_indirect_dma source(%dma_start3A_294 : memref<10000x64xf32, #tpu.memory_space<hbm>>) target(%dma_start3A_288 : memref<128x64xf32, #tpu.memory_space<vmem>>) offsets(%dma_start3A_291 : memref<128xi32, #tpu.memory_space<vmem>>) semaphore(%arg9 : memref<!tpu.dma_semaphore, #tpu.memory_space<semaphore_mem>>)
    %dma_start3A_295 = arith.constant 5 : i32
    %dma_start3A_296 = arith.constant 0 : i32
    %dma_start3A_297 = arith.constant 5 : i32
    %dma_start3A_298 = arith.constant 0 : i32
    %dma_start3A_299 = arith.constant 0 : i32
    %dma_start3A_300 = tpu.memref_slice %arg6[%dma_start3A_297, %dma_start3A_298, %dma_start3A_299] : memref<8x128x64xf32, #tpu.memory_space<vmem>> -> memref<1x128x64xf32, #tpu.memory_space<vmem>>
    %dma_start3A_301 = tpu.memref_squeeze %dma_start3A_300 : memref<1x128x64xf32, #tpu.memory_space<vmem>> -> memref<128x64xf32, #tpu.memory_space<vmem>>
    %dma_start3A_302 = arith.constant 0 : i32
    %dma_start3A_303 = tpu.memref_slice %arg5[%dma_start3A_295, %dma_start3A_296, %dma_start3A_302] : memref<79x2x128xi32, #tpu.memory_space<vmem>> -> memref<1x1x128xi32, #tpu.memory_space<vmem>>
    %dma_start3A_304 = tpu.memref_squeeze %dma_start3A_303 : memref<1x1x128xi32, #tpu.memory_space<vmem>> -> memref<128xi32, #tpu.memory_space<vmem>>
    %dma_start3A_305 = arith.constant 0 : i32
    %dma_start3A_306 = arith.constant 0 : i32
    %dma_start3A_307 = tpu.memref_slice %arg2[%dma_start3A_305, %dma_start3A_306] : memref<10000x64xf32, #tpu.memory_space<hbm>> -> memref<10000x64xf32, #tpu.memory_space<hbm>>
    tpu.enqueue_indirect_dma source(%dma_start3A_307 : memref<10000x64xf32, #tpu.memory_space<hbm>>) target(%dma_start3A_301 : memref<128x64xf32, #tpu.memory_space<vmem>>) offsets(%dma_start3A_304 : memref<128xi32, #tpu.memory_space<vmem>>) semaphore(%arg9 : memref<!tpu.dma_semaphore, #tpu.memory_space<semaphore_mem>>)
    %dma_start3A_308 = arith.constant 6 : i32
    %dma_start3A_309 = arith.constant 0 : i32
    %dma_start3A_310 = arith.constant 6 : i32
    %dma_start3A_311 = arith.constant 0 : i32
    %dma_start3A_312 = arith.constant 0 : i32
    %dma_start3A_313 = tpu.memref_slice %arg6[%dma_start3A_310, %dma_start3A_311, %dma_start3A_312] : memref<8x128x64xf32, #tpu.memory_space<vmem>> -> memref<1x128x64xf32, #tpu.memory_space<vmem>>
    %dma_start3A_314 = tpu.memref_squeeze %dma_start3A_313 : memref<1x128x64xf32, #tpu.memory_space<vmem>> -> memref<128x64xf32, #tpu.memory_space<vmem>>
    %dma_start3A_315 = arith.constant 0 : i32
    %dma_start3A_316 = tpu.memref_slice %arg5[%dma_start3A_308, %dma_start3A_309, %dma_start3A_315] : memref<79x2x128xi32, #tpu.memory_space<vmem>> -> memref<1x1x128xi32, #tpu.memory_space<vmem>>
    %dma_start3A_317 = tpu.memref_squeeze %dma_start3A_316 : memref<1x1x128xi32, #tpu.memory_space<vmem>> -> memref<128xi32, #tpu.memory_space<vmem>>
    %dma_start3A_318 = arith.constant 0 : i32
    %dma_start3A_319 = arith.constant 0 : i32
    %dma_start3A_320 = tpu.memref_slice %arg2[%dma_start3A_318, %dma_start3A_319] : memref<10000x64xf32, #tpu.memory_space<hbm>> -> memref<10000x64xf32, #tpu.memory_space<hbm>>
    tpu.enqueue_indirect_dma source(%dma_start3A_320 : memref<10000x64xf32, #tpu.memory_space<hbm>>) target(%dma_start3A_314 : memref<128x64xf32, #tpu.memory_space<vmem>>) offsets(%dma_start3A_317 : memref<128xi32, #tpu.memory_space<vmem>>) semaphore(%arg9 : memref<!tpu.dma_semaphore, #tpu.memory_space<semaphore_mem>>)
    %dma_start3A_321 = arith.constant 7 : i32
    %dma_start3A_322 = arith.constant 0 : i32
    %dma_start3A_323 = arith.constant 7 : i32
    %dma_start3A_324 = arith.constant 0 : i32
    %dma_start3A_325 = arith.constant 0 : i32
    %dma_start3A_326 = tpu.memref_slice %arg6[%dma_start3A_323, %dma_start3A_324, %dma_start3A_325] : memref<8x128x64xf32, #tpu.memory_space<vmem>> -> memref<1x128x64xf32, #tpu.memory_space<vmem>>
    %dma_start3A_327 = tpu.memref_squeeze %dma_start3A_326 : memref<1x128x64xf32, #tpu.memory_space<vmem>> -> memref<128x64xf32, #tpu.memory_space<vmem>>
    %dma_start3A_328 = arith.constant 0 : i32
    %dma_start3A_329 = tpu.memref_slice %arg5[%dma_start3A_321, %dma_start3A_322, %dma_start3A_328] : memref<79x2x128xi32, #tpu.memory_space<vmem>> -> memref<1x1x128xi32, #tpu.memory_space<vmem>>
    %dma_start3A_330 = tpu.memref_squeeze %dma_start3A_329 : memref<1x1x128xi32, #tpu.memory_space<vmem>> -> memref<128xi32, #tpu.memory_space<vmem>>
    %dma_start3A_331 = arith.constant 0 : i32
    %dma_start3A_332 = arith.constant 0 : i32
    %dma_start3A_333 = tpu.memref_slice %arg2[%dma_start3A_331, %dma_start3A_332] : memref<10000x64xf32, #tpu.memory_space<hbm>> -> memref<10000x64xf32, #tpu.memory_space<hbm>>
    tpu.enqueue_indirect_dma source(%dma_start3A_333 : memref<10000x64xf32, #tpu.memory_space<hbm>>) target(%dma_start3A_327 : memref<128x64xf32, #tpu.memory_space<vmem>>) offsets(%dma_start3A_330 : memref<128xi32, #tpu.memory_space<vmem>>) semaphore(%arg9 : memref<!tpu.dma_semaphore, #tpu.memory_space<semaphore_mem>>)
    %scan3A_334 = arith.constant 0 : i32
    %scan3A_335 = arith.constant 10 : i32
    %scan3A_336 = arith.addi %scan3A_334, %scan3A_335 : i32
    %scan3A_337 = arith.constant 1 : i32
    scf.for %scan3A_349 = %scan3A_334 to %scan3A_336 step %scan3A_337  : i32 {
      %mul3A_350 = arith.constant 8 : i32
      %mul3A_351 = arith.muli %scan3A_349, %mul3A_350 : i32
      %add3A_352 = arith.constant 0 : i32
      %add3A_353 = arith.addi %add3A_352, %mul3A_351 : i32
      %add3A_354 = arith.constant 0 : i32
      %add3A_355 = arith.addi %add3A_353, %add3A_354 : i32
      %lt3A_356 = arith.cmpi slt, %add3A_355, %add3A_4 : i32
      %convert_element_type3A_357 = arith.extui %lt3A_356 : i1 to i32
      %cond3A_358 = arith.constant 0 : i32
      %cond3A_359 = arith.cmpi ne, %convert_element_type3A_357, %cond3A_358 : i32
      scf.if %cond3A_359 {
        %dma_wait3A_402 = arith.constant 0 : i32
        %dma_wait3A_403 = arith.constant 0 : i32
        %dma_wait3A_404 = arith.constant 0 : i32
        %dma_wait3A_405 = arith.constant 0 : i32
        %dma_wait3A_406 = tpu.memref_slice %arg6[%dma_wait3A_403, %dma_wait3A_404, %dma_wait3A_405] : memref<8x128x64xf32, #tpu.memory_space<vmem>> -> memref<1x128x64xf32, #tpu.memory_space<vmem>>
        %dma_wait3A_407 = tpu.memref_squeeze %dma_wait3A_406 : memref<1x128x64xf32, #tpu.memory_space<vmem>> -> memref<128x64xf32, #tpu.memory_space<vmem>>
        %dma_wait3A_408 = arith.constant 0 : i32
        %dma_wait3A_409 = tpu.memref_slice %arg5[%add3A_355, %dma_wait3A_402, %dma_wait3A_408] : memref<79x2x128xi32, #tpu.memory_space<vmem>> -> memref<1x1x128xi32, #tpu.memory_space<vmem>>
        %dma_wait3A_410 = tpu.memref_squeeze %dma_wait3A_409 : memref<1x1x128xi32, #tpu.memory_space<vmem>> -> memref<128xi32, #tpu.memory_space<vmem>>
        %dma_wait3A_411 = arith.constant 0 : i32
        %dma_wait3A_412 = arith.constant 0 : i32
        %dma_wait3A_413 = tpu.memref_slice %arg2[%dma_wait3A_411, %dma_wait3A_412] : memref<10000x64xf32, #tpu.memory_space<hbm>> -> memref<10000x64xf32, #tpu.memory_space<hbm>>
        tpu.wait_indirect_dma semaphore(%arg9 : memref<!tpu.dma_semaphore, #tpu.memory_space<semaphore_mem>>) src(%dma_wait3A_413 : memref<10000x64xf32, #tpu.memory_space<hbm>>) dst(%dma_wait3A_407 : memref<128x64xf32, #tpu.memory_space<vmem>>)
        %run_scoped3A = arith.constant 0 : i32
        %run_scoped3A_414 = arith.constant 1 : i32
        "tpu.region"() ({
          %run_scoped3A_421 = tpu.sem_alloc : memref<!tpu.dma_semaphore, #tpu.memory_space<semaphore_mem>>
          %dma_start3A_422 = arith.constant 0 : i32
          %dma_start3A_423 = arith.constant 0 : i32
          %dma_start3A_424 = tpu.memref_slice %arg6[%run_scoped3A, %dma_start3A_422, %dma_start3A_423] : memref<8x128x64xf32, #tpu.memory_space<vmem>> -> memref<1x128x64xf32, #tpu.memory_space<vmem>>
          %dma_start3A_425 = tpu.memref_squeeze %dma_start3A_424 : memref<1x128x64xf32, #tpu.memory_space<vmem>> -> memref<128x64xf32, #tpu.memory_space<vmem>>
          %dma_start3A_426 = arith.constant 0 : i32
          %dma_start3A_427 = tpu.memref_slice %arg5[%add3A_355, %run_scoped3A_414, %dma_start3A_426] : memref<79x2x128xi32, #tpu.memory_space<vmem>> -> memref<1x1x128xi32, #tpu.memory_space<vmem>>
          %dma_start3A_428 = tpu.memref_squeeze %dma_start3A_427 : memref<1x1x128xi32, #tpu.memory_space<vmem>> -> memref<128xi32, #tpu.memory_space<vmem>>
          %dma_start3A_429 = arith.constant 0 : i32
          %dma_start3A_430 = arith.constant 0 : i32
          %dma_start3A_431 = tpu.memref_slice %arg8[%dma_start3A_429, %dma_start3A_430] : memref<10000x64xf32, #tpu.memory_space<vmem_shared>> -> memref<10000x64xf32, #tpu.memory_space<vmem_shared>>
          tpu.enqueue_indirect_dma source(%dma_start3A_425 : memref<128x64xf32, #tpu.memory_space<vmem>>) target(%dma_start3A_431 : memref<10000x64xf32, #tpu.memory_space<vmem_shared>>) offsets(%dma_start3A_428 : memref<128xi32, #tpu.memory_space<vmem>>) semaphore(%run_scoped3A_421 : memref<!tpu.dma_semaphore, #tpu.memory_space<semaphore_mem>>) {add = true}
          %dma_wait3A_432 = arith.constant 0 : i32
          %dma_wait3A_433 = arith.constant 0 : i32
          %dma_wait3A_434 = tpu.memref_slice %arg6[%run_scoped3A, %dma_wait3A_432, %dma_wait3A_433] : memref<8x128x64xf32, #tpu.memory_space<vmem>> -> memref<1x128x64xf32, #tpu.memory_space<vmem>>
          %dma_wait3A_435 = tpu.memref_squeeze %dma_wait3A_434 : memref<1x128x64xf32, #tpu.memory_space<vmem>> -> memref<128x64xf32, #tpu.memory_space<vmem>>
          %dma_wait3A_436 = arith.constant 0 : i32
          %dma_wait3A_437 = tpu.memref_slice %arg5[%add3A_355, %run_scoped3A_414, %dma_wait3A_436] : memref<79x2x128xi32, #tpu.memory_space<vmem>> -> memref<1x1x128xi32, #tpu.memory_space<vmem>>
          %dma_wait3A_438 = tpu.memref_squeeze %dma_wait3A_437 : memref<1x1x128xi32, #tpu.memory_space<vmem>> -> memref<128xi32, #tpu.memory_space<vmem>>
          %dma_wait3A_439 = arith.constant 0 : i32
          %dma_wait3A_440 = arith.constant 0 : i32
          %dma_wait3A_441 = tpu.memref_slice %arg8[%dma_wait3A_439, %dma_wait3A_440] : memref<10000x64xf32, #tpu.memory_space<vmem_shared>> -> memref<10000x64xf32, #tpu.memory_space<vmem_shared>>
          tpu.wait_indirect_dma semaphore(%run_scoped3A_421 : memref<!tpu.dma_semaphore, #tpu.memory_space<semaphore_mem>>) src(%dma_wait3A_435 : memref<128x64xf32, #tpu.memory_space<vmem>>) dst(%dma_wait3A_441 : memref<10000x64xf32, #tpu.memory_space<vmem_shared>>)
          tpu.yield
        }) : () -> ()
        %add3A_415 = arith.constant 8 : i32
        %add3A_416 = arith.addi %add3A_355, %add3A_415 : i32
        %lt3A_417 = arith.cmpi slt, %add3A_416, %add3A_4 : i32
        %convert_element_type3A_418 = arith.extui %lt3A_417 : i1 to i32
        %cond3A_419 = arith.constant 0 : i32
        %cond3A_420 = arith.cmpi ne, %convert_element_type3A_418, %cond3A_419 : i32
        scf.if %cond3A_420 {
          %add3A_421 = arith.constant 8 : i32
          %add3A_422 = arith.addi %add3A_355, %add3A_421 : i32
          %dma_start3A_423 = arith.constant 0 : i32
          %dma_start3A_424 = arith.constant 0 : i32
          %dma_start3A_425 = arith.constant 0 : i32
          %dma_start3A_426 = arith.constant 0 : i32
          %dma_start3A_427 = tpu.memref_slice %arg6[%dma_start3A_424, %dma_start3A_425, %dma_start3A_426] : memref<8x128x64xf32, #tpu.memory_space<vmem>> -> memref<1x128x64xf32, #tpu.memory_space<vmem>>
          %dma_start3A_428 = tpu.memref_squeeze %dma_start3A_427 : memref<1x128x64xf32, #tpu.memory_space<vmem>> -> memref<128x64xf32, #tpu.memory_space<vmem>>
          %dma_start3A_429 = arith.constant 0 : i32
          %dma_start3A_430 = tpu.memref_slice %arg5[%add3A_422, %dma_start3A_423, %dma_start3A_429] : memref<79x2x128xi32, #tpu.memory_space<vmem>> -> memref<1x1x128xi32, #tpu.memory_space<vmem>>
          %dma_start3A_431 = tpu.memref_squeeze %dma_start3A_430 : memref<1x1x128xi32, #tpu.memory_space<vmem>> -> memref<128xi32, #tpu.memory_space<vmem>>
          %dma_start3A_432 = arith.constant 0 : i32
          %dma_start3A_433 = arith.constant 0 : i32
          %dma_start3A_434 = tpu.memref_slice %arg2[%dma_start3A_432, %dma_start3A_433] : memref<10000x64xf32, #tpu.memory_space<hbm>> -> memref<10000x64xf32, #tpu.memory_space<hbm>>
          tpu.enqueue_indirect_dma source(%dma_start3A_434 : memref<10000x64xf32, #tpu.memory_space<hbm>>) target(%dma_start3A_428 : memref<128x64xf32, #tpu.memory_space<vmem>>) offsets(%dma_start3A_431 : memref<128xi32, #tpu.memory_space<vmem>>) semaphore(%arg9 : memref<!tpu.dma_semaphore, #tpu.memory_space<semaphore_mem>>)
        } else {
        }
      } else {
      }
      %add3A_360 = arith.constant 1 : i32
      %add3A_361 = arith.addi %add3A_353, %add3A_360 : i32
      %lt3A_362 = arith.cmpi slt, %add3A_361, %add3A_4 : i32
      %convert_element_type3A_363 = arith.extui %lt3A_362 : i1 to i32
      %cond3A_364 = arith.constant 0 : i32
      %cond3A_365 = arith.cmpi ne, %convert_element_type3A_363, %cond3A_364 : i32
      scf.if %cond3A_365 {
        %dma_wait3A_402 = arith.constant 0 : i32
        %dma_wait3A_403 = arith.constant 1 : i32
        %dma_wait3A_404 = arith.constant 0 : i32
        %dma_wait3A_405 = arith.constant 0 : i32
        %dma_wait3A_406 = tpu.memref_slice %arg6[%dma_wait3A_403, %dma_wait3A_404, %dma_wait3A_405] : memref<8x128x64xf32, #tpu.memory_space<vmem>> -> memref<1x128x64xf32, #tpu.memory_space<vmem>>
        %dma_wait3A_407 = tpu.memref_squeeze %dma_wait3A_406 : memref<1x128x64xf32, #tpu.memory_space<vmem>> -> memref<128x64xf32, #tpu.memory_space<vmem>>
        %dma_wait3A_408 = arith.constant 0 : i32
        %dma_wait3A_409 = tpu.memref_slice %arg5[%add3A_361, %dma_wait3A_402, %dma_wait3A_408] : memref<79x2x128xi32, #tpu.memory_space<vmem>> -> memref<1x1x128xi32, #tpu.memory_space<vmem>>
        %dma_wait3A_410 = tpu.memref_squeeze %dma_wait3A_409 : memref<1x1x128xi32, #tpu.memory_space<vmem>> -> memref<128xi32, #tpu.memory_space<vmem>>
        %dma_wait3A_411 = arith.constant 0 : i32
        %dma_wait3A_412 = arith.constant 0 : i32
        %dma_wait3A_413 = tpu.memref_slice %arg2[%dma_wait3A_411, %dma_wait3A_412] : memref<10000x64xf32, #tpu.memory_space<hbm>> -> memref<10000x64xf32, #tpu.memory_space<hbm>>
        tpu.wait_indirect_dma semaphore(%arg9 : memref<!tpu.dma_semaphore, #tpu.memory_space<semaphore_mem>>) src(%dma_wait3A_413 : memref<10000x64xf32, #tpu.memory_space<hbm>>) dst(%dma_wait3A_407 : memref<128x64xf32, #tpu.memory_space<vmem>>)
        %run_scoped3A = arith.constant 1 : i32
        %run_scoped3A_414 = arith.constant 1 : i32
        "tpu.region"() ({
          %run_scoped3A_421 = tpu.sem_alloc : memref<!tpu.dma_semaphore, #tpu.memory_space<semaphore_mem>>
          %dma_start3A_422 = arith.constant 0 : i32
          %dma_start3A_423 = arith.constant 0 : i32
          %dma_start3A_424 = tpu.memref_slice %arg6[%run_scoped3A, %dma_start3A_422, %dma_start3A_423] : memref<8x128x64xf32, #tpu.memory_space<vmem>> -> memref<1x128x64xf32, #tpu.memory_space<vmem>>
          %dma_start3A_425 = tpu.memref_squeeze %dma_start3A_424 : memref<1x128x64xf32, #tpu.memory_space<vmem>> -> memref<128x64xf32, #tpu.memory_space<vmem>>
          %dma_start3A_426 = arith.constant 0 : i32
          %dma_start3A_427 = tpu.memref_slice %arg5[%add3A_361, %run_scoped3A_414, %dma_start3A_426] : memref<79x2x128xi32, #tpu.memory_space<vmem>> -> memref<1x1x128xi32, #tpu.memory_space<vmem>>
          %dma_start3A_428 = tpu.memref_squeeze %dma_start3A_427 : memref<1x1x128xi32, #tpu.memory_space<vmem>> -> memref<128xi32, #tpu.memory_space<vmem>>
          %dma_start3A_429 = arith.constant 0 : i32
          %dma_start3A_430 = arith.constant 0 : i32
          %dma_start3A_431 = tpu.memref_slice %arg8[%dma_start3A_429, %dma_start3A_430] : memref<10000x64xf32, #tpu.memory_space<vmem_shared>> -> memref<10000x64xf32, #tpu.memory_space<vmem_shared>>
          tpu.enqueue_indirect_dma source(%dma_start3A_425 : memref<128x64xf32, #tpu.memory_space<vmem>>) target(%dma_start3A_431 : memref<10000x64xf32, #tpu.memory_space<vmem_shared>>) offsets(%dma_start3A_428 : memref<128xi32, #tpu.memory_space<vmem>>) semaphore(%run_scoped3A_421 : memref<!tpu.dma_semaphore, #tpu.memory_space<semaphore_mem>>) {add = true}
          %dma_wait3A_432 = arith.constant 0 : i32
          %dma_wait3A_433 = arith.constant 0 : i32
          %dma_wait3A_434 = tpu.memref_slice %arg6[%run_scoped3A, %dma_wait3A_432, %dma_wait3A_433] : memref<8x128x64xf32, #tpu.memory_space<vmem>> -> memref<1x128x64xf32, #tpu.memory_space<vmem>>
          %dma_wait3A_435 = tpu.memref_squeeze %dma_wait3A_434 : memref<1x128x64xf32, #tpu.memory_space<vmem>> -> memref<128x64xf32, #tpu.memory_space<vmem>>
          %dma_wait3A_436 = arith.constant 0 : i32
          %dma_wait3A_437 = tpu.memref_slice %arg5[%add3A_361, %run_scoped3A_414, %dma_wait3A_436] : memref<79x2x128xi32, #tpu.memory_space<vmem>> -> memref<1x1x128xi32, #tpu.memory_space<vmem>>
          %dma_wait3A_438 = tpu.memref_squeeze %dma_wait3A_437 : memref<1x1x128xi32, #tpu.memory_space<vmem>> -> memref<128xi32, #tpu.memory_space<vmem>>
          %dma_wait3A_439 = arith.constant 0 : i32
          %dma_wait3A_440 = arith.constant 0 : i32
          %dma_wait3A_441 = tpu.memref_slice %arg8[%dma_wait3A_439, %dma_wait3A_440] : memref<10000x64xf32, #tpu.memory_space<vmem_shared>> -> memref<10000x64xf32, #tpu.memory_space<vmem_shared>>
          tpu.wait_indirect_dma semaphore(%run_scoped3A_421 : memref<!tpu.dma_semaphore, #tpu.memory_space<semaphore_mem>>) src(%dma_wait3A_435 : memref<128x64xf32, #tpu.memory_space<vmem>>) dst(%dma_wait3A_441 : memref<10000x64xf32, #tpu.memory_space<vmem_shared>>)
          tpu.yield
        }) : () -> ()
        %add3A_415 = arith.constant 8 : i32
        %add3A_416 = arith.addi %add3A_361, %add3A_415 : i32
        %lt3A_417 = arith.cmpi slt, %add3A_416, %add3A_4 : i32
        %convert_element_type3A_418 = arith.extui %lt3A_417 : i1 to i32
        %cond3A_419 = arith.constant 0 : i32
        %cond3A_420 = arith.cmpi ne, %convert_element_type3A_418, %cond3A_419 : i32
        scf.if %cond3A_420 {
          %add3A_421 = arith.constant 8 : i32
          %add3A_422 = arith.addi %add3A_361, %add3A_421 : i32
          %dma_start3A_423 = arith.constant 0 : i32
          %dma_start3A_424 = arith.constant 1 : i32
          %dma_start3A_425 = arith.constant 0 : i32
          %dma_start3A_426 = arith.constant 0 : i32
          %dma_start3A_427 = tpu.memref_slice %arg6[%dma_start3A_424, %dma_start3A_425, %dma_start3A_426] : memref<8x128x64xf32, #tpu.memory_space<vmem>> -> memref<1x128x64xf32, #tpu.memory_space<vmem>>
          %dma_start3A_428 = tpu.memref_squeeze %dma_start3A_427 : memref<1x128x64xf32, #tpu.memory_space<vmem>> -> memref<128x64xf32, #tpu.memory_space<vmem>>
          %dma_start3A_429 = arith.constant 0 : i32
          %dma_start3A_430 = tpu.memref_slice %arg5[%add3A_422, %dma_start3A_423, %dma_start3A_429] : memref<79x2x128xi32, #tpu.memory_space<vmem>> -> memref<1x1x128xi32, #tpu.memory_space<vmem>>
          %dma_start3A_431 = tpu.memref_squeeze %dma_start3A_430 : memref<1x1x128xi32, #tpu.memory_space<vmem>> -> memref<128xi32, #tpu.memory_space<vmem>>
          %dma_start3A_432 = arith.constant 0 : i32
          %dma_start3A_433 = arith.constant 0 : i32
          %dma_start3A_434 = tpu.memref_slice %arg2[%dma_start3A_432, %dma_start3A_433] : memref<10000x64xf32, #tpu.memory_space<hbm>> -> memref<10000x64xf32, #tpu.memory_space<hbm>>
          tpu.enqueue_indirect_dma source(%dma_start3A_434 : memref<10000x64xf32, #tpu.memory_space<hbm>>) target(%dma_start3A_428 : memref<128x64xf32, #tpu.memory_space<vmem>>) offsets(%dma_start3A_431 : memref<128xi32, #tpu.memory_space<vmem>>) semaphore(%arg9 : memref<!tpu.dma_semaphore, #tpu.memory_space<semaphore_mem>>)
        } else {
        }
      } else {
      }
      %add3A_366 = arith.constant 2 : i32
      %add3A_367 = arith.addi %add3A_353, %add3A_366 : i32
      %lt3A_368 = arith.cmpi slt, %add3A_367, %add3A_4 : i32
      %convert_element_type3A_369 = arith.extui %lt3A_368 : i1 to i32
      %cond3A_370 = arith.constant 0 : i32
      %cond3A_371 = arith.cmpi ne, %convert_element_type3A_369, %cond3A_370 : i32
      scf.if %cond3A_371 {
        %dma_wait3A_402 = arith.constant 0 : i32
        %dma_wait3A_403 = arith.constant 2 : i32
        %dma_wait3A_404 = arith.constant 0 : i32
        %dma_wait3A_405 = arith.constant 0 : i32
        %dma_wait3A_406 = tpu.memref_slice %arg6[%dma_wait3A_403, %dma_wait3A_404, %dma_wait3A_405] : memref<8x128x64xf32, #tpu.memory_space<vmem>> -> memref<1x128x64xf32, #tpu.memory_space<vmem>>
        %dma_wait3A_407 = tpu.memref_squeeze %dma_wait3A_406 : memref<1x128x64xf32, #tpu.memory_space<vmem>> -> memref<128x64xf32, #tpu.memory_space<vmem>>
        %dma_wait3A_408 = arith.constant 0 : i32
        %dma_wait3A_409 = tpu.memref_slice %arg5[%add3A_367, %dma_wait3A_402, %dma_wait3A_408] : memref<79x2x128xi32, #tpu.memory_space<vmem>> -> memref<1x1x128xi32, #tpu.memory_space<vmem>>
        %dma_wait3A_410 = tpu.memref_squeeze %dma_wait3A_409 : memref<1x1x128xi32, #tpu.memory_space<vmem>> -> memref<128xi32, #tpu.memory_space<vmem>>
        %dma_wait3A_411 = arith.constant 0 : i32
        %dma_wait3A_412 = arith.constant 0 : i32
        %dma_wait3A_413 = tpu.memref_slice %arg2[%dma_wait3A_411, %dma_wait3A_412] : memref<10000x64xf32, #tpu.memory_space<hbm>> -> memref<10000x64xf32, #tpu.memory_space<hbm>>
        tpu.wait_indirect_dma semaphore(%arg9 : memref<!tpu.dma_semaphore, #tpu.memory_space<semaphore_mem>>) src(%dma_wait3A_413 : memref<10000x64xf32, #tpu.memory_space<hbm>>) dst(%dma_wait3A_407 : memref<128x64xf32, #tpu.memory_space<vmem>>)
        %run_scoped3A = arith.constant 2 : i32
        %run_scoped3A_414 = arith.constant 1 : i32
        "tpu.region"() ({
          %run_scoped3A_421 = tpu.sem_alloc : memref<!tpu.dma_semaphore, #tpu.memory_space<semaphore_mem>>
          %dma_start3A_422 = arith.constant 0 : i32
          %dma_start3A_423 = arith.constant 0 : i32
          %dma_start3A_424 = tpu.memref_slice %arg6[%run_scoped3A, %dma_start3A_422, %dma_start3A_423] : memref<8x128x64xf32, #tpu.memory_space<vmem>> -> memref<1x128x64xf32, #tpu.memory_space<vmem>>
          %dma_start3A_425 = tpu.memref_squeeze %dma_start3A_424 : memref<1x128x64xf32, #tpu.memory_space<vmem>> -> memref<128x64xf32, #tpu.memory_space<vmem>>
          %dma_start3A_426 = arith.constant 0 : i32
          %dma_start3A_427 = tpu.memref_slice %arg5[%add3A_367, %run_scoped3A_414, %dma_start3A_426] : memref<79x2x128xi32, #tpu.memory_space<vmem>> -> memref<1x1x128xi32, #tpu.memory_space<vmem>>
          %dma_start3A_428 = tpu.memref_squeeze %dma_start3A_427 : memref<1x1x128xi32, #tpu.memory_space<vmem>> -> memref<128xi32, #tpu.memory_space<vmem>>
          %dma_start3A_429 = arith.constant 0 : i32
          %dma_start3A_430 = arith.constant 0 : i32
          %dma_start3A_431 = tpu.memref_slice %arg8[%dma_start3A_429, %dma_start3A_430] : memref<10000x64xf32, #tpu.memory_space<vmem_shared>> -> memref<10000x64xf32, #tpu.memory_space<vmem_shared>>
          tpu.enqueue_indirect_dma source(%dma_start3A_425 : memref<128x64xf32, #tpu.memory_space<vmem>>) target(%dma_start3A_431 : memref<10000x64xf32, #tpu.memory_space<vmem_shared>>) offsets(%dma_start3A_428 : memref<128xi32, #tpu.memory_space<vmem>>) semaphore(%run_scoped3A_421 : memref<!tpu.dma_semaphore, #tpu.memory_space<semaphore_mem>>) {add = true}
          %dma_wait3A_432 = arith.constant 0 : i32
          %dma_wait3A_433 = arith.constant 0 : i32
          %dma_wait3A_434 = tpu.memref_slice %arg6[%run_scoped3A, %dma_wait3A_432, %dma_wait3A_433] : memref<8x128x64xf32, #tpu.memory_space<vmem>> -> memref<1x128x64xf32, #tpu.memory_space<vmem>>
          %dma_wait3A_435 = tpu.memref_squeeze %dma_wait3A_434 : memref<1x128x64xf32, #tpu.memory_space<vmem>> -> memref<128x64xf32, #tpu.memory_space<vmem>>
          %dma_wait3A_436 = arith.constant 0 : i32
          %dma_wait3A_437 = tpu.memref_slice %arg5[%add3A_367, %run_scoped3A_414, %dma_wait3A_436] : memref<79x2x128xi32, #tpu.memory_space<vmem>> -> memref<1x1x128xi32, #tpu.memory_space<vmem>>
          %dma_wait3A_438 = tpu.memref_squeeze %dma_wait3A_437 : memref<1x1x128xi32, #tpu.memory_space<vmem>> -> memref<128xi32, #tpu.memory_space<vmem>>
          %dma_wait3A_439 = arith.constant 0 : i32
          %dma_wait3A_440 = arith.constant 0 : i32
          %dma_wait3A_441 = tpu.memref_slice %arg8[%dma_wait3A_439, %dma_wait3A_440] : memref<10000x64xf32, #tpu.memory_space<vmem_shared>> -> memref<10000x64xf32, #tpu.memory_space<vmem_shared>>
          tpu.wait_indirect_dma semaphore(%run_scoped3A_421 : memref<!tpu.dma_semaphore, #tpu.memory_space<semaphore_mem>>) src(%dma_wait3A_435 : memref<128x64xf32, #tpu.memory_space<vmem>>) dst(%dma_wait3A_441 : memref<10000x64xf32, #tpu.memory_space<vmem_shared>>)
          tpu.yield
        }) : () -> ()
        %add3A_415 = arith.constant 8 : i32
        %add3A_416 = arith.addi %add3A_367, %add3A_415 : i32
        %lt3A_417 = arith.cmpi slt, %add3A_416, %add3A_4 : i32
        %convert_element_type3A_418 = arith.extui %lt3A_417 : i1 to i32
        %cond3A_419 = arith.constant 0 : i32
        %cond3A_420 = arith.cmpi ne, %convert_element_type3A_418, %cond3A_419 : i32
        scf.if %cond3A_420 {
          %add3A_421 = arith.constant 8 : i32
          %add3A_422 = arith.addi %add3A_367, %add3A_421 : i32
          %dma_start3A_423 = arith.constant 0 : i32
          %dma_start3A_424 = arith.constant 2 : i32
          %dma_start3A_425 = arith.constant 0 : i32
          %dma_start3A_426 = arith.constant 0 : i32
          %dma_start3A_427 = tpu.memref_slice %arg6[%dma_start3A_424, %dma_start3A_425, %dma_start3A_426] : memref<8x128x64xf32, #tpu.memory_space<vmem>> -> memref<1x128x64xf32, #tpu.memory_space<vmem>>
          %dma_start3A_428 = tpu.memref_squeeze %dma_start3A_427 : memref<1x128x64xf32, #tpu.memory_space<vmem>> -> memref<128x64xf32, #tpu.memory_space<vmem>>
          %dma_start3A_429 = arith.constant 0 : i32
          %dma_start3A_430 = tpu.memref_slice %arg5[%add3A_422, %dma_start3A_423, %dma_start3A_429] : memref<79x2x128xi32, #tpu.memory_space<vmem>> -> memref<1x1x128xi32, #tpu.memory_space<vmem>>
          %dma_start3A_431 = tpu.memref_squeeze %dma_start3A_430 : memref<1x1x128xi32, #tpu.memory_space<vmem>> -> memref<128xi32, #tpu.memory_space<vmem>>
          %dma_start3A_432 = arith.constant 0 : i32
          %dma_start3A_433 = arith.constant 0 : i32
          %dma_start3A_434 = tpu.memref_slice %arg2[%dma_start3A_432, %dma_start3A_433] : memref<10000x64xf32, #tpu.memory_space<hbm>> -> memref<10000x64xf32, #tpu.memory_space<hbm>>
          tpu.enqueue_indirect_dma source(%dma_start3A_434 : memref<10000x64xf32, #tpu.memory_space<hbm>>) target(%dma_start3A_428 : memref<128x64xf32, #tpu.memory_space<vmem>>) offsets(%dma_start3A_431 : memref<128xi32, #tpu.memory_space<vmem>>) semaphore(%arg9 : memref<!tpu.dma_semaphore, #tpu.memory_space<semaphore_mem>>)
        } else {
        }
      } else {
      }
      %add3A_372 = arith.constant 3 : i32
      %add3A_373 = arith.addi %add3A_353, %add3A_372 : i32
      %lt3A_374 = arith.cmpi slt, %add3A_373, %add3A_4 : i32
      %convert_element_type3A_375 = arith.extui %lt3A_374 : i1 to i32
      %cond3A_376 = arith.constant 0 : i32
      %cond3A_377 = arith.cmpi ne, %convert_element_type3A_375, %cond3A_376 : i32
      scf.if %cond3A_377 {
        %dma_wait3A_402 = arith.constant 0 : i32
        %dma_wait3A_403 = arith.constant 3 : i32
        %dma_wait3A_404 = arith.constant 0 : i32
        %dma_wait3A_405 = arith.constant 0 : i32
        %dma_wait3A_406 = tpu.memref_slice %arg6[%dma_wait3A_403, %dma_wait3A_404, %dma_wait3A_405] : memref<8x128x64xf32, #tpu.memory_space<vmem>> -> memref<1x128x64xf32, #tpu.memory_space<vmem>>
        %dma_wait3A_407 = tpu.memref_squeeze %dma_wait3A_406 : memref<1x128x64xf32, #tpu.memory_space<vmem>> -> memref<128x64xf32, #tpu.memory_space<vmem>>
        %dma_wait3A_408 = arith.constant 0 : i32
        %dma_wait3A_409 = tpu.memref_slice %arg5[%add3A_373, %dma_wait3A_402, %dma_wait3A_408] : memref<79x2x128xi32, #tpu.memory_space<vmem>> -> memref<1x1x128xi32, #tpu.memory_space<vmem>>
        %dma_wait3A_410 = tpu.memref_squeeze %dma_wait3A_409 : memref<1x1x128xi32, #tpu.memory_space<vmem>> -> memref<128xi32, #tpu.memory_space<vmem>>
        %dma_wait3A_411 = arith.constant 0 : i32
        %dma_wait3A_412 = arith.constant 0 : i32
        %dma_wait3A_413 = tpu.memref_slice %arg2[%dma_wait3A_411, %dma_wait3A_412] : memref<10000x64xf32, #tpu.memory_space<hbm>> -> memref<10000x64xf32, #tpu.memory_space<hbm>>
        tpu.wait_indirect_dma semaphore(%arg9 : memref<!tpu.dma_semaphore, #tpu.memory_space<semaphore_mem>>) src(%dma_wait3A_413 : memref<10000x64xf32, #tpu.memory_space<hbm>>) dst(%dma_wait3A_407 : memref<128x64xf32, #tpu.memory_space<vmem>>)
        %run_scoped3A = arith.constant 3 : i32
        %run_scoped3A_414 = arith.constant 1 : i32
        "tpu.region"() ({
          %run_scoped3A_421 = tpu.sem_alloc : memref<!tpu.dma_semaphore, #tpu.memory_space<semaphore_mem>>
          %dma_start3A_422 = arith.constant 0 : i32
          %dma_start3A_423 = arith.constant 0 : i32
          %dma_start3A_424 = tpu.memref_slice %arg6[%run_scoped3A, %dma_start3A_422, %dma_start3A_423] : memref<8x128x64xf32, #tpu.memory_space<vmem>> -> memref<1x128x64xf32, #tpu.memory_space<vmem>>
          %dma_start3A_425 = tpu.memref_squeeze %dma_start3A_424 : memref<1x128x64xf32, #tpu.memory_space<vmem>> -> memref<128x64xf32, #tpu.memory_space<vmem>>
          %dma_start3A_426 = arith.constant 0 : i32
          %dma_start3A_427 = tpu.memref_slice %arg5[%add3A_373, %run_scoped3A_414, %dma_start3A_426] : memref<79x2x128xi32, #tpu.memory_space<vmem>> -> memref<1x1x128xi32, #tpu.memory_space<vmem>>
          %dma_start3A_428 = tpu.memref_squeeze %dma_start3A_427 : memref<1x1x128xi32, #tpu.memory_space<vmem>> -> memref<128xi32, #tpu.memory_space<vmem>>
          %dma_start3A_429 = arith.constant 0 : i32
          %dma_start3A_430 = arith.constant 0 : i32
          %dma_start3A_431 = tpu.memref_slice %arg8[%dma_start3A_429, %dma_start3A_430] : memref<10000x64xf32, #tpu.memory_space<vmem_shared>> -> memref<10000x64xf32, #tpu.memory_space<vmem_shared>>
          tpu.enqueue_indirect_dma source(%dma_start3A_425 : memref<128x64xf32, #tpu.memory_space<vmem>>) target(%dma_start3A_431 : memref<10000x64xf32, #tpu.memory_space<vmem_shared>>) offsets(%dma_start3A_428 : memref<128xi32, #tpu.memory_space<vmem>>) semaphore(%run_scoped3A_421 : memref<!tpu.dma_semaphore, #tpu.memory_space<semaphore_mem>>) {add = true}
          %dma_wait3A_432 = arith.constant 0 : i32
          %dma_wait3A_433 = arith.constant 0 : i32
          %dma_wait3A_434 = tpu.memref_slice %arg6[%run_scoped3A, %dma_wait3A_432, %dma_wait3A_433] : memref<8x128x64xf32, #tpu.memory_space<vmem>> -> memref<1x128x64xf32, #tpu.memory_space<vmem>>
          %dma_wait3A_435 = tpu.memref_squeeze %dma_wait3A_434 : memref<1x128x64xf32, #tpu.memory_space<vmem>> -> memref<128x64xf32, #tpu.memory_space<vmem>>
          %dma_wait3A_436 = arith.constant 0 : i32
          %dma_wait3A_437 = tpu.memref_slice %arg5[%add3A_373, %run_scoped3A_414, %dma_wait3A_436] : memref<79x2x128xi32, #tpu.memory_space<vmem>> -> memref<1x1x128xi32, #tpu.memory_space<vmem>>
          %dma_wait3A_438 = tpu.memref_squeeze %dma_wait3A_437 : memref<1x1x128xi32, #tpu.memory_space<vmem>> -> memref<128xi32, #tpu.memory_space<vmem>>
          %dma_wait3A_439 = arith.constant 0 : i32
          %dma_wait3A_440 = arith.constant 0 : i32
          %dma_wait3A_441 = tpu.memref_slice %arg8[%dma_wait3A_439, %dma_wait3A_440] : memref<10000x64xf32, #tpu.memory_space<vmem_shared>> -> memref<10000x64xf32, #tpu.memory_space<vmem_shared>>
          tpu.wait_indirect_dma semaphore(%run_scoped3A_421 : memref<!tpu.dma_semaphore, #tpu.memory_space<semaphore_mem>>) src(%dma_wait3A_435 : memref<128x64xf32, #tpu.memory_space<vmem>>) dst(%dma_wait3A_441 : memref<10000x64xf32, #tpu.memory_space<vmem_shared>>)
          tpu.yield
        }) : () -> ()
        %add3A_415 = arith.constant 8 : i32
        %add3A_416 = arith.addi %add3A_373, %add3A_415 : i32
        %lt3A_417 = arith.cmpi slt, %add3A_416, %add3A_4 : i32
        %convert_element_type3A_418 = arith.extui %lt3A_417 : i1 to i32
        %cond3A_419 = arith.constant 0 : i32
        %cond3A_420 = arith.cmpi ne, %convert_element_type3A_418, %cond3A_419 : i32
        scf.if %cond3A_420 {
          %add3A_421 = arith.constant 8 : i32
          %add3A_422 = arith.addi %add3A_373, %add3A_421 : i32
          %dma_start3A_423 = arith.constant 0 : i32
          %dma_start3A_424 = arith.constant 3 : i32
          %dma_start3A_425 = arith.constant 0 : i32
          %dma_start3A_426 = arith.constant 0 : i32
          %dma_start3A_427 = tpu.memref_slice %arg6[%dma_start3A_424, %dma_start3A_425, %dma_start3A_426] : memref<8x128x64xf32, #tpu.memory_space<vmem>> -> memref<1x128x64xf32, #tpu.memory_space<vmem>>
          %dma_start3A_428 = tpu.memref_squeeze %dma_start3A_427 : memref<1x128x64xf32, #tpu.memory_space<vmem>> -> memref<128x64xf32, #tpu.memory_space<vmem>>
          %dma_start3A_429 = arith.constant 0 : i32
          %dma_start3A_430 = tpu.memref_slice %arg5[%add3A_422, %dma_start3A_423, %dma_start3A_429] : memref<79x2x128xi32, #tpu.memory_space<vmem>> -> memref<1x1x128xi32, #tpu.memory_space<vmem>>
          %dma_start3A_431 = tpu.memref_squeeze %dma_start3A_430 : memref<1x1x128xi32, #tpu.memory_space<vmem>> -> memref<128xi32, #tpu.memory_space<vmem>>
          %dma_start3A_432 = arith.constant 0 : i32
          %dma_start3A_433 = arith.constant 0 : i32
          %dma_start3A_434 = tpu.memref_slice %arg2[%dma_start3A_432, %dma_start3A_433] : memref<10000x64xf32, #tpu.memory_space<hbm>> -> memref<10000x64xf32, #tpu.memory_space<hbm>>
          tpu.enqueue_indirect_dma source(%dma_start3A_434 : memref<10000x64xf32, #tpu.memory_space<hbm>>) target(%dma_start3A_428 : memref<128x64xf32, #tpu.memory_space<vmem>>) offsets(%dma_start3A_431 : memref<128xi32, #tpu.memory_space<vmem>>) semaphore(%arg9 : memref<!tpu.dma_semaphore, #tpu.memory_space<semaphore_mem>>)
        } else {
        }
      } else {
      }
      %add3A_378 = arith.constant 4 : i32
      %add3A_379 = arith.addi %add3A_353, %add3A_378 : i32
      %lt3A_380 = arith.cmpi slt, %add3A_379, %add3A_4 : i32
      %convert_element_type3A_381 = arith.extui %lt3A_380 : i1 to i32
      %cond3A_382 = arith.constant 0 : i32
      %cond3A_383 = arith.cmpi ne, %convert_element_type3A_381, %cond3A_382 : i32
      scf.if %cond3A_383 {
        %dma_wait3A_402 = arith.constant 0 : i32
        %dma_wait3A_403 = arith.constant 4 : i32
        %dma_wait3A_404 = arith.constant 0 : i32
        %dma_wait3A_405 = arith.constant 0 : i32
        %dma_wait3A_406 = tpu.memref_slice %arg6[%dma_wait3A_403, %dma_wait3A_404, %dma_wait3A_405] : memref<8x128x64xf32, #tpu.memory_space<vmem>> -> memref<1x128x64xf32, #tpu.memory_space<vmem>>
        %dma_wait3A_407 = tpu.memref_squeeze %dma_wait3A_406 : memref<1x128x64xf32, #tpu.memory_space<vmem>> -> memref<128x64xf32, #tpu.memory_space<vmem>>
        %dma_wait3A_408 = arith.constant 0 : i32
        %dma_wait3A_409 = tpu.memref_slice %arg5[%add3A_379, %dma_wait3A_402, %dma_wait3A_408] : memref<79x2x128xi32, #tpu.memory_space<vmem>> -> memref<1x1x128xi32, #tpu.memory_space<vmem>>
        %dma_wait3A_410 = tpu.memref_squeeze %dma_wait3A_409 : memref<1x1x128xi32, #tpu.memory_space<vmem>> -> memref<128xi32, #tpu.memory_space<vmem>>
        %dma_wait3A_411 = arith.constant 0 : i32
        %dma_wait3A_412 = arith.constant 0 : i32
        %dma_wait3A_413 = tpu.memref_slice %arg2[%dma_wait3A_411, %dma_wait3A_412] : memref<10000x64xf32, #tpu.memory_space<hbm>> -> memref<10000x64xf32, #tpu.memory_space<hbm>>
        tpu.wait_indirect_dma semaphore(%arg9 : memref<!tpu.dma_semaphore, #tpu.memory_space<semaphore_mem>>) src(%dma_wait3A_413 : memref<10000x64xf32, #tpu.memory_space<hbm>>) dst(%dma_wait3A_407 : memref<128x64xf32, #tpu.memory_space<vmem>>)
        %run_scoped3A = arith.constant 4 : i32
        %run_scoped3A_414 = arith.constant 1 : i32
        "tpu.region"() ({
          %run_scoped3A_421 = tpu.sem_alloc : memref<!tpu.dma_semaphore, #tpu.memory_space<semaphore_mem>>
          %dma_start3A_422 = arith.constant 0 : i32
          %dma_start3A_423 = arith.constant 0 : i32
          %dma_start3A_424 = tpu.memref_slice %arg6[%run_scoped3A, %dma_start3A_422, %dma_start3A_423] : memref<8x128x64xf32, #tpu.memory_space<vmem>> -> memref<1x128x64xf32, #tpu.memory_space<vmem>>
          %dma_start3A_425 = tpu.memref_squeeze %dma_start3A_424 : memref<1x128x64xf32, #tpu.memory_space<vmem>> -> memref<128x64xf32, #tpu.memory_space<vmem>>
          %dma_start3A_426 = arith.constant 0 : i32
          %dma_start3A_427 = tpu.memref_slice %arg5[%add3A_379, %run_scoped3A_414, %dma_start3A_426] : memref<79x2x128xi32, #tpu.memory_space<vmem>> -> memref<1x1x128xi32, #tpu.memory_space<vmem>>
          %dma_start3A_428 = tpu.memref_squeeze %dma_start3A_427 : memref<1x1x128xi32, #tpu.memory_space<vmem>> -> memref<128xi32, #tpu.memory_space<vmem>>
          %dma_start3A_429 = arith.constant 0 : i32
          %dma_start3A_430 = arith.constant 0 : i32
          %dma_start3A_431 = tpu.memref_slice %arg8[%dma_start3A_429, %dma_start3A_430] : memref<10000x64xf32, #tpu.memory_space<vmem_shared>> -> memref<10000x64xf32, #tpu.memory_space<vmem_shared>>
          tpu.enqueue_indirect_dma source(%dma_start3A_425 : memref<128x64xf32, #tpu.memory_space<vmem>>) target(%dma_start3A_431 : memref<10000x64xf32, #tpu.memory_space<vmem_shared>>) offsets(%dma_start3A_428 : memref<128xi32, #tpu.memory_space<vmem>>) semaphore(%run_scoped3A_421 : memref<!tpu.dma_semaphore, #tpu.memory_space<semaphore_mem>>) {add = true}
          %dma_wait3A_432 = arith.constant 0 : i32
          %dma_wait3A_433 = arith.constant 0 : i32
          %dma_wait3A_434 = tpu.memref_slice %arg6[%run_scoped3A, %dma_wait3A_432, %dma_wait3A_433] : memref<8x128x64xf32, #tpu.memory_space<vmem>> -> memref<1x128x64xf32, #tpu.memory_space<vmem>>
          %dma_wait3A_435 = tpu.memref_squeeze %dma_wait3A_434 : memref<1x128x64xf32, #tpu.memory_space<vmem>> -> memref<128x64xf32, #tpu.memory_space<vmem>>
          %dma_wait3A_436 = arith.constant 0 : i32
          %dma_wait3A_437 = tpu.memref_slice %arg5[%add3A_379, %run_scoped3A_414, %dma_wait3A_436] : memref<79x2x128xi32, #tpu.memory_space<vmem>> -> memref<1x1x128xi32, #tpu.memory_space<vmem>>
          %dma_wait3A_438 = tpu.memref_squeeze %dma_wait3A_437 : memref<1x1x128xi32, #tpu.memory_space<vmem>> -> memref<128xi32, #tpu.memory_space<vmem>>
          %dma_wait3A_439 = arith.constant 0 : i32
          %dma_wait3A_440 = arith.constant 0 : i32
          %dma_wait3A_441 = tpu.memref_slice %arg8[%dma_wait3A_439, %dma_wait3A_440] : memref<10000x64xf32, #tpu.memory_space<vmem_shared>> -> memref<10000x64xf32, #tpu.memory_space<vmem_shared>>
          tpu.wait_indirect_dma semaphore(%run_scoped3A_421 : memref<!tpu.dma_semaphore, #tpu.memory_space<semaphore_mem>>) src(%dma_wait3A_435 : memref<128x64xf32, #tpu.memory_space<vmem>>) dst(%dma_wait3A_441 : memref<10000x64xf32, #tpu.memory_space<vmem_shared>>)
          tpu.yield
        }) : () -> ()
        %add3A_415 = arith.constant 8 : i32
        %add3A_416 = arith.addi %add3A_379, %add3A_415 : i32
        %lt3A_417 = arith.cmpi slt, %add3A_416, %add3A_4 : i32
        %convert_element_type3A_418 = arith.extui %lt3A_417 : i1 to i32
        %cond3A_419 = arith.constant 0 : i32
        %cond3A_420 = arith.cmpi ne, %convert_element_type3A_418, %cond3A_419 : i32
        scf.if %cond3A_420 {
          %add3A_421 = arith.constant 8 : i32
          %add3A_422 = arith.addi %add3A_379, %add3A_421 : i32
          %dma_start3A_423 = arith.constant 0 : i32
          %dma_start3A_424 = arith.constant 4 : i32
          %dma_start3A_425 = arith.constant 0 : i32
          %dma_start3A_426 = arith.constant 0 : i32
          %dma_start3A_427 = tpu.memref_slice %arg6[%dma_start3A_424, %dma_start3A_425, %dma_start3A_426] : memref<8x128x64xf32, #tpu.memory_space<vmem>> -> memref<1x128x64xf32, #tpu.memory_space<vmem>>
          %dma_start3A_428 = tpu.memref_squeeze %dma_start3A_427 : memref<1x128x64xf32, #tpu.memory_space<vmem>> -> memref<128x64xf32, #tpu.memory_space<vmem>>
          %dma_start3A_429 = arith.constant 0 : i32
          %dma_start3A_430 = tpu.memref_slice %arg5[%add3A_422, %dma_start3A_423, %dma_start3A_429] : memref<79x2x128xi32, #tpu.memory_space<vmem>> -> memref<1x1x128xi32, #tpu.memory_space<vmem>>
          %dma_start3A_431 = tpu.memref_squeeze %dma_start3A_430 : memref<1x1x128xi32, #tpu.memory_space<vmem>> -> memref<128xi32, #tpu.memory_space<vmem>>
          %dma_start3A_432 = arith.constant 0 : i32
          %dma_start3A_433 = arith.constant 0 : i32
          %dma_start3A_434 = tpu.memref_slice %arg2[%dma_start3A_432, %dma_start3A_433] : memref<10000x64xf32, #tpu.memory_space<hbm>> -> memref<10000x64xf32, #tpu.memory_space<hbm>>
          tpu.enqueue_indirect_dma source(%dma_start3A_434 : memref<10000x64xf32, #tpu.memory_space<hbm>>) target(%dma_start3A_428 : memref<128x64xf32, #tpu.memory_space<vmem>>) offsets(%dma_start3A_431 : memref<128xi32, #tpu.memory_space<vmem>>) semaphore(%arg9 : memref<!tpu.dma_semaphore, #tpu.memory_space<semaphore_mem>>)
        } else {
        }
      } else {
      }
      %add3A_384 = arith.constant 5 : i32
      %add3A_385 = arith.addi %add3A_353, %add3A_384 : i32
      %lt3A_386 = arith.cmpi slt, %add3A_385, %add3A_4 : i32
      %convert_element_type3A_387 = arith.extui %lt3A_386 : i1 to i32
      %cond3A_388 = arith.constant 0 : i32
      %cond3A_389 = arith.cmpi ne, %convert_element_type3A_387, %cond3A_388 : i32
      scf.if %cond3A_389 {
        %dma_wait3A_402 = arith.constant 0 : i32
        %dma_wait3A_403 = arith.constant 5 : i32
        %dma_wait3A_404 = arith.constant 0 : i32
        %dma_wait3A_405 = arith.constant 0 : i32
        %dma_wait3A_406 = tpu.memref_slice %arg6[%dma_wait3A_403, %dma_wait3A_404, %dma_wait3A_405] : memref<8x128x64xf32, #tpu.memory_space<vmem>> -> memref<1x128x64xf32, #tpu.memory_space<vmem>>
        %dma_wait3A_407 = tpu.memref_squeeze %dma_wait3A_406 : memref<1x128x64xf32, #tpu.memory_space<vmem>> -> memref<128x64xf32, #tpu.memory_space<vmem>>
        %dma_wait3A_408 = arith.constant 0 : i32
        %dma_wait3A_409 = tpu.memref_slice %arg5[%add3A_385, %dma_wait3A_402, %dma_wait3A_408] : memref<79x2x128xi32, #tpu.memory_space<vmem>> -> memref<1x1x128xi32, #tpu.memory_space<vmem>>
        %dma_wait3A_410 = tpu.memref_squeeze %dma_wait3A_409 : memref<1x1x128xi32, #tpu.memory_space<vmem>> -> memref<128xi32, #tpu.memory_space<vmem>>
        %dma_wait3A_411 = arith.constant 0 : i32
        %dma_wait3A_412 = arith.constant 0 : i32
        %dma_wait3A_413 = tpu.memref_slice %arg2[%dma_wait3A_411, %dma_wait3A_412] : memref<10000x64xf32, #tpu.memory_space<hbm>> -> memref<10000x64xf32, #tpu.memory_space<hbm>>
        tpu.wait_indirect_dma semaphore(%arg9 : memref<!tpu.dma_semaphore, #tpu.memory_space<semaphore_mem>>) src(%dma_wait3A_413 : memref<10000x64xf32, #tpu.memory_space<hbm>>) dst(%dma_wait3A_407 : memref<128x64xf32, #tpu.memory_space<vmem>>)
        %run_scoped3A = arith.constant 5 : i32
        %run_scoped3A_414 = arith.constant 1 : i32
        "tpu.region"() ({
          %run_scoped3A_421 = tpu.sem_alloc : memref<!tpu.dma_semaphore, #tpu.memory_space<semaphore_mem>>
          %dma_start3A_422 = arith.constant 0 : i32
          %dma_start3A_423 = arith.constant 0 : i32
          %dma_start3A_424 = tpu.memref_slice %arg6[%run_scoped3A, %dma_start3A_422, %dma_start3A_423] : memref<8x128x64xf32, #tpu.memory_space<vmem>> -> memref<1x128x64xf32, #tpu.memory_space<vmem>>
          %dma_start3A_425 = tpu.memref_squeeze %dma_start3A_424 : memref<1x128x64xf32, #tpu.memory_space<vmem>> -> memref<128x64xf32, #tpu.memory_space<vmem>>
          %dma_start3A_426 = arith.constant 0 : i32
          %dma_start3A_427 = tpu.memref_slice %arg5[%add3A_385, %run_scoped3A_414, %dma_start3A_426] : memref<79x2x128xi32, #tpu.memory_space<vmem>> -> memref<1x1x128xi32, #tpu.memory_space<vmem>>
          %dma_start3A_428 = tpu.memref_squeeze %dma_start3A_427 : memref<1x1x128xi32, #tpu.memory_space<vmem>> -> memref<128xi32, #tpu.memory_space<vmem>>
          %dma_start3A_429 = arith.constant 0 : i32
          %dma_start3A_430 = arith.constant 0 : i32
          %dma_start3A_431 = tpu.memref_slice %arg8[%dma_start3A_429, %dma_start3A_430] : memref<10000x64xf32, #tpu.memory_space<vmem_shared>> -> memref<10000x64xf32, #tpu.memory_space<vmem_shared>>
          tpu.enqueue_indirect_dma source(%dma_start3A_425 : memref<128x64xf32, #tpu.memory_space<vmem>>) target(%dma_start3A_431 : memref<10000x64xf32, #tpu.memory_space<vmem_shared>>) offsets(%dma_start3A_428 : memref<128xi32, #tpu.memory_space<vmem>>) semaphore(%run_scoped3A_421 : memref<!tpu.dma_semaphore, #tpu.memory_space<semaphore_mem>>) {add = true}
          %dma_wait3A_432 = arith.constant 0 : i32
          %dma_wait3A_433 = arith.constant 0 : i32
          %dma_wait3A_434 = tpu.memref_slice %arg6[%run_scoped3A, %dma_wait3A_432, %dma_wait3A_433] : memref<8x128x64xf32, #tpu.memory_space<vmem>> -> memref<1x128x64xf32, #tpu.memory_space<vmem>>
          %dma_wait3A_435 = tpu.memref_squeeze %dma_wait3A_434 : memref<1x128x64xf32, #tpu.memory_space<vmem>> -> memref<128x64xf32, #tpu.memory_space<vmem>>
          %dma_wait3A_436 = arith.constant 0 : i32
          %dma_wait3A_437 = tpu.memref_slice %arg5[%add3A_385, %run_scoped3A_414, %dma_wait3A_436] : memref<79x2x128xi32, #tpu.memory_space<vmem>> -> memref<1x1x128xi32, #tpu.memory_space<vmem>>
          %dma_wait3A_438 = tpu.memref_squeeze %dma_wait3A_437 : memref<1x1x128xi32, #tpu.memory_space<vmem>> -> memref<128xi32, #tpu.memory_space<vmem>>
          %dma_wait3A_439 = arith.constant 0 : i32
          %dma_wait3A_440 = arith.constant 0 : i32
          %dma_wait3A_441 = tpu.memref_slice %arg8[%dma_wait3A_439, %dma_wait3A_440] : memref<10000x64xf32, #tpu.memory_space<vmem_shared>> -> memref<10000x64xf32, #tpu.memory_space<vmem_shared>>
          tpu.wait_indirect_dma semaphore(%run_scoped3A_421 : memref<!tpu.dma_semaphore, #tpu.memory_space<semaphore_mem>>) src(%dma_wait3A_435 : memref<128x64xf32, #tpu.memory_space<vmem>>) dst(%dma_wait3A_441 : memref<10000x64xf32, #tpu.memory_space<vmem_shared>>)
          tpu.yield
        }) : () -> ()
        %add3A_415 = arith.constant 8 : i32
        %add3A_416 = arith.addi %add3A_385, %add3A_415 : i32
        %lt3A_417 = arith.cmpi slt, %add3A_416, %add3A_4 : i32
        %convert_element_type3A_418 = arith.extui %lt3A_417 : i1 to i32
        %cond3A_419 = arith.constant 0 : i32
        %cond3A_420 = arith.cmpi ne, %convert_element_type3A_418, %cond3A_419 : i32
        scf.if %cond3A_420 {
          %add3A_421 = arith.constant 8 : i32
          %add3A_422 = arith.addi %add3A_385, %add3A_421 : i32
          %dma_start3A_423 = arith.constant 0 : i32
          %dma_start3A_424 = arith.constant 5 : i32
          %dma_start3A_425 = arith.constant 0 : i32
          %dma_start3A_426 = arith.constant 0 : i32
          %dma_start3A_427 = tpu.memref_slice %arg6[%dma_start3A_424, %dma_start3A_425, %dma_start3A_426] : memref<8x128x64xf32, #tpu.memory_space<vmem>> -> memref<1x128x64xf32, #tpu.memory_space<vmem>>
          %dma_start3A_428 = tpu.memref_squeeze %dma_start3A_427 : memref<1x128x64xf32, #tpu.memory_space<vmem>> -> memref<128x64xf32, #tpu.memory_space<vmem>>
          %dma_start3A_429 = arith.constant 0 : i32
          %dma_start3A_430 = tpu.memref_slice %arg5[%add3A_422, %dma_start3A_423, %dma_start3A_429] : memref<79x2x128xi32, #tpu.memory_space<vmem>> -> memref<1x1x128xi32, #tpu.memory_space<vmem>>
          %dma_start3A_431 = tpu.memref_squeeze %dma_start3A_430 : memref<1x1x128xi32, #tpu.memory_space<vmem>> -> memref<128xi32, #tpu.memory_space<vmem>>
          %dma_start3A_432 = arith.constant 0 : i32
          %dma_start3A_433 = arith.constant 0 : i32
          %dma_start3A_434 = tpu.memref_slice %arg2[%dma_start3A_432, %dma_start3A_433] : memref<10000x64xf32, #tpu.memory_space<hbm>> -> memref<10000x64xf32, #tpu.memory_space<hbm>>
          tpu.enqueue_indirect_dma source(%dma_start3A_434 : memref<10000x64xf32, #tpu.memory_space<hbm>>) target(%dma_start3A_428 : memref<128x64xf32, #tpu.memory_space<vmem>>) offsets(%dma_start3A_431 : memref<128xi32, #tpu.memory_space<vmem>>) semaphore(%arg9 : memref<!tpu.dma_semaphore, #tpu.memory_space<semaphore_mem>>)
        } else {
        }
      } else {
      }
      %add3A_390 = arith.constant 6 : i32
      %add3A_391 = arith.addi %add3A_353, %add3A_390 : i32
      %lt3A_392 = arith.cmpi slt, %add3A_391, %add3A_4 : i32
      %convert_element_type3A_393 = arith.extui %lt3A_392 : i1 to i32
      %cond3A_394 = arith.constant 0 : i32
      %cond3A_395 = arith.cmpi ne, %convert_element_type3A_393, %cond3A_394 : i32
      scf.if %cond3A_395 {
        %dma_wait3A_402 = arith.constant 0 : i32
        %dma_wait3A_403 = arith.constant 6 : i32
        %dma_wait3A_404 = arith.constant 0 : i32
        %dma_wait3A_405 = arith.constant 0 : i32
        %dma_wait3A_406 = tpu.memref_slice %arg6[%dma_wait3A_403, %dma_wait3A_404, %dma_wait3A_405] : memref<8x128x64xf32, #tpu.memory_space<vmem>> -> memref<1x128x64xf32, #tpu.memory_space<vmem>>
        %dma_wait3A_407 = tpu.memref_squeeze %dma_wait3A_406 : memref<1x128x64xf32, #tpu.memory_space<vmem>> -> memref<128x64xf32, #tpu.memory_space<vmem>>
        %dma_wait3A_408 = arith.constant 0 : i32
        %dma_wait3A_409 = tpu.memref_slice %arg5[%add3A_391, %dma_wait3A_402, %dma_wait3A_408] : memref<79x2x128xi32, #tpu.memory_space<vmem>> -> memref<1x1x128xi32, #tpu.memory_space<vmem>>
        %dma_wait3A_410 = tpu.memref_squeeze %dma_wait3A_409 : memref<1x1x128xi32, #tpu.memory_space<vmem>> -> memref<128xi32, #tpu.memory_space<vmem>>
        %dma_wait3A_411 = arith.constant 0 : i32
        %dma_wait3A_412 = arith.constant 0 : i32
        %dma_wait3A_413 = tpu.memref_slice %arg2[%dma_wait3A_411, %dma_wait3A_412] : memref<10000x64xf32, #tpu.memory_space<hbm>> -> memref<10000x64xf32, #tpu.memory_space<hbm>>
        tpu.wait_indirect_dma semaphore(%arg9 : memref<!tpu.dma_semaphore, #tpu.memory_space<semaphore_mem>>) src(%dma_wait3A_413 : memref<10000x64xf32, #tpu.memory_space<hbm>>) dst(%dma_wait3A_407 : memref<128x64xf32, #tpu.memory_space<vmem>>)
        %run_scoped3A = arith.constant 6 : i32
        %run_scoped3A_414 = arith.constant 1 : i32
        "tpu.region"() ({
          %run_scoped3A_421 = tpu.sem_alloc : memref<!tpu.dma_semaphore, #tpu.memory_space<semaphore_mem>>
          %dma_start3A_422 = arith.constant 0 : i32
          %dma_start3A_423 = arith.constant 0 : i32
          %dma_start3A_424 = tpu.memref_slice %arg6[%run_scoped3A, %dma_start3A_422, %dma_start3A_423] : memref<8x128x64xf32, #tpu.memory_space<vmem>> -> memref<1x128x64xf32, #tpu.memory_space<vmem>>
          %dma_start3A_425 = tpu.memref_squeeze %dma_start3A_424 : memref<1x128x64xf32, #tpu.memory_space<vmem>> -> memref<128x64xf32, #tpu.memory_space<vmem>>
          %dma_start3A_426 = arith.constant 0 : i32
          %dma_start3A_427 = tpu.memref_slice %arg5[%add3A_391, %run_scoped3A_414, %dma_start3A_426] : memref<79x2x128xi32, #tpu.memory_space<vmem>> -> memref<1x1x128xi32, #tpu.memory_space<vmem>>
          %dma_start3A_428 = tpu.memref_squeeze %dma_start3A_427 : memref<1x1x128xi32, #tpu.memory_space<vmem>> -> memref<128xi32, #tpu.memory_space<vmem>>
          %dma_start3A_429 = arith.constant 0 : i32
          %dma_start3A_430 = arith.constant 0 : i32
          %dma_start3A_431 = tpu.memref_slice %arg8[%dma_start3A_429, %dma_start3A_430] : memref<10000x64xf32, #tpu.memory_space<vmem_shared>> -> memref<10000x64xf32, #tpu.memory_space<vmem_shared>>
          tpu.enqueue_indirect_dma source(%dma_start3A_425 : memref<128x64xf32, #tpu.memory_space<vmem>>) target(%dma_start3A_431 : memref<10000x64xf32, #tpu.memory_space<vmem_shared>>) offsets(%dma_start3A_428 : memref<128xi32, #tpu.memory_space<vmem>>) semaphore(%run_scoped3A_421 : memref<!tpu.dma_semaphore, #tpu.memory_space<semaphore_mem>>) {add = true}
          %dma_wait3A_432 = arith.constant 0 : i32
          %dma_wait3A_433 = arith.constant 0 : i32
          %dma_wait3A_434 = tpu.memref_slice %arg6[%run_scoped3A, %dma_wait3A_432, %dma_wait3A_433] : memref<8x128x64xf32, #tpu.memory_space<vmem>> -> memref<1x128x64xf32, #tpu.memory_space<vmem>>
          %dma_wait3A_435 = tpu.memref_squeeze %dma_wait3A_434 : memref<1x128x64xf32, #tpu.memory_space<vmem>> -> memref<128x64xf32, #tpu.memory_space<vmem>>
          %dma_wait3A_436 = arith.constant 0 : i32
          %dma_wait3A_437 = tpu.memref_slice %arg5[%add3A_391, %run_scoped3A_414, %dma_wait3A_436] : memref<79x2x128xi32, #tpu.memory_space<vmem>> -> memref<1x1x128xi32, #tpu.memory_space<vmem>>
          %dma_wait3A_438 = tpu.memref_squeeze %dma_wait3A_437 : memref<1x1x128xi32, #tpu.memory_space<vmem>> -> memref<128xi32, #tpu.memory_space<vmem>>
          %dma_wait3A_439 = arith.constant 0 : i32
          %dma_wait3A_440 = arith.constant 0 : i32
          %dma_wait3A_441 = tpu.memref_slice %arg8[%dma_wait3A_439, %dma_wait3A_440] : memref<10000x64xf32, #tpu.memory_space<vmem_shared>> -> memref<10000x64xf32, #tpu.memory_space<vmem_shared>>
          tpu.wait_indirect_dma semaphore(%run_scoped3A_421 : memref<!tpu.dma_semaphore, #tpu.memory_space<semaphore_mem>>) src(%dma_wait3A_435 : memref<128x64xf32, #tpu.memory_space<vmem>>) dst(%dma_wait3A_441 : memref<10000x64xf32, #tpu.memory_space<vmem_shared>>)
          tpu.yield
        }) : () -> ()
        %add3A_415 = arith.constant 8 : i32
        %add3A_416 = arith.addi %add3A_391, %add3A_415 : i32
        %lt3A_417 = arith.cmpi slt, %add3A_416, %add3A_4 : i32
        %convert_element_type3A_418 = arith.extui %lt3A_417 : i1 to i32
        %cond3A_419 = arith.constant 0 : i32
        %cond3A_420 = arith.cmpi ne, %convert_element_type3A_418, %cond3A_419 : i32
        scf.if %cond3A_420 {
          %add3A_421 = arith.constant 8 : i32
          %add3A_422 = arith.addi %add3A_391, %add3A_421 : i32
          %dma_start3A_423 = arith.constant 0 : i32
          %dma_start3A_424 = arith.constant 6 : i32
          %dma_start3A_425 = arith.constant 0 : i32
          %dma_start3A_426 = arith.constant 0 : i32
          %dma_start3A_427 = tpu.memref_slice %arg6[%dma_start3A_424, %dma_start3A_425, %dma_start3A_426] : memref<8x128x64xf32, #tpu.memory_space<vmem>> -> memref<1x128x64xf32, #tpu.memory_space<vmem>>
          %dma_start3A_428 = tpu.memref_squeeze %dma_start3A_427 : memref<1x128x64xf32, #tpu.memory_space<vmem>> -> memref<128x64xf32, #tpu.memory_space<vmem>>
          %dma_start3A_429 = arith.constant 0 : i32
          %dma_start3A_430 = tpu.memref_slice %arg5[%add3A_422, %dma_start3A_423, %dma_start3A_429] : memref<79x2x128xi32, #tpu.memory_space<vmem>> -> memref<1x1x128xi32, #tpu.memory_space<vmem>>
          %dma_start3A_431 = tpu.memref_squeeze %dma_start3A_430 : memref<1x1x128xi32, #tpu.memory_space<vmem>> -> memref<128xi32, #tpu.memory_space<vmem>>
          %dma_start3A_432 = arith.constant 0 : i32
          %dma_start3A_433 = arith.constant 0 : i32
          %dma_start3A_434 = tpu.memref_slice %arg2[%dma_start3A_432, %dma_start3A_433] : memref<10000x64xf32, #tpu.memory_space<hbm>> -> memref<10000x64xf32, #tpu.memory_space<hbm>>
          tpu.enqueue_indirect_dma source(%dma_start3A_434 : memref<10000x64xf32, #tpu.memory_space<hbm>>) target(%dma_start3A_428 : memref<128x64xf32, #tpu.memory_space<vmem>>) offsets(%dma_start3A_431 : memref<128xi32, #tpu.memory_space<vmem>>) semaphore(%arg9 : memref<!tpu.dma_semaphore, #tpu.memory_space<semaphore_mem>>)
        } else {
        }
      } else {
      }
      %add3A_396 = arith.constant 7 : i32
      %add3A_397 = arith.addi %add3A_353, %add3A_396 : i32
      %lt3A_398 = arith.cmpi slt, %add3A_397, %add3A_4 : i32
      %convert_element_type3A_399 = arith.extui %lt3A_398 : i1 to i32
      %cond3A_400 = arith.constant 0 : i32
      %cond3A_401 = arith.cmpi ne, %convert_element_type3A_399, %cond3A_400 : i32
      scf.if %cond3A_401 {
        %dma_wait3A_402 = arith.constant 0 : i32
        %dma_wait3A_403 = arith.constant 7 : i32
        %dma_wait3A_404 = arith.constant 0 : i32
        %dma_wait3A_405 = arith.constant 0 : i32
        %dma_wait3A_406 = tpu.memref_slice %arg6[%dma_wait3A_403, %dma_wait3A_404, %dma_wait3A_405] : memref<8x128x64xf32, #tpu.memory_space<vmem>> -> memref<1x128x64xf32, #tpu.memory_space<vmem>>
        %dma_wait3A_407 = tpu.memref_squeeze %dma_wait3A_406 : memref<1x128x64xf32, #tpu.memory_space<vmem>> -> memref<128x64xf32, #tpu.memory_space<vmem>>
        %dma_wait3A_408 = arith.constant 0 : i32
        %dma_wait3A_409 = tpu.memref_slice %arg5[%add3A_397, %dma_wait3A_402, %dma_wait3A_408] : memref<79x2x128xi32, #tpu.memory_space<vmem>> -> memref<1x1x128xi32, #tpu.memory_space<vmem>>
        %dma_wait3A_410 = tpu.memref_squeeze %dma_wait3A_409 : memref<1x1x128xi32, #tpu.memory_space<vmem>> -> memref<128xi32, #tpu.memory_space<vmem>>
        %dma_wait3A_411 = arith.constant 0 : i32
        %dma_wait3A_412 = arith.constant 0 : i32
        %dma_wait3A_413 = tpu.memref_slice %arg2[%dma_wait3A_411, %dma_wait3A_412] : memref<10000x64xf32, #tpu.memory_space<hbm>> -> memref<10000x64xf32, #tpu.memory_space<hbm>>
        tpu.wait_indirect_dma semaphore(%arg9 : memref<!tpu.dma_semaphore, #tpu.memory_space<semaphore_mem>>) src(%dma_wait3A_413 : memref<10000x64xf32, #tpu.memory_space<hbm>>) dst(%dma_wait3A_407 : memref<128x64xf32, #tpu.memory_space<vmem>>)
        %run_scoped3A = arith.constant 7 : i32
        %run_scoped3A_414 = arith.constant 1 : i32
        "tpu.region"() ({
          %run_scoped3A_421 = tpu.sem_alloc : memref<!tpu.dma_semaphore, #tpu.memory_space<semaphore_mem>>
          %dma_start3A_422 = arith.constant 0 : i32
          %dma_start3A_423 = arith.constant 0 : i32
          %dma_start3A_424 = tpu.memref_slice %arg6[%run_scoped3A, %dma_start3A_422, %dma_start3A_423] : memref<8x128x64xf32, #tpu.memory_space<vmem>> -> memref<1x128x64xf32, #tpu.memory_space<vmem>>
          %dma_start3A_425 = tpu.memref_squeeze %dma_start3A_424 : memref<1x128x64xf32, #tpu.memory_space<vmem>> -> memref<128x64xf32, #tpu.memory_space<vmem>>
          %dma_start3A_426 = arith.constant 0 : i32
          %dma_start3A_427 = tpu.memref_slice %arg5[%add3A_397, %run_scoped3A_414, %dma_start3A_426] : memref<79x2x128xi32, #tpu.memory_space<vmem>> -> memref<1x1x128xi32, #tpu.memory_space<vmem>>
          %dma_start3A_428 = tpu.memref_squeeze %dma_start3A_427 : memref<1x1x128xi32, #tpu.memory_space<vmem>> -> memref<128xi32, #tpu.memory_space<vmem>>
          %dma_start3A_429 = arith.constant 0 : i32
          %dma_start3A_430 = arith.constant 0 : i32
          %dma_start3A_431 = tpu.memref_slice %arg8[%dma_start3A_429, %dma_start3A_430] : memref<10000x64xf32, #tpu.memory_space<vmem_shared>> -> memref<10000x64xf32, #tpu.memory_space<vmem_shared>>
          tpu.enqueue_indirect_dma source(%dma_start3A_425 : memref<128x64xf32, #tpu.memory_space<vmem>>) target(%dma_start3A_431 : memref<10000x64xf32, #tpu.memory_space<vmem_shared>>) offsets(%dma_start3A_428 : memref<128xi32, #tpu.memory_space<vmem>>) semaphore(%run_scoped3A_421 : memref<!tpu.dma_semaphore, #tpu.memory_space<semaphore_mem>>) {add = true}
          %dma_wait3A_432 = arith.constant 0 : i32
          %dma_wait3A_433 = arith.constant 0 : i32
          %dma_wait3A_434 = tpu.memref_slice %arg6[%run_scoped3A, %dma_wait3A_432, %dma_wait3A_433] : memref<8x128x64xf32, #tpu.memory_space<vmem>> -> memref<1x128x64xf32, #tpu.memory_space<vmem>>
          %dma_wait3A_435 = tpu.memref_squeeze %dma_wait3A_434 : memref<1x128x64xf32, #tpu.memory_space<vmem>> -> memref<128x64xf32, #tpu.memory_space<vmem>>
          %dma_wait3A_436 = arith.constant 0 : i32
          %dma_wait3A_437 = tpu.memref_slice %arg5[%add3A_397, %run_scoped3A_414, %dma_wait3A_436] : memref<79x2x128xi32, #tpu.memory_space<vmem>> -> memref<1x1x128xi32, #tpu.memory_space<vmem>>
          %dma_wait3A_438 = tpu.memref_squeeze %dma_wait3A_437 : memref<1x1x128xi32, #tpu.memory_space<vmem>> -> memref<128xi32, #tpu.memory_space<vmem>>
          %dma_wait3A_439 = arith.constant 0 : i32
          %dma_wait3A_440 = arith.constant 0 : i32
          %dma_wait3A_441 = tpu.memref_slice %arg8[%dma_wait3A_439, %dma_wait3A_440] : memref<10000x64xf32, #tpu.memory_space<vmem_shared>> -> memref<10000x64xf32, #tpu.memory_space<vmem_shared>>
          tpu.wait_indirect_dma semaphore(%run_scoped3A_421 : memref<!tpu.dma_semaphore, #tpu.memory_space<semaphore_mem>>) src(%dma_wait3A_435 : memref<128x64xf32, #tpu.memory_space<vmem>>) dst(%dma_wait3A_441 : memref<10000x64xf32, #tpu.memory_space<vmem_shared>>)
          tpu.yield
        }) : () -> ()
        %add3A_415 = arith.constant 8 : i32
        %add3A_416 = arith.addi %add3A_397, %add3A_415 : i32
        %lt3A_417 = arith.cmpi slt, %add3A_416, %add3A_4 : i32
        %convert_element_type3A_418 = arith.extui %lt3A_417 : i1 to i32
        %cond3A_419 = arith.constant 0 : i32
        %cond3A_420 = arith.cmpi ne, %convert_element_type3A_418, %cond3A_419 : i32
        scf.if %cond3A_420 {
          %add3A_421 = arith.constant 8 : i32
          %add3A_422 = arith.addi %add3A_397, %add3A_421 : i32
          %dma_start3A_423 = arith.constant 0 : i32
          %dma_start3A_424 = arith.constant 7 : i32
          %dma_start3A_425 = arith.constant 0 : i32
          %dma_start3A_426 = arith.constant 0 : i32
          %dma_start3A_427 = tpu.memref_slice %arg6[%dma_start3A_424, %dma_start3A_425, %dma_start3A_426] : memref<8x128x64xf32, #tpu.memory_space<vmem>> -> memref<1x128x64xf32, #tpu.memory_space<vmem>>
          %dma_start3A_428 = tpu.memref_squeeze %dma_start3A_427 : memref<1x128x64xf32, #tpu.memory_space<vmem>> -> memref<128x64xf32, #tpu.memory_space<vmem>>
          %dma_start3A_429 = arith.constant 0 : i32
          %dma_start3A_430 = tpu.memref_slice %arg5[%add3A_422, %dma_start3A_423, %dma_start3A_429] : memref<79x2x128xi32, #tpu.memory_space<vmem>> -> memref<1x1x128xi32, #tpu.memory_space<vmem>>
          %dma_start3A_431 = tpu.memref_squeeze %dma_start3A_430 : memref<1x1x128xi32, #tpu.memory_space<vmem>> -> memref<128xi32, #tpu.memory_space<vmem>>
          %dma_start3A_432 = arith.constant 0 : i32
          %dma_start3A_433 = arith.constant 0 : i32
          %dma_start3A_434 = tpu.memref_slice %arg2[%dma_start3A_432, %dma_start3A_433] : memref<10000x64xf32, #tpu.memory_space<hbm>> -> memref<10000x64xf32, #tpu.memory_space<hbm>>
          tpu.enqueue_indirect_dma source(%dma_start3A_434 : memref<10000x64xf32, #tpu.memory_space<hbm>>) target(%dma_start3A_428 : memref<128x64xf32, #tpu.memory_space<vmem>>) offsets(%dma_start3A_431 : memref<128xi32, #tpu.memory_space<vmem>>) semaphore(%arg9 : memref<!tpu.dma_semaphore, #tpu.memory_space<semaphore_mem>>)
        } else {
        }
      } else {
      }
    }
    %scan3A_338 = arith.constant 10 : i32
    %barrier3A_339 = arith.constant 0 : index
    tpu.barrier barrier_id(%barrier3A_339)
    %mul3A_340 = arith.constant 624 : i32
    %mul3A_341 = arith.muli %arg1, %mul3A_340 : i32
    %mul3A_342 = arith.constant 624 : i32
    %mul3A_343 = arith.muli %arg1, %mul3A_342 : i32
    "tpu.region"() ({
      %run_scoped3A = tpu.sem_alloc : memref<!tpu.dma_semaphore, #tpu.memory_space<semaphore_mem>>
      %dma_start3A_349 = arith.constant 0 : i32
      %dma_start3A_350 = tpu.memref_slice %arg4[%arg0, %mul3A_343, %dma_start3A_349] : memref<2x10000x64xf32, #tpu.memory_space<hbm>> -> memref<1x624x64xf32, #tpu.memory_space<hbm>>
      %dma_start3A_351 = tpu.memref_squeeze %dma_start3A_350 : memref<1x624x64xf32, #tpu.memory_space<hbm>> -> memref<624x64xf32, #tpu.memory_space<hbm>>
      %dma_start3A_352 = arith.constant 0 : i32
      %dma_start3A_353 = tpu.memref_slice %arg8[%mul3A_341, %dma_start3A_352] : memref<10000x64xf32, #tpu.memory_space<vmem_shared>> -> memref<624x64xf32, #tpu.memory_space<vmem_shared>>
      tpu.enqueue_dma source(%dma_start3A_353 : memref<624x64xf32, #tpu.memory_space<vmem_shared>>) target(%dma_start3A_351 : memref<624x64xf32, #tpu.memory_space<hbm>>) target_semaphore(%run_scoped3A : memref<!tpu.dma_semaphore, #tpu.memory_space<semaphore_mem>>)
      %dma_wait3A_354 = arith.constant 0 : i32
      %dma_wait3A_355 = tpu.memref_slice %arg4[%arg0, %mul3A_343, %dma_wait3A_354] : memref<2x10000x64xf32, #tpu.memory_space<hbm>> -> memref<1x624x64xf32, #tpu.memory_space<hbm>>
      %dma_wait3A_356 = tpu.memref_squeeze %dma_wait3A_355 : memref<1x624x64xf32, #tpu.memory_space<hbm>> -> memref<624x64xf32, #tpu.memory_space<hbm>>
      %dma_wait3A_357 = arith.constant 0 : i32
      %dma_wait3A_358 = tpu.memref_slice %arg8[%mul3A_341, %dma_wait3A_357] : memref<10000x64xf32, #tpu.memory_space<vmem_shared>> -> memref<624x64xf32, #tpu.memory_space<vmem_shared>>
      tpu.wait_dma2 semaphore(%run_scoped3A : memref<!tpu.dma_semaphore, #tpu.memory_space<semaphore_mem>>) src(%dma_wait3A_358 : memref<624x64xf32, #tpu.memory_space<vmem_shared>>) dst(%dma_wait3A_356 : memref<624x64xf32, #tpu.memory_space<hbm>>)
      tpu.yield
    }) : () -> ()
    %eq3A_344 = arith.constant 15 : i32
    %eq3A_345 = arith.cmpi eq, %arg1, %eq3A_344 : i32
    %convert_element_type3A_346 = arith.extui %eq3A_345 : i1 to i32
    %cond3A_347 = arith.constant 0 : i32
    %cond3A_348 = arith.cmpi ne, %convert_element_type3A_346, %cond3A_347 : i32
    scf.if %cond3A_348 {
      "tpu.region"() ({
        %run_scoped3A = tpu.sem_alloc : memref<!tpu.dma_semaphore, #tpu.memory_space<semaphore_mem>>
        %dma_start3A_349 = arith.constant 9984 : i32
        %dma_start3A_350 = arith.constant 0 : i32
        %dma_start3A_351 = tpu.memref_slice %arg4[%arg0, %dma_start3A_349, %dma_start3A_350] : memref<2x10000x64xf32, #tpu.memory_space<hbm>> -> memref<1x16x64xf32, #tpu.memory_space<hbm>>
        %dma_start3A_352 = tpu.memref_squeeze %dma_start3A_351 : memref<1x16x64xf32, #tpu.memory_space<hbm>> -> memref<16x64xf32, #tpu.memory_space<hbm>>
        %dma_start3A_353 = arith.constant 9984 : i32
        %dma_start3A_354 = arith.constant 0 : i32
        %dma_start3A_355 = tpu.memref_slice %arg8[%dma_start3A_353, %dma_start3A_354] : memref<10000x64xf32, #tpu.memory_space<vmem_shared>> -> memref<16x64xf32, #tpu.memory_space<vmem_shared>>
        tpu.enqueue_dma source(%dma_start3A_355 : memref<16x64xf32, #tpu.memory_space<vmem_shared>>) target(%dma_start3A_352 : memref<16x64xf32, #tpu.memory_space<hbm>>) target_semaphore(%run_scoped3A : memref<!tpu.dma_semaphore, #tpu.memory_space<semaphore_mem>>)
        %dma_wait3A_356 = arith.constant 9984 : i32
        %dma_wait3A_357 = arith.constant 0 : i32
        %dma_wait3A_358 = tpu.memref_slice %arg4[%arg0, %dma_wait3A_356, %dma_wait3A_357] : memref<2x10000x64xf32, #tpu.memory_space<hbm>> -> memref<1x16x64xf32, #tpu.memory_space<hbm>>
        %dma_wait3A_359 = tpu.memref_squeeze %dma_wait3A_358 : memref<1x16x64xf32, #tpu.memory_space<hbm>> -> memref<16x64xf32, #tpu.memory_space<hbm>>
        %dma_wait3A_360 = arith.constant 9984 : i32
        %dma_wait3A_361 = arith.constant 0 : i32
        %dma_wait3A_362 = tpu.memref_slice %arg8[%dma_wait3A_360, %dma_wait3A_361] : memref<10000x64xf32, #tpu.memory_space<vmem_shared>> -> memref<16x64xf32, #tpu.memory_space<vmem_shared>>
        tpu.wait_dma2 semaphore(%run_scoped3A : memref<!tpu.dma_semaphore, #tpu.memory_space<semaphore_mem>>) src(%dma_wait3A_362 : memref<16x64xf32, #tpu.memory_space<vmem_shared>>) dst(%dma_wait3A_359 : memref<16x64xf32, #tpu.memory_space<hbm>>)
        tpu.yield
      }) : () -> ()
    } else {
    }
    return
  }
}

module attributes {stable_mosaic.version = 14 : i64} {
  func.func @body(%arg0: memref<2560x128xf32, #tpu.memory_space<vmem>>, %arg1: memref<80x128xf32, #tpu.memory_space<vmem>>) attributes {dimension_semantics = [], scalar_prefetch = 0 : i64, scratch_operands = 0 : i64, tpu.core_type = #tpu.core_type<tc>} {
    %get3A = arith.constant 0 : index
    %get3A_0 = arith.constant 0 : index
    %get3A_1 = vector.load %arg0[%get3A, %get3A_0] : memref<2560x128xf32, #tpu.memory_space<vmem>>, vector<2560x128xf32>
    %reshape3A = vector.shape_cast %get3A_1 : vector<2560x128xf32> to vector<32x80x128xf32>
    %reduce_sum3A = arith.constant dense<0.000000e+00> : vector<80x128xf32>
    %reduce_sum3A_2 = vector.multi_reduction <add>, %reshape3A, %reduce_sum3A [0] : vector<32x80x128xf32> to vector<80x128xf32>
    %add3A = arith.constant 1.000000e+00 : f32
    %add3A_3 = vector.broadcast %add3A : f32 to vector<80x128xf32>
    %add3A_4 = arith.addf %reduce_sum3A_2, %add3A_3 : vector<80x128xf32>
    %rsqrt3A = math.rsqrt %add3A_4 : vector<80x128xf32>
    %swap3A = arith.constant 0 : index
    %swap3A_5 = arith.constant 0 : index
    %swap3A_6 = vector.load %arg1[%swap3A, %swap3A_5] : memref<80x128xf32, #tpu.memory_space<vmem>>, vector<80x128xf32>
    tpu.vector_store %arg1[%swap3A, %swap3A_5], %rsqrt3A {strides = array<i32>} : memref<80x128xf32, #tpu.memory_space<vmem>>, vector<80x128xf32>,
    return
  }
}

module attributes {stable_mosaic.version = 14 : i64} {
  func.func @body(%arg0: memref<5000x2xf32, #tpu.memory_space<vmem>>, %arg1: memref<5000x256xf32, #tpu.memory_space<vmem>>, %arg2: memref<256x128xf32, #tpu.memory_space<vmem>>, %arg3: memref<5000x128xf32, #tpu.memory_space<vmem>>) attributes {dimension_semantics = [], scalar_prefetch = 0 : i64, scratch_operands = 0 : i64, tpu.core_type = #tpu.core_type<tc>} {
    %get3A = arith.constant 0 : index
    %get3A_0 = arith.constant 0 : index
    %get3A_1 = vector.load %arg0[%get3A, %get3A_0] : memref<5000x2xf32, #tpu.memory_space<vmem>>, vector<5000x2xf32>
    %slice3A = vector.extract_strided_slice %get3A_1 {offsets = [0, 0], sizes = [5000, 1], strides = [1, 1]} : vector<5000x2xf32> to vector<5000x1xf32>
    %broadcast_in_dim3A = vector.shape_cast %slice3A : vector<5000x1xf32> to vector<5000x1xf32>
    %broadcast_in_dim3A_2 = vector.broadcast %broadcast_in_dim3A : vector<5000x1xf32> to vector<5000x64xf32>
    %slice3A_3 = vector.extract_strided_slice %get3A_1 {offsets = [0, 1], sizes = [5000, 1], strides = [1, 1]} : vector<5000x2xf32> to vector<5000x1xf32>
    %broadcast_in_dim3A_4 = vector.shape_cast %slice3A_3 : vector<5000x1xf32> to vector<5000x1xf32>
    %broadcast_in_dim3A_5 = vector.broadcast %broadcast_in_dim3A_4 : vector<5000x1xf32> to vector<5000x64xf32>
    %concatenate3A = tpu.concatenate %broadcast_in_dim3A_2, %broadcast_in_dim3A_5 in 1 : vector<5000x64xf32>, vector<5000x64xf32> -> vector<5000x128xf32>
    %get3A_6 = arith.constant 0 : index
    %get3A_7 = arith.constant 0 : index
    %get3A_8 = vector.load %arg1[%get3A_6, %get3A_7] : memref<5000x256xf32, #tpu.memory_space<vmem>>, vector<5000x256xf32>
    %get3A_9 = arith.constant 0 : index
    %get3A_10 = arith.constant 0 : index
    %get3A_11 = vector.load %arg2[%get3A_9, %get3A_10] : memref<256x128xf32, #tpu.memory_space<vmem>>, vector<256x128xf32>
    %dot_general3A = arith.constant dense<0.000000e+00> : vector<5000x128xf32>
    %dot_general3A_12 = tpu.matmul %get3A_8, %get3A_11, %dot_general3A {dimension_numbers = #tpu.dot_dimension_numbers<[1], [0], [0], [1], [0, 0, 1, 1], [], []>, transpose_lhs_hint = false} : vector<5000x256xf32>, vector<256x128xf32>, vector<5000x128xf32> -> vector<5000x128xf32>
    %mul3A = arith.mulf %concatenate3A, %dot_general3A_12 : vector<5000x128xf32>
    %swap3A = arith.constant 0 : index
    %swap3A_13 = arith.constant 0 : index
    %swap3A_14 = vector.load %arg3[%swap3A, %swap3A_13] : memref<5000x128xf32, #tpu.memory_space<vmem>>, vector<5000x128xf32>
    tpu.vector_store %arg3[%swap3A, %swap3A_13], %mul3A {strides = array<i32>} : memref<5000x128xf32, #tpu.memory_space<vmem>>, vector<5000x128xf32>,
    return
  }
}

module attributes {stable_mosaic.version = 14 : i64} {
  func.func @body(%arg0: memref<2x5000x128xf32, #tpu.memory_space<vmem>>, %arg1: memref<5000x128xf32, #tpu.memory_space<vmem>>, %arg2: memref<5000x2xf32, #tpu.memory_space<vmem>>, %arg3: memref<1x128xf32, #tpu.memory_space<vmem>>, %arg4: memref<128x128xf32, #tpu.memory_space<vmem>>, %arg5: memref<5000x128xf32, #tpu.memory_space<vmem>>) attributes {dimension_semantics = [], scalar_prefetch = 0 : i64, scratch_operands = 0 : i64, tpu.core_type = #tpu.core_type<tc>} {
    %get3A = arith.constant 0 : index
    %get3A_0 = arith.constant 0 : index
    %get3A_1 = vector.load %arg2[%get3A, %get3A_0] : memref<5000x2xf32, #tpu.memory_space<vmem>>, vector<5000x2xf32>
    %slice3A = vector.extract_strided_slice %get3A_1 {offsets = [0, 0], sizes = [5000, 1], strides = [1, 1]} : vector<5000x2xf32> to vector<5000x1xf32>
    %broadcast_in_dim3A = vector.shape_cast %slice3A : vector<5000x1xf32> to vector<5000x1xf32>
    %broadcast_in_dim3A_2 = vector.broadcast %broadcast_in_dim3A : vector<5000x1xf32> to vector<5000x64xf32>
    %slice3A_3 = vector.extract_strided_slice %get3A_1 {offsets = [0, 1], sizes = [5000, 1], strides = [1, 1]} : vector<5000x2xf32> to vector<5000x1xf32>
    %broadcast_in_dim3A_4 = vector.shape_cast %slice3A_3 : vector<5000x1xf32> to vector<5000x1xf32>
    %broadcast_in_dim3A_5 = vector.broadcast %broadcast_in_dim3A_4 : vector<5000x1xf32> to vector<5000x64xf32>
    %concatenate3A = tpu.concatenate %broadcast_in_dim3A_2, %broadcast_in_dim3A_5 in 1 : vector<5000x64xf32>, vector<5000x64xf32> -> vector<5000x128xf32>
    %get3A_6 = arith.constant 0 : index
    %get3A_7 = arith.constant 0 : index
    %get3A_8 = arith.constant 0 : index
    %get3A_9 = vector.load %arg0[%get3A_6, %get3A_7, %get3A_8] : memref<2x5000x128xf32, #tpu.memory_space<vmem>>, vector<1x5000x128xf32>
    %get3A_10 = vector.shape_cast %get3A_9 : vector<1x5000x128xf32> to vector<5000x128xf32>
    %get3A_11 = arith.constant 1 : index
    %get3A_12 = arith.constant 0 : index
    %get3A_13 = arith.constant 0 : index
    %get3A_14 = vector.load %arg0[%get3A_11, %get3A_12, %get3A_13] : memref<2x5000x128xf32, #tpu.memory_space<vmem>>, vector<1x5000x128xf32>
    %get3A_15 = vector.shape_cast %get3A_14 : vector<1x5000x128xf32> to vector<5000x128xf32>
    %add3A = arith.addf %get3A_10, %get3A_15 : vector<5000x128xf32>
    %get3A_16 = arith.constant 0 : index
    %get3A_17 = arith.constant 0 : index
    %get3A_18 = vector.load %arg1[%get3A_16, %get3A_17] : memref<5000x128xf32, #tpu.memory_space<vmem>>, vector<5000x128xf32>
    %add3A_19 = arith.addf %add3A, %get3A_18 : vector<5000x128xf32>
    %mul3A = arith.mulf %concatenate3A, %add3A_19 : vector<5000x128xf32>
    %get3A_20 = arith.constant 0 : index
    %get3A_21 = arith.constant 0 : index
    %get3A_22 = vector.load %arg3[%get3A_20, %get3A_21] : memref<1x128xf32, #tpu.memory_space<vmem>>, vector<1x128xf32>
    %add3A_23 = vector.broadcast %get3A_22 : vector<1x128xf32> to vector<5000x128xf32>
    %add3A_24 = arith.addf %mul3A, %add3A_23 : vector<5000x128xf32>
    %max3A = arith.constant 0.000000e+00 : f32
    %max3A_25 = vector.broadcast %max3A : f32 to vector<5000x128xf32>
    %max3A_26 = arith.maximumf %add3A_24, %max3A_25 : vector<5000x128xf32>
    %get3A_27 = arith.constant 0 : index
    %get3A_28 = arith.constant 0 : index
    %get3A_29 = vector.load %arg4[%get3A_27, %get3A_28] : memref<128x128xf32, #tpu.memory_space<vmem>>, vector<128x128xf32>
    %dot_general3A = arith.constant dense<0.000000e+00> : vector<5000x128xf32>
    %dot_general3A_30 = tpu.matmul %max3A_26, %get3A_29, %dot_general3A {dimension_numbers = #tpu.dot_dimension_numbers<[1], [0], [0], [1], [0, 0, 1, 1], [], []>, transpose_lhs_hint = false} : vector<5000x128xf32>, vector<128x128xf32>, vector<5000x128xf32> -> vector<5000x128xf32>
    %mul3A_31 = arith.mulf %concatenate3A, %dot_general3A_30 : vector<5000x128xf32>
    %swap3A = arith.constant 0 : index
    %swap3A_32 = arith.constant 0 : index
    %swap3A_33 = vector.load %arg5[%swap3A, %swap3A_32] : memref<5000x128xf32, #tpu.memory_space<vmem>>, vector<5000x128xf32>
    tpu.vector_store %arg5[%swap3A, %swap3A_32], %mul3A_31 {strides = array<i32>} : memref<5000x128xf32, #tpu.memory_space<vmem>>, vector<5000x128xf32>,
    return
  }
}

module attributes {stable_mosaic.version = 14 : i64} {
  func.func @body(%arg0: memref<2x5000x128xf32, #tpu.memory_space<vmem>>, %arg1: memref<5000x128xf32, #tpu.memory_space<vmem>>, %arg2: memref<5000x2xf32, #tpu.memory_space<vmem>>, %arg3: memref<1x128xf32, #tpu.memory_space<vmem>>, %arg4: memref<2x5000xi32, #tpu.memory_space<vmem>>, %arg5: memref<64x2xf32, #tpu.memory_space<vmem>>, %arg6: memref<2xf32, #tpu.memory_space<vmem>>, %arg7: memref<16x2xf32, #tpu.memory_space<vmem>>) attributes {dimension_semantics = [], scalar_prefetch = 0 : i64, scratch_operands = 0 : i64, tpu.core_type = #tpu.core_type<tc>} {
    %get3A = arith.constant 0 : index
    %get3A_0 = arith.constant 0 : index
    %get3A_1 = vector.load %arg2[%get3A, %get3A_0] : memref<5000x2xf32, #tpu.memory_space<vmem>>, vector<5000x2xf32>
    %slice3A = vector.extract_strided_slice %get3A_1 {offsets = [0, 0], sizes = [5000, 1], strides = [1, 1]} : vector<5000x2xf32> to vector<5000x1xf32>
    %broadcast_in_dim3A = vector.shape_cast %slice3A : vector<5000x1xf32> to vector<5000x1xf32>
    %broadcast_in_dim3A_2 = vector.broadcast %broadcast_in_dim3A : vector<5000x1xf32> to vector<5000x64xf32>
    %slice3A_3 = vector.extract_strided_slice %get3A_1 {offsets = [0, 1], sizes = [5000, 1], strides = [1, 1]} : vector<5000x2xf32> to vector<5000x1xf32>
    %broadcast_in_dim3A_4 = vector.shape_cast %slice3A_3 : vector<5000x1xf32> to vector<5000x1xf32>
    %broadcast_in_dim3A_5 = vector.broadcast %broadcast_in_dim3A_4 : vector<5000x1xf32> to vector<5000x64xf32>
    %concatenate3A = tpu.concatenate %broadcast_in_dim3A_2, %broadcast_in_dim3A_5 in 1 : vector<5000x64xf32>, vector<5000x64xf32> -> vector<5000x128xf32>
    %get3A_6 = arith.constant 0 : index
    %get3A_7 = arith.constant 0 : index
    %get3A_8 = arith.constant 0 : index
    %get3A_9 = vector.load %arg0[%get3A_6, %get3A_7, %get3A_8] : memref<2x5000x128xf32, #tpu.memory_space<vmem>>, vector<1x5000x128xf32>
    %get3A_10 = vector.shape_cast %get3A_9 : vector<1x5000x128xf32> to vector<5000x128xf32>
    %get3A_11 = arith.constant 1 : index
    %get3A_12 = arith.constant 0 : index
    %get3A_13 = arith.constant 0 : index
    %get3A_14 = vector.load %arg0[%get3A_11, %get3A_12, %get3A_13] : memref<2x5000x128xf32, #tpu.memory_space<vmem>>, vector<1x5000x128xf32>
    %get3A_15 = vector.shape_cast %get3A_14 : vector<1x5000x128xf32> to vector<5000x128xf32>
    %add3A = arith.addf %get3A_10, %get3A_15 : vector<5000x128xf32>
    %get3A_16 = arith.constant 0 : index
    %get3A_17 = arith.constant 0 : index
    %get3A_18 = vector.load %arg1[%get3A_16, %get3A_17] : memref<5000x128xf32, #tpu.memory_space<vmem>>, vector<5000x128xf32>
    %add3A_19 = arith.addf %add3A, %get3A_18 : vector<5000x128xf32>
    %mul3A = arith.mulf %concatenate3A, %add3A_19 : vector<5000x128xf32>
    %get3A_20 = arith.constant 0 : index
    %get3A_21 = arith.constant 0 : index
    %get3A_22 = vector.load %arg3[%get3A_20, %get3A_21] : memref<1x128xf32, #tpu.memory_space<vmem>>, vector<1x128xf32>
    %add3A_23 = vector.broadcast %get3A_22 : vector<1x128xf32> to vector<5000x128xf32>
    %add3A_24 = arith.addf %mul3A, %add3A_23 : vector<5000x128xf32>
    %max3A = arith.constant 0.000000e+00 : f32
    %max3A_25 = vector.broadcast %max3A : f32 to vector<5000x128xf32>
    %max3A_26 = arith.maximumf %add3A_24, %max3A_25 : vector<5000x128xf32>
    %iota3A = tpu.iota {dimensions = array<i32: 0>} : vector<16x5000xi32>
    %get3A_27 = arith.constant 0 : index
    %get3A_28 = arith.constant 0 : index
    %get3A_29 = vector.load %arg4[%get3A_27, %get3A_28] : memref<2x5000xi32, #tpu.memory_space<vmem>>, vector<1x5000xi32>
    %eq3A = vector.broadcast %get3A_29 : vector<1x5000xi32> to vector<16x5000xi32>
    %eq3A_30 = arith.cmpi eq, %eq3A, %iota3A : vector<16x5000xi32>
    %convert_element_type3A = arith.extui %eq3A_30 : vector<16x5000xi1> to vector<16x5000xi32>
    %convert_element_type3A_31 = arith.sitofp %convert_element_type3A : vector<16x5000xi32> to vector<16x5000xf32>
    %get3A_32 = arith.constant 1 : index
    %get3A_33 = arith.constant 0 : index
    %get3A_34 = vector.load %arg4[%get3A_32, %get3A_33] : memref<2x5000xi32, #tpu.memory_space<vmem>>, vector<1x5000xi32>
    %eq3A_35 = vector.broadcast %get3A_34 : vector<1x5000xi32> to vector<16x5000xi32>
    %eq3A_36 = arith.cmpi eq, %eq3A_35, %iota3A : vector<16x5000xi32>
    %convert_element_type3A_37 = arith.extui %eq3A_36 : vector<16x5000xi1> to vector<16x5000xi32>
    %convert_element_type3A_38 = arith.sitofp %convert_element_type3A_37 : vector<16x5000xi32> to vector<16x5000xf32>
    %slice3A_39 = vector.extract_strided_slice %max3A_26 {offsets = [0, 0], sizes = [5000, 64], strides = [1, 1]} : vector<5000x128xf32> to vector<5000x64xf32>
    %dot_general3A = arith.constant dense<0.000000e+00> : vector<16x64xf32>
    %dot_general3A_40 = tpu.matmul %convert_element_type3A_31, %slice3A_39, %dot_general3A {dimension_numbers = #tpu.dot_dimension_numbers<[1], [0], [0], [1], [0, 0, 1, 1], [], []>, transpose_lhs_hint = false} : vector<16x5000xf32>, vector<5000x64xf32>, vector<16x64xf32> -> vector<16x64xf32>
    %slice3A_41 = vector.extract_strided_slice %max3A_26 {offsets = [0, 64], sizes = [5000, 64], strides = [1, 1]} : vector<5000x128xf32> to vector<5000x64xf32>
    %dot_general3A_42 = arith.constant dense<0.000000e+00> : vector<16x64xf32>
    %dot_general3A_43 = tpu.matmul %convert_element_type3A_38, %slice3A_41, %dot_general3A_42 {dimension_numbers = #tpu.dot_dimension_numbers<[1], [0], [0], [1], [0, 0, 1, 1], [], []>, transpose_lhs_hint = false} : vector<16x5000xf32>, vector<5000x64xf32>, vector<16x64xf32> -> vector<16x64xf32>
    %add3A_44 = arith.addf %dot_general3A_40, %dot_general3A_43 : vector<16x64xf32>
    %reduce_sum3A = arith.constant dense<0.000000e+00> : vector<16xf32>
    %reduce_sum3A_45 = vector.multi_reduction <add>, %convert_element_type3A_31, %reduce_sum3A [1] : vector<16x5000xf32> to vector<16xf32>
    %broadcast_in_dim3A_46 = vector.shape_cast %reduce_sum3A_45 : vector<16xf32> to vector<16x1xf32>
    %reduce_sum3A_47 = arith.constant dense<0.000000e+00> : vector<16xf32>
    %reduce_sum3A_48 = vector.multi_reduction <add>, %convert_element_type3A_38, %reduce_sum3A_47 [1] : vector<16x5000xf32> to vector<16xf32>
    %broadcast_in_dim3A_49 = vector.shape_cast %reduce_sum3A_48 : vector<16xf32> to vector<16x1xf32>
    %add3A_50 = arith.addf %broadcast_in_dim3A_46, %broadcast_in_dim3A_49 : vector<16x1xf32>
    %max3A_51 = arith.constant 1.000000e+00 : f32
    %max3A_52 = vector.broadcast %max3A_51 : f32 to vector<16x1xf32>
    %max3A_53 = arith.maximumf %add3A_50, %max3A_52 : vector<16x1xf32>
    %div3A = vector.broadcast %max3A_53 : vector<16x1xf32> to vector<16x64xf32>
    %div3A_54 = arith.divf %add3A_44, %div3A : vector<16x64xf32>
    %get3A_55 = arith.constant 0 : index
    %get3A_56 = arith.constant 0 : index
    %get3A_57 = vector.load %arg5[%get3A_55, %get3A_56] : memref<64x2xf32, #tpu.memory_space<vmem>>, vector<64x2xf32>
    %dot_general3A_58 = arith.constant dense<0.000000e+00> : vector<16x2xf32>
    %dot_general3A_59 = tpu.matmul %div3A_54, %get3A_57, %dot_general3A_58 {dimension_numbers = #tpu.dot_dimension_numbers<[1], [0], [0], [1], [0, 0, 1, 1], [], []>, transpose_lhs_hint = false} : vector<16x64xf32>, vector<64x2xf32>, vector<16x2xf32> -> vector<16x2xf32>
    %get3A_60 = arith.constant 0 : index
    %get3A_61 = vector.load %arg6[%get3A_60] : memref<2xf32, #tpu.memory_space<vmem>>, vector<2xf32>
    %broadcast_in_dim3A_62 = vector.shape_cast %get3A_61 : vector<2xf32> to vector<1x2xf32>
    %add3A_63 = vector.broadcast %broadcast_in_dim3A_62 : vector<1x2xf32> to vector<16x2xf32>
    %add3A_64 = arith.addf %dot_general3A_59, %add3A_63 : vector<16x2xf32>
    %reduce_max3A = arith.constant dense<0xFF800000> : vector<16xf32>
    %reduce_max3A_65 = vector.multi_reduction <maximumf>, %add3A_64, %reduce_max3A [1] : vector<16x2xf32> to vector<16xf32>
    %broadcast_in_dim3A_66 = vector.shape_cast %reduce_max3A_65 : vector<16xf32> to vector<16x1xf32>
    %sub3A = vector.broadcast %broadcast_in_dim3A_66 : vector<16x1xf32> to vector<16x2xf32>
    %sub3A_67 = arith.subf %add3A_64, %sub3A : vector<16x2xf32>
    %exp3A = math.exp %sub3A_67 : vector<16x2xf32>
    %reduce_sum3A_68 = arith.constant dense<0.000000e+00> : vector<16xf32>
    %reduce_sum3A_69 = vector.multi_reduction <add>, %exp3A, %reduce_sum3A_68 [1] : vector<16x2xf32> to vector<16xf32>
    %broadcast_in_dim3A_70 = vector.shape_cast %reduce_sum3A_69 : vector<16xf32> to vector<16x1xf32>
    %log3A = math.log %broadcast_in_dim3A_70 : vector<16x1xf32>
    %add3A_71 = arith.addf %broadcast_in_dim3A_66, %log3A : vector<16x1xf32>
    %sub3A_72 = vector.broadcast %add3A_71 : vector<16x1xf32> to vector<16x2xf32>
    %sub3A_73 = arith.subf %add3A_64, %sub3A_72 : vector<16x2xf32>
    %swap3A = arith.constant 0 : index
    %swap3A_74 = arith.constant 0 : index
    %swap3A_75 = vector.load %arg7[%swap3A, %swap3A_74] : memref<16x2xf32, #tpu.memory_space<vmem>>, vector<16x2xf32>
    tpu.vector_store %arg7[%swap3A, %swap3A_74], %sub3A_73 {strides = array<i32>} : memref<16x2xf32, #tpu.memory_space<vmem>>, vector<16x2xf32>,
    return
  }
}

</mosaic_0001>

<sc_bundles>
// kernel: kernel.12.cloned.1.call-start
scs
__scs_entry_jumppad:
0x0: {  	(pc) =	sbr.rel $0x88, $3  }
0x1: {  	(tag) =	ssettag $0x0;
	lr =	simm.s32 $0x1  }
0x2: {  	[smem:$0x3F98] =	sst lr;
	_ =	strace $0xD0000000  }
0x3: {  	_ = 	snop  }
0x4: {  	_ = 	snop  }
0x5: {  	_ = 	snop  }
0x6: {  	_ = 	snop  }
0x7: {  	_ = 	snop  }
__scs_overlays_trampoline_lowered:
0x8: {  	[smem:$0x3FA7] =	sst s0  }
0x9: {  	[smem:$0x3FA8] =	sst s1  }
0xa: {  	[smem:$0x3FA9] =	sst s2  }
0xb: {  	[smem:$0x3FAA] =	sst s3  }
0xc: {  	[smem:$0x3FAB] =	sst s4  }
0xd: {  	[smem:$0x3FAC] =	sst s5  }
0xe: {  	[smem:$0x3FAD] =	sst s6  }
0xf: {  	[smem:$0x3FAE] =	sst s7  }
0x10: {  	[smem:$0x3FAF] =	sst s8  }
0x11: {  	[smem:$0x3FB0] =	sst s9;
	s0 =	simm.s32 @!p0 $0x0  }
0x12: {  	s1 =	sld [smem:$0x3F96];
	s0 =	simm.s32 @p0 $0x1  }
0x13: {  	[smem:$0x3FB1] =	sst s0;
	s0 =	simm.s32 @!p1 $0x0  }
0x14: {  	s2 =	sld [smem:$0x3F95];
	s0 =	simm.s32 @p1 $0x1  }
0x15: {  	[smem:$0x3FB2] =	sst s0;
	s0 =	simm.s32 @!p2 $0x0  }
0x16: {  	s3 =	sld [smem:$0x3FDB];
	s0 =	simm.s32 @p2 $0x1  }
0x17: {  	s4 =	simm.s32 $0x1BF5;
	[smem:$0x3FB4] =	sst s0  }
0x18: {  	s0 =	sld [smem:$0x3F97];
	_ =	swait.ge [sflag:s4], $0x0  }
0x19: {  	s7 =	sld [smem:$0x3F98]  }
0x1a: {  	s8 =	sadd.s32 $0xFFFFE003, lr  }
0x1b: {  	s9 =	sadd.s32 $0xFFFFFEF7, lr;
	s5 =	simm.s32 $0xFFFFFFFF;
	p2 =	slt.u32 s8, $0xFFFFF086  }
0x1c: {  	p1 =	slt.u32 s9, $0xF7A;
	s5 =	simm.s32 @!p2 $0x0  }
0x1d: {  	s5 =	simm.s32 @p1 $0x1;
	p0 =	seq.s32 s7, s2  }
0x1e: {  	s7 =	smul.u32 @!p0 $0xF7A, s2;
	p2 =	seq.s32 @!p0 s5, $0x0  }
0x1f: {  	s9 =	smul.u32 $0xF7A, s1;
	s8 =	simm.s32 @!p0 $0x1BF5;
	p2 =	por !p2, p0  }
0x20: {  	[sflag:s8] =	ssyncset.s32 @!p0 $0xFFFFF086;
	s6 =	sadd.s32 @!p0 s3, s7;
	s7 =	simm.s32 @!p0 $0x108  }
0x21: {  	s3 =	sadd.s32 s3, s9;
	s6 =	sadd.s32 @!p0 $0x88, s6;
	s7 =	simm.s32 @p2 $0x1082  }
0x22: {  	[simem:s7], [sflag:s8] =	dma.local @!p0 [hbm:s6], $0xF7A  }
0x23: {  	s9 =	sor.u32 $0xD0000000, s2;
	s6 =	simm.s32 $0x108;
	_ =	swait.ge @!p0 [sflag:s8], $0x0  }
0x24: {  	s3 =	sadd.s32 $0x88, s3;
	s6 =	simm.s32 @!p1 $0x1082;
	[sflag:s4] =	ssyncset.s32 $0xFFFFF086  }
0x25: {  	[simem:s6], [sflag:s4] =	dma.local [hbm:s3], $0xF7A  }
0x26: {  	[smem:$0x3F98] =	sst s1;
	(tag) =	ssettag s2;
	_ =	strace s9  }
0x27: {  	s1 =	sld [smem:$0x3FA8]  }
0x28: {  	s2 =	sld [smem:$0x3FA9]  }
0x29: {  	s4 =	sld [smem:$0x3FAB]  }
0x2a: {  	p0 =	seq.s32 s5, $0x0;
	s5 =	sld [smem:$0x3FAC]  }
0x2b: {  	s6 =	sld [smem:$0x3FAD]  }
0x2c: {  	s7 =	sld [smem:$0x3FAE]  }
0x2d: {  	s3 =	simm.s32 $0x108;
	s8 =	sld [smem:$0x3FAF]  }
0x2e: {  	s3 =	simm.s32 @!p0 $0x1082;
	s9 =	sld [smem:$0x3FB0]  }
0x2f: {  	lr =	sadd.s32 s0, s3;
	s0 =	sld [smem:$0x3FA7]  }
0x30: {  	s3 =	sld [smem:$0x3FAA]  }
0x31: {  	[smem:$0x3FB3] =	sst s10  }
0x32: {  	s10 =	sld [smem:$0x3FB1];
	_ =	sdelay $0x3  }
0x33: {  	p0 =	seq.s32 s10, $0x1;
	s10 =	sld [smem:$0x3FB3];
	_ =	sdelay $0x3  }
0x34: {  	[smem:$0x3FB3] =	sst s10  }
0x35: {  	s10 =	sld [smem:$0x3FB2];
	_ =	sdelay $0x3  }
0x36: {  	p1 =	seq.s32 s10, $0x1;
	s10 =	sld [smem:$0x3FB3];
	_ =	sdelay $0x3  }
0x37: {  	[smem:$0x3FB3] =	sst s10  }
0x38: {  	s10 =	sld [smem:$0x3FB4]  }
0x39: {  	_ = 	snop;
	(pc) =	sbr.ind lr, $3  }
0x3a: {  	_ = 	snop  }
0x3b: {  	_ = 	snop  }
0x3c: {  	p2 =	seq.s32 s10, $0x1;
	s10 =	sld [smem:$0x3FB3]  }
0x3d: {  	_ =	shalt  }
0x3e: {  	_ =	shalt  }
0x3f: {  	_ =	shalt  }
0x40: {  	_ =	shalt  }
0x41: {  	_ =	shalt  }
0x42: {  	_ =	shalt  }
0x43: {  	_ =	shalt  }
0x44: {  	_ =	shalt  }
0x45: {  	_ =	shalt  }
0x46: {  	_ =	shalt  }
0x47: {  	_ =	shalt  }
0x48: {  	_ =	shalt  }
0x49: {  	_ =	shalt  }
0x4a: {  	_ =	shalt  }
0x4b: {  	_ =	shalt  }
0x4c: {  	_ =	shalt  }
0x4d: {  	_ =	shalt  }
0x4e: {  	_ =	shalt  }
0x4f: {  	_ =	shalt  }
0x50: {  	_ =	shalt  }
0x51: {  	_ =	shalt  }
0x52: {  	_ =	shalt  }
0x53: {  	_ =	shalt  }
0x54: {  	_ =	shalt  }
0x55: {  	_ =	shalt  }
0x56: {  	_ =	shalt  }
0x57: {  	_ =	shalt  }
0x58: {  	_ =	shalt  }
0x59: {  	_ =	shalt  }
0x5a: {  	_ =	shalt  }
0x5b: {  	_ =	shalt  }
0x5c: {  	_ =	shalt  }
0x5d: {  	_ =	shalt  }
0x5e: {  	_ =	shalt  }
0x5f: {  	_ =	shalt  }
0x60: {  	_ =	shalt  }
0x61: {  	_ =	shalt  }
0x62: {  	_ =	shalt  }
0x63: {  	_ =	shalt  }
0x64: {  	_ =	shalt  }
0x65: {  	_ =	shalt  }
0x66: {  	_ =	shalt  }
0x67: {  	_ =	shalt  }
0x68: {  	_ =	shalt  }
0x69: {  	_ =	shalt  }
0x6a: {  	_ =	shalt  }
0x6b: {  	_ =	shalt  }
0x6c: {  	_ =	shalt  }
0x6d: {  	_ =	shalt  }
0x6e: {  	_ =	shalt  }
0x6f: {  	_ =	shalt  }
0x70: {  	_ =	shalt  }
0x71: {  	_ =	shalt  }
0x72: {  	_ =	shalt  }
0x73: {  	_ =	shalt  }
0x74: {  	_ =	shalt  }
0x75: {  	_ =	shalt  }
0x76: {  	_ =	shalt  }
0x77: {  	_ =	shalt  }
0x78: {  	_ =	shalt  }
0x79: {  	_ =	shalt  }
0x7a: {  	_ =	shalt  }
0x7b: {  	_ =	shalt  }
0x7c: {  	_ =	shalt  }
0x7d: {  	_ =	shalt  }
0x7e: {  	_ =	shalt  }
0x7f: {  	_ =	shalt  }
0x80: {  	_ =	shalt  }
0x81: {  	_ =	shalt  }
0x82: {  	_ =	shalt  }
0x83: {  	_ =	shalt  }
0x84: {  	_ =	shalt  }
0x85: {  	_ =	shalt  }
0x86: {  	_ =	shalt  }
0x87: {  	_ =	shalt  }
.Lfunc_end0:
.L_simem_size_0:
called_computation.1_lowered:
.L_overlay_start_0:
0x88: {  	s2 =	sld [smem:$0x3FD9]  }
0x89: {  	s3 =	sld [smem:$0x3FFE];
	_ =	sdelay $0x1  }
0x8a: {  	s1 =	srdreg.scid  }
0x8b: {  	s0 =	sand.u32 $0x1, s1  }
0x8c: {  	s17 =	sshll.u32 s0, $0xA;
	s2 =	sadd.s32 s3, s2  }
0x8d: {  	s2 =	sadd.s32 s2, s17  }
0x8e: {  	[smem:$0x3FBF] =	sst s2  }
0x8f: {  	_ = 	snop  }
0x90: {  	s2 =	sld [smem:$0x3FC8];
	(tm) =	ssettm $0x1  }
0x91: {  	s18 =	sld [smem:$0x3FFB];
	_ =	sdelay $0x3  }
0x92: {  	_ =	strace s18  }
0x93: {  	s3 =	sld [smem:$0x3FFC];
	_ =	sdelay $0x3  }
0x94: {  	_ =	strace s3  }
0x95: {  	s3 =	sld [smem:$0x3FFD];
	_ =	sdelay $0x3  }
0x96: {  	_ =	strace s3  }
0x97: {  	_ =	strace $0x8FFFFFFF  }
0x98: {  	s19 =	sld [smem:$0x3FDB];
	_ =	sdelay $0x1  }
0x99: {  	s4 =	simm.s32 $_scs_section_size  }
0x9a: {  	s5 =	simm.s32 $_size__tile_overlayer_lowered;
	s6 =	simm.s32 $_tile_overlayer_lowered  }
0x9b: {  	s22 =	simm.s32 $0x1BFF;
	s21 =	sshll.u32 s6, $0x1;
	s3 =	sadd.s32 s4, s19  }
0x9c: {  	s7 =	simm.s32 $0x0;
	s20 =	sshll.u32 s5, $0x1;
	s5 =	sadd.s32 s21, s3  }
0x9d: {  	[timem:s7], [sflag:s22] =	dma.local [hbm:s5], s20  }
0x9e: {  	_ =	swait.ge [sflag:s22], s20  }
0x9f: {  	s4 =	ssub.s32 $0x0, s20;
	[sflag:s22] =	ssyncset.done $0x0  }
0xa0: {  	[sflag:s22] =	ssyncadd.s32 s4;
	_ =	sdelay $0x1  }
0xa1: {  	s23 =	simm.s32 $0x1B8B  }
0xa2: {  	_ =	swait.ge [sflag:s23], $0x1  }
0xa3: {  	[sflag:s23] =	ssyncset.done $0x0  }
0xa4: {  	s25 =	simm.s32 $0x1B8E;
	s24 =	sld [smem:$0x3FFE];
	[sflag:s23] =	ssyncadd.s32 $0xFFFFFFFF  }
0xa5: {  	s26 =	simm.s32 $execute0_lowered;
	[smem:$0x3FD2] =	sst s25  }
0xa6: {  	s5 =	sshll.u32 s26, $0x1;
	_ =	strace $0x80000049;
	[dreg:$0x1] =	wrdreg $0xFFFFFFFF  }
0xa7: {  	s28 =	simm.s32 $_size_execute0_lowered;
	s3 =	sadd.s32 s3, s5;
	[dreg:$0x0] =	wrdreg $0x0  }
0xa8: {  	s5 =	sshll.u32 s28, $0x1;
	[dreg:$0x2] =	wrdreg s3  }
0xa9: {  	[dreg:$0x3] =	wrdreg s5  }
0xaa: {  	[dreg:$0x4] =	wrdreg $0xC0  }
0xab: {  	_ =	task [dreg:s7], $0x5FFFF  }
0xac: {  	[dreg:$0x1] =	wrdreg $0xFFFFFFFF  }
0xad: {  	[dreg:$0x0] =	wrdreg $0x60  }
0xae: {  	[dreg:$0x2] =	wrdreg s24  }
0xaf: {  	[dreg:$0x3] =	wrdreg s2  }
0xb0: {  	[dreg:$0x4] =	wrdreg $0x15B000  }
0xb1: {  	[dreg:$0x5] =	wrdreg $0x9  }
0xb2: {  	_ =	task.clear_ibuf [dreg:s7], $0x6FFFF;
	_ =	strace $0x90000049  }
0xb3: {  	s29 =	simm.s32 $0x9;
	_ =	strace $0x8000004B  }
0xb4: {  	_ =	swait.ge [sflag:s29], $0x1  }
0xb5: {  	[sflag:s29] =	ssyncadd.s32 $0xFFFFFFFF  }
0xb6: {  	_ =	strace $0x9000004B  }
0xb7: {  	_ =	sfence  }
0xb8: {  	s30 =	sld [smem:$0x0];
	_ =	sdelay $0x2  }
0xb9: {  	s31 =	sshll.u32 s1, $0xD;
	s1 =	sshrl.u32 s1, $0x2  }
0xba: {  	s3 =	sand.u32 $0x4000, s31;
	s1 =	sadd.s32 s1, s30  }
0xbb: {  	s0 =	sor.u32 s3, s0;
	s1 =	sshll.u32 s1, $0x11  }
0xbc: {  	s0 =	sor.u32 s1, s0  }
0xbd: {  	s0 =	sadd.s32 $0x8F2B, s0  }
0xbe: {  	[sflag:s0] =	ssyncadd.remote.s32 $0x1  }
0xbf: {  	_ =	sfence.sel $0xFFFF  }
0xc0: {  	[dreg:$0x0] =	wrdreg $0xFFFFFFFF;
	(pc) =	sbr.abs _section_cstart, $3  }
0xc1: {  	[dreg:$0x1] =	wrdreg $0xFFFFFFFF  }
0xc2: {  	_ =	task.clear_ibuf [dreg:s7], $0x2FFFF;
	_ =	strace $0x9FFFFFFF  }
0xc3: {  	(tm) =	ssettm $0x7FFFFFFF  }
tec
execute0_lowered:
.L_overlay_start_1:
0x0: {  	(tag) =	ssettag $0x1  }
0x1: {  	s0 =	rddreg [dreg:$0x0]  }
0x2: {  	s2 =	rddreg [dreg:$0x1]  }
0x3: {  	s1 =	rddreg [dreg:$0x2];
	s3 =	simm.s32 $0x0;
	s13 =	srdreg.scid  }
0x4: {  	s12 =	stileid.u32;
	s28 =	simm.s32 $0x1;
	s29 =	simm.s32 $0x80  }
0x5: {  	s30 =	simm.s32 $0x4F00;
	s31 =	simm.s32 $0x8F00;
	[smem:$0x7FF] =	sst s3  }
0x6: {  	s4 =	sadd.s32 $0x2A00, s0;
	s3 =	sand.u32 $0x1, s13;
	s8 =	smul.u32 $0x27000, s12  }
0x7: {  	s0 =	sadd.s32 $0x16400, s0;
	s10 =	sshll.u32 s12, $0x5;
	s11 =	smul.u32 $0x9C00, s12  }
0x8: {  	p1 =	sne.s32 s12, $0xF;
	_ =	strace $0x8000004A;
	s6 =	ssub.s32 $0x2, s3  }
0x9: {  	s5 =	sshll.u32 s3, $0x4;
	s22 =	smul.u32 $0x9C400, s3;
	s8 =	sshrl.u32 s8, $0x2  }
0xa: {  	s7 =	sshrl.u32 s6, $0x1;
	s9 =	sor.u32 s12, s5;
	s15 =	sadd.s32 s8, s1  }
0xb: {  	s5 =	simm.s32 $0x4F;
	p0 =	slt.u32 s9, $0x4;
	s16 =	sadd.s32 $0xC00, s15  }
0xc: {  	s6 =	ssub.s32 s6, s7;
	s17 =	sadd.s32 $0x1800, s15;
	[dreg:$0x6] =	wrdreg s16  }
0xd: {  	s14 =	smul.u32 $0x9C0, s9;
	s18 =	sadd.s32 $0x2400, s15;
	[dreg:$0x7] =	wrdreg s17  }
0xe: {  	s8 =	sadd.s32 s11, s1;
	s19 =	sadd.s32 $0x3000, s15;
	[dreg:$0x8] =	wrdreg s18  }
0xf: {  	s26 =	sadd.s32 s11, s22;
	s20 =	sadd.s32 $0x3C00, s15;
	[dreg:$0x9] =	wrdreg s19  }
0x10: {  	s5 =	simm.s32 @!p0 $0x4E;
	s21 =	sadd.s32 $0x4800, s15;
	[dreg:$0xa] =	wrdreg s20  }
0x11: {  	s23 =	sadd.s32 $0x5400, s15;
	s24 =	sadd.s32 $0x6000, s15;
	[dreg:$0xb] =	wrdreg s21  }
0x12: {  	s25 =	sadd.s32 $0x6C00, s15;
	s3 =	sshrl.u32 s26, $0x3;
	[dreg:$0xc] =	wrdreg s23  }
0x13: {  	p0 =	sgt.u32 s9, $0x3;
	s26 =	simm.s32 $0x14F00;
	[dreg:$0xd] =	wrdreg s24  }
0x14: {  	s7 =	sadd.s32 s2, s14;
	s2 =	sadd.s32 s10, s2;
	[dreg:$0xe] =	wrdreg s25  }
0x15: {  	s18 =	sadd.s32 $0x7800, s15;
	s19 =	sadd.s32 $0x8400, s15;
	s20 =	sadd.s32 $0x9000, s15  }
0x16: {  	s21 =	sadd.s32 s0, s3;
	s24 =	smax.u32 s6, $0x1;
	s25 =	simm.s32 $0x2  }
0x17: {  	s3 =	simm.s32 $0xCF00;
	[dreg:$0x4] =	wrdreg s7;
	s2 =	sadd.s32 $0x13800, s2  }
0x18: {  	s6 =	simm.s32 $0xEF00;
	[dreg:$0x5] =	wrdreg s2;
	s2 =	sshrl.u32 s22, $0x3  }
0x19: {  	s7 =	simm.s32 $0x0;
	s22 =	sadd.s32 $0x9C000, s1;
	s0 =	sadd.s32 s0, s2  }
0x1a: {  	v0 =	vimm.f32 $0.0e+00;
	s2 =	simm.s32 $0xAF00;
	s23 =	sadd.s32 $0x13800, s0;
	s0 =	simm.s32 $0x6F00  }
.LBB2_1:
0x1b: {  	s9 =	simm.s32 $0x0;
	s10 =	rddreg [dreg:$0x4]  }
0x1c: {  	[tilespmem:s9], [sflag:$0x2] =	stream.linear.gather [hbm4b:s10+s9], $0x4E00, $0x38;
	[tilespmem:$0x1F740] =	vst v63  }
0x1d: {  	_ =	swait.ge [sflag:s25], $0x4E00  }
0x1e: {  	s9 =	simm.s32 @!p0 $0x0;
	[sflag:s25] =	ssyncset.done $0x0  }
0x1f: {  	s10 =	simm.s32 @!p0 $0x4E00;
	s11 =	rddreg [dreg:$0x5];
	[sflag:s25] =	ssyncadd.s32 $0xFFFFB200  }
0x20: {  	[tilespmem:s10], [sflag:$0x2] =	stream.linear.gather @!p0 [hbm4b:s11+s9], $0x100, $0x38;
	[tilespmem:$0x1F740] =	vst v63  }
0x21: {  	s9 =	simm.s32 @!p0 $0x2  }
0x22: {  	_ =	swait.ge @!p0 [sflag:s9], $0x100  }
0x23: {  	[sflag:s9] =	ssyncset.done @!p0 $0x0  }
0x24: {  	s10 =	simm.s32 $0x100;
	[sflag:s9] =	ssyncadd.s32 @!p0 $0xFFFFFF00;
	s9 =	simm.s32 $0x0  }
.LBB2_2:
0x25: {  	p2 =	sne.s32 s10, $0x2F00;
	[tilespmem:s9+$0x14F30] =	vst v0;
	s11 =	smov.u32 s10;
	s10 =	sadd.s32 $0x100, s10  }
.Ltmp0:
0x26: {  	[tilespmem:s9+$0x14F20] =	vst v0;
	(pc) =	sbr.rel @p2 .LBB2_2-.Ltmp0, $3  }
0x27: {  	[tilespmem:s9+$0x14F00] =	vst v0  }
0x28: {  	[tilespmem:s9+$0x14F10] =	vst v0;
	_ =	sdelay $0x1  }
0x29: {  	s9 =	sshra.s32 s11, $0x2  }
0x2a: {  	[tilespmem:s9+$0x14F30] =	vst v0  }
0x2b: {  	[tilespmem:s9+$0x14F20] =	vst v0  }
0x2c: {  	[tilespmem:s9+$0x14F00] =	vst v0  }
0x2d: {  	[tilespmem:s9+$0x14F10] =	vst v0  }
0x2e: {  	[spmem:s8] =	stream.linear.scatter [tilespmem:s26], [sflag:$0x1], $0xC00, $0x38;
	[tilespmem:$0x1F740] =	vst v63  }
0x2f: {  	s10 =	rddreg [dreg:$0x6]  }
0x30: {  	[spmem:s10] =	stream.linear.scatter [tilespmem:s26], [sflag:$0x1], $0xC00, $0x38;
	[tilespmem:$0x1F740] =	vst v63  }
0x31: {  	s11 =	rddreg [dreg:$0x7]  }
0x32: {  	[spmem:s11] =	stream.linear.scatter [tilespmem:s26], [sflag:$0x1], $0xC00, $0x38;
	[tilespmem:$0x1F740] =	vst v63  }
0x33: {  	s12 =	rddreg [dreg:$0x8]  }
0x34: {  	[spmem:s12] =	stream.linear.scatter [tilespmem:s26], [sflag:$0x1], $0xC00, $0x38;
	[tilespmem:$0x1F740] =	vst v63  }
0x35: {  	s13 =	rddreg [dreg:$0x9]  }
0x36: {  	[spmem:s13] =	stream.linear.scatter [tilespmem:s26], [sflag:$0x1], $0xC00, $0x38;
	[tilespmem:$0x1F740] =	vst v63  }
0x37: {  	s14 =	rddreg [dreg:$0xa]  }
0x38: {  	[spmem:s14] =	stream.linear.scatter [tilespmem:s26], [sflag:$0x1], $0xC00, $0x38;
	[tilespmem:$0x1F740] =	vst v63  }
0x39: {  	s15 =	rddreg [dreg:$0xb]  }
0x3a: {  	[spmem:s15] =	stream.linear.scatter [tilespmem:s26], [sflag:$0x1], $0xC00, $0x38;
	[tilespmem:$0x1F740] =	vst v63  }
0x3b: {  	s16 =	rddreg [dreg:$0xc]  }
0x3c: {  	[spmem:s16] =	stream.linear.scatter [tilespmem:s26], [sflag:$0x1], $0xC00, $0x38;
	[tilespmem:$0x1F740] =	vst v63  }
0x3d: {  	s17 =	rddreg [dreg:$0xd]  }
0x3e: {  	[spmem:s17] =	stream.linear.scatter [tilespmem:s26], [sflag:$0x1], $0xC00, $0x38;
	[tilespmem:$0x1F740] =	vst v63  }
0x3f: {  	s10 =	rddreg [dreg:$0xe]  }
0x40: {  	[spmem:s10] =	stream.linear.scatter [tilespmem:s26], [sflag:$0x1], $0xC00, $0x38;
	[tilespmem:$0x1F740] =	vst v63  }
0x41: {  	_ = 	snop  }
0x42: {  	[spmem:s18] =	stream.linear.scatter [tilespmem:s26], [sflag:$0x1], $0xC00, $0x38;
	[tilespmem:$0x1F740] =	vst v63  }
0x43: {  	_ = 	snop  }
0x44: {  	[spmem:s19] =	stream.linear.scatter [tilespmem:s26], [sflag:$0x1], $0xC00, $0x38;
	[tilespmem:$0x1F740] =	vst v63  }
0x45: {  	_ = 	snop  }
0x46: {  	[spmem:s20] =	stream.linear.scatter [tilespmem:s26], [sflag:$0x1], $0xC00, $0x38;
	[tilespmem:$0x1F740] =	vst v63  }
0x47: {  	s9 =	simm.s32 @!p1 $0x14F00  }
0x48: {  	[spmem:s22] =	stream.linear.scatter @!p1 [tilespmem:s9], [sflag:$0x1], $0x400, $0x38;
	[tilespmem:$0x1F740] =	vst v63  }
0x49: {  	_ =	swait.ge [sflag:s28], $0xC00  }
0x4a: {  	[sflag:s28] =	ssyncset.done $0x0  }
0x4b: {  	[sflag:s28] =	ssyncadd.s32 $0xFFFFF400  }
0x4c: {  	_ =	swait.ge [sflag:s28], $0xC00  }
0x4d: {  	[sflag:s28] =	ssyncset.done $0x0  }
0x4e: {  	[sflag:s28] =	ssyncadd.s32 $0xFFFFF400  }
0x4f: {  	_ =	swait.ge [sflag:s28], $0xC00  }
0x50: {  	[sflag:s28] =	ssyncset.done $0x0  }
0x51: {  	[sflag:s28] =	ssyncadd.s32 $0xFFFFF400  }
0x52: {  	_ =	swait.ge [sflag:s28], $0xC00  }
0x53: {  	[sflag:s28] =	ssyncset.done $0x0  }
0x54: {  	[sflag:s28] =	ssyncadd.s32 $0xFFFFF400  }
0x55: {  	_ =	swait.ge [sflag:s28], $0xC00  }
0x56: {  	[sflag:s28] =	ssyncset.done $0x0  }
0x57: {  	[sflag:s28] =	ssyncadd.s32 $0xFFFFF400  }
0x58: {  	_ =	swait.ge [sflag:s28], $0xC00  }
0x59: {  	[sflag:s28] =	ssyncset.done $0x0  }
0x5a: {  	[sflag:s28] =	ssyncadd.s32 $0xFFFFF400  }
0x5b: {  	_ =	swait.ge [sflag:s28], $0xC00  }
0x5c: {  	[sflag:s28] =	ssyncset.done $0x0  }
0x5d: {  	[sflag:s28] =	ssyncadd.s32 $0xFFFFF400  }
0x5e: {  	_ =	swait.ge [sflag:s28], $0xC00  }
0x5f: {  	[sflag:s28] =	ssyncset.done $0x0  }
0x60: {  	[sflag:s28] =	ssyncadd.s32 $0xFFFFF400  }
0x61: {  	_ =	swait.ge [sflag:s28], $0xC00  }
0x62: {  	[sflag:s28] =	ssyncset.done $0x0  }
0x63: {  	[sflag:s28] =	ssyncadd.s32 $0xFFFFF400  }
0x64: {  	_ =	swait.ge [sflag:s28], $0xC00  }
0x65: {  	[sflag:s28] =	ssyncset.done $0x0  }
0x66: {  	[sflag:s28] =	ssyncadd.s32 $0xFFFFF400  }
0x67: {  	_ =	swait.ge [sflag:s28], $0xC00  }
0x68: {  	[sflag:s28] =	ssyncset.done $0x0  }
0x69: {  	[sflag:s28] =	ssyncadd.s32 $0xFFFFF400  }
0x6a: {  	_ =	swait.ge [sflag:s28], $0xC00  }
0x6b: {  	[sflag:s28] =	ssyncset.done $0x0  }
0x6c: {  	[sflag:s28] =	ssyncadd.s32 $0xFFFFF400  }
0x6d: {  	_ =	swait.ge [sflag:s28], $0xC00  }
0x6e: {  	[sflag:s28] =	ssyncset.done $0x0  }
0x6f: {  	s9 =	simm.s32 @!p1 $0x1;
	[sflag:s28] =	ssyncadd.s32 $0xFFFFF400  }
0x70: {  	_ =	swait.ge @!p1 [sflag:s9], $0x400  }
0x71: {  	[sflag:s9] =	ssyncset.done @!p1 $0x0  }
0x72: {  	[sflag:s9] =	ssyncadd.s32 @!p1 $0xFFFFFC00  }
0x73: {  	s9 =	simm.s32 $0x0;
	[bflag:$0x0] =	sbarrier.arrive $0xFFFF  }
0x74: {  	[tilespmem:s30], [sflag:$0x1] =	stream.indirect.gather [hbm4b:s4+s29], $0x40, s9, s29, $0xb8;
	[tilespmem:$0x1F740] =	vst v63  }
0x75: {  	s10 =	simm.s32 $0x100  }
0x76: {  	[tilespmem:s0], [sflag:$0x1] =	stream.indirect.gather [hbm4b:s4+s29], $0x40, s10, s29, $0xb8;
	[tilespmem:$0x1F740] =	vst v63  }
0x77: {  	s11 =	simm.s32 $0x200  }
0x78: {  	[tilespmem:s31], [sflag:$0x1] =	stream.indirect.gather [hbm4b:s4+s29], $0x40, s11, s29, $0xb8;
	[tilespmem:$0x1F740] =	vst v63  }
0x79: {  	s12 =	simm.s32 $0x300  }
0x7a: {  	[tilespmem:s2], [sflag:$0x1] =	stream.indirect.gather [hbm4b:s4+s29], $0x40, s12, s29, $0xb8;
	[tilespmem:$0x1F740] =	vst v63  }
0x7b: {  	s13 =	simm.s32 $0x400  }
0x7c: {  	[tilespmem:s3], [sflag:$0x1] =	stream.indirect.gather [hbm4b:s4+s29], $0x40, s13, s29, $0xb8;
	[tilespmem:$0x1F740] =	vst v63  }
0x7d: {  	s14 =	simm.s32 $0x500  }
0x7e: {  	[tilespmem:s6], [sflag:$0x1] =	stream.indirect.gather [hbm4b:s4+s29], $0x40, s14, s29, $0xb8;
	[tilespmem:$0x1F740] =	vst v63  }
0x7f: {  	s15 =	simm.s32 $0x600;
	s11 =	simm.s32 $0x10F00  }
0x80: {  	[tilespmem:s11], [sflag:$0x1] =	stream.indirect.gather [hbm4b:s4+s29], $0x40, s15, s29, $0xb8;
	[tilespmem:$0x1F740] =	vst v63  }
0x81: {  	s16 =	simm.s32 $0x700;
	s17 =	simm.s32 $0x12F00  }
0x82: {  	[tilespmem:s17], [sflag:$0x1] =	stream.indirect.gather [hbm4b:s4+s29], $0x40, s16, s29, $0xb8;
	[tilespmem:$0x1F740] =	vst v63  }
0x83: {  	_ =	swait.ge [sflag:s28], $0x2000  }
0x84: {  	[sflag:s28] =	ssyncset.done $0x0  }
0x85: {  	s12 =	simm.s32 $0x80;
	[sflag:s28] =	ssyncadd.s32 $0xFFFFE000  }
0x86: {  	[spmem:s1] =	stream.indirect.scatter.add.f32 [tilespmem:s30], [sflag:$0x2], $0x40, s12, s29, $0xb8;
	[tilespmem:$0x1F740] =	vst v63  }
0x87: {  	p2 =	sle.u32 s5, $0x8;
	_ =	swait.ge [sflag:s25], $0x2000  }
0x88: {  	s10 =	simm.s32 @!p2 $0x4F00;
	[sflag:s25] =	ssyncset.done $0x0  }
0x89: {  	s11 =	simm.s32 @!p2 $0x800;
	s12 =	simm.s32 @!p2 $0x80;
	[sflag:s25] =	ssyncadd.s32 $0xFFFFE000  }
0x8a: {  	[tilespmem:s10], [sflag:$0x1] =	stream.indirect.gather @!p2 [hbm4b:s4+s12], $0x40, s11, s12, $0xb8;
	[tilespmem:$0x1F740] =	vst v63  }
0x8b: {  	_ =	swait.ge [sflag:s28], $0x2000  }
0x8c: {  	[sflag:s28] =	ssyncset.done $0x0  }
0x8d: {  	s13 =	simm.s32 $0x180;
	[sflag:s28] =	ssyncadd.s32 $0xFFFFE000  }
0x8e: {  	[spmem:s1] =	stream.indirect.scatter.add.f32 [tilespmem:s0], [sflag:$0x2], $0x40, s13, s29, $0xb8;
	[tilespmem:$0x1F740] =	vst v63  }
0x8f: {  	p2 =	sle.u32 s5, $0x9;
	_ =	swait.ge [sflag:s25], $0x2000  }
0x90: {  	s10 =	simm.s32 @!p2 $0x6F00;
	[sflag:s25] =	ssyncset.done $0x0  }
0x91: {  	s11 =	simm.s32 @!p2 $0x900;
	s12 =	simm.s32 @!p2 $0x80;
	[sflag:s25] =	ssyncadd.s32 $0xFFFFE000  }
0x92: {  	[tilespmem:s10], [sflag:$0x1] =	stream.indirect.gather @!p2 [hbm4b:s4+s12], $0x40, s11, s12, $0xb8;
	[tilespmem:$0x1F740] =	vst v63  }
0x93: {  	_ =	swait.ge [sflag:s28], $0x2000  }
0x94: {  	[sflag:s28] =	ssyncset.done $0x0  }
0x95: {  	s14 =	simm.s32 $0x280;
	[sflag:s28] =	ssyncadd.s32 $0xFFFFE000  }
0x96: {  	[spmem:s1] =	stream.indirect.scatter.add.f32 [tilespmem:s31], [sflag:$0x2], $0x40, s14, s29, $0xb8;
	[tilespmem:$0x1F740] =	vst v63  }
0x97: {  	p2 =	sle.u32 s5, $0xA;
	_ =	swait.ge [sflag:s25], $0x2000  }
0x98: {  	s10 =	simm.s32 @!p2 $0x8F00;
	[sflag:s25] =	ssyncset.done $0x0  }
0x99: {  	s11 =	simm.s32 @!p2 $0xA00;
	s12 =	simm.s32 @!p2 $0x80;
	[sflag:s25] =	ssyncadd.s32 $0xFFFFE000  }
0x9a: {  	[tilespmem:s10], [sflag:$0x1] =	stream.indirect.gather @!p2 [hbm4b:s4+s12], $0x40, s11, s12, $0xb8;
	[tilespmem:$0x1F740] =	vst v63  }
0x9b: {  	_ =	swait.ge [sflag:s28], $0x2000  }
0x9c: {  	[sflag:s28] =	ssyncset.done $0x0  }
0x9d: {  	s15 =	simm.s32 $0x380;
	[sflag:s28] =	ssyncadd.s32 $0xFFFFE000  }
0x9e: {  	[spmem:s1] =	stream.indirect.scatter.add.f32 [tilespmem:s2], [sflag:$0x2], $0x40, s15, s29, $0xb8;
	[tilespmem:$0x1F740] =	vst v63  }
0x9f: {  	p2 =	sle.u32 s5, $0xB;
	_ =	swait.ge [sflag:s25], $0x2000  }
0xa0: {  	s10 =	simm.s32 @!p2 $0xAF00;
	[sflag:s25] =	ssyncset.done $0x0  }
0xa1: {  	s11 =	simm.s32 @!p2 $0xB00;
	s12 =	simm.s32 @!p2 $0x80;
	[sflag:s25] =	ssyncadd.s32 $0xFFFFE000  }
0xa2: {  	[tilespmem:s10], [sflag:$0x1] =	stream.indirect.gather @!p2 [hbm4b:s4+s12], $0x40, s11, s12, $0xb8;
	[tilespmem:$0x1F740] =	vst v63  }
0xa3: {  	_ =	swait.ge [sflag:s28], $0x2000  }
0xa4: {  	[sflag:s28] =	ssyncset.done $0x0  }
0xa5: {  	s16 =	simm.s32 $0x480;
	[sflag:s28] =	ssyncadd.s32 $0xFFFFE000  }
0xa6: {  	[spmem:s1] =	stream.indirect.scatter.add.f32 [tilespmem:s3], [sflag:$0x2], $0x40, s16, s29, $0xb8;
	[tilespmem:$0x1F740] =	vst v63  }
0xa7: {  	p2 =	sle.u32 s5, $0xC;
	_ =	swait.ge [sflag:s25], $0x2000  }
0xa8: {  	s10 =	simm.s32 @!p2 $0xCF00;
	[sflag:s25] =	ssyncset.done $0x0  }
0xa9: {  	s11 =	simm.s32 @!p2 $0xC00;
	s12 =	simm.s32 @!p2 $0x80;
	[sflag:s25] =	ssyncadd.s32 $0xFFFFE000  }
0xaa: {  	[tilespmem:s10], [sflag:$0x1] =	stream.indirect.gather @!p2 [hbm4b:s4+s12], $0x40, s11, s12, $0xb8;
	[tilespmem:$0x1F740] =	vst v63  }
0xab: {  	_ =	swait.ge [sflag:s28], $0x2000  }
0xac: {  	[sflag:s28] =	ssyncset.done $0x0  }
0xad: {  	s17 =	simm.s32 $0x580;
	[sflag:s28] =	ssyncadd.s32 $0xFFFFE000  }
0xae: {  	[spmem:s1] =	stream.indirect.scatter.add.f32 [tilespmem:s6], [sflag:$0x2], $0x40, s17, s29, $0xb8;
	[tilespmem:$0x1F740] =	vst v63  }
0xaf: {  	p3 =	sle.u32 s5, $0xD;
	_ =	swait.ge [sflag:s25], $0x2000  }
0xb0: {  	s10 =	simm.s32 @!p3 $0xEF00;
	s11 =	simm.s32 @!p3 $0xD00;
	[sflag:s25] =	ssyncset.done $0x0  }
0xb1: {  	p2 =	sle.u32 s5, $0x6;
	s12 =	simm.s32 @!p3 $0x80;
	[sflag:s25] =	ssyncadd.s32 $0xFFFFE000  }
0xb2: {  	[tilespmem:s10], [sflag:$0x1] =	stream.indirect.gather @!p3 [hbm4b:s4+s12], $0x40, s11, s12, $0xb8;
	[tilespmem:$0x1F740] =	vst v63  }
0xb3: {  	s10 =	simm.s32 @!p2 $0x1  }
0xb4: {  	_ =	swait.ge @!p2 [sflag:s10], $0x2000  }
0xb5: {  	s11 =	simm.s32 @!p2 $0x680;
	[sflag:s10] =	ssyncset.done @!p2 $0x0  }
0xb6: {  	s12 =	simm.s32 @!p2 $0x80;
	[sflag:s10] =	ssyncadd.s32 @!p2 $0xFFFFE000;
	s10 =	simm.s32 @!p2 $0x10F00  }
0xb7: {  	[spmem:s1] =	stream.indirect.scatter.add.f32 @!p2 [tilespmem:s10], [sflag:$0x2], $0x40, s11, s12, $0xb8;
	[tilespmem:$0x1F740] =	vst v63  }
0xb8: {  	p3 =	sle.u32 @!p2 s5, $0xE;
	s10 =	simm.s32 @!p2 $0x2  }
0xb9: {  	p4 =	por p3, p2;
	_ =	swait.ge @!p2 [sflag:s10], $0x2000  }
0xba: {  	p3 =	sle.u32 s5, $0x7;
	s11 =	simm.s32 @!p4 $0x10F00;
	[sflag:s10] =	ssyncset.done @!p2 $0x0  }
0xbb: {  	s12 =	simm.s32 @!p4 $0xE00;
	[sflag:s10] =	ssyncadd.s32 @!p2 $0xFFFFE000;
	s10 =	simm.s32 @!p4 $0x80  }
0xbc: {  	[tilespmem:s11], [sflag:$0x1] =	stream.indirect.gather @!p4 [hbm4b:s4+s10], $0x40, s12, s10, $0xb8;
	[tilespmem:$0x1F740] =	vst v63  }
0xbd: {  	s10 =	simm.s32 @!p3 $0x1  }
0xbe: {  	_ =	swait.ge @!p3 [sflag:s10], $0x2000  }
0xbf: {  	p2 =	sle.u32 @!p3 s5, $0xF;
	s11 =	simm.s32 @!p3 $0x12F00;
	[sflag:s10] =	ssyncset.done @!p3 $0x0  }
0xc0: {  	s12 =	simm.s32 @!p3 $0x780;
	[sflag:s10] =	ssyncadd.s32 @!p3 $0xFFFFE000;
	s10 =	simm.s32 @!p3 $0x80  }
0xc1: {  	[spmem:s1] =	stream.indirect.scatter.add.f32 @!p3 [tilespmem:s11], [sflag:$0x2], $0x40, s12, s10, $0xb8;
	[tilespmem:$0x1F740] =	vst v63  }
0xc2: {  	p4 =	por p2, p3;
	s12 =	simm.s32 @!p3 $0x2  }
0xc3: {  	s10 =	simm.s32 $0x2000;
	s11 =	simm.s32 $0x17;
	_ =	swait.ge @!p3 [sflag:s12], $0x2000  }
.LBB2_4:
0xc4: {  	[sflag:s12] =	ssyncset.done @!p3 $0x0  }
0xc5: {  	s13 =	sshra.s32 @!p4 s9, $0x2;
	s14 =	simm.s32 @!p4 $0x12F00;
	s9 =	smov.u32 s10  }
0xc6: {  	[sflag:s12] =	ssyncadd.s32 @!p3 $0xFFFFE000;
	s12 =	sadd.s32 @!p4 $0xF00, s13;
	s13 =	simm.s32 @!p4 $0x80  }
0xc7: {  	[tilespmem:s14], [sflag:$0x1] =	stream.indirect.gather @!p4 [hbm4b:s4+s13], $0x40, s12, s13, $0xb8;
	[tilespmem:$0x1F740] =	vst v63  }
0xc8: {  	s10 =	sadd.s32 $0x2000, s10;
	s12 =	sshra.s32 s9, $0x2;
	_ =	swait.ge [sflag:s28], $0x2000  }
0xc9: {  	s14 =	sadd.s32 $0xFFFFFFF9, s11;
	s13 =	sadd.s32 $0x80, s12;
	[sflag:s28] =	ssyncset.done $0x0  }
0xca: {  	p2 =	sne.s32 s10, $0x14000;
	p3 =	sge.u32 s14, s5;
	[sflag:s28] =	ssyncadd.s32 $0xFFFFE000  }
0xcb: {  	[spmem:s1] =	stream.indirect.scatter.add.f32 [tilespmem:s30], [sflag:$0x2], $0x40, s13, s29, $0xb8;
	[tilespmem:$0x1F740] =	vst v63  }
0xcc: {  	s14 =	simm.s32 @!p3 $0x4F00;
	s13 =	sshra.s32 @!p3 s9, $0x2;
	_ =	swait.ge [sflag:s25], $0x2000  }
0xcd: {  	s15 =	simm.s32 @!p3 $0x80;
	s13 =	sadd.s32 @!p3 $0x800, s13;
	[sflag:s25] =	ssyncset.done $0x0  }
0xce: {  	[sflag:s25] =	ssyncadd.s32 $0xFFFFE000  }
0xcf: {  	[tilespmem:s14], [sflag:$0x1] =	stream.indirect.gather @!p3 [hbm4b:s4+s15], $0x40, s13, s15, $0xb8;
	[tilespmem:$0x1F740] =	vst v63  }
0xd0: {  	_ =	swait.ge [sflag:s28], $0x2000  }
0xd1: {  	s13 =	sadd.s32 $0x180, s12;
	s14 =	sadd.s32 $0xFFFFFFFA, s11;
	[sflag:s28] =	ssyncset.done $0x0  }
0xd2: {  	p3 =	sge.u32 s14, s5;
	[sflag:s28] =	ssyncadd.s32 $0xFFFFE000  }
0xd3: {  	[spmem:s1] =	stream.indirect.scatter.add.f32 [tilespmem:s0], [sflag:$0x2], $0x40, s13, s29, $0xb8;
	[tilespmem:$0x1F740] =	vst v63  }
0xd4: {  	s14 =	simm.s32 @!p3 $0x6F00;
	s13 =	sshra.s32 @!p3 s9, $0x2;
	_ =	swait.ge [sflag:s25], $0x2000  }
0xd5: {  	s15 =	simm.s32 @!p3 $0x80;
	s13 =	sadd.s32 @!p3 $0x900, s13;
	[sflag:s25] =	ssyncset.done $0x0  }
0xd6: {  	[sflag:s25] =	ssyncadd.s32 $0xFFFFE000  }
0xd7: {  	[tilespmem:s14], [sflag:$0x1] =	stream.indirect.gather @!p3 [hbm4b:s4+s15], $0x40, s13, s15, $0xb8;
	[tilespmem:$0x1F740] =	vst v63  }
0xd8: {  	_ =	swait.ge [sflag:s28], $0x2000  }
0xd9: {  	s13 =	sadd.s32 $0x280, s12;
	s14 =	sadd.s32 $0xFFFFFFFB, s11;
	[sflag:s28] =	ssyncset.done $0x0  }
0xda: {  	p3 =	sge.u32 s14, s5;
	[sflag:s28] =	ssyncadd.s32 $0xFFFFE000  }
0xdb: {  	[spmem:s1] =	stream.indirect.scatter.add.f32 [tilespmem:s31], [sflag:$0x2], $0x40, s13, s29, $0xb8;
	[tilespmem:$0x1F740] =	vst v63  }
0xdc: {  	s14 =	simm.s32 @!p3 $0x8F00;
	s13 =	sshra.s32 @!p3 s9, $0x2;
	_ =	swait.ge [sflag:s25], $0x2000  }
0xdd: {  	s15 =	simm.s32 @!p3 $0x80;
	s13 =	sadd.s32 @!p3 $0xA00, s13;
	[sflag:s25] =	ssyncset.done $0x0  }
0xde: {  	[sflag:s25] =	ssyncadd.s32 $0xFFFFE000  }
0xdf: {  	[tilespmem:s14], [sflag:$0x1] =	stream.indirect.gather @!p3 [hbm4b:s4+s15], $0x40, s13, s15, $0xb8;
	[tilespmem:$0x1F740] =	vst v63  }
0xe0: {  	_ =	swait.ge [sflag:s28], $0x2000  }
0xe1: {  	s13 =	sadd.s32 $0x380, s12;
	s14 =	sadd.s32 $0xFFFFFFFC, s11;
	[sflag:s28] =	ssyncset.done $0x0  }
0xe2: {  	p3 =	sge.u32 s14, s5;
	[sflag:s28] =	ssyncadd.s32 $0xFFFFE000  }
0xe3: {  	[spmem:s1] =	stream.indirect.scatter.add.f32 [tilespmem:s2], [sflag:$0x2], $0x40, s13, s29, $0xb8;
	[tilespmem:$0x1F740] =	vst v63  }
0xe4: {  	s14 =	simm.s32 @!p3 $0xAF00;
	s13 =	sshra.s32 @!p3 s9, $0x2;
	_ =	swait.ge [sflag:s25], $0x2000  }
0xe5: {  	s15 =	simm.s32 @!p3 $0x80;
	s13 =	sadd.s32 @!p3 $0xB00, s13;
	[sflag:s25] =	ssyncset.done $0x0  }
0xe6: {  	[sflag:s25] =	ssyncadd.s32 $0xFFFFE000  }
0xe7: {  	[tilespmem:s14], [sflag:$0x1] =	stream.indirect.gather @!p3 [hbm4b:s4+s15], $0x40, s13, s15, $0xb8;
	[tilespmem:$0x1F740] =	vst v63  }
0xe8: {  	_ =	swait.ge [sflag:s28], $0x2000  }
0xe9: {  	s13 =	sadd.s32 $0x480, s12;
	s14 =	sadd.s32 $0xFFFFFFFD, s11;
	[sflag:s28] =	ssyncset.done $0x0  }
0xea: {  	p3 =	sge.u32 s14, s5;
	[sflag:s28] =	ssyncadd.s32 $0xFFFFE000  }
0xeb: {  	[spmem:s1] =	stream.indirect.scatter.add.f32 [tilespmem:s3], [sflag:$0x2], $0x40, s13, s29, $0xb8;
	[tilespmem:$0x1F740] =	vst v63  }
0xec: {  	s14 =	simm.s32 @!p3 $0xCF00;
	s13 =	sshra.s32 @!p3 s9, $0x2;
	_ =	swait.ge [sflag:s25], $0x2000  }
0xed: {  	s15 =	simm.s32 @!p3 $0x80;
	s13 =	sadd.s32 @!p3 $0xC00, s13;
	[sflag:s25] =	ssyncset.done $0x0  }
0xee: {  	[sflag:s25] =	ssyncadd.s32 $0xFFFFE000  }
0xef: {  	[tilespmem:s14], [sflag:$0x1] =	stream.indirect.gather @!p3 [hbm4b:s4+s15], $0x40, s13, s15, $0xb8;
	[tilespmem:$0x1F740] =	vst v63  }
0xf0: {  	_ =	swait.ge [sflag:s28], $0x2000  }
0xf1: {  	s12 =	sadd.s32 $0x580, s12;
	s13 =	sadd.s32 $0xFFFFFFFE, s11;
	[sflag:s28] =	ssyncset.done $0x0  }
0xf2: {  	p3 =	sge.u32 s13, s5;
	s13 =	sadd.s32 $0xFFFFFFF7, s11;
	[sflag:s28] =	ssyncadd.s32 $0xFFFFE000  }
0xf3: {  	[spmem:s1] =	stream.indirect.scatter.add.f32 [tilespmem:s6], [sflag:$0x2], $0x40, s12, s29, $0xb8;
	[tilespmem:$0x1F740] =	vst v63  }
0xf4: {  	s14 =	simm.s32 @!p3 $0xEF00;
	s12 =	sshra.s32 @!p3 s9, $0x2;
	_ =	swait.ge [sflag:s25], $0x2000  }
0xf5: {  	p4 =	sge.u32 s13, s5;
	s12 =	sadd.s32 @!p3 $0xD00, s12;
	[sflag:s25] =	ssyncset.done $0x0  }
0xf6: {  	s13 =	simm.s32 @!p3 $0x80;
	s15 =	simm.s32 @!p4 $0x1;
	s16 =	sshra.s32 @!p4 s9, $0x2  }
0xf7: {  	s17 =	sadd.s32 @!p4 $0xFFFFFFFF, s11;
	s16 =	sadd.s32 @!p4 $0x680, s16;
	[sflag:s25] =	ssyncadd.s32 $0xFFFFE000  }
0xf8: {  	[tilespmem:s14], [sflag:$0x1] =	stream.indirect.gather @!p3 [hbm4b:s4+s13], $0x40, s12, s13, $0xb8;
	[tilespmem:$0x1F740] =	vst v63  }
0xf9: {  	s12 =	simm.s32 @!p4 $0x80;
	s13 =	simm.s32 @!p4 $0x10F00;
	_ =	swait.ge @!p4 [sflag:s15], $0x2000  }
0xfa: {  	s14 =	simm.s32 @!p4 $0x2;
	p3 =	sge.u32 @!p4 s17, s5;
	[sflag:s15] =	ssyncset.done @!p4 $0x0  }
0xfb: {  	p5 =	por p3, p4;
	[sflag:s15] =	ssyncadd.s32 @!p4 $0xFFFFE000;
	s15 =	sadd.s32 $0xFFFFFFF8, s11  }
0xfc: {  	[spmem:s1] =	stream.indirect.scatter.add.f32 @!p4 [tilespmem:s13], [sflag:$0x2], $0x40, s16, s12, $0xb8;
	[tilespmem:$0x1F740] =	vst v63  }
0xfd: {  	s12 =	sshra.s32 @!p5 s9, $0x2;
	s13 =	simm.s32 @!p5 $0x10F00;
	_ =	swait.ge @!p4 [sflag:s14], $0x2000  }
0xfe: {  	p3 =	sge.u32 s15, s5;
	s12 =	sadd.s32 @!p5 $0xE00, s12;
	[sflag:s14] =	ssyncset.done @!p4 $0x0  }
0xff: {  	s15 =	simm.s32 @!p3 $0x1;
	[sflag:s14] =	ssyncadd.s32 @!p4 $0xFFFFE000;
	s14 =	simm.s32 @!p5 $0x80  }
0x100: {  	[tilespmem:s13], [sflag:$0x1] =	stream.indirect.gather @!p5 [hbm4b:s4+s14], $0x40, s12, s14, $0xb8;
	[tilespmem:$0x1F740] =	vst v63  }
0x101: {  	s12 =	sshra.s32 @!p3 s9, $0x2  }
.Ltmp1:
0x102: {  	s13 =	simm.s32 @!p3 $0x12F00;
	_ =	swait.ge @!p3 [sflag:s15], $0x2000;
	(pc) =	sbr.rel @p2 .LBB2_4-.Ltmp1, $4  }
0x103: {  	s16 =	simm.s32 @!p3 $0x80;
	s14 =	sadd.s32 @!p3 $0x780, s12;
	[sflag:s15] =	ssyncset.done @!p3 $0x0  }
0x104: {  	p4 =	sge.u32 @!p3 s11, s5;
	s12 =	simm.s32 @!p3 $0x2;
	[sflag:s15] =	ssyncadd.s32 @!p3 $0xFFFFE000  }
0x105: {  	[spmem:s1] =	stream.indirect.scatter.add.f32 @!p3 [tilespmem:s13], [sflag:$0x2], $0x40, s14, s16, $0xb8;
	[tilespmem:$0x1F740] =	vst v63  }
0x106: {  	s11 =	sadd.s32 $0x8, s11;
	p4 =	por p4, p3;
	_ =	swait.ge @!p3 [sflag:s12], $0x2000  }
0x107: {  	[sflag:s12] =	ssyncset.done @!p3 $0x0  }
0x108: {  	s9 =	sshra.s32 @!p4 s9, $0x2;
	s10 =	simm.s32 @!p4 $0x12F00;
	s11 =	simm.s32 @!p4 $0x80  }
0x109: {  	s16 =	stileid.u32;
	[sflag:s12] =	ssyncadd.s32 @!p3 $0xFFFFE000;
	s9 =	sadd.s32 @!p4 $0xF00, s9  }
0x10a: {  	[tilespmem:s10], [sflag:$0x1] =	stream.indirect.gather @!p4 [hbm4b:s4+s11], $0x40, s9, s11, $0xb8;
	[tilespmem:$0x1F740] =	vst v63  }
0x10b: {  	s9 =	sshll.u32 s16, $0x6  }
0x10c: {  	s17 =	sshrl.u32 s8, $0x3;
	[bflag:$0x0] =	sbarrier.arrive $0xFFFF;
	s9 =	sor.u32 $0x1C02, s9  }
0x10d: {  	[hbm:s21], [sflag:s9] =	dma.local [spmem:s17], $0x1380  }
0x10e: {  	_ =	swait.ge [sflag:s25], $0x1380  }
0x10f: {  	s7 =	sadd.s32 $0x1, s7;
	[sflag:s25] =	ssyncset.done $0x0  }
0x110: {  	p2 =	sne.s32 s7, s24;
	s10 =	sshrl.u32 @!p1 s22, $0x3;
	[sflag:s25] =	ssyncadd.s32 $0xFFFFEC80  }
0x111: {  	[hbm:s23], [sflag:s9] =	dma.local @!p1 [spmem:s10], $0x80  }
.Ltmp2:
0x112: {  	_ = 	snop;
	(pc) =	sbr.rel @p2 .LBB2_1-.Ltmp2, $4  }
0x113: {  	s9 =	simm.s32 @!p1 $0x2  }
0x114: {  	_ =	swait.ge @!p1 [sflag:s9], $0x80  }
0x115: {  	[sflag:s9] =	ssyncset.done @!p1 $0x0  }
0x116: {  	[sflag:s9] =	ssyncadd.s32 @!p1 $0xFFFFFF80  }
0x117: {  	_ =	sfence.sel $0x180000  }
0x118: {  	[bflag:$0x0] =	sbarrier.arrive $0xFFFF  }
0x119: {  	_ =	strace $0x9000004A  }
0x11a: {  	s0 =	stileid.u32;
	[bflag:$0x2] =	sbarrier.arrive $0xFFFF  }
0x11b: {  	p0 =	sne.s32 s0, $0x0;
	s0 =	rddreg [dreg:$0x3]  }
0x11c: {  	s0 =	sadd.s32 @!p0 $0x100000, s0  }
0x11d: {  	[sflag:s0] =	ssyncadd.tile.s32 @!p0 $0x1;
	_ =	shalt  }
.Lfunc_end2:
_tile_overlayer_lowered:
.L_overlay_start_2:
0x11e: {  	(tag) =	ssettag $0x2  }
0x11f: {  	s0 =	rddreg [dreg:$0x0];
	s2 =	stileid.u32  }
0x120: {  	s1 =	rddreg [dreg:$0x1];
	p0 =	sne.s32 s2, $0x0  }
0x121: {  	s3 =	rddreg [dreg:$0x2];
	[bflag:$0x3] =	sbarrier.arrive $0xFFFF;
	s2 =	simm.s32 @!p0 $0x1C02  }
0x122: {  	[timem:s3], [sflag:s2] =	dma.local @!p0 [hbm:s0], s1  }
0x123: {  	s0 =	simm.s32 @!p0 $0x2  }
0x124: {  	_ =	swait.ge @!p0 [sflag:s0], s1  }
0x125: {  	s1 =	ssub.s32 @!p0 $0x0, s1;
	[sflag:s0] =	ssyncset.done @!p0 $0x0  }
0x126: {  	[sflag:s0] =	ssyncadd.s32 @!p0 s1  }
0x127: {  	[bflag:$0x3] =	sbarrier.arrive $0xFFFF  }
0x128: {  	_ =	shalt  }

// kernel: kernel.15.cloned.1.call-start
scs
__scs_entry_jumppad:
0x0: {  	(pc) =	sbr.rel $0x88, $3  }
0x1: {  	(tag) =	ssettag $0x0;
	lr =	simm.s32 $0x1  }
0x2: {  	[smem:$0x3F98] =	sst lr;
	_ =	strace $0xD0000000  }
0x3: {  	_ = 	snop  }
0x4: {  	_ = 	snop  }
0x5: {  	_ = 	snop  }
0x6: {  	_ = 	snop  }
0x7: {  	_ = 	snop  }
__scs_overlays_trampoline_lowered:
0x8: {  	[smem:$0x3FA7] =	sst s0  }
0x9: {  	[smem:$0x3FA8] =	sst s1  }
0xa: {  	[smem:$0x3FA9] =	sst s2  }
0xb: {  	[smem:$0x3FAA] =	sst s3  }
0xc: {  	[smem:$0x3FAB] =	sst s4  }
0xd: {  	[smem:$0x3FAC] =	sst s5  }
0xe: {  	[smem:$0x3FAD] =	sst s6  }
0xf: {  	[smem:$0x3FAE] =	sst s7  }
0x10: {  	[smem:$0x3FAF] =	sst s8  }
0x11: {  	[smem:$0x3FB0] =	sst s9;
	s0 =	simm.s32 @!p0 $0x0  }
0x12: {  	s1 =	sld [smem:$0x3F96];
	s0 =	simm.s32 @p0 $0x1  }
0x13: {  	[smem:$0x3FB1] =	sst s0;
	s0 =	simm.s32 @!p1 $0x0  }
0x14: {  	s2 =	sld [smem:$0x3F95];
	s0 =	simm.s32 @p1 $0x1  }
0x15: {  	[smem:$0x3FB2] =	sst s0;
	s0 =	simm.s32 @!p2 $0x0  }
0x16: {  	s3 =	sld [smem:$0x3FDB];
	s0 =	simm.s32 @p2 $0x1  }
0x17: {  	s4 =	simm.s32 $0x1BF5;
	[smem:$0x3FB4] =	sst s0  }
0x18: {  	s0 =	sld [smem:$0x3F97];
	_ =	swait.ge [sflag:s4], $0x0  }
0x19: {  	s7 =	sld [smem:$0x3F98]  }
0x1a: {  	s8 =	sadd.s32 $0xFFFFE003, lr  }
0x1b: {  	s9 =	sadd.s32 $0xFFFFFEF7, lr;
	s5 =	simm.s32 $0xFFFFFFFF;
	p2 =	slt.u32 s8, $0xFFFFF086  }
0x1c: {  	p1 =	slt.u32 s9, $0xF7A;
	s5 =	simm.s32 @!p2 $0x0  }
0x1d: {  	s5 =	simm.s32 @p1 $0x1;
	p0 =	seq.s32 s7, s2  }
0x1e: {  	s7 =	smul.u32 @!p0 $0xF7A, s2;
	p2 =	seq.s32 @!p0 s5, $0x0  }
0x1f: {  	s9 =	smul.u32 $0xF7A, s1;
	s8 =	simm.s32 @!p0 $0x1BF5;
	p2 =	por !p2, p0  }
0x20: {  	[sflag:s8] =	ssyncset.s32 @!p0 $0xFFFFF086;
	s6 =	sadd.s32 @!p0 s3, s7;
	s7 =	simm.s32 @!p0 $0x108  }
0x21: {  	s3 =	sadd.s32 s3, s9;
	s6 =	sadd.s32 @!p0 $0x88, s6;
	s7 =	simm.s32 @p2 $0x1082  }
0x22: {  	[simem:s7], [sflag:s8] =	dma.local @!p0 [hbm:s6], $0xF7A  }
0x23: {  	s9 =	sor.u32 $0xD0000000, s2;
	s6 =	simm.s32 $0x108;
	_ =	swait.ge @!p0 [sflag:s8], $0x0  }
0x24: {  	s3 =	sadd.s32 $0x88, s3;
	s6 =	simm.s32 @!p1 $0x1082;
	[sflag:s4] =	ssyncset.s32 $0xFFFFF086  }
0x25: {  	[simem:s6], [sflag:s4] =	dma.local [hbm:s3], $0xF7A  }
0x26: {  	[smem:$0x3F98] =	sst s1;
	(tag) =	ssettag s2;
	_ =	strace s9  }
0x27: {  	s1 =	sld [smem:$0x3FA8]  }
0x28: {  	s2 =	sld [smem:$0x3FA9]  }
0x29: {  	s4 =	sld [smem:$0x3FAB]  }
0x2a: {  	p0 =	seq.s32 s5, $0x0;
	s5 =	sld [smem:$0x3FAC]  }
0x2b: {  	s6 =	sld [smem:$0x3FAD]  }
0x2c: {  	s7 =	sld [smem:$0x3FAE]  }
0x2d: {  	s3 =	simm.s32 $0x108;
	s8 =	sld [smem:$0x3FAF]  }
0x2e: {  	s3 =	simm.s32 @!p0 $0x1082;
	s9 =	sld [smem:$0x3FB0]  }
0x2f: {  	lr =	sadd.s32 s0, s3;
	s0 =	sld [smem:$0x3FA7]  }
0x30: {  	s3 =	sld [smem:$0x3FAA]  }
0x31: {  	[smem:$0x3FB3] =	sst s10  }
0x32: {  	s10 =	sld [smem:$0x3FB1];
	_ =	sdelay $0x3  }
0x33: {  	p0 =	seq.s32 s10, $0x1;
	s10 =	sld [smem:$0x3FB3];
	_ =	sdelay $0x3  }
0x34: {  	[smem:$0x3FB3] =	sst s10  }
0x35: {  	s10 =	sld [smem:$0x3FB2];
	_ =	sdelay $0x3  }
0x36: {  	p1 =	seq.s32 s10, $0x1;
	s10 =	sld [smem:$0x3FB3];
	_ =	sdelay $0x3  }
0x37: {  	[smem:$0x3FB3] =	sst s10  }
0x38: {  	s10 =	sld [smem:$0x3FB4]  }
0x39: {  	_ = 	snop;
	(pc) =	sbr.ind lr, $3  }
0x3a: {  	_ = 	snop  }
0x3b: {  	_ = 	snop  }
0x3c: {  	p2 =	seq.s32 s10, $0x1;
	s10 =	sld [smem:$0x3FB3]  }
0x3d: {  	_ =	shalt  }
0x3e: {  	_ =	shalt  }
0x3f: {  	_ =	shalt  }
0x40: {  	_ =	shalt  }
0x41: {  	_ =	shalt  }
0x42: {  	_ =	shalt  }
0x43: {  	_ =	shalt  }
0x44: {  	_ =	shalt  }
0x45: {  	_ =	shalt  }
0x46: {  	_ =	shalt  }
0x47: {  	_ =	shalt  }
0x48: {  	_ =	shalt  }
0x49: {  	_ =	shalt  }
0x4a: {  	_ =	shalt  }
0x4b: {  	_ =	shalt  }
0x4c: {  	_ =	shalt  }
0x4d: {  	_ =	shalt  }
0x4e: {  	_ =	shalt  }
0x4f: {  	_ =	shalt  }
0x50: {  	_ =	shalt  }
0x51: {  	_ =	shalt  }
0x52: {  	_ =	shalt  }
0x53: {  	_ =	shalt  }
0x54: {  	_ =	shalt  }
0x55: {  	_ =	shalt  }
0x56: {  	_ =	shalt  }
0x57: {  	_ =	shalt  }
0x58: {  	_ =	shalt  }
0x59: {  	_ =	shalt  }
0x5a: {  	_ =	shalt  }
0x5b: {  	_ =	shalt  }
0x5c: {  	_ =	shalt  }
0x5d: {  	_ =	shalt  }
0x5e: {  	_ =	shalt  }
0x5f: {  	_ =	shalt  }
0x60: {  	_ =	shalt  }
0x61: {  	_ =	shalt  }
0x62: {  	_ =	shalt  }
0x63: {  	_ =	shalt  }
0x64: {  	_ =	shalt  }
0x65: {  	_ =	shalt  }
0x66: {  	_ =	shalt  }
0x67: {  	_ =	shalt  }
0x68: {  	_ =	shalt  }
0x69: {  	_ =	shalt  }
0x6a: {  	_ =	shalt  }
0x6b: {  	_ =	shalt  }
0x6c: {  	_ =	shalt  }
0x6d: {  	_ =	shalt  }
0x6e: {  	_ =	shalt  }
0x6f: {  	_ =	shalt  }
0x70: {  	_ =	shalt  }
0x71: {  	_ =	shalt  }
0x72: {  	_ =	shalt  }
0x73: {  	_ =	shalt  }
0x74: {  	_ =	shalt  }
0x75: {  	_ =	shalt  }
0x76: {  	_ =	shalt  }
0x77: {  	_ =	shalt  }
0x78: {  	_ =	shalt  }
0x79: {  	_ =	shalt  }
0x7a: {  	_ =	shalt  }
0x7b: {  	_ =	shalt  }
0x7c: {  	_ =	shalt  }
0x7d: {  	_ =	shalt  }
0x7e: {  	_ =	shalt  }
0x7f: {  	_ =	shalt  }
0x80: {  	_ =	shalt  }
0x81: {  	_ =	shalt  }
0x82: {  	_ =	shalt  }
0x83: {  	_ =	shalt  }
0x84: {  	_ =	shalt  }
0x85: {  	_ =	shalt  }
0x86: {  	_ =	shalt  }
0x87: {  	_ =	shalt  }
.Lfunc_end0:
.L_simem_size_0:
called_computation.2_lowered:
.L_overlay_start_0:
0x88: {  	s2 =	sld [smem:$0x3FD9]  }
0x89: {  	s3 =	sld [smem:$0x3FFE];
	_ =	sdelay $0x1  }
0x8a: {  	s1 =	srdreg.scid  }
0x8b: {  	s0 =	sand.u32 $0x1, s1  }
0x8c: {  	s17 =	sshll.u32 s0, $0xA;
	s2 =	sadd.s32 s3, s2  }
0x8d: {  	s2 =	sadd.s32 s2, s17  }
0x8e: {  	[smem:$0x3FBF] =	sst s2  }
0x8f: {  	_ = 	snop  }
0x90: {  	s2 =	sld [smem:$0x3FC8];
	(tm) =	ssettm $0x1  }
0x91: {  	s18 =	sld [smem:$0x3FFB];
	_ =	sdelay $0x3  }
0x92: {  	_ =	strace s18  }
0x93: {  	s3 =	sld [smem:$0x3FFC];
	_ =	sdelay $0x3  }
0x94: {  	_ =	strace s3  }
0x95: {  	s3 =	sld [smem:$0x3FFD];
	_ =	sdelay $0x3  }
0x96: {  	_ =	strace s3  }
0x97: {  	_ =	strace $0x8FFFFFFF  }
0x98: {  	s19 =	sld [smem:$0x3FDB];
	_ =	sdelay $0x1  }
0x99: {  	s4 =	simm.s32 $_scs_section_size  }
0x9a: {  	s5 =	simm.s32 $_size__tile_overlayer_lowered;
	s6 =	simm.s32 $_tile_overlayer_lowered  }
0x9b: {  	s22 =	simm.s32 $0x1BFF;
	s21 =	sshll.u32 s6, $0x1;
	s3 =	sadd.s32 s4, s19  }
0x9c: {  	s7 =	simm.s32 $0x0;
	s20 =	sshll.u32 s5, $0x1;
	s5 =	sadd.s32 s21, s3  }
0x9d: {  	[timem:s7], [sflag:s22] =	dma.local [hbm:s5], s20  }
0x9e: {  	_ =	swait.ge [sflag:s22], s20  }
0x9f: {  	s4 =	ssub.s32 $0x0, s20;
	[sflag:s22] =	ssyncset.done $0x0  }
0xa0: {  	[sflag:s22] =	ssyncadd.s32 s4;
	_ =	sdelay $0x1  }
0xa1: {  	s23 =	simm.s32 $0x1B8B  }
0xa2: {  	_ =	swait.ge [sflag:s23], $0x1  }
0xa3: {  	[sflag:s23] =	ssyncset.done $0x0  }
0xa4: {  	s25 =	simm.s32 $0x1B8E;
	s24 =	sld [smem:$0x3FFE];
	[sflag:s23] =	ssyncadd.s32 $0xFFFFFFFF  }
0xa5: {  	s26 =	simm.s32 $execute0_lowered;
	[smem:$0x3FD2] =	sst s25  }
0xa6: {  	s5 =	sshll.u32 s26, $0x1;
	_ =	strace $0x8000004C;
	[dreg:$0x1] =	wrdreg $0xFFFFFFFF  }
0xa7: {  	s28 =	simm.s32 $_size_execute0_lowered;
	s3 =	sadd.s32 s3, s5;
	[dreg:$0x0] =	wrdreg $0x0  }
0xa8: {  	s5 =	sshll.u32 s28, $0x1;
	[dreg:$0x2] =	wrdreg s3  }
0xa9: {  	[dreg:$0x3] =	wrdreg s5  }
0xaa: {  	[dreg:$0x4] =	wrdreg $0xC0  }
0xab: {  	_ =	task [dreg:s7], $0x5FFFF  }
0xac: {  	[dreg:$0x1] =	wrdreg $0xFFFFFFFF  }
0xad: {  	[dreg:$0x0] =	wrdreg $0x60  }
0xae: {  	[dreg:$0x2] =	wrdreg s24  }
0xaf: {  	[dreg:$0x3] =	wrdreg s2  }
0xb0: {  	[dreg:$0x4] =	wrdreg $0x15B000  }
0xb1: {  	[dreg:$0x5] =	wrdreg $0x9  }
0xb2: {  	_ =	task.clear_ibuf [dreg:s7], $0x6FFFF;
	_ =	strace $0x9000004C  }
0xb3: {  	s29 =	simm.s32 $0x9;
	_ =	strace $0x8000004E  }
0xb4: {  	_ =	swait.ge [sflag:s29], $0x1  }
0xb5: {  	[sflag:s29] =	ssyncadd.s32 $0xFFFFFFFF  }
0xb6: {  	_ =	strace $0x9000004E  }
0xb7: {  	_ =	sfence  }
0xb8: {  	s30 =	sld [smem:$0x0];
	_ =	sdelay $0x2  }
0xb9: {  	s31 =	sshll.u32 s1, $0xD;
	s1 =	sshrl.u32 s1, $0x2  }
0xba: {  	s3 =	sand.u32 $0x4000, s31;
	s1 =	sadd.s32 s1, s30  }
0xbb: {  	s0 =	sor.u32 s3, s0;
	s1 =	sshll.u32 s1, $0x11  }
0xbc: {  	s0 =	sor.u32 s1, s0  }
0xbd: {  	s0 =	sadd.s32 $0x8F2B, s0  }
0xbe: {  	[sflag:s0] =	ssyncadd.remote.s32 $0x1  }
0xbf: {  	_ =	sfence.sel $0xFFFF  }
0xc0: {  	[dreg:$0x0] =	wrdreg $0xFFFFFFFF;
	(pc) =	sbr.abs _section_cstart, $3  }
0xc1: {  	[dreg:$0x1] =	wrdreg $0xFFFFFFFF  }
0xc2: {  	_ =	task.clear_ibuf [dreg:s7], $0x2FFFF;
	_ =	strace $0x9FFFFFFF  }
0xc3: {  	(tm) =	ssettm $0x7FFFFFFF  }
tec
execute0_lowered:
.L_overlay_start_1:
0x0: {  	(tag) =	ssettag $0x1  }
0x1: {  	s0 =	rddreg [dreg:$0x0]  }
0x2: {  	s2 =	rddreg [dreg:$0x1]  }
0x3: {  	s1 =	rddreg [dreg:$0x2];
	s3 =	simm.s32 $0x0;
	s13 =	srdreg.scid  }
0x4: {  	s12 =	stileid.u32;
	s28 =	simm.s32 $0x1;
	s29 =	simm.s32 $0x80  }
0x5: {  	s30 =	simm.s32 $0x4F00;
	s31 =	simm.s32 $0x8F00;
	[smem:$0x7FF] =	sst s3  }
0x6: {  	s4 =	sadd.s32 $0x2A00, s0;
	s3 =	sand.u32 $0x1, s13;
	s8 =	smul.u32 $0x27000, s12  }
0x7: {  	s0 =	sadd.s32 $0x16400, s0;
	s10 =	sshll.u32 s12, $0x5;
	s11 =	smul.u32 $0x9C00, s12  }
0x8: {  	p1 =	sne.s32 s12, $0xF;
	_ =	strace $0x8000004D;
	s6 =	ssub.s32 $0x2, s3  }
0x9: {  	s5 =	sshll.u32 s3, $0x4;
	s22 =	smul.u32 $0x9C400, s3;
	s8 =	sshrl.u32 s8, $0x2  }
0xa: {  	s7 =	sshrl.u32 s6, $0x1;
	s9 =	sor.u32 s12, s5;
	s15 =	sadd.s32 s8, s1  }
0xb: {  	s5 =	simm.s32 $0x4F;
	p0 =	slt.u32 s9, $0x4;
	s16 =	sadd.s32 $0xC00, s15  }
0xc: {  	s6 =	ssub.s32 s6, s7;
	s17 =	sadd.s32 $0x1800, s15;
	[dreg:$0x6] =	wrdreg s16  }
0xd: {  	s14 =	smul.u32 $0x9C0, s9;
	s18 =	sadd.s32 $0x2400, s15;
	[dreg:$0x7] =	wrdreg s17  }
0xe: {  	s8 =	sadd.s32 s11, s1;
	s19 =	sadd.s32 $0x3000, s15;
	[dreg:$0x8] =	wrdreg s18  }
0xf: {  	s26 =	sadd.s32 s11, s22;
	s20 =	sadd.s32 $0x3C00, s15;
	[dreg:$0x9] =	wrdreg s19  }
0x10: {  	s5 =	simm.s32 @!p0 $0x4E;
	s21 =	sadd.s32 $0x4800, s15;
	[dreg:$0xa] =	wrdreg s20  }
0x11: {  	s23 =	sadd.s32 $0x5400, s15;
	s24 =	sadd.s32 $0x6000, s15;
	[dreg:$0xb] =	wrdreg s21  }
0x12: {  	s25 =	sadd.s32 $0x6C00, s15;
	s3 =	sshrl.u32 s26, $0x3;
	[dreg:$0xc] =	wrdreg s23  }
0x13: {  	p0 =	sgt.u32 s9, $0x3;
	s26 =	simm.s32 $0x14F00;
	[dreg:$0xd] =	wrdreg s24  }
0x14: {  	s7 =	sadd.s32 s2, s14;
	s2 =	sadd.s32 s10, s2;
	[dreg:$0xe] =	wrdreg s25  }
0x15: {  	s18 =	sadd.s32 $0x7800, s15;
	s19 =	sadd.s32 $0x8400, s15;
	s20 =	sadd.s32 $0x9000, s15  }
0x16: {  	s21 =	sadd.s32 s0, s3;
	s24 =	smax.u32 s6, $0x1;
	s25 =	simm.s32 $0x2  }
0x17: {  	s3 =	simm.s32 $0xCF00;
	[dreg:$0x4] =	wrdreg s7;
	s2 =	sadd.s32 $0x13800, s2  }
0x18: {  	s6 =	simm.s32 $0xEF00;
	[dreg:$0x5] =	wrdreg s2;
	s2 =	sshrl.u32 s22, $0x3  }
0x19: {  	s7 =	simm.s32 $0x0;
	s22 =	sadd.s32 $0x9C000, s1;
	s0 =	sadd.s32 s0, s2  }
0x1a: {  	v0 =	vimm.f32 $0.0e+00;
	s2 =	simm.s32 $0xAF00;
	s23 =	sadd.s32 $0x13800, s0;
	s0 =	simm.s32 $0x6F00  }
.LBB2_1:
0x1b: {  	s9 =	simm.s32 $0x0;
	s10 =	rddreg [dreg:$0x4]  }
0x1c: {  	[tilespmem:s9], [sflag:$0x2] =	stream.linear.gather [hbm4b:s10+s9], $0x4E00, $0x38;
	[tilespmem:$0x1F740] =	vst v63  }
0x1d: {  	_ =	swait.ge [sflag:s25], $0x4E00  }
0x1e: {  	s9 =	simm.s32 @!p0 $0x0;
	[sflag:s25] =	ssyncset.done $0x0  }
0x1f: {  	s10 =	simm.s32 @!p0 $0x4E00;
	s11 =	rddreg [dreg:$0x5];
	[sflag:s25] =	ssyncadd.s32 $0xFFFFB200  }
0x20: {  	[tilespmem:s10], [sflag:$0x2] =	stream.linear.gather @!p0 [hbm4b:s11+s9], $0x100, $0x38;
	[tilespmem:$0x1F740] =	vst v63  }
0x21: {  	s9 =	simm.s32 @!p0 $0x2  }
0x22: {  	_ =	swait.ge @!p0 [sflag:s9], $0x100  }
0x23: {  	[sflag:s9] =	ssyncset.done @!p0 $0x0  }
0x24: {  	s10 =	simm.s32 $0x100;
	[sflag:s9] =	ssyncadd.s32 @!p0 $0xFFFFFF00;
	s9 =	simm.s32 $0x0  }
.LBB2_2:
0x25: {  	p2 =	sne.s32 s10, $0x2F00;
	[tilespmem:s9+$0x14F30] =	vst v0;
	s11 =	smov.u32 s10;
	s10 =	sadd.s32 $0x100, s10  }
.Ltmp0:
0x26: {  	[tilespmem:s9+$0x14F20] =	vst v0;
	(pc) =	sbr.rel @p2 .LBB2_2-.Ltmp0, $3  }
0x27: {  	[tilespmem:s9+$0x14F00] =	vst v0  }
0x28: {  	[tilespmem:s9+$0x14F10] =	vst v0;
	_ =	sdelay $0x1  }
0x29: {  	s9 =	sshra.s32 s11, $0x2  }
0x2a: {  	[tilespmem:s9+$0x14F30] =	vst v0  }
0x2b: {  	[tilespmem:s9+$0x14F20] =	vst v0  }
0x2c: {  	[tilespmem:s9+$0x14F00] =	vst v0  }
0x2d: {  	[tilespmem:s9+$0x14F10] =	vst v0  }
0x2e: {  	[spmem:s8] =	stream.linear.scatter [tilespmem:s26], [sflag:$0x1], $0xC00, $0x38;
	[tilespmem:$0x1F740] =	vst v63  }
0x2f: {  	s10 =	rddreg [dreg:$0x6]  }
0x30: {  	[spmem:s10] =	stream.linear.scatter [tilespmem:s26], [sflag:$0x1], $0xC00, $0x38;
	[tilespmem:$0x1F740] =	vst v63  }
0x31: {  	s11 =	rddreg [dreg:$0x7]  }
0x32: {  	[spmem:s11] =	stream.linear.scatter [tilespmem:s26], [sflag:$0x1], $0xC00, $0x38;
	[tilespmem:$0x1F740] =	vst v63  }
0x33: {  	s12 =	rddreg [dreg:$0x8]  }
0x34: {  	[spmem:s12] =	stream.linear.scatter [tilespmem:s26], [sflag:$0x1], $0xC00, $0x38;
	[tilespmem:$0x1F740] =	vst v63  }
0x35: {  	s13 =	rddreg [dreg:$0x9]  }
0x36: {  	[spmem:s13] =	stream.linear.scatter [tilespmem:s26], [sflag:$0x1], $0xC00, $0x38;
	[tilespmem:$0x1F740] =	vst v63  }
0x37: {  	s14 =	rddreg [dreg:$0xa]  }
0x38: {  	[spmem:s14] =	stream.linear.scatter [tilespmem:s26], [sflag:$0x1], $0xC00, $0x38;
	[tilespmem:$0x1F740] =	vst v63  }
0x39: {  	s15 =	rddreg [dreg:$0xb]  }
0x3a: {  	[spmem:s15] =	stream.linear.scatter [tilespmem:s26], [sflag:$0x1], $0xC00, $0x38;
	[tilespmem:$0x1F740] =	vst v63  }
0x3b: {  	s16 =	rddreg [dreg:$0xc]  }
0x3c: {  	[spmem:s16] =	stream.linear.scatter [tilespmem:s26], [sflag:$0x1], $0xC00, $0x38;
	[tilespmem:$0x1F740] =	vst v63  }
0x3d: {  	s17 =	rddreg [dreg:$0xd]  }
0x3e: {  	[spmem:s17] =	stream.linear.scatter [tilespmem:s26], [sflag:$0x1], $0xC00, $0x38;
	[tilespmem:$0x1F740] =	vst v63  }
0x3f: {  	s10 =	rddreg [dreg:$0xe]  }
0x40: {  	[spmem:s10] =	stream.linear.scatter [tilespmem:s26], [sflag:$0x1], $0xC00, $0x38;
	[tilespmem:$0x1F740] =	vst v63  }
0x41: {  	_ = 	snop  }
0x42: {  	[spmem:s18] =	stream.linear.scatter [tilespmem:s26], [sflag:$0x1], $0xC00, $0x38;
	[tilespmem:$0x1F740] =	vst v63  }
0x43: {  	_ = 	snop  }
0x44: {  	[spmem:s19] =	stream.linear.scatter [tilespmem:s26], [sflag:$0x1], $0xC00, $0x38;
	[tilespmem:$0x1F740] =	vst v63  }
0x45: {  	_ = 	snop  }
0x46: {  	[spmem:s20] =	stream.linear.scatter [tilespmem:s26], [sflag:$0x1], $0xC00, $0x38;
	[tilespmem:$0x1F740] =	vst v63  }
0x47: {  	s9 =	simm.s32 @!p1 $0x14F00  }
0x48: {  	[spmem:s22] =	stream.linear.scatter @!p1 [tilespmem:s9], [sflag:$0x1], $0x400, $0x38;
	[tilespmem:$0x1F740] =	vst v63  }
0x49: {  	_ =	swait.ge [sflag:s28], $0xC00  }
0x4a: {  	[sflag:s28] =	ssyncset.done $0x0  }
0x4b: {  	[sflag:s28] =	ssyncadd.s32 $0xFFFFF400  }
0x4c: {  	_ =	swait.ge [sflag:s28], $0xC00  }
0x4d: {  	[sflag:s28] =	ssyncset.done $0x0  }
0x4e: {  	[sflag:s28] =	ssyncadd.s32 $0xFFFFF400  }
0x4f: {  	_ =	swait.ge [sflag:s28], $0xC00  }
0x50: {  	[sflag:s28] =	ssyncset.done $0x0  }
0x51: {  	[sflag:s28] =	ssyncadd.s32 $0xFFFFF400  }
0x52: {  	_ =	swait.ge [sflag:s28], $0xC00  }
0x53: {  	[sflag:s28] =	ssyncset.done $0x0  }
0x54: {  	[sflag:s28] =	ssyncadd.s32 $0xFFFFF400  }
0x55: {  	_ =	swait.ge [sflag:s28], $0xC00  }
0x56: {  	[sflag:s28] =	ssyncset.done $0x0  }
0x57: {  	[sflag:s28] =	ssyncadd.s32 $0xFFFFF400  }
0x58: {  	_ =	swait.ge [sflag:s28], $0xC00  }
0x59: {  	[sflag:s28] =	ssyncset.done $0x0  }
0x5a: {  	[sflag:s28] =	ssyncadd.s32 $0xFFFFF400  }
0x5b: {  	_ =	swait.ge [sflag:s28], $0xC00  }
0x5c: {  	[sflag:s28] =	ssyncset.done $0x0  }
0x5d: {  	[sflag:s28] =	ssyncadd.s32 $0xFFFFF400  }
0x5e: {  	_ =	swait.ge [sflag:s28], $0xC00  }
0x5f: {  	[sflag:s28] =	ssyncset.done $0x0  }
0x60: {  	[sflag:s28] =	ssyncadd.s32 $0xFFFFF400  }
0x61: {  	_ =	swait.ge [sflag:s28], $0xC00  }
0x62: {  	[sflag:s28] =	ssyncset.done $0x0  }
0x63: {  	[sflag:s28] =	ssyncadd.s32 $0xFFFFF400  }
0x64: {  	_ =	swait.ge [sflag:s28], $0xC00  }
0x65: {  	[sflag:s28] =	ssyncset.done $0x0  }
0x66: {  	[sflag:s28] =	ssyncadd.s32 $0xFFFFF400  }
0x67: {  	_ =	swait.ge [sflag:s28], $0xC00  }
0x68: {  	[sflag:s28] =	ssyncset.done $0x0  }
0x69: {  	[sflag:s28] =	ssyncadd.s32 $0xFFFFF400  }
0x6a: {  	_ =	swait.ge [sflag:s28], $0xC00  }
0x6b: {  	[sflag:s28] =	ssyncset.done $0x0  }
0x6c: {  	[sflag:s28] =	ssyncadd.s32 $0xFFFFF400  }
0x6d: {  	_ =	swait.ge [sflag:s28], $0xC00  }
0x6e: {  	[sflag:s28] =	ssyncset.done $0x0  }
0x6f: {  	s9 =	simm.s32 @!p1 $0x1;
	[sflag:s28] =	ssyncadd.s32 $0xFFFFF400  }
0x70: {  	_ =	swait.ge @!p1 [sflag:s9], $0x400  }
0x71: {  	[sflag:s9] =	ssyncset.done @!p1 $0x0  }
0x72: {  	[sflag:s9] =	ssyncadd.s32 @!p1 $0xFFFFFC00  }
0x73: {  	s9 =	simm.s32 $0x0;
	[bflag:$0x0] =	sbarrier.arrive $0xFFFF  }
0x74: {  	[tilespmem:s30], [sflag:$0x1] =	stream.indirect.gather [hbm4b:s4+s29], $0x40, s9, s29, $0xb8;
	[tilespmem:$0x1F740] =	vst v63  }
0x75: {  	s10 =	simm.s32 $0x100  }
0x76: {  	[tilespmem:s0], [sflag:$0x1] =	stream.indirect.gather [hbm4b:s4+s29], $0x40, s10, s29, $0xb8;
	[tilespmem:$0x1F740] =	vst v63  }
0x77: {  	s11 =	simm.s32 $0x200  }
0x78: {  	[tilespmem:s31], [sflag:$0x1] =	stream.indirect.gather [hbm4b:s4+s29], $0x40, s11, s29, $0xb8;
	[tilespmem:$0x1F740] =	vst v63  }
0x79: {  	s12 =	simm.s32 $0x300  }
0x7a: {  	[tilespmem:s2], [sflag:$0x1] =	stream.indirect.gather [hbm4b:s4+s29], $0x40, s12, s29, $0xb8;
	[tilespmem:$0x1F740] =	vst v63  }
0x7b: {  	s13 =	simm.s32 $0x400  }
0x7c: {  	[tilespmem:s3], [sflag:$0x1] =	stream.indirect.gather [hbm4b:s4+s29], $0x40, s13, s29, $0xb8;
	[tilespmem:$0x1F740] =	vst v63  }
0x7d: {  	s14 =	simm.s32 $0x500  }
0x7e: {  	[tilespmem:s6], [sflag:$0x1] =	stream.indirect.gather [hbm4b:s4+s29], $0x40, s14, s29, $0xb8;
	[tilespmem:$0x1F740] =	vst v63  }
0x7f: {  	s15 =	simm.s32 $0x600;
	s11 =	simm.s32 $0x10F00  }
0x80: {  	[tilespmem:s11], [sflag:$0x1] =	stream.indirect.gather [hbm4b:s4+s29], $0x40, s15, s29, $0xb8;
	[tilespmem:$0x1F740] =	vst v63  }
0x81: {  	s16 =	simm.s32 $0x700;
	s17 =	simm.s32 $0x12F00  }
0x82: {  	[tilespmem:s17], [sflag:$0x1] =	stream.indirect.gather [hbm4b:s4+s29], $0x40, s16, s29, $0xb8;
	[tilespmem:$0x1F740] =	vst v63  }
0x83: {  	_ =	swait.ge [sflag:s28], $0x2000  }
0x84: {  	[sflag:s28] =	ssyncset.done $0x0  }
0x85: {  	s12 =	simm.s32 $0x80;
	[sflag:s28] =	ssyncadd.s32 $0xFFFFE000  }
0x86: {  	[spmem:s1] =	stream.indirect.scatter.add.f32 [tilespmem:s30], [sflag:$0x2], $0x40, s12, s29, $0xb8;
	[tilespmem:$0x1F740] =	vst v63  }
0x87: {  	p2 =	sle.u32 s5, $0x8;
	_ =	swait.ge [sflag:s25], $0x2000  }
0x88: {  	s10 =	simm.s32 @!p2 $0x4F00;
	[sflag:s25] =	ssyncset.done $0x0  }
0x89: {  	s11 =	simm.s32 @!p2 $0x800;
	s12 =	simm.s32 @!p2 $0x80;
	[sflag:s25] =	ssyncadd.s32 $0xFFFFE000  }
0x8a: {  	[tilespmem:s10], [sflag:$0x1] =	stream.indirect.gather @!p2 [hbm4b:s4+s12], $0x40, s11, s12, $0xb8;
	[tilespmem:$0x1F740] =	vst v63  }
0x8b: {  	_ =	swait.ge [sflag:s28], $0x2000  }
0x8c: {  	[sflag:s28] =	ssyncset.done $0x0  }
0x8d: {  	s13 =	simm.s32 $0x180;
	[sflag:s28] =	ssyncadd.s32 $0xFFFFE000  }
0x8e: {  	[spmem:s1] =	stream.indirect.scatter.add.f32 [tilespmem:s0], [sflag:$0x2], $0x40, s13, s29, $0xb8;
	[tilespmem:$0x1F740] =	vst v63  }
0x8f: {  	p2 =	sle.u32 s5, $0x9;
	_ =	swait.ge [sflag:s25], $0x2000  }
0x90: {  	s10 =	simm.s32 @!p2 $0x6F00;
	[sflag:s25] =	ssyncset.done $0x0  }
0x91: {  	s11 =	simm.s32 @!p2 $0x900;
	s12 =	simm.s32 @!p2 $0x80;
	[sflag:s25] =	ssyncadd.s32 $0xFFFFE000  }
0x92: {  	[tilespmem:s10], [sflag:$0x1] =	stream.indirect.gather @!p2 [hbm4b:s4+s12], $0x40, s11, s12, $0xb8;
	[tilespmem:$0x1F740] =	vst v63  }
0x93: {  	_ =	swait.ge [sflag:s28], $0x2000  }
0x94: {  	[sflag:s28] =	ssyncset.done $0x0  }
0x95: {  	s14 =	simm.s32 $0x280;
	[sflag:s28] =	ssyncadd.s32 $0xFFFFE000  }
0x96: {  	[spmem:s1] =	stream.indirect.scatter.add.f32 [tilespmem:s31], [sflag:$0x2], $0x40, s14, s29, $0xb8;
	[tilespmem:$0x1F740] =	vst v63  }
0x97: {  	p2 =	sle.u32 s5, $0xA;
	_ =	swait.ge [sflag:s25], $0x2000  }
0x98: {  	s10 =	simm.s32 @!p2 $0x8F00;
	[sflag:s25] =	ssyncset.done $0x0  }
0x99: {  	s11 =	simm.s32 @!p2 $0xA00;
	s12 =	simm.s32 @!p2 $0x80;
	[sflag:s25] =	ssyncadd.s32 $0xFFFFE000  }
0x9a: {  	[tilespmem:s10], [sflag:$0x1] =	stream.indirect.gather @!p2 [hbm4b:s4+s12], $0x40, s11, s12, $0xb8;
	[tilespmem:$0x1F740] =	vst v63  }
0x9b: {  	_ =	swait.ge [sflag:s28], $0x2000  }
0x9c: {  	[sflag:s28] =	ssyncset.done $0x0  }
0x9d: {  	s15 =	simm.s32 $0x380;
	[sflag:s28] =	ssyncadd.s32 $0xFFFFE000  }
0x9e: {  	[spmem:s1] =	stream.indirect.scatter.add.f32 [tilespmem:s2], [sflag:$0x2], $0x40, s15, s29, $0xb8;
	[tilespmem:$0x1F740] =	vst v63  }
0x9f: {  	p2 =	sle.u32 s5, $0xB;
	_ =	swait.ge [sflag:s25], $0x2000  }
0xa0: {  	s10 =	simm.s32 @!p2 $0xAF00;
	[sflag:s25] =	ssyncset.done $0x0  }
0xa1: {  	s11 =	simm.s32 @!p2 $0xB00;
	s12 =	simm.s32 @!p2 $0x80;
	[sflag:s25] =	ssyncadd.s32 $0xFFFFE000  }
0xa2: {  	[tilespmem:s10], [sflag:$0x1] =	stream.indirect.gather @!p2 [hbm4b:s4+s12], $0x40, s11, s12, $0xb8;
	[tilespmem:$0x1F740] =	vst v63  }
0xa3: {  	_ =	swait.ge [sflag:s28], $0x2000  }
0xa4: {  	[sflag:s28] =	ssyncset.done $0x0  }
0xa5: {  	s16 =	simm.s32 $0x480;
	[sflag:s28] =	ssyncadd.s32 $0xFFFFE000  }
0xa6: {  	[spmem:s1] =	stream.indirect.scatter.add.f32 [tilespmem:s3], [sflag:$0x2], $0x40, s16, s29, $0xb8;
	[tilespmem:$0x1F740] =	vst v63  }
0xa7: {  	p2 =	sle.u32 s5, $0xC;
	_ =	swait.ge [sflag:s25], $0x2000  }
0xa8: {  	s10 =	simm.s32 @!p2 $0xCF00;
	[sflag:s25] =	ssyncset.done $0x0  }
0xa9: {  	s11 =	simm.s32 @!p2 $0xC00;
	s12 =	simm.s32 @!p2 $0x80;
	[sflag:s25] =	ssyncadd.s32 $0xFFFFE000  }
0xaa: {  	[tilespmem:s10], [sflag:$0x1] =	stream.indirect.gather @!p2 [hbm4b:s4+s12], $0x40, s11, s12, $0xb8;
	[tilespmem:$0x1F740] =	vst v63  }
0xab: {  	_ =	swait.ge [sflag:s28], $0x2000  }
0xac: {  	[sflag:s28] =	ssyncset.done $0x0  }
0xad: {  	s17 =	simm.s32 $0x580;
	[sflag:s28] =	ssyncadd.s32 $0xFFFFE000  }
0xae: {  	[spmem:s1] =	stream.indirect.scatter.add.f32 [tilespmem:s6], [sflag:$0x2], $0x40, s17, s29, $0xb8;
	[tilespmem:$0x1F740] =	vst v63  }
0xaf: {  	p3 =	sle.u32 s5, $0xD;
	_ =	swait.ge [sflag:s25], $0x2000  }
0xb0: {  	s10 =	simm.s32 @!p3 $0xEF00;
	s11 =	simm.s32 @!p3 $0xD00;
	[sflag:s25] =	ssyncset.done $0x0  }
0xb1: {  	p2 =	sle.u32 s5, $0x6;
	s12 =	simm.s32 @!p3 $0x80;
	[sflag:s25] =	ssyncadd.s32 $0xFFFFE000  }
0xb2: {  	[tilespmem:s10], [sflag:$0x1] =	stream.indirect.gather @!p3 [hbm4b:s4+s12], $0x40, s11, s12, $0xb8;
	[tilespmem:$0x1F740] =	vst v63  }
0xb3: {  	s10 =	simm.s32 @!p2 $0x1  }
0xb4: {  	_ =	swait.ge @!p2 [sflag:s10], $0x2000  }
0xb5: {  	s11 =	simm.s32 @!p2 $0x680;
	[sflag:s10] =	ssyncset.done @!p2 $0x0  }
0xb6: {  	s12 =	simm.s32 @!p2 $0x80;
	[sflag:s10] =	ssyncadd.s32 @!p2 $0xFFFFE000;
	s10 =	simm.s32 @!p2 $0x10F00  }
0xb7: {  	[spmem:s1] =	stream.indirect.scatter.add.f32 @!p2 [tilespmem:s10], [sflag:$0x2], $0x40, s11, s12, $0xb8;
	[tilespmem:$0x1F740] =	vst v63  }
0xb8: {  	p3 =	sle.u32 @!p2 s5, $0xE;
	s10 =	simm.s32 @!p2 $0x2  }
0xb9: {  	p4 =	por p3, p2;
	_ =	swait.ge @!p2 [sflag:s10], $0x2000  }
0xba: {  	p3 =	sle.u32 s5, $0x7;
	s11 =	simm.s32 @!p4 $0x10F00;
	[sflag:s10] =	ssyncset.done @!p2 $0x0  }
0xbb: {  	s12 =	simm.s32 @!p4 $0xE00;
	[sflag:s10] =	ssyncadd.s32 @!p2 $0xFFFFE000;
	s10 =	simm.s32 @!p4 $0x80  }
0xbc: {  	[tilespmem:s11], [sflag:$0x1] =	stream.indirect.gather @!p4 [hbm4b:s4+s10], $0x40, s12, s10, $0xb8;
	[tilespmem:$0x1F740] =	vst v63  }
0xbd: {  	s10 =	simm.s32 @!p3 $0x1  }
0xbe: {  	_ =	swait.ge @!p3 [sflag:s10], $0x2000  }
0xbf: {  	p2 =	sle.u32 @!p3 s5, $0xF;
	s11 =	simm.s32 @!p3 $0x12F00;
	[sflag:s10] =	ssyncset.done @!p3 $0x0  }
0xc0: {  	s12 =	simm.s32 @!p3 $0x780;
	[sflag:s10] =	ssyncadd.s32 @!p3 $0xFFFFE000;
	s10 =	simm.s32 @!p3 $0x80  }
0xc1: {  	[spmem:s1] =	stream.indirect.scatter.add.f32 @!p3 [tilespmem:s11], [sflag:$0x2], $0x40, s12, s10, $0xb8;
	[tilespmem:$0x1F740] =	vst v63  }
0xc2: {  	p4 =	por p2, p3;
	s12 =	simm.s32 @!p3 $0x2  }
0xc3: {  	s10 =	simm.s32 $0x2000;
	s11 =	simm.s32 $0x17;
	_ =	swait.ge @!p3 [sflag:s12], $0x2000  }
.LBB2_4:
0xc4: {  	[sflag:s12] =	ssyncset.done @!p3 $0x0  }
0xc5: {  	s13 =	sshra.s32 @!p4 s9, $0x2;
	s14 =	simm.s32 @!p4 $0x12F00;
	s9 =	smov.u32 s10  }
0xc6: {  	[sflag:s12] =	ssyncadd.s32 @!p3 $0xFFFFE000;
	s12 =	sadd.s32 @!p4 $0xF00, s13;
	s13 =	simm.s32 @!p4 $0x80  }
0xc7: {  	[tilespmem:s14], [sflag:$0x1] =	stream.indirect.gather @!p4 [hbm4b:s4+s13], $0x40, s12, s13, $0xb8;
	[tilespmem:$0x1F740] =	vst v63  }
0xc8: {  	s10 =	sadd.s32 $0x2000, s10;
	s12 =	sshra.s32 s9, $0x2;
	_ =	swait.ge [sflag:s28], $0x2000  }
0xc9: {  	s14 =	sadd.s32 $0xFFFFFFF9, s11;
	s13 =	sadd.s32 $0x80, s12;
	[sflag:s28] =	ssyncset.done $0x0  }
0xca: {  	p2 =	sne.s32 s10, $0x14000;
	p3 =	sge.u32 s14, s5;
	[sflag:s28] =	ssyncadd.s32 $0xFFFFE000  }
0xcb: {  	[spmem:s1] =	stream.indirect.scatter.add.f32 [tilespmem:s30], [sflag:$0x2], $0x40, s13, s29, $0xb8;
	[tilespmem:$0x1F740] =	vst v63  }
0xcc: {  	s14 =	simm.s32 @!p3 $0x4F00;
	s13 =	sshra.s32 @!p3 s9, $0x2;
	_ =	swait.ge [sflag:s25], $0x2000  }
0xcd: {  	s15 =	simm.s32 @!p3 $0x80;
	s13 =	sadd.s32 @!p3 $0x800, s13;
	[sflag:s25] =	ssyncset.done $0x0  }
0xce: {  	[sflag:s25] =	ssyncadd.s32 $0xFFFFE000  }
0xcf: {  	[tilespmem:s14], [sflag:$0x1] =	stream.indirect.gather @!p3 [hbm4b:s4+s15], $0x40, s13, s15, $0xb8;
	[tilespmem:$0x1F740] =	vst v63  }
0xd0: {  	_ =	swait.ge [sflag:s28], $0x2000  }
0xd1: {  	s13 =	sadd.s32 $0x180, s12;
	s14 =	sadd.s32 $0xFFFFFFFA, s11;
	[sflag:s28] =	ssyncset.done $0x0  }
0xd2: {  	p3 =	sge.u32 s14, s5;
	[sflag:s28] =	ssyncadd.s32 $0xFFFFE000  }
0xd3: {  	[spmem:s1] =	stream.indirect.scatter.add.f32 [tilespmem:s0], [sflag:$0x2], $0x40, s13, s29, $0xb8;
	[tilespmem:$0x1F740] =	vst v63  }
0xd4: {  	s14 =	simm.s32 @!p3 $0x6F00;
	s13 =	sshra.s32 @!p3 s9, $0x2;
	_ =	swait.ge [sflag:s25], $0x2000  }
0xd5: {  	s15 =	simm.s32 @!p3 $0x80;
	s13 =	sadd.s32 @!p3 $0x900, s13;
	[sflag:s25] =	ssyncset.done $0x0  }
0xd6: {  	[sflag:s25] =	ssyncadd.s32 $0xFFFFE000  }
0xd7: {  	[tilespmem:s14], [sflag:$0x1] =	stream.indirect.gather @!p3 [hbm4b:s4+s15], $0x40, s13, s15, $0xb8;
	[tilespmem:$0x1F740] =	vst v63  }
0xd8: {  	_ =	swait.ge [sflag:s28], $0x2000  }
0xd9: {  	s13 =	sadd.s32 $0x280, s12;
	s14 =	sadd.s32 $0xFFFFFFFB, s11;
	[sflag:s28] =	ssyncset.done $0x0  }
0xda: {  	p3 =	sge.u32 s14, s5;
	[sflag:s28] =	ssyncadd.s32 $0xFFFFE000  }
0xdb: {  	[spmem:s1] =	stream.indirect.scatter.add.f32 [tilespmem:s31], [sflag:$0x2], $0x40, s13, s29, $0xb8;
	[tilespmem:$0x1F740] =	vst v63  }
0xdc: {  	s14 =	simm.s32 @!p3 $0x8F00;
	s13 =	sshra.s32 @!p3 s9, $0x2;
	_ =	swait.ge [sflag:s25], $0x2000  }
0xdd: {  	s15 =	simm.s32 @!p3 $0x80;
	s13 =	sadd.s32 @!p3 $0xA00, s13;
	[sflag:s25] =	ssyncset.done $0x0  }
0xde: {  	[sflag:s25] =	ssyncadd.s32 $0xFFFFE000  }
0xdf: {  	[tilespmem:s14], [sflag:$0x1] =	stream.indirect.gather @!p3 [hbm4b:s4+s15], $0x40, s13, s15, $0xb8;
	[tilespmem:$0x1F740] =	vst v63  }
0xe0: {  	_ =	swait.ge [sflag:s28], $0x2000  }
0xe1: {  	s13 =	sadd.s32 $0x380, s12;
	s14 =	sadd.s32 $0xFFFFFFFC, s11;
	[sflag:s28] =	ssyncset.done $0x0  }
0xe2: {  	p3 =	sge.u32 s14, s5;
	[sflag:s28] =	ssyncadd.s32 $0xFFFFE000  }
0xe3: {  	[spmem:s1] =	stream.indirect.scatter.add.f32 [tilespmem:s2], [sflag:$0x2], $0x40, s13, s29, $0xb8;
	[tilespmem:$0x1F740] =	vst v63  }
0xe4: {  	s14 =	simm.s32 @!p3 $0xAF00;
	s13 =	sshra.s32 @!p3 s9, $0x2;
	_ =	swait.ge [sflag:s25], $0x2000  }
0xe5: {  	s15 =	simm.s32 @!p3 $0x80;
	s13 =	sadd.s32 @!p3 $0xB00, s13;
	[sflag:s25] =	ssyncset.done $0x0  }
0xe6: {  	[sflag:s25] =	ssyncadd.s32 $0xFFFFE000  }
0xe7: {  	[tilespmem:s14], [sflag:$0x1] =	stream.indirect.gather @!p3 [hbm4b:s4+s15], $0x40, s13, s15, $0xb8;
	[tilespmem:$0x1F740] =	vst v63  }
0xe8: {  	_ =	swait.ge [sflag:s28], $0x2000  }
0xe9: {  	s13 =	sadd.s32 $0x480, s12;
	s14 =	sadd.s32 $0xFFFFFFFD, s11;
	[sflag:s28] =	ssyncset.done $0x0  }
0xea: {  	p3 =	sge.u32 s14, s5;
	[sflag:s28] =	ssyncadd.s32 $0xFFFFE000  }
0xeb: {  	[spmem:s1] =	stream.indirect.scatter.add.f32 [tilespmem:s3], [sflag:$0x2], $0x40, s13, s29, $0xb8;
	[tilespmem:$0x1F740] =	vst v63  }
0xec: {  	s14 =	simm.s32 @!p3 $0xCF00;
	s13 =	sshra.s32 @!p3 s9, $0x2;
	_ =	swait.ge [sflag:s25], $0x2000  }
0xed: {  	s15 =	simm.s32 @!p3 $0x80;
	s13 =	sadd.s32 @!p3 $0xC00, s13;
	[sflag:s25] =	ssyncset.done $0x0  }
0xee: {  	[sflag:s25] =	ssyncadd.s32 $0xFFFFE000  }
0xef: {  	[tilespmem:s14], [sflag:$0x1] =	stream.indirect.gather @!p3 [hbm4b:s4+s15], $0x40, s13, s15, $0xb8;
	[tilespmem:$0x1F740] =	vst v63  }
0xf0: {  	_ =	swait.ge [sflag:s28], $0x2000  }
0xf1: {  	s12 =	sadd.s32 $0x580, s12;
	s13 =	sadd.s32 $0xFFFFFFFE, s11;
	[sflag:s28] =	ssyncset.done $0x0  }
0xf2: {  	p3 =	sge.u32 s13, s5;
	s13 =	sadd.s32 $0xFFFFFFF7, s11;
	[sflag:s28] =	ssyncadd.s32 $0xFFFFE000  }
0xf3: {  	[spmem:s1] =	stream.indirect.scatter.add.f32 [tilespmem:s6], [sflag:$0x2], $0x40, s12, s29, $0xb8;
	[tilespmem:$0x1F740] =	vst v63  }
0xf4: {  	s14 =	simm.s32 @!p3 $0xEF00;
	s12 =	sshra.s32 @!p3 s9, $0x2;
	_ =	swait.ge [sflag:s25], $0x2000  }
0xf5: {  	p4 =	sge.u32 s13, s5;
	s12 =	sadd.s32 @!p3 $0xD00, s12;
	[sflag:s25] =	ssyncset.done $0x0  }
0xf6: {  	s13 =	simm.s32 @!p3 $0x80;
	s15 =	simm.s32 @!p4 $0x1;
	s16 =	sshra.s32 @!p4 s9, $0x2  }
0xf7: {  	s17 =	sadd.s32 @!p4 $0xFFFFFFFF, s11;
	s16 =	sadd.s32 @!p4 $0x680, s16;
	[sflag:s25] =	ssyncadd.s32 $0xFFFFE000  }
0xf8: {  	[tilespmem:s14], [sflag:$0x1] =	stream.indirect.gather @!p3 [hbm4b:s4+s13], $0x40, s12, s13, $0xb8;
	[tilespmem:$0x1F740] =	vst v63  }
0xf9: {  	s12 =	simm.s32 @!p4 $0x80;
	s13 =	simm.s32 @!p4 $0x10F00;
	_ =	swait.ge @!p4 [sflag:s15], $0x2000  }
0xfa: {  	s14 =	simm.s32 @!p4 $0x2;
	p3 =	sge.u32 @!p4 s17, s5;
	[sflag:s15] =	ssyncset.done @!p4 $0x0  }
0xfb: {  	p5 =	por p3, p4;
	[sflag:s15] =	ssyncadd.s32 @!p4 $0xFFFFE000;
	s15 =	sadd.s32 $0xFFFFFFF8, s11  }
0xfc: {  	[spmem:s1] =	stream.indirect.scatter.add.f32 @!p4 [tilespmem:s13], [sflag:$0x2], $0x40, s16, s12, $0xb8;
	[tilespmem:$0x1F740] =	vst v63  }
0xfd: {  	s12 =	sshra.s32 @!p5 s9, $0x2;
	s13 =	simm.s32 @!p5 $0x10F00;
	_ =	swait.ge @!p4 [sflag:s14], $0x2000  }
0xfe: {  	p3 =	sge.u32 s15, s5;
	s12 =	sadd.s32 @!p5 $0xE00, s12;
	[sflag:s14] =	ssyncset.done @!p4 $0x0  }
0xff: {  	s15 =	simm.s32 @!p3 $0x1;
	[sflag:s14] =	ssyncadd.s32 @!p4 $0xFFFFE000;
	s14 =	simm.s32 @!p5 $0x80  }
0x100: {  	[tilespmem:s13], [sflag:$0x1] =	stream.indirect.gather @!p5 [hbm4b:s4+s14], $0x40, s12, s14, $0xb8;
	[tilespmem:$0x1F740] =	vst v63  }
0x101: {  	s12 =	sshra.s32 @!p3 s9, $0x2  }
.Ltmp1:
0x102: {  	s13 =	simm.s32 @!p3 $0x12F00;
	_ =	swait.ge @!p3 [sflag:s15], $0x2000;
	(pc) =	sbr.rel @p2 .LBB2_4-.Ltmp1, $4  }
0x103: {  	s16 =	simm.s32 @!p3 $0x80;
	s14 =	sadd.s32 @!p3 $0x780, s12;
	[sflag:s15] =	ssyncset.done @!p3 $0x0  }
0x104: {  	p4 =	sge.u32 @!p3 s11, s5;
	s12 =	simm.s32 @!p3 $0x2;
	[sflag:s15] =	ssyncadd.s32 @!p3 $0xFFFFE000  }
0x105: {  	[spmem:s1] =	stream.indirect.scatter.add.f32 @!p3 [tilespmem:s13], [sflag:$0x2], $0x40, s14, s16, $0xb8;
	[tilespmem:$0x1F740] =	vst v63  }
0x106: {  	s11 =	sadd.s32 $0x8, s11;
	p4 =	por p4, p3;
	_ =	swait.ge @!p3 [sflag:s12], $0x2000  }
0x107: {  	[sflag:s12] =	ssyncset.done @!p3 $0x0  }
0x108: {  	s9 =	sshra.s32 @!p4 s9, $0x2;
	s10 =	simm.s32 @!p4 $0x12F00;
	s11 =	simm.s32 @!p4 $0x80  }
0x109: {  	s16 =	stileid.u32;
	[sflag:s12] =	ssyncadd.s32 @!p3 $0xFFFFE000;
	s9 =	sadd.s32 @!p4 $0xF00, s9  }
0x10a: {  	[tilespmem:s10], [sflag:$0x1] =	stream.indirect.gather @!p4 [hbm4b:s4+s11], $0x40, s9, s11, $0xb8;
	[tilespmem:$0x1F740] =	vst v63  }
0x10b: {  	s9 =	sshll.u32 s16, $0x6  }
0x10c: {  	s17 =	sshrl.u32 s8, $0x3;
	[bflag:$0x0] =	sbarrier.arrive $0xFFFF;
	s9 =	sor.u32 $0x1C02, s9  }
0x10d: {  	[hbm:s21], [sflag:s9] =	dma.local [spmem:s17], $0x1380  }
0x10e: {  	_ =	swait.ge [sflag:s25], $0x1380  }
0x10f: {  	s7 =	sadd.s32 $0x1, s7;
	[sflag:s25] =	ssyncset.done $0x0  }
0x110: {  	p2 =	sne.s32 s7, s24;
	s10 =	sshrl.u32 @!p1 s22, $0x3;
	[sflag:s25] =	ssyncadd.s32 $0xFFFFEC80  }
0x111: {  	[hbm:s23], [sflag:s9] =	dma.local @!p1 [spmem:s10], $0x80  }
.Ltmp2:
0x112: {  	_ = 	snop;
	(pc) =	sbr.rel @p2 .LBB2_1-.Ltmp2, $4  }
0x113: {  	s9 =	simm.s32 @!p1 $0x2  }
0x114: {  	_ =	swait.ge @!p1 [sflag:s9], $0x80  }
0x115: {  	[sflag:s9] =	ssyncset.done @!p1 $0x0  }
0x116: {  	[sflag:s9] =	ssyncadd.s32 @!p1 $0xFFFFFF80  }
0x117: {  	_ =	sfence.sel $0x180000  }
0x118: {  	[bflag:$0x0] =	sbarrier.arrive $0xFFFF  }
0x119: {  	_ =	strace $0x9000004D  }
0x11a: {  	s0 =	stileid.u32;
	[bflag:$0x2] =	sbarrier.arrive $0xFFFF  }
0x11b: {  	p0 =	sne.s32 s0, $0x0;
	s0 =	rddreg [dreg:$0x3]  }
0x11c: {  	s0 =	sadd.s32 @!p0 $0x100000, s0  }
0x11d: {  	[sflag:s0] =	ssyncadd.tile.s32 @!p0 $0x1;
	_ =	shalt  }
.Lfunc_end2:
_tile_overlayer_lowered:
.L_overlay_start_2:
0x11e: {  	(tag) =	ssettag $0x2  }
0x11f: {  	s0 =	rddreg [dreg:$0x0];
	s2 =	stileid.u32  }
0x120: {  	s1 =	rddreg [dreg:$0x1];
	p0 =	sne.s32 s2, $0x0  }
0x121: {  	s3 =	rddreg [dreg:$0x2];
	[bflag:$0x3] =	sbarrier.arrive $0xFFFF;
	s2 =	simm.s32 @!p0 $0x1C02  }
0x122: {  	[timem:s3], [sflag:s2] =	dma.local @!p0 [hbm:s0], s1  }
0x123: {  	s0 =	simm.s32 @!p0 $0x2  }
0x124: {  	_ =	swait.ge @!p0 [sflag:s0], s1  }
0x125: {  	s1 =	ssub.s32 @!p0 $0x0, s1;
	[sflag:s0] =	ssyncset.done @!p0 $0x0  }
0x126: {  	[sflag:s0] =	ssyncadd.s32 @!p0 s1  }
0x127: {  	[bflag:$0x3] =	sbarrier.arrive $0xFFFF  }
0x128: {  	_ =	shalt  }

// kernel: kernel.9.cloned.1.call-start
scs
__scs_entry_jumppad:
0x0: {  	(pc) =	sbr.rel $0x88, $3  }
0x1: {  	(tag) =	ssettag $0x0;
	lr =	simm.s32 $0x1  }
0x2: {  	[smem:$0x3F98] =	sst lr;
	_ =	strace $0xD0000000  }
0x3: {  	_ = 	snop  }
0x4: {  	_ = 	snop  }
0x5: {  	_ = 	snop  }
0x6: {  	_ = 	snop  }
0x7: {  	_ = 	snop  }
__scs_overlays_trampoline_lowered:
0x8: {  	[smem:$0x3FA7] =	sst s0  }
0x9: {  	[smem:$0x3FA8] =	sst s1  }
0xa: {  	[smem:$0x3FA9] =	sst s2  }
0xb: {  	[smem:$0x3FAA] =	sst s3  }
0xc: {  	[smem:$0x3FAB] =	sst s4  }
0xd: {  	[smem:$0x3FAC] =	sst s5  }
0xe: {  	[smem:$0x3FAD] =	sst s6  }
0xf: {  	[smem:$0x3FAE] =	sst s7  }
0x10: {  	[smem:$0x3FAF] =	sst s8  }
0x11: {  	[smem:$0x3FB0] =	sst s9;
	s0 =	simm.s32 @!p0 $0x0  }
0x12: {  	s1 =	sld [smem:$0x3F96];
	s0 =	simm.s32 @p0 $0x1  }
0x13: {  	[smem:$0x3FB1] =	sst s0;
	s0 =	simm.s32 @!p1 $0x0  }
0x14: {  	s2 =	sld [smem:$0x3F95];
	s0 =	simm.s32 @p1 $0x1  }
0x15: {  	[smem:$0x3FB2] =	sst s0;
	s0 =	simm.s32 @!p2 $0x0  }
0x16: {  	s3 =	sld [smem:$0x3FDB];
	s0 =	simm.s32 @p2 $0x1  }
0x17: {  	s4 =	simm.s32 $0x1BF5;
	[smem:$0x3FB4] =	sst s0  }
0x18: {  	s0 =	sld [smem:$0x3F97];
	_ =	swait.ge [sflag:s4], $0x0  }
0x19: {  	s7 =	sld [smem:$0x3F98]  }
0x1a: {  	s8 =	sadd.s32 $0xFFFFE003, lr  }
0x1b: {  	s9 =	sadd.s32 $0xFFFFFEF7, lr;
	s5 =	simm.s32 $0xFFFFFFFF;
	p2 =	slt.u32 s8, $0xFFFFF086  }
0x1c: {  	p1 =	slt.u32 s9, $0xF7A;
	s5 =	simm.s32 @!p2 $0x0  }
0x1d: {  	s5 =	simm.s32 @p1 $0x1;
	p0 =	seq.s32 s7, s2  }
0x1e: {  	s7 =	smul.u32 @!p0 $0xF7A, s2;
	p2 =	seq.s32 @!p0 s5, $0x0  }
0x1f: {  	s9 =	smul.u32 $0xF7A, s1;
	s8 =	simm.s32 @!p0 $0x1BF5;
	p2 =	por !p2, p0  }
0x20: {  	[sflag:s8] =	ssyncset.s32 @!p0 $0xFFFFF086;
	s6 =	sadd.s32 @!p0 s3, s7;
	s7 =	simm.s32 @!p0 $0x108  }
0x21: {  	s3 =	sadd.s32 s3, s9;
	s6 =	sadd.s32 @!p0 $0x88, s6;
	s7 =	simm.s32 @p2 $0x1082  }
0x22: {  	[simem:s7], [sflag:s8] =	dma.local @!p0 [hbm:s6], $0xF7A  }
0x23: {  	s9 =	sor.u32 $0xD0000000, s2;
	s6 =	simm.s32 $0x108;
	_ =	swait.ge @!p0 [sflag:s8], $0x0  }
0x24: {  	s3 =	sadd.s32 $0x88, s3;
	s6 =	simm.s32 @!p1 $0x1082;
	[sflag:s4] =	ssyncset.s32 $0xFFFFF086  }
0x25: {  	[simem:s6], [sflag:s4] =	dma.local [hbm:s3], $0xF7A  }
0x26: {  	[smem:$0x3F98] =	sst s1;
	(tag) =	ssettag s2;
	_ =	strace s9  }
0x27: {  	s1 =	sld [smem:$0x3FA8]  }
0x28: {  	s2 =	sld [smem:$0x3FA9]  }
0x29: {  	s4 =	sld [smem:$0x3FAB]  }
0x2a: {  	p0 =	seq.s32 s5, $0x0;
	s5 =	sld [smem:$0x3FAC]  }
0x2b: {  	s6 =	sld [smem:$0x3FAD]  }
0x2c: {  	s7 =	sld [smem:$0x3FAE]  }
0x2d: {  	s3 =	simm.s32 $0x108;
	s8 =	sld [smem:$0x3FAF]  }
0x2e: {  	s3 =	simm.s32 @!p0 $0x1082;
	s9 =	sld [smem:$0x3FB0]  }
0x2f: {  	lr =	sadd.s32 s0, s3;
	s0 =	sld [smem:$0x3FA7]  }
0x30: {  	s3 =	sld [smem:$0x3FAA]  }
0x31: {  	[smem:$0x3FB3] =	sst s10  }
0x32: {  	s10 =	sld [smem:$0x3FB1];
	_ =	sdelay $0x3  }
0x33: {  	p0 =	seq.s32 s10, $0x1;
	s10 =	sld [smem:$0x3FB3];
	_ =	sdelay $0x3  }
0x34: {  	[smem:$0x3FB3] =	sst s10  }
0x35: {  	s10 =	sld [smem:$0x3FB2];
	_ =	sdelay $0x3  }
0x36: {  	p1 =	seq.s32 s10, $0x1;
	s10 =	sld [smem:$0x3FB3];
	_ =	sdelay $0x3  }
0x37: {  	[smem:$0x3FB3] =	sst s10  }
0x38: {  	s10 =	sld [smem:$0x3FB4]  }
0x39: {  	_ = 	snop;
	(pc) =	sbr.ind lr, $3  }
0x3a: {  	_ = 	snop  }
0x3b: {  	_ = 	snop  }
0x3c: {  	p2 =	seq.s32 s10, $0x1;
	s10 =	sld [smem:$0x3FB3]  }
0x3d: {  	_ =	shalt  }
0x3e: {  	_ =	shalt  }
0x3f: {  	_ =	shalt  }
0x40: {  	_ =	shalt  }
0x41: {  	_ =	shalt  }
0x42: {  	_ =	shalt  }
0x43: {  	_ =	shalt  }
0x44: {  	_ =	shalt  }
0x45: {  	_ =	shalt  }
0x46: {  	_ =	shalt  }
0x47: {  	_ =	shalt  }
0x48: {  	_ =	shalt  }
0x49: {  	_ =	shalt  }
0x4a: {  	_ =	shalt  }
0x4b: {  	_ =	shalt  }
0x4c: {  	_ =	shalt  }
0x4d: {  	_ =	shalt  }
0x4e: {  	_ =	shalt  }
0x4f: {  	_ =	shalt  }
0x50: {  	_ =	shalt  }
0x51: {  	_ =	shalt  }
0x52: {  	_ =	shalt  }
0x53: {  	_ =	shalt  }
0x54: {  	_ =	shalt  }
0x55: {  	_ =	shalt  }
0x56: {  	_ =	shalt  }
0x57: {  	_ =	shalt  }
0x58: {  	_ =	shalt  }
0x59: {  	_ =	shalt  }
0x5a: {  	_ =	shalt  }
0x5b: {  	_ =	shalt  }
0x5c: {  	_ =	shalt  }
0x5d: {  	_ =	shalt  }
0x5e: {  	_ =	shalt  }
0x5f: {  	_ =	shalt  }
0x60: {  	_ =	shalt  }
0x61: {  	_ =	shalt  }
0x62: {  	_ =	shalt  }
0x63: {  	_ =	shalt  }
0x64: {  	_ =	shalt  }
0x65: {  	_ =	shalt  }
0x66: {  	_ =	shalt  }
0x67: {  	_ =	shalt  }
0x68: {  	_ =	shalt  }
0x69: {  	_ =	shalt  }
0x6a: {  	_ =	shalt  }
0x6b: {  	_ =	shalt  }
0x6c: {  	_ =	shalt  }
0x6d: {  	_ =	shalt  }
0x6e: {  	_ =	shalt  }
0x6f: {  	_ =	shalt  }
0x70: {  	_ =	shalt  }
0x71: {  	_ =	shalt  }
0x72: {  	_ =	shalt  }
0x73: {  	_ =	shalt  }
0x74: {  	_ =	shalt  }
0x75: {  	_ =	shalt  }
0x76: {  	_ =	shalt  }
0x77: {  	_ =	shalt  }
0x78: {  	_ =	shalt  }
0x79: {  	_ =	shalt  }
0x7a: {  	_ =	shalt  }
0x7b: {  	_ =	shalt  }
0x7c: {  	_ =	shalt  }
0x7d: {  	_ =	shalt  }
0x7e: {  	_ =	shalt  }
0x7f: {  	_ =	shalt  }
0x80: {  	_ =	shalt  }
0x81: {  	_ =	shalt  }
0x82: {  	_ =	shalt  }
0x83: {  	_ =	shalt  }
0x84: {  	_ =	shalt  }
0x85: {  	_ =	shalt  }
0x86: {  	_ =	shalt  }
0x87: {  	_ =	shalt  }
.Lfunc_end0:
.L_simem_size_0:
called_computation_lowered:
.L_overlay_start_0:
0x88: {  	s2 =	sld [smem:$0x3FD9]  }
0x89: {  	s3 =	sld [smem:$0x3FFE];
	_ =	sdelay $0x1  }
0x8a: {  	s1 =	srdreg.scid  }
0x8b: {  	s0 =	sand.u32 $0x1, s1  }
0x8c: {  	s17 =	sshll.u32 s0, $0xA;
	s2 =	sadd.s32 s3, s2  }
0x8d: {  	s2 =	sadd.s32 s2, s17  }
0x8e: {  	[smem:$0x3FBF] =	sst s2  }
0x8f: {  	_ = 	snop  }
0x90: {  	s2 =	sld [smem:$0x3FC8];
	(tm) =	ssettm $0x1  }
0x91: {  	s18 =	sld [smem:$0x3FFB];
	_ =	sdelay $0x3  }
0x92: {  	_ =	strace s18  }
0x93: {  	s3 =	sld [smem:$0x3FFC];
	_ =	sdelay $0x3  }
0x94: {  	_ =	strace s3  }
0x95: {  	s3 =	sld [smem:$0x3FFD];
	_ =	sdelay $0x3  }
0x96: {  	_ =	strace s3  }
0x97: {  	_ =	strace $0x8FFFFFFF  }
0x98: {  	s19 =	sld [smem:$0x3FDB];
	_ =	sdelay $0x1  }
0x99: {  	s4 =	simm.s32 $_scs_section_size  }
0x9a: {  	s5 =	simm.s32 $_size__tile_overlayer_lowered;
	s6 =	simm.s32 $_tile_overlayer_lowered  }
0x9b: {  	s22 =	simm.s32 $0x1BFF;
	s21 =	sshll.u32 s6, $0x1;
	s3 =	sadd.s32 s4, s19  }
0x9c: {  	s7 =	simm.s32 $0x0;
	s20 =	sshll.u32 s5, $0x1;
	s5 =	sadd.s32 s21, s3  }
0x9d: {  	[timem:s7], [sflag:s22] =	dma.local [hbm:s5], s20  }
0x9e: {  	_ =	swait.ge [sflag:s22], s20  }
0x9f: {  	s4 =	ssub.s32 $0x0, s20;
	[sflag:s22] =	ssyncset.done $0x0  }
0xa0: {  	[sflag:s22] =	ssyncadd.s32 s4;
	_ =	sdelay $0x1  }
0xa1: {  	s23 =	simm.s32 $0x1B8B  }
0xa2: {  	_ =	swait.ge [sflag:s23], $0x1  }
0xa3: {  	[sflag:s23] =	ssyncset.done $0x0  }
0xa4: {  	s25 =	simm.s32 $0x1B8E;
	s24 =	sld [smem:$0x3FFE];
	[sflag:s23] =	ssyncadd.s32 $0xFFFFFFFF  }
0xa5: {  	s26 =	simm.s32 $execute0_lowered;
	[smem:$0x3FD2] =	sst s25  }
0xa6: {  	s5 =	sshll.u32 s26, $0x1;
	_ =	strace $0x80000046;
	[dreg:$0x1] =	wrdreg $0xFFFFFFFF  }
0xa7: {  	s28 =	simm.s32 $_size_execute0_lowered;
	s3 =	sadd.s32 s3, s5;
	[dreg:$0x0] =	wrdreg $0x0  }
0xa8: {  	s5 =	sshll.u32 s28, $0x1;
	[dreg:$0x2] =	wrdreg s3  }
0xa9: {  	[dreg:$0x3] =	wrdreg s5  }
0xaa: {  	[dreg:$0x4] =	wrdreg $0xC0  }
0xab: {  	_ =	task [dreg:s7], $0x5FFFF  }
0xac: {  	[dreg:$0x1] =	wrdreg $0xFFFFFFFF  }
0xad: {  	[dreg:$0x0] =	wrdreg $0x60  }
0xae: {  	[dreg:$0x2] =	wrdreg s2  }
0xaf: {  	[dreg:$0x3] =	wrdreg s24  }
0xb0: {  	[dreg:$0x4] =	wrdreg $0x9  }
0xb1: {  	_ =	task.clear_ibuf [dreg:s7], $0x5FFFF;
	_ =	strace $0x90000046  }
0xb2: {  	s29 =	simm.s32 $0x9;
	_ =	strace $0x80000048  }
0xb3: {  	_ =	swait.ge [sflag:s29], $0x1  }
0xb4: {  	[sflag:s29] =	ssyncadd.s32 $0xFFFFFFFF  }
0xb5: {  	_ =	strace $0x90000048  }
0xb6: {  	_ =	sfence  }
0xb7: {  	s30 =	sld [smem:$0x0];
	_ =	sdelay $0x2  }
0xb8: {  	s31 =	sshll.u32 s1, $0xD;
	s1 =	sshrl.u32 s1, $0x2  }
0xb9: {  	s3 =	sand.u32 $0x4000, s31;
	s1 =	sadd.s32 s1, s30  }
0xba: {  	s0 =	sor.u32 s3, s0;
	s1 =	sshll.u32 s1, $0x11  }
0xbb: {  	s0 =	sor.u32 s1, s0  }
0xbc: {  	s0 =	sadd.s32 $0x8F2B, s0  }
0xbd: {  	[sflag:s0] =	ssyncadd.remote.s32 $0x1  }
0xbe: {  	_ =	sfence.sel $0xFFFF  }
0xbf: {  	[dreg:$0x0] =	wrdreg $0xFFFFFFFF;
	(pc) =	sbr.abs _section_cstart, $3  }
0xc0: {  	[dreg:$0x1] =	wrdreg $0xFFFFFFFF  }
0xc1: {  	_ =	task.clear_ibuf [dreg:s7], $0x2FFFF;
	_ =	strace $0x9FFFFFFF  }
0xc2: {  	(tm) =	ssettm $0x7FFFFFFF  }
0xc3: {  	_ =	shalt  }
tec
execute0_lowered:
.L_overlay_start_1:
0x0: {  	(tag) =	ssettag $0x1  }
0x1: {  	s4 =	rddreg [dreg:$0x0]  }
0x2: {  	s0 =	srdreg.scid;
	s5 =	rddreg [dreg:$0x1]  }
0x3: {  	s2 =	simm.s32 $0x0;
	s11 =	simm.s32 $0x2780;
	s3 =	sand.u32 $0x1, s0  }
0x4: {  	s12 =	simm.s32 $0x0;
	s0 =	stileid.u32;
	s1 =	sshll.u32 s3, $0x4  }
0x5: {  	[smem:$0x7FF] =	sst s2;
	s3 =	ssub.s32 $0x2, s3;
	s8 =	sor.u32 s0, s1  }
0x6: {  	s9 =	sshll.u32 s0, $0x5;
	s1 =	rddreg [dreg:$0x2];
	s6 =	smul.u32 $0x500, s8  }
0x7: {  	_ =	strace $0x80000047;
	s31 =	sshrl.u32 s3, $0x1;
	s7 =	smul.u32 $0x9C0, s8  }
0x8: {  	s10 =	ssub.s32 s3, s31;
	p0 =	slt.u32 s8, $0x4;
	s6 =	sadd.s32 s6, s5  }
0x9: {  	s7 =	sadd.s32 s7, s4;
	s4 =	sadd.s32 s9, s4;
	s5 =	simm.s32 $0x4F  }
0xa: {  	s9 =	simm.s32 $0x100;
	s3 =	sadd.s32 $0x10, s7;
	s4 =	sadd.s32 $0x13810, s4  }
0xb: {  	s5 =	simm.s32 @!p0 $0x4E;
	s6 =	sadd.s32 $0x2A00, s6;
	s7 =	smax.u32 s10, $0x1  }
0xc: {  	v0 =	vimm.f32 $0.0e+00;
	p0 =	sgt.u32 s8, $0x3;
	s8 =	simm.s32 $0x80;
	s10 =	simm.s32 $0x1  }
.LBB2_1:
0xd: {  	[tilespmem:s2], [sflag:$0x1] =	stream.strided.gather [hbm4b:s3+s8], $0x2700, s9, s8, $0x38;
	[tilespmem:$0x4F80] =	vst v63  }
0xe: {  	_ =	swait.ge [sflag:s10], $0x2700  }
0xf: {  	[sflag:s10] =	ssyncset.done $0x0  }
0x10: {  	s13 =	simm.s32 @!p0 $0x0;
	s14 =	simm.s32 @!p0 $0x2700;
	[sflag:s10] =	ssyncadd.s32 $0xFFFFD900  }
0x11: {  	[tilespmem:s14], [sflag:$0x1] =	stream.linear.gather @!p0 [hbm4b:s4+s13], $0x80, $0x38;
	[tilespmem:$0x4F80] =	vst v63  }
0x12: {  	s13 =	simm.s32 @!p0 $0x1  }
0x13: {  	_ =	swait.ge @!p0 [sflag:s13], $0x80  }
0x14: {  	[sflag:s13] =	ssyncset.done @!p0 $0x0  }
0x15: {  	[sflag:s13] =	ssyncadd.s32 @!p0 $0xFFFFFF80;
	s13 =	simm.s32 $0x0  }
.LBB2_2:
0x16: {  	p1 =	sne.s32 s13, $0x9FC0  }
.Ltmp0:
0x17: {  	_ = 	snop;
	(pc) =	sbr.rel @p1 .LBB2_2-.Ltmp0, $3  }
0x18: {  	_ =	sdelay $0x1  }
0x19: {  	s14 =	sshra.s32 s13, $0x2  }
0x1a: {  	s13 =	sadd.s32 $0x40, s13;
	[tilespmem:s14+$0x2780] =	vst v0  }
0x1b: {  	s13 =	simm.s32 $0x0;
	s14 =	simm.s32 $0x40  }
.LBB2_4:
0x1c: {  	p1 =	sge.u32 s13, s5  }
0x1d: {  	v1 =	vld @!p1 [tilespmem:s14+$0xFFFFFFC0];
	_ =	sdelay $0x6  }
0x1e: {  	v2 =	vimm.f32 @!p1 $1.000000000e+00;
	s15 =	simm.s32 @!p1 $0x2780  }
0x1f: {  	[tilespmem:v1+s15+$0x0] =	vst.idx.add.f32.msk @!p1 $0xffff, v2  }
0x20: {  	v1 =	vld @!p1 [tilespmem:s14+$0xFFFFFFD0];
	_ =	sdelay $0x7  }
0x21: {  	[tilespmem:v1+s15+$0x0] =	vst.idx.add.f32.msk @!p1 $0xffff, v2  }
0x22: {  	v1 =	vld @!p1 [tilespmem:s14+$0xFFFFFFE0];
	_ =	sdelay $0x7  }
0x23: {  	[tilespmem:v1+s15+$0x0] =	vst.idx.add.f32.msk @!p1 $0xffff, v2  }
0x24: {  	v1 =	vld @!p1 [tilespmem:s14+$0xFFFFFFF0];
	_ =	sdelay $0x7  }
0x25: {  	[tilespmem:v1+s15+$0x0] =	vst.idx.add.f32.msk @!p1 $0xffff, v2  }
0x26: {  	v1 =	vld @!p1 [tilespmem:s14+$0x0];
	_ =	sdelay $0x7  }
0x27: {  	[tilespmem:v1+s15+$0x0] =	vst.idx.add.f32.msk @!p1 $0xffff, v2  }
0x28: {  	v1 =	vld @!p1 [tilespmem:s14+$0x10];
	_ =	sdelay $0x7  }
0x29: {  	[tilespmem:v1+s15+$0x0] =	vst.idx.add.f32.msk @!p1 $0xffff, v2  }
0x2a: {  	v1 =	vld @!p1 [tilespmem:s14+$0x20];
	_ =	sdelay $0x7  }
0x2b: {  	[tilespmem:v1+s15+$0x0] =	vst.idx.add.f32.msk @!p1 $0xffff, v2  }
0x2c: {  	v1 =	vld @!p1 [tilespmem:s14+$0x30];
	_ =	sdelay $0x1  }
0x2d: {  	s13 =	sadd.s32 $0x1, s13  }
0x2e: {  	p2 =	sne.s32 s13, $0x4F  }
.Ltmp1:
0x2f: {  	_ = 	snop;
	(pc) =	sbr.rel @p2 .LBB2_4-.Ltmp1, $2  }
0x30: {  	_ =	sdelay $0x2  }
0x31: {  	s14 =	sadd.s32 $0x80, s14;
	[tilespmem:v1+s15+$0x0] =	vst.idx.add.f32.msk @!p1 $0xffff, v2  }
0x32: {  	s12 =	sadd.s32 $0x1, s12  }
0x33: {  	p1 =	sne.s32 s12, s7  }
.Ltmp2:
0x34: {  	_ = 	snop;
	(pc) =	sbr.rel @p1 .LBB2_1-.Ltmp2, $4  }
0x35: {  	[hbm4b:s6+s2] =	stream.linear.scatter [tilespmem:s11], [sflag:$0x1], $0x2800, $0x38;
	[tilespmem:$0x4F80] =	vst v63  }
0x36: {  	_ =	swait.ge [sflag:s10], $0x2800  }
0x37: {  	[sflag:s10] =	ssyncset.done $0x0  }
0x38: {  	[sflag:s10] =	ssyncadd.s32 $0xFFFFD800  }
0x39: {  	_ =	sfence.sel $0x180000  }
0x3a: {  	[bflag:$0x0] =	sbarrier.arrive $0xFFFF  }
0x3b: {  	p0 =	sne.s32 s0, $0x0;
	_ =	strace $0x90000047  }
0x3c: {  	s0 =	sadd.s32 @!p0 $0x100000, s1;
	[bflag:$0x2] =	sbarrier.arrive $0xFFFF  }
0x3d: {  	[sflag:s0] =	ssyncadd.tile.s32 @!p0 $0x1;
	_ =	shalt  }
.Lfunc_end2:
_tile_overlayer_lowered:
.L_overlay_start_2:
0x3e: {  	(tag) =	ssettag $0x2  }
0x3f: {  	s0 =	rddreg [dreg:$0x0];
	s2 =	stileid.u32  }
0x40: {  	s1 =	rddreg [dreg:$0x1];
	p0 =	sne.s32 s2, $0x0  }
0x41: {  	s3 =	rddreg [dreg:$0x2];
	[bflag:$0x3] =	sbarrier.arrive $0xFFFF;
	s2 =	simm.s32 @!p0 $0x1C01  }
0x42: {  	[timem:s3], [sflag:s2] =	dma.local @!p0 [hbm:s0], s1  }
0x43: {  	s0 =	simm.s32 @!p0 $0x1  }
0x44: {  	_ =	swait.ge @!p0 [sflag:s0], s1  }
0x45: {  	s1 =	ssub.s32 @!p0 $0x0, s1;
	[sflag:s0] =	ssyncset.done @!p0 $0x0  }
0x46: {  	[sflag:s0] =	ssyncadd.s32 @!p0 s1  }
0x47: {  	[bflag:$0x3] =	sbarrier.arrive $0xFFFF  }
0x48: {  	_ =	shalt  }

</sc_bundles>
